<compile_context>
chip_gen: v7x
topology: tpu7x:2x2x1
jax: 0.10.2.dev20260603
libtpu: 0.0.44.dev20260713+nightly
codegen_flags: <defaults>
</compile_context>

<pallas_src>
import functools

import jax
import jax.numpy as jnp
from jax import lax
from jax.experimental import pallas as pl
from jax.experimental.pallas import tpu as pltpu
from jax.experimental.pallas import tpu_sc as plsc

_N_NEURONS = 10000
_N_BKG = 10
_K_PAD = 16
_NNZ = 40000
_N_OUT = 2 * _N_NEURONS

_N_TILES = 16
_CHUNK = 2560
_NNZ_PAD = _N_TILES * _CHUNK
_N_IDX = _CHUNK // 128
_ACC_FLAT = _K_PAD * _N_NEURONS
_SLICE = _ACC_FLAT // _N_TILES


def _sc_build_wt(rows_all, cols_all, w_all):
    mesh = plsc.VectorSubcoreMesh(core_axis_name="c", subcore_axis_name="s")

    @functools.partial(
        pl.kernel,
        mesh=mesh,
        out_type=jax.ShapeDtypeStruct((_K_PAD * _N_OUT,), jnp.float32),
        scratch_types=[
            pltpu.VMEM((_CHUNK,), jnp.int32),
            pltpu.VMEM((_CHUNK,), jnp.int32),
            pltpu.VMEM((_CHUNK,), jnp.float32),
            pltpu.VMEM((_N_IDX, 128), jnp.int32),
            pltpu.VMEM((_SLICE,), jnp.float32),
            pltpu.VMEM_SHARED((_ACC_FLAT,), jnp.float32),
        ],
    )
    def k(rows_hbm, cols_hbm, w_hbm, w_dense_hbm,
          rows_v, cols_v, w_v, idx_v, z_v, acc_s):
        c = lax.axis_index("c")
        s = lax.axis_index("s")
        base = c * _NNZ_PAD + s * _CHUNK

        pltpu.sync_copy(rows_hbm.at[pl.ds(base, _CHUNK)], rows_v)
        pltpu.sync_copy(cols_hbm.at[pl.ds(base, _CHUNK)], cols_v)
        pltpu.sync_copy(w_hbm.at[pl.ds(base, _CHUNK)], w_v)

        def zbody(i, carry):
            z_v[pl.ds(i * 16, 16)] = jnp.zeros((16,), jnp.float32)
            return carry

        lax.fori_loop(0, _SLICE // 16, zbody, 0)
        pltpu.sync_copy(z_v, acc_s.at[pl.ds(s * _SLICE, _SLICE)])

        for j in range(_N_IDX):
            for u in range(8):
                o = j * 128 + u * 16
                r = rows_v[pl.ds(o, 16)]
                cc = cols_v[pl.ds(o, 16)]
                idx_v[j, pl.ds(u * 16, 16)] = r * _K_PAD + cc

        plsc.subcore_barrier()
        for j in range(_N_IDX):
            pltpu.sync_copy(w_v.at[pl.ds(j * 128, 128)],
                            acc_s.at[idx_v.at[j]], add=True)
        plsc.subcore_barrier()

        pltpu.sync_copy(acc_s.at[pl.ds(s * _SLICE, _SLICE)], z_v)
        pltpu.sync_copy(z_v, w_dense_hbm.at[pl.ds(c * _ACC_FLAT + s * _SLICE,
                                                  _SLICE)])

    return k(rows_all, cols_all, w_all).reshape(_N_OUT, _K_PAD)


def _tc_matmul(w_dense, rest_t, seq):
    bn = 1000
    grid = (_N_OUT // bn,)

    def body(w_ref, rest_ref, out_ref):
        out_ref[...] = lax.dot(w_ref[...], rest_ref[...],
                               precision=lax.Precision.HIGHEST,
                               preferred_element_type=jnp.float32)

    return pl.pallas_call(
        body,
        grid=grid,
        in_specs=[
            pl.BlockSpec((bn, _K_PAD), lambda i: (i, 0)),
            pl.BlockSpec((_K_PAD, seq), lambda i: (0, 0)),
        ],
        out_specs=pl.BlockSpec((bn, seq), lambda i: (i, 0)),
        out_shape=jax.ShapeDtypeStruct((_N_OUT, seq), jnp.float32),
    )(w_dense, rest_t)


def kernel(inp, v1_weights, lm_weights, v1_rows, v1_cols, lm_rows, lm_cols):
    seq = inp.shape[1]

    pkey = jax.random.key(42)
    rest = jax.random.poisson(pkey, 1.0, (1, seq, _N_BKG)).astype(jnp.float32)
    rest_t = jnp.pad(rest.reshape(seq, _N_BKG).T,
                     ((0, _K_PAD - _N_BKG), (0, 0)))

    pad_n = _NNZ_PAD - _NNZ
    pad_rows = (jnp.arange(pad_n, dtype=jnp.int32) * 37) % _N_NEURONS
    pad_cols = jnp.full((pad_n,), _K_PAD - 1, jnp.int32)
    pad_w = jnp.zeros((pad_n,), jnp.float32)
    rows_all = jnp.concatenate([v1_rows, pad_rows, lm_rows, pad_rows])
    cols_all = jnp.concatenate([v1_cols, pad_cols, lm_cols, pad_cols])
    w_all = jnp.concatenate([v1_weights, pad_w, lm_weights, pad_w])

    w_dense = _sc_build_wt(rows_all, cols_all, w_all)
    out_nt = _tc_matmul(w_dense, rest_t, seq)
    return out_nt.reshape(1, _N_OUT, seq).transpose(0, 2, 1)

# --- scband reference (transcript-rebuilt; emitter-appended) ---
"""Pipeline reference for scband-background-noise-layer-20830591386289 (READ-ONLY COPY).

The authoritative reference and input builder live on the scoring server;
editing this copy changes nothing except your own understanding.
"""

import jax, jax.numpy as jnp
import numpy as np

N_NEURONS = 10000
N_BKG = 10
N_CONN = 4
NNZ = N_NEURONS * N_CONN
BATCH = 1
SEQ = 2048
RATE = 1000.0


def setup_inputs(seed: int = 0) -> dict:
    key = jax.random.key(seed)
    ks = jax.random.split(key, 7)
    inp = jax.random.normal(ks[0], (BATCH, SEQ, 1), dtype=jnp.float32)
    v1_weights = jax.random.normal(ks[1], (NNZ,), dtype=jnp.float32)
    lm_weights = jax.random.normal(ks[2], (NNZ,), dtype=jnp.float32)
    v1_rows = jax.random.randint(ks[3], (NNZ,), 0, N_NEURONS, dtype=jnp.int32)
    v1_cols = jax.random.randint(ks[4], (NNZ,), 0, N_BKG, dtype=jnp.int32)
    lm_rows = jax.random.randint(ks[5], (NNZ,), 0, N_NEURONS, dtype=jnp.int32)
    lm_cols = jax.random.randint(ks[6], (NNZ,), 0, N_BKG, dtype=jnp.int32)
    return {"inp": inp, "v1_weights": v1_weights, "lm_weights": lm_weights,
            "v1_rows": v1_rows, "v1_cols": v1_cols, "lm_rows": lm_rows, "lm_cols": lm_cols}


def _bkg_i_in(weights, rows, cols, rest_of_brain):
    # tf.sparse.sparse_dense_matmul(SparseTensor(indices, weights, [n_neurons, n_bkg]), rest, adjoint_b=True)
    # duplicate indices are summed by TF SparseTensor matmul -> scatter-add into dense then matmul
    w_dense = jnp.zeros((N_NEURONS, N_BKG), dtype=jnp.float32).at[rows, cols].add(weights)
    i_in = w_dense @ rest_of_brain.T  # [n_neurons, batch*seq]
    return i_in


def reference(inp, v1_weights, lm_weights, v1_rows, v1_cols, lm_rows, lm_cols):
    seq_len = inp.shape[1]
    # deterministic poisson background spikes (tf.random.poisson in original call)
    pkey = jax.random.key(42)
    rest_of_brain = jax.random.poisson(pkey, RATE / 1000.0, (BATCH, seq_len, N_BKG)).astype(jnp.float32)
    rest_of_brain = rest_of_brain.reshape(BATCH * seq_len, N_BKG)
    outs = []
    for w, r, c in ((v1_weights, v1_rows, v1_cols), (lm_weights, lm_rows, lm_cols)):
        i_in = _bkg_i_in(w, r, c, rest_of_brain)
        noise = i_in.T.reshape(BATCH, seq_len, -1)
        outs.append(noise)
    return jnp.concatenate(outs, axis=-1)

if __name__ == "__main__":
    import jax
    _d = setup_inputs()
    print(jax.jit(kernel)(*tuple(_d.values())))

</pallas_src>

<mosaic_0001>
#map = affine_map<(d0, d1) -> (0)>
module attributes {stable_mosaic.version = 14 : i64} {
  func.func @k(%arg0: i32, %arg1: i32, %arg2: memref<81920xi32, #tpu.memory_space<hbm>>, %arg3: memref<81920xi32, #tpu.memory_space<hbm>>, %arg4: memref<81920xf32, #tpu.memory_space<hbm>>, %arg5: memref<320000xf32, #tpu.memory_space<hbm>>, %arg6: memref<2560xi32, #tpu.memory_space<vmem>>, %arg7: memref<2560xi32, #tpu.memory_space<vmem>>, %arg8: memref<2560xf32, #tpu.memory_space<vmem>>, %arg9: memref<20x128xi32, #tpu.memory_space<vmem>>, %arg10: memref<10000xf32, #tpu.memory_space<vmem>>, %arg11: memref<160000xf32, #tpu.memory_space<vmem_shared>>) attributes {dimension_semantics = [#tpu.dimension_semantics<core_parallel>, #tpu.dimension_semantics<subcore_parallel>], iteration_bounds = array<i64: 2, 16>, scalar_prefetch = 0 : i64, scratch_operands = 6 : i64, tpu.core_type = #tpu.core_type<sc_vector_subcore>, window_params = [{transform_indices = #map}, {transform_indices = #map}, {transform_indices = #map}, {transform_indices = #map}]} {
    %mul3A = arith.constant 40960 : i32
    %mul3A_0 = arith.muli %arg0, %mul3A : i32
    %mul3A_1 = arith.constant 2560 : i32
    %mul3A_2 = arith.muli %arg1, %mul3A_1 : i32
    %add3A = arith.addi %mul3A_0, %mul3A_2 : i32
    "tpu.region"() ({
      %run_scoped3A_2595 = tpu.sem_alloc : memref<!tpu.dma_semaphore, #tpu.memory_space<semaphore_mem>>
      %dma_start3A = tpu.memref_slice %arg2[%add3A] : memref<81920xi32, #tpu.memory_space<hbm>> -> memref<2560xi32, #tpu.memory_space<hbm>>
      %dma_start3A_2596 = tpu.memref_slice %arg2[%add3A] : memref<81920xi32, #tpu.memory_space<hbm>> -> memref<2560xi32, #tpu.memory_space<hbm>>
      tpu.enqueue_dma source(%dma_start3A_2596 : memref<2560xi32, #tpu.memory_space<hbm>>) target(%arg6 : memref<2560xi32, #tpu.memory_space<vmem>>) target_semaphore(%run_scoped3A_2595 : memref<!tpu.dma_semaphore, #tpu.memory_space<semaphore_mem>>)
      %dma_wait3A = tpu.memref_slice %arg2[%add3A] : memref<81920xi32, #tpu.memory_space<hbm>> -> memref<2560xi32, #tpu.memory_space<hbm>>
      %dma_wait3A_2597 = tpu.memref_slice %arg2[%add3A] : memref<81920xi32, #tpu.memory_space<hbm>> -> memref<2560xi32, #tpu.memory_space<hbm>>
      tpu.wait_dma2 semaphore(%run_scoped3A_2595 : memref<!tpu.dma_semaphore, #tpu.memory_space<semaphore_mem>>) src(%dma_wait3A_2597 : memref<2560xi32, #tpu.memory_space<hbm>>) dst(%arg6 : memref<2560xi32, #tpu.memory_space<vmem>>)
      tpu.yield
    }) : () -> ()
    "tpu.region"() ({
      %run_scoped3A_2595 = tpu.sem_alloc : memref<!tpu.dma_semaphore, #tpu.memory_space<semaphore_mem>>
      %dma_start3A = tpu.memref_slice %arg3[%add3A] : memref<81920xi32, #tpu.memory_space<hbm>> -> memref<2560xi32, #tpu.memory_space<hbm>>
      %dma_start3A_2596 = tpu.memref_slice %arg3[%add3A] : memref<81920xi32, #tpu.memory_space<hbm>> -> memref<2560xi32, #tpu.memory_space<hbm>>
      tpu.enqueue_dma source(%dma_start3A_2596 : memref<2560xi32, #tpu.memory_space<hbm>>) target(%arg7 : memref<2560xi32, #tpu.memory_space<vmem>>) target_semaphore(%run_scoped3A_2595 : memref<!tpu.dma_semaphore, #tpu.memory_space<semaphore_mem>>)
      %dma_wait3A = tpu.memref_slice %arg3[%add3A] : memref<81920xi32, #tpu.memory_space<hbm>> -> memref<2560xi32, #tpu.memory_space<hbm>>
      %dma_wait3A_2597 = tpu.memref_slice %arg3[%add3A] : memref<81920xi32, #tpu.memory_space<hbm>> -> memref<2560xi32, #tpu.memory_space<hbm>>
      tpu.wait_dma2 semaphore(%run_scoped3A_2595 : memref<!tpu.dma_semaphore, #tpu.memory_space<semaphore_mem>>) src(%dma_wait3A_2597 : memref<2560xi32, #tpu.memory_space<hbm>>) dst(%arg7 : memref<2560xi32, #tpu.memory_space<vmem>>)
      tpu.yield
    }) : () -> ()
    "tpu.region"() ({
      %run_scoped3A_2595 = tpu.sem_alloc : memref<!tpu.dma_semaphore, #tpu.memory_space<semaphore_mem>>
      %dma_start3A = tpu.memref_slice %arg4[%add3A] : memref<81920xf32, #tpu.memory_space<hbm>> -> memref<2560xf32, #tpu.memory_space<hbm>>
      %dma_start3A_2596 = tpu.memref_slice %arg4[%add3A] : memref<81920xf32, #tpu.memory_space<hbm>> -> memref<2560xf32, #tpu.memory_space<hbm>>
      tpu.enqueue_dma source(%dma_start3A_2596 : memref<2560xf32, #tpu.memory_space<hbm>>) target(%arg8 : memref<2560xf32, #tpu.memory_space<vmem>>) target_semaphore(%run_scoped3A_2595 : memref<!tpu.dma_semaphore, #tpu.memory_space<semaphore_mem>>)
      %dma_wait3A = tpu.memref_slice %arg4[%add3A] : memref<81920xf32, #tpu.memory_space<hbm>> -> memref<2560xf32, #tpu.memory_space<hbm>>
      %dma_wait3A_2597 = tpu.memref_slice %arg4[%add3A] : memref<81920xf32, #tpu.memory_space<hbm>> -> memref<2560xf32, #tpu.memory_space<hbm>>
      tpu.wait_dma2 semaphore(%run_scoped3A_2595 : memref<!tpu.dma_semaphore, #tpu.memory_space<semaphore_mem>>) src(%dma_wait3A_2597 : memref<2560xf32, #tpu.memory_space<hbm>>) dst(%arg8 : memref<2560xf32, #tpu.memory_space<vmem>>)
      tpu.yield
    }) : () -> ()
    %scan3A = arith.constant 0 : i32
    %scan3A_3 = arith.constant 0 : i32
    %scan3A_4 = arith.constant 625 : i32
    %scan3A_5 = arith.addi %scan3A_3, %scan3A_4 : i32
    %scan3A_6 = arith.constant 1 : i32
    scf.for %scan3A_2595 = %scan3A_3 to %scan3A_5 step %scan3A_6  : i32 {
      %broadcast_in_dim3A = arith.constant 0.000000e+00 : f32
      %broadcast_in_dim3A_2596 = vector.broadcast %broadcast_in_dim3A : f32 to vector<16xf32>
      %mul3A_2597 = arith.constant 16 : i32
      %mul3A_2598 = arith.muli %scan3A_2595, %mul3A_2597 : i32
      %swap3A_2599 = arith.index_cast %mul3A_2598 : i32 to index
      %swap3A_2600 = tpu.vector_load %arg10[%swap3A_2599] {strides = array<i32>} : memref<10000xf32, #tpu.memory_space<vmem>>, vector<16xf32>,
      %swap3A_2601 = vector.shape_cast %swap3A_2600 : vector<16xf32> to vector<16xf32>
      %swap3A_2602 = vector.shape_cast %broadcast_in_dim3A_2596 : vector<16xf32> to vector<16xf32>
      tpu.vector_store %arg10[%swap3A_2599], %swap3A_2602 {strides = array<i32>} : memref<10000xf32, #tpu.memory_space<vmem>>, vector<16xf32>,
    }
    %scan3A_7 = arith.constant 625 : i32
    %mul3A_8 = arith.constant 10000 : i32
    %mul3A_9 = arith.muli %arg1, %mul3A_8 : i32
    "tpu.region"() ({
      %run_scoped3A_2595 = tpu.sem_alloc : memref<!tpu.dma_semaphore, #tpu.memory_space<semaphore_mem>>
      %dma_start3A = tpu.memref_slice %arg11[%mul3A_9] : memref<160000xf32, #tpu.memory_space<vmem_shared>> -> memref<10000xf32, #tpu.memory_space<vmem_shared>>
      %dma_start3A_2596 = tpu.memref_slice %arg11[%mul3A_9] : memref<160000xf32, #tpu.memory_space<vmem_shared>> -> memref<10000xf32, #tpu.memory_space<vmem_shared>>
      tpu.enqueue_dma source(%arg10 : memref<10000xf32, #tpu.memory_space<vmem>>) target(%dma_start3A_2596 : memref<10000xf32, #tpu.memory_space<vmem_shared>>) target_semaphore(%run_scoped3A_2595 : memref<!tpu.dma_semaphore, #tpu.memory_space<semaphore_mem>>)
      %dma_wait3A = tpu.memref_slice %arg11[%mul3A_9] : memref<160000xf32, #tpu.memory_space<vmem_shared>> -> memref<10000xf32, #tpu.memory_space<vmem_shared>>
      %dma_wait3A_2597 = tpu.memref_slice %arg11[%mul3A_9] : memref<160000xf32, #tpu.memory_space<vmem_shared>> -> memref<10000xf32, #tpu.memory_space<vmem_shared>>
      tpu.wait_dma2 semaphore(%run_scoped3A_2595 : memref<!tpu.dma_semaphore, #tpu.memory_space<semaphore_mem>>) src(%arg10 : memref<10000xf32, #tpu.memory_space<vmem>>) dst(%dma_wait3A_2597 : memref<10000xf32, #tpu.memory_space<vmem_shared>>)
      tpu.yield
    }) : () -> ()
    %get3A = arith.constant 0 : index
    %get3A_10 = tpu.vector_load %arg6[%get3A] {strides = array<i32>} : memref<2560xi32, #tpu.memory_space<vmem>>, vector<16xi32>,
    %get3A_11 = vector.shape_cast %get3A_10 : vector<16xi32> to vector<16xi32>
    %get3A_12 = arith.constant 0 : index
    %get3A_13 = tpu.vector_load %arg7[%get3A_12] {strides = array<i32>} : memref<2560xi32, #tpu.memory_space<vmem>>, vector<16xi32>,
    %get3A_14 = vector.shape_cast %get3A_13 : vector<16xi32> to vector<16xi32>
    %mul3A_15 = arith.constant 16 : i32
    %mul3A_16 = vector.broadcast %mul3A_15 : i32 to vector<16xi32>
    %mul3A_17 = arith.muli %get3A_11, %mul3A_16 : vector<16xi32>
    %add3A_18 = arith.addi %mul3A_17, %get3A_14 : vector<16xi32>
    %swap3A = arith.constant 0 : i32
    %swap3A_19 = arith.index_cast %swap3A : i32 to index
    %swap3A_20 = arith.constant 0 : index
    %swap3A_21 = tpu.vector_load %arg9[%swap3A_19, %swap3A_20] {strides = array<i32>} : memref<20x128xi32, #tpu.memory_space<vmem>>, vector<1x16xi32>,
    %swap3A_22 = vector.shape_cast %swap3A_21 : vector<1x16xi32> to vector<16xi32>
    %swap3A_23 = vector.shape_cast %add3A_18 : vector<16xi32> to vector<1x16xi32>
    tpu.vector_store %arg9[%swap3A_19, %swap3A_20], %swap3A_23 {strides = array<i32>} : memref<20x128xi32, #tpu.memory_space<vmem>>, vector<1x16xi32>,
    %get3A_24 = arith.constant 16 : index
    %get3A_25 = tpu.vector_load %arg6[%get3A_24] {strides = array<i32>} : memref<2560xi32, #tpu.memory_space<vmem>>, vector<16xi32>,
    %get3A_26 = vector.shape_cast %get3A_25 : vector<16xi32> to vector<16xi32>
    %get3A_27 = arith.constant 16 : index
    %get3A_28 = tpu.vector_load %arg7[%get3A_27] {strides = array<i32>} : memref<2560xi32, #tpu.memory_space<vmem>>, vector<16xi32>,
    %get3A_29 = vector.shape_cast %get3A_28 : vector<16xi32> to vector<16xi32>
    %mul3A_30 = arith.constant 16 : i32
    %mul3A_31 = vector.broadcast %mul3A_30 : i32 to vector<16xi32>
    %mul3A_32 = arith.muli %get3A_26, %mul3A_31 : vector<16xi32>
    %add3A_33 = arith.addi %mul3A_32, %get3A_29 : vector<16xi32>
    %swap3A_34 = arith.constant 0 : i32
    %swap3A_35 = arith.index_cast %swap3A_34 : i32 to index
    %swap3A_36 = arith.constant 16 : index
    %swap3A_37 = tpu.vector_load %arg9[%swap3A_35, %swap3A_36] {strides = array<i32>} : memref<20x128xi32, #tpu.memory_space<vmem>>, vector<1x16xi32>,
    %swap3A_38 = vector.shape_cast %swap3A_37 : vector<1x16xi32> to vector<16xi32>
    %swap3A_39 = vector.shape_cast %add3A_33 : vector<16xi32> to vector<1x16xi32>
    tpu.vector_store %arg9[%swap3A_35, %swap3A_36], %swap3A_39 {strides = array<i32>} : memref<20x128xi32, #tpu.memory_space<vmem>>, vector<1x16xi32>,
    %get3A_40 = arith.constant 32 : index
    %get3A_41 = tpu.vector_load %arg6[%get3A_40] {strides = array<i32>} : memref<2560xi32, #tpu.memory_space<vmem>>, vector<16xi32>,
    %get3A_42 = vector.shape_cast %get3A_41 : vector<16xi32> to vector<16xi32>
    %get3A_43 = arith.constant 32 : index
    %get3A_44 = tpu.vector_load %arg7[%get3A_43] {strides = array<i32>} : memref<2560xi32, #tpu.memory_space<vmem>>, vector<16xi32>,
    %get3A_45 = vector.shape_cast %get3A_44 : vector<16xi32> to vector<16xi32>
    %mul3A_46 = arith.constant 16 : i32
    %mul3A_47 = vector.broadcast %mul3A_46 : i32 to vector<16xi32>
    %mul3A_48 = arith.muli %get3A_42, %mul3A_47 : vector<16xi32>
    %add3A_49 = arith.addi %mul3A_48, %get3A_45 : vector<16xi32>
    %swap3A_50 = arith.constant 0 : i32
    %swap3A_51 = arith.index_cast %swap3A_50 : i32 to index
    %swap3A_52 = arith.constant 32 : index
    %swap3A_53 = tpu.vector_load %arg9[%swap3A_51, %swap3A_52] {strides = array<i32>} : memref<20x128xi32, #tpu.memory_space<vmem>>, vector<1x16xi32>,
    %swap3A_54 = vector.shape_cast %swap3A_53 : vector<1x16xi32> to vector<16xi32>
    %swap3A_55 = vector.shape_cast %add3A_49 : vector<16xi32> to vector<1x16xi32>
    tpu.vector_store %arg9[%swap3A_51, %swap3A_52], %swap3A_55 {strides = array<i32>} : memref<20x128xi32, #tpu.memory_space<vmem>>, vector<1x16xi32>,
    %get3A_56 = arith.constant 48 : index
    %get3A_57 = tpu.vector_load %arg6[%get3A_56] {strides = array<i32>} : memref<2560xi32, #tpu.memory_space<vmem>>, vector<16xi32>,
    %get3A_58 = vector.shape_cast %get3A_57 : vector<16xi32> to vector<16xi32>
    %get3A_59 = arith.constant 48 : index
    %get3A_60 = tpu.vector_load %arg7[%get3A_59] {strides = array<i32>} : memref<2560xi32, #tpu.memory_space<vmem>>, vector<16xi32>,
    %get3A_61 = vector.shape_cast %get3A_60 : vector<16xi32> to vector<16xi32>
    %mul3A_62 = arith.constant 16 : i32
    %mul3A_63 = vector.broadcast %mul3A_62 : i32 to vector<16xi32>
    %mul3A_64 = arith.muli %get3A_58, %mul3A_63 : vector<16xi32>
    %add3A_65 = arith.addi %mul3A_64, %get3A_61 : vector<16xi32>
    %swap3A_66 = arith.constant 0 : i32
    %swap3A_67 = arith.index_cast %swap3A_66 : i32 to index
    %swap3A_68 = arith.constant 48 : index
    %swap3A_69 = tpu.vector_load %arg9[%swap3A_67, %swap3A_68] {strides = array<i32>} : memref<20x128xi32, #tpu.memory_space<vmem>>, vector<1x16xi32>,
    %swap3A_70 = vector.shape_cast %swap3A_69 : vector<1x16xi32> to vector<16xi32>
    %swap3A_71 = vector.shape_cast %add3A_65 : vector<16xi32> to vector<1x16xi32>
    tpu.vector_store %arg9[%swap3A_67, %swap3A_68], %swap3A_71 {strides = array<i32>} : memref<20x128xi32, #tpu.memory_space<vmem>>, vector<1x16xi32>,
    %get3A_72 = arith.constant 64 : index
    %get3A_73 = tpu.vector_load %arg6[%get3A_72] {strides = array<i32>} : memref<2560xi32, #tpu.memory_space<vmem>>, vector<16xi32>,
    %get3A_74 = vector.shape_cast %get3A_73 : vector<16xi32> to vector<16xi32>
    %get3A_75 = arith.constant 64 : index
    %get3A_76 = tpu.vector_load %arg7[%get3A_75] {strides = array<i32>} : memref<2560xi32, #tpu.memory_space<vmem>>, vector<16xi32>,
    %get3A_77 = vector.shape_cast %get3A_76 : vector<16xi32> to vector<16xi32>
    %mul3A_78 = arith.constant 16 : i32
    %mul3A_79 = vector.broadcast %mul3A_78 : i32 to vector<16xi32>
    %mul3A_80 = arith.muli %get3A_74, %mul3A_79 : vector<16xi32>
    %add3A_81 = arith.addi %mul3A_80, %get3A_77 : vector<16xi32>
    %swap3A_82 = arith.constant 0 : i32
    %swap3A_83 = arith.index_cast %swap3A_82 : i32 to index
    %swap3A_84 = arith.constant 64 : index
    %swap3A_85 = tpu.vector_load %arg9[%swap3A_83, %swap3A_84] {strides = array<i32>} : memref<20x128xi32, #tpu.memory_space<vmem>>, vector<1x16xi32>,
    %swap3A_86 = vector.shape_cast %swap3A_85 : vector<1x16xi32> to vector<16xi32>
    %swap3A_87 = vector.shape_cast %add3A_81 : vector<16xi32> to vector<1x16xi32>
    tpu.vector_store %arg9[%swap3A_83, %swap3A_84], %swap3A_87 {strides = array<i32>} : memref<20x128xi32, #tpu.memory_space<vmem>>, vector<1x16xi32>,
    %get3A_88 = arith.constant 80 : index
    %get3A_89 = tpu.vector_load %arg6[%get3A_88] {strides = array<i32>} : memref<2560xi32, #tpu.memory_space<vmem>>, vector<16xi32>,
    %get3A_90 = vector.shape_cast %get3A_89 : vector<16xi32> to vector<16xi32>
    %get3A_91 = arith.constant 80 : index
    %get3A_92 = tpu.vector_load %arg7[%get3A_91] {strides = array<i32>} : memref<2560xi32, #tpu.memory_space<vmem>>, vector<16xi32>,
    %get3A_93 = vector.shape_cast %get3A_92 : vector<16xi32> to vector<16xi32>
    %mul3A_94 = arith.constant 16 : i32
    %mul3A_95 = vector.broadcast %mul3A_94 : i32 to vector<16xi32>
    %mul3A_96 = arith.muli %get3A_90, %mul3A_95 : vector<16xi32>
    %add3A_97 = arith.addi %mul3A_96, %get3A_93 : vector<16xi32>
    %swap3A_98 = arith.constant 0 : i32
    %swap3A_99 = arith.index_cast %swap3A_98 : i32 to index
    %swap3A_100 = arith.constant 80 : index
    %swap3A_101 = tpu.vector_load %arg9[%swap3A_99, %swap3A_100] {strides = array<i32>} : memref<20x128xi32, #tpu.memory_space<vmem>>, vector<1x16xi32>,
    %swap3A_102 = vector.shape_cast %swap3A_101 : vector<1x16xi32> to vector<16xi32>
    %swap3A_103 = vector.shape_cast %add3A_97 : vector<16xi32> to vector<1x16xi32>
    tpu.vector_store %arg9[%swap3A_99, %swap3A_100], %swap3A_103 {strides = array<i32>} : memref<20x128xi32, #tpu.memory_space<vmem>>, vector<1x16xi32>,
    %get3A_104 = arith.constant 96 : index
    %get3A_105 = tpu.vector_load %arg6[%get3A_104] {strides = array<i32>} : memref<2560xi32, #tpu.memory_space<vmem>>, vector<16xi32>,
    %get3A_106 = vector.shape_cast %get3A_105 : vector<16xi32> to vector<16xi32>
    %get3A_107 = arith.constant 96 : index
    %get3A_108 = tpu.vector_load %arg7[%get3A_107] {strides = array<i32>} : memref<2560xi32, #tpu.memory_space<vmem>>, vector<16xi32>,
    %get3A_109 = vector.shape_cast %get3A_108 : vector<16xi32> to vector<16xi32>
    %mul3A_110 = arith.constant 16 : i32
    %mul3A_111 = vector.broadcast %mul3A_110 : i32 to vector<16xi32>
    %mul3A_112 = arith.muli %get3A_106, %mul3A_111 : vector<16xi32>
    %add3A_113 = arith.addi %mul3A_112, %get3A_109 : vector<16xi32>
    %swap3A_114 = arith.constant 0 : i32
    %swap3A_115 = arith.index_cast %swap3A_114 : i32 to index
    %swap3A_116 = arith.constant 96 : index
    %swap3A_117 = tpu.vector_load %arg9[%swap3A_115, %swap3A_116] {strides = array<i32>} : memref<20x128xi32, #tpu.memory_space<vmem>>, vector<1x16xi32>,
    %swap3A_118 = vector.shape_cast %swap3A_117 : vector<1x16xi32> to vector<16xi32>
    %swap3A_119 = vector.shape_cast %add3A_113 : vector<16xi32> to vector<1x16xi32>
    tpu.vector_store %arg9[%swap3A_115, %swap3A_116], %swap3A_119 {strides = array<i32>} : memref<20x128xi32, #tpu.memory_space<vmem>>, vector<1x16xi32>,
    %get3A_120 = arith.constant 112 : index
    %get3A_121 = tpu.vector_load %arg6[%get3A_120] {strides = array<i32>} : memref<2560xi32, #tpu.memory_space<vmem>>, vector<16xi32>,
    %get3A_122 = vector.shape_cast %get3A_121 : vector<16xi32> to vector<16xi32>
    %get3A_123 = arith.constant 112 : index
    %get3A_124 = tpu.vector_load %arg7[%get3A_123] {strides = array<i32>} : memref<2560xi32, #tpu.memory_space<vmem>>, vector<16xi32>,
    %get3A_125 = vector.shape_cast %get3A_124 : vector<16xi32> to vector<16xi32>
    %mul3A_126 = arith.constant 16 : i32
    %mul3A_127 = vector.broadcast %mul3A_126 : i32 to vector<16xi32>
    %mul3A_128 = arith.muli %get3A_122, %mul3A_127 : vector<16xi32>
    %add3A_129 = arith.addi %mul3A_128, %get3A_125 : vector<16xi32>
    %swap3A_130 = arith.constant 0 : i32
    %swap3A_131 = arith.index_cast %swap3A_130 : i32 to index
    %swap3A_132 = arith.constant 112 : index
    %swap3A_133 = tpu.vector_load %arg9[%swap3A_131, %swap3A_132] {strides = array<i32>} : memref<20x128xi32, #tpu.memory_space<vmem>>, vector<1x16xi32>,
    %swap3A_134 = vector.shape_cast %swap3A_133 : vector<1x16xi32> to vector<16xi32>
    %swap3A_135 = vector.shape_cast %add3A_129 : vector<16xi32> to vector<1x16xi32>
    tpu.vector_store %arg9[%swap3A_131, %swap3A_132], %swap3A_135 {strides = array<i32>} : memref<20x128xi32, #tpu.memory_space<vmem>>, vector<1x16xi32>,
    %get3A_136 = arith.constant 128 : index
    %get3A_137 = tpu.vector_load %arg6[%get3A_136] {strides = array<i32>} : memref<2560xi32, #tpu.memory_space<vmem>>, vector<16xi32>,
    %get3A_138 = vector.shape_cast %get3A_137 : vector<16xi32> to vector<16xi32>
    %get3A_139 = arith.constant 128 : index
    %get3A_140 = tpu.vector_load %arg7[%get3A_139] {strides = array<i32>} : memref<2560xi32, #tpu.memory_space<vmem>>, vector<16xi32>,
    %get3A_141 = vector.shape_cast %get3A_140 : vector<16xi32> to vector<16xi32>
    %mul3A_142 = arith.constant 16 : i32
    %mul3A_143 = vector.broadcast %mul3A_142 : i32 to vector<16xi32>
    %mul3A_144 = arith.muli %get3A_138, %mul3A_143 : vector<16xi32>
    %add3A_145 = arith.addi %mul3A_144, %get3A_141 : vector<16xi32>
    %swap3A_146 = arith.constant 1 : i32
    %swap3A_147 = arith.index_cast %swap3A_146 : i32 to index
    %swap3A_148 = arith.constant 0 : index
    %swap3A_149 = tpu.vector_load %arg9[%swap3A_147, %swap3A_148] {strides = array<i32>} : memref<20x128xi32, #tpu.memory_space<vmem>>, vector<1x16xi32>,
    %swap3A_150 = vector.shape_cast %swap3A_149 : vector<1x16xi32> to vector<16xi32>
    %swap3A_151 = vector.shape_cast %add3A_145 : vector<16xi32> to vector<1x16xi32>
    tpu.vector_store %arg9[%swap3A_147, %swap3A_148], %swap3A_151 {strides = array<i32>} : memref<20x128xi32, #tpu.memory_space<vmem>>, vector<1x16xi32>,
    %get3A_152 = arith.constant 144 : index
    %get3A_153 = tpu.vector_load %arg6[%get3A_152] {strides = array<i32>} : memref<2560xi32, #tpu.memory_space<vmem>>, vector<16xi32>,
    %get3A_154 = vector.shape_cast %get3A_153 : vector<16xi32> to vector<16xi32>
    %get3A_155 = arith.constant 144 : index
    %get3A_156 = tpu.vector_load %arg7[%get3A_155] {strides = array<i32>} : memref<2560xi32, #tpu.memory_space<vmem>>, vector<16xi32>,
    %get3A_157 = vector.shape_cast %get3A_156 : vector<16xi32> to vector<16xi32>
    %mul3A_158 = arith.constant 16 : i32
    %mul3A_159 = vector.broadcast %mul3A_158 : i32 to vector<16xi32>
    %mul3A_160 = arith.muli %get3A_154, %mul3A_159 : vector<16xi32>
    %add3A_161 = arith.addi %mul3A_160, %get3A_157 : vector<16xi32>
    %swap3A_162 = arith.constant 1 : i32
    %swap3A_163 = arith.index_cast %swap3A_162 : i32 to index
    %swap3A_164 = arith.constant 16 : index
    %swap3A_165 = tpu.vector_load %arg9[%swap3A_163, %swap3A_164] {strides = array<i32>} : memref<20x128xi32, #tpu.memory_space<vmem>>, vector<1x16xi32>,
    %swap3A_166 = vector.shape_cast %swap3A_165 : vector<1x16xi32> to vector<16xi32>
    %swap3A_167 = vector.shape_cast %add3A_161 : vector<16xi32> to vector<1x16xi32>
    tpu.vector_store %arg9[%swap3A_163, %swap3A_164], %swap3A_167 {strides = array<i32>} : memref<20x128xi32, #tpu.memory_space<vmem>>, vector<1x16xi32>,
    %get3A_168 = arith.constant 160 : index
    %get3A_169 = tpu.vector_load %arg6[%get3A_168] {strides = array<i32>} : memref<2560xi32, #tpu.memory_space<vmem>>, vector<16xi32>,
    %get3A_170 = vector.shape_cast %get3A_169 : vector<16xi32> to vector<16xi32>
    %get3A_171 = arith.constant 160 : index
    %get3A_172 = tpu.vector_load %arg7[%get3A_171] {strides = array<i32>} : memref<2560xi32, #tpu.memory_space<vmem>>, vector<16xi32>,
    %get3A_173 = vector.shape_cast %get3A_172 : vector<16xi32> to vector<16xi32>
    %mul3A_174 = arith.constant 16 : i32
    %mul3A_175 = vector.broadcast %mul3A_174 : i32 to vector<16xi32>
    %mul3A_176 = arith.muli %get3A_170, %mul3A_175 : vector<16xi32>
    %add3A_177 = arith.addi %mul3A_176, %get3A_173 : vector<16xi32>
    %swap3A_178 = arith.constant 1 : i32
    %swap3A_179 = arith.index_cast %swap3A_178 : i32 to index
    %swap3A_180 = arith.constant 32 : index
    %swap3A_181 = tpu.vector_load %arg9[%swap3A_179, %swap3A_180] {strides = array<i32>} : memref<20x128xi32, #tpu.memory_space<vmem>>, vector<1x16xi32>,
    %swap3A_182 = vector.shape_cast %swap3A_181 : vector<1x16xi32> to vector<16xi32>
    %swap3A_183 = vector.shape_cast %add3A_177 : vector<16xi32> to vector<1x16xi32>
    tpu.vector_store %arg9[%swap3A_179, %swap3A_180], %swap3A_183 {strides = array<i32>} : memref<20x128xi32, #tpu.memory_space<vmem>>, vector<1x16xi32>,
    %get3A_184 = arith.constant 176 : index
    %get3A_185 = tpu.vector_load %arg6[%get3A_184] {strides = array<i32>} : memref<2560xi32, #tpu.memory_space<vmem>>, vector<16xi32>,
    %get3A_186 = vector.shape_cast %get3A_185 : vector<16xi32> to vector<16xi32>
    %get3A_187 = arith.constant 176 : index
    %get3A_188 = tpu.vector_load %arg7[%get3A_187] {strides = array<i32>} : memref<2560xi32, #tpu.memory_space<vmem>>, vector<16xi32>,
    %get3A_189 = vector.shape_cast %get3A_188 : vector<16xi32> to vector<16xi32>
    %mul3A_190 = arith.constant 16 : i32
    %mul3A_191 = vector.broadcast %mul3A_190 : i32 to vector<16xi32>
    %mul3A_192 = arith.muli %get3A_186, %mul3A_191 : vector<16xi32>
    %add3A_193 = arith.addi %mul3A_192, %get3A_189 : vector<16xi32>
    %swap3A_194 = arith.constant 1 : i32
    %swap3A_195 = arith.index_cast %swap3A_194 : i32 to index
    %swap3A_196 = arith.constant 48 : index
    %swap3A_197 = tpu.vector_load %arg9[%swap3A_195, %swap3A_196] {strides = array<i32>} : memref<20x128xi32, #tpu.memory_space<vmem>>, vector<1x16xi32>,
    %swap3A_198 = vector.shape_cast %swap3A_197 : vector<1x16xi32> to vector<16xi32>
    %swap3A_199 = vector.shape_cast %add3A_193 : vector<16xi32> to vector<1x16xi32>
    tpu.vector_store %arg9[%swap3A_195, %swap3A_196], %swap3A_199 {strides = array<i32>} : memref<20x128xi32, #tpu.memory_space<vmem>>, vector<1x16xi32>,
    %get3A_200 = arith.constant 192 : index
    %get3A_201 = tpu.vector_load %arg6[%get3A_200] {strides = array<i32>} : memref<2560xi32, #tpu.memory_space<vmem>>, vector<16xi32>,
    %get3A_202 = vector.shape_cast %get3A_201 : vector<16xi32> to vector<16xi32>
    %get3A_203 = arith.constant 192 : index
    %get3A_204 = tpu.vector_load %arg7[%get3A_203] {strides = array<i32>} : memref<2560xi32, #tpu.memory_space<vmem>>, vector<16xi32>,
    %get3A_205 = vector.shape_cast %get3A_204 : vector<16xi32> to vector<16xi32>
    %mul3A_206 = arith.constant 16 : i32
    %mul3A_207 = vector.broadcast %mul3A_206 : i32 to vector<16xi32>
    %mul3A_208 = arith.muli %get3A_202, %mul3A_207 : vector<16xi32>
    %add3A_209 = arith.addi %mul3A_208, %get3A_205 : vector<16xi32>
    %swap3A_210 = arith.constant 1 : i32
    %swap3A_211 = arith.index_cast %swap3A_210 : i32 to index
    %swap3A_212 = arith.constant 64 : index
    %swap3A_213 = tpu.vector_load %arg9[%swap3A_211, %swap3A_212] {strides = array<i32>} : memref<20x128xi32, #tpu.memory_space<vmem>>, vector<1x16xi32>,
    %swap3A_214 = vector.shape_cast %swap3A_213 : vector<1x16xi32> to vector<16xi32>
    %swap3A_215 = vector.shape_cast %add3A_209 : vector<16xi32> to vector<1x16xi32>
    tpu.vector_store %arg9[%swap3A_211, %swap3A_212], %swap3A_215 {strides = array<i32>} : memref<20x128xi32, #tpu.memory_space<vmem>>, vector<1x16xi32>,
    %get3A_216 = arith.constant 208 : index
    %get3A_217 = tpu.vector_load %arg6[%get3A_216] {strides = array<i32>} : memref<2560xi32, #tpu.memory_space<vmem>>, vector<16xi32>,
    %get3A_218 = vector.shape_cast %get3A_217 : vector<16xi32> to vector<16xi32>
    %get3A_219 = arith.constant 208 : index
    %get3A_220 = tpu.vector_load %arg7[%get3A_219] {strides = array<i32>} : memref<2560xi32, #tpu.memory_space<vmem>>, vector<16xi32>,
    %get3A_221 = vector.shape_cast %get3A_220 : vector<16xi32> to vector<16xi32>
    %mul3A_222 = arith.constant 16 : i32
    %mul3A_223 = vector.broadcast %mul3A_222 : i32 to vector<16xi32>
    %mul3A_224 = arith.muli %get3A_218, %mul3A_223 : vector<16xi32>
    %add3A_225 = arith.addi %mul3A_224, %get3A_221 : vector<16xi32>
    %swap3A_226 = arith.constant 1 : i32
    %swap3A_227 = arith.index_cast %swap3A_226 : i32 to index
    %swap3A_228 = arith.constant 80 : index
    %swap3A_229 = tpu.vector_load %arg9[%swap3A_227, %swap3A_228] {strides = array<i32>} : memref<20x128xi32, #tpu.memory_space<vmem>>, vector<1x16xi32>,
    %swap3A_230 = vector.shape_cast %swap3A_229 : vector<1x16xi32> to vector<16xi32>
    %swap3A_231 = vector.shape_cast %add3A_225 : vector<16xi32> to vector<1x16xi32>
    tpu.vector_store %arg9[%swap3A_227, %swap3A_228], %swap3A_231 {strides = array<i32>} : memref<20x128xi32, #tpu.memory_space<vmem>>, vector<1x16xi32>,
    %get3A_232 = arith.constant 224 : index
    %get3A_233 = tpu.vector_load %arg6[%get3A_232] {strides = array<i32>} : memref<2560xi32, #tpu.memory_space<vmem>>, vector<16xi32>,
    %get3A_234 = vector.shape_cast %get3A_233 : vector<16xi32> to vector<16xi32>
    %get3A_235 = arith.constant 224 : index
    %get3A_236 = tpu.vector_load %arg7[%get3A_235] {strides = array<i32>} : memref<2560xi32, #tpu.memory_space<vmem>>, vector<16xi32>,
    %get3A_237 = vector.shape_cast %get3A_236 : vector<16xi32> to vector<16xi32>
    %mul3A_238 = arith.constant 16 : i32
    %mul3A_239 = vector.broadcast %mul3A_238 : i32 to vector<16xi32>
    %mul3A_240 = arith.muli %get3A_234, %mul3A_239 : vector<16xi32>
    %add3A_241 = arith.addi %mul3A_240, %get3A_237 : vector<16xi32>
    %swap3A_242 = arith.constant 1 : i32
    %swap3A_243 = arith.index_cast %swap3A_242 : i32 to index
    %swap3A_244 = arith.constant 96 : index
    %swap3A_245 = tpu.vector_load %arg9[%swap3A_243, %swap3A_244] {strides = array<i32>} : memref<20x128xi32, #tpu.memory_space<vmem>>, vector<1x16xi32>,
    %swap3A_246 = vector.shape_cast %swap3A_245 : vector<1x16xi32> to vector<16xi32>
    %swap3A_247 = vector.shape_cast %add3A_241 : vector<16xi32> to vector<1x16xi32>
    tpu.vector_store %arg9[%swap3A_243, %swap3A_244], %swap3A_247 {strides = array<i32>} : memref<20x128xi32, #tpu.memory_space<vmem>>, vector<1x16xi32>,
    %get3A_248 = arith.constant 240 : index
    %get3A_249 = tpu.vector_load %arg6[%get3A_248] {strides = array<i32>} : memref<2560xi32, #tpu.memory_space<vmem>>, vector<16xi32>,
    %get3A_250 = vector.shape_cast %get3A_249 : vector<16xi32> to vector<16xi32>
    %get3A_251 = arith.constant 240 : index
    %get3A_252 = tpu.vector_load %arg7[%get3A_251] {strides = array<i32>} : memref<2560xi32, #tpu.memory_space<vmem>>, vector<16xi32>,
    %get3A_253 = vector.shape_cast %get3A_252 : vector<16xi32> to vector<16xi32>
    %mul3A_254 = arith.constant 16 : i32
    %mul3A_255 = vector.broadcast %mul3A_254 : i32 to vector<16xi32>
    %mul3A_256 = arith.muli %get3A_250, %mul3A_255 : vector<16xi32>
    %add3A_257 = arith.addi %mul3A_256, %get3A_253 : vector<16xi32>
    %swap3A_258 = arith.constant 1 : i32
    %swap3A_259 = arith.index_cast %swap3A_258 : i32 to index
    %swap3A_260 = arith.constant 112 : index
    %swap3A_261 = tpu.vector_load %arg9[%swap3A_259, %swap3A_260] {strides = array<i32>} : memref<20x128xi32, #tpu.memory_space<vmem>>, vector<1x16xi32>,
    %swap3A_262 = vector.shape_cast %swap3A_261 : vector<1x16xi32> to vector<16xi32>
    %swap3A_263 = vector.shape_cast %add3A_257 : vector<16xi32> to vector<1x16xi32>
    tpu.vector_store %arg9[%swap3A_259, %swap3A_260], %swap3A_263 {strides = array<i32>} : memref<20x128xi32, #tpu.memory_space<vmem>>, vector<1x16xi32>,
    %get3A_264 = arith.constant 256 : index
    %get3A_265 = tpu.vector_load %arg6[%get3A_264] {strides = array<i32>} : memref<2560xi32, #tpu.memory_space<vmem>>, vector<16xi32>,
    %get3A_266 = vector.shape_cast %get3A_265 : vector<16xi32> to vector<16xi32>
    %get3A_267 = arith.constant 256 : index
    %get3A_268 = tpu.vector_load %arg7[%get3A_267] {strides = array<i32>} : memref<2560xi32, #tpu.memory_space<vmem>>, vector<16xi32>,
    %get3A_269 = vector.shape_cast %get3A_268 : vector<16xi32> to vector<16xi32>
    %mul3A_270 = arith.constant 16 : i32
    %mul3A_271 = vector.broadcast %mul3A_270 : i32 to vector<16xi32>
    %mul3A_272 = arith.muli %get3A_266, %mul3A_271 : vector<16xi32>
    %add3A_273 = arith.addi %mul3A_272, %get3A_269 : vector<16xi32>
    %swap3A_274 = arith.constant 2 : i32
    %swap3A_275 = arith.index_cast %swap3A_274 : i32 to index
    %swap3A_276 = arith.constant 0 : index
    %swap3A_277 = tpu.vector_load %arg9[%swap3A_275, %swap3A_276] {strides = array<i32>} : memref<20x128xi32, #tpu.memory_space<vmem>>, vector<1x16xi32>,
    %swap3A_278 = vector.shape_cast %swap3A_277 : vector<1x16xi32> to vector<16xi32>
    %swap3A_279 = vector.shape_cast %add3A_273 : vector<16xi32> to vector<1x16xi32>
    tpu.vector_store %arg9[%swap3A_275, %swap3A_276], %swap3A_279 {strides = array<i32>} : memref<20x128xi32, #tpu.memory_space<vmem>>, vector<1x16xi32>,
    %get3A_280 = arith.constant 272 : index
    %get3A_281 = tpu.vector_load %arg6[%get3A_280] {strides = array<i32>} : memref<2560xi32, #tpu.memory_space<vmem>>, vector<16xi32>,
    %get3A_282 = vector.shape_cast %get3A_281 : vector<16xi32> to vector<16xi32>
    %get3A_283 = arith.constant 272 : index
    %get3A_284 = tpu.vector_load %arg7[%get3A_283] {strides = array<i32>} : memref<2560xi32, #tpu.memory_space<vmem>>, vector<16xi32>,
    %get3A_285 = vector.shape_cast %get3A_284 : vector<16xi32> to vector<16xi32>
    %mul3A_286 = arith.constant 16 : i32
    %mul3A_287 = vector.broadcast %mul3A_286 : i32 to vector<16xi32>
    %mul3A_288 = arith.muli %get3A_282, %mul3A_287 : vector<16xi32>
    %add3A_289 = arith.addi %mul3A_288, %get3A_285 : vector<16xi32>
    %swap3A_290 = arith.constant 2 : i32
    %swap3A_291 = arith.index_cast %swap3A_290 : i32 to index
    %swap3A_292 = arith.constant 16 : index
    %swap3A_293 = tpu.vector_load %arg9[%swap3A_291, %swap3A_292] {strides = array<i32>} : memref<20x128xi32, #tpu.memory_space<vmem>>, vector<1x16xi32>,
    %swap3A_294 = vector.shape_cast %swap3A_293 : vector<1x16xi32> to vector<16xi32>
    %swap3A_295 = vector.shape_cast %add3A_289 : vector<16xi32> to vector<1x16xi32>
    tpu.vector_store %arg9[%swap3A_291, %swap3A_292], %swap3A_295 {strides = array<i32>} : memref<20x128xi32, #tpu.memory_space<vmem>>, vector<1x16xi32>,
    %get3A_296 = arith.constant 288 : index
    %get3A_297 = tpu.vector_load %arg6[%get3A_296] {strides = array<i32>} : memref<2560xi32, #tpu.memory_space<vmem>>, vector<16xi32>,
    %get3A_298 = vector.shape_cast %get3A_297 : vector<16xi32> to vector<16xi32>
    %get3A_299 = arith.constant 288 : index
    %get3A_300 = tpu.vector_load %arg7[%get3A_299] {strides = array<i32>} : memref<2560xi32, #tpu.memory_space<vmem>>, vector<16xi32>,
    %get3A_301 = vector.shape_cast %get3A_300 : vector<16xi32> to vector<16xi32>
    %mul3A_302 = arith.constant 16 : i32
    %mul3A_303 = vector.broadcast %mul3A_302 : i32 to vector<16xi32>
    %mul3A_304 = arith.muli %get3A_298, %mul3A_303 : vector<16xi32>
    %add3A_305 = arith.addi %mul3A_304, %get3A_301 : vector<16xi32>
    %swap3A_306 = arith.constant 2 : i32
    %swap3A_307 = arith.index_cast %swap3A_306 : i32 to index
    %swap3A_308 = arith.constant 32 : index
    %swap3A_309 = tpu.vector_load %arg9[%swap3A_307, %swap3A_308] {strides = array<i32>} : memref<20x128xi32, #tpu.memory_space<vmem>>, vector<1x16xi32>,
    %swap3A_310 = vector.shape_cast %swap3A_309 : vector<1x16xi32> to vector<16xi32>
    %swap3A_311 = vector.shape_cast %add3A_305 : vector<16xi32> to vector<1x16xi32>
    tpu.vector_store %arg9[%swap3A_307, %swap3A_308], %swap3A_311 {strides = array<i32>} : memref<20x128xi32, #tpu.memory_space<vmem>>, vector<1x16xi32>,
    %get3A_312 = arith.constant 304 : index
    %get3A_313 = tpu.vector_load %arg6[%get3A_312] {strides = array<i32>} : memref<2560xi32, #tpu.memory_space<vmem>>, vector<16xi32>,
    %get3A_314 = vector.shape_cast %get3A_313 : vector<16xi32> to vector<16xi32>
    %get3A_315 = arith.constant 304 : index
    %get3A_316 = tpu.vector_load %arg7[%get3A_315] {strides = array<i32>} : memref<2560xi32, #tpu.memory_space<vmem>>, vector<16xi32>,
    %get3A_317 = vector.shape_cast %get3A_316 : vector<16xi32> to vector<16xi32>
    %mul3A_318 = arith.constant 16 : i32
    %mul3A_319 = vector.broadcast %mul3A_318 : i32 to vector<16xi32>
    %mul3A_320 = arith.muli %get3A_314, %mul3A_319 : vector<16xi32>
    %add3A_321 = arith.addi %mul3A_320, %get3A_317 : vector<16xi32>
    %swap3A_322 = arith.constant 2 : i32
    %swap3A_323 = arith.index_cast %swap3A_322 : i32 to index
    %swap3A_324 = arith.constant 48 : index
    %swap3A_325 = tpu.vector_load %arg9[%swap3A_323, %swap3A_324] {strides = array<i32>} : memref<20x128xi32, #tpu.memory_space<vmem>>, vector<1x16xi32>,
    %swap3A_326 = vector.shape_cast %swap3A_325 : vector<1x16xi32> to vector<16xi32>
    %swap3A_327 = vector.shape_cast %add3A_321 : vector<16xi32> to vector<1x16xi32>
    tpu.vector_store %arg9[%swap3A_323, %swap3A_324], %swap3A_327 {strides = array<i32>} : memref<20x128xi32, #tpu.memory_space<vmem>>, vector<1x16xi32>,
    %get3A_328 = arith.constant 320 : index
    %get3A_329 = tpu.vector_load %arg6[%get3A_328] {strides = array<i32>} : memref<2560xi32, #tpu.memory_space<vmem>>, vector<16xi32>,
    %get3A_330 = vector.shape_cast %get3A_329 : vector<16xi32> to vector<16xi32>
    %get3A_331 = arith.constant 320 : index
    %get3A_332 = tpu.vector_load %arg7[%get3A_331] {strides = array<i32>} : memref<2560xi32, #tpu.memory_space<vmem>>, vector<16xi32>,
    %get3A_333 = vector.shape_cast %get3A_332 : vector<16xi32> to vector<16xi32>
    %mul3A_334 = arith.constant 16 : i32
    %mul3A_335 = vector.broadcast %mul3A_334 : i32 to vector<16xi32>
    %mul3A_336 = arith.muli %get3A_330, %mul3A_335 : vector<16xi32>
    %add3A_337 = arith.addi %mul3A_336, %get3A_333 : vector<16xi32>
    %swap3A_338 = arith.constant 2 : i32
    %swap3A_339 = arith.index_cast %swap3A_338 : i32 to index
    %swap3A_340 = arith.constant 64 : index
    %swap3A_341 = tpu.vector_load %arg9[%swap3A_339, %swap3A_340] {strides = array<i32>} : memref<20x128xi32, #tpu.memory_space<vmem>>, vector<1x16xi32>,
    %swap3A_342 = vector.shape_cast %swap3A_341 : vector<1x16xi32> to vector<16xi32>
    %swap3A_343 = vector.shape_cast %add3A_337 : vector<16xi32> to vector<1x16xi32>
    tpu.vector_store %arg9[%swap3A_339, %swap3A_340], %swap3A_343 {strides = array<i32>} : memref<20x128xi32, #tpu.memory_space<vmem>>, vector<1x16xi32>,
    %get3A_344 = arith.constant 336 : index
    %get3A_345 = tpu.vector_load %arg6[%get3A_344] {strides = array<i32>} : memref<2560xi32, #tpu.memory_space<vmem>>, vector<16xi32>,
    %get3A_346 = vector.shape_cast %get3A_345 : vector<16xi32> to vector<16xi32>
    %get3A_347 = arith.constant 336 : index
    %get3A_348 = tpu.vector_load %arg7[%get3A_347] {strides = array<i32>} : memref<2560xi32, #tpu.memory_space<vmem>>, vector<16xi32>,
    %get3A_349 = vector.shape_cast %get3A_348 : vector<16xi32> to vector<16xi32>
    %mul3A_350 = arith.constant 16 : i32
    %mul3A_351 = vector.broadcast %mul3A_350 : i32 to vector<16xi32>
    %mul3A_352 = arith.muli %get3A_346, %mul3A_351 : vector<16xi32>
    %add3A_353 = arith.addi %mul3A_352, %get3A_349 : vector<16xi32>
    %swap3A_354 = arith.constant 2 : i32
    %swap3A_355 = arith.index_cast %swap3A_354 : i32 to index
    %swap3A_356 = arith.constant 80 : index
    %swap3A_357 = tpu.vector_load %arg9[%swap3A_355, %swap3A_356] {strides = array<i32>} : memref<20x128xi32, #tpu.memory_space<vmem>>, vector<1x16xi32>,
    %swap3A_358 = vector.shape_cast %swap3A_357 : vector<1x16xi32> to vector<16xi32>
    %swap3A_359 = vector.shape_cast %add3A_353 : vector<16xi32> to vector<1x16xi32>
    tpu.vector_store %arg9[%swap3A_355, %swap3A_356], %swap3A_359 {strides = array<i32>} : memref<20x128xi32, #tpu.memory_space<vmem>>, vector<1x16xi32>,
    %get3A_360 = arith.constant 352 : index
    %get3A_361 = tpu.vector_load %arg6[%get3A_360] {strides = array<i32>} : memref<2560xi32, #tpu.memory_space<vmem>>, vector<16xi32>,
    %get3A_362 = vector.shape_cast %get3A_361 : vector<16xi32> to vector<16xi32>
    %get3A_363 = arith.constant 352 : index
    %get3A_364 = tpu.vector_load %arg7[%get3A_363] {strides = array<i32>} : memref<2560xi32, #tpu.memory_space<vmem>>, vector<16xi32>,
    %get3A_365 = vector.shape_cast %get3A_364 : vector<16xi32> to vector<16xi32>
    %mul3A_366 = arith.constant 16 : i32
    %mul3A_367 = vector.broadcast %mul3A_366 : i32 to vector<16xi32>
    %mul3A_368 = arith.muli %get3A_362, %mul3A_367 : vector<16xi32>
    %add3A_369 = arith.addi %mul3A_368, %get3A_365 : vector<16xi32>
    %swap3A_370 = arith.constant 2 : i32
    %swap3A_371 = arith.index_cast %swap3A_370 : i32 to index
    %swap3A_372 = arith.constant 96 : index
    %swap3A_373 = tpu.vector_load %arg9[%swap3A_371, %swap3A_372] {strides = array<i32>} : memref<20x128xi32, #tpu.memory_space<vmem>>, vector<1x16xi32>,
    %swap3A_374 = vector.shape_cast %swap3A_373 : vector<1x16xi32> to vector<16xi32>
    %swap3A_375 = vector.shape_cast %add3A_369 : vector<16xi32> to vector<1x16xi32>
    tpu.vector_store %arg9[%swap3A_371, %swap3A_372], %swap3A_375 {strides = array<i32>} : memref<20x128xi32, #tpu.memory_space<vmem>>, vector<1x16xi32>,
    %get3A_376 = arith.constant 368 : index
    %get3A_377 = tpu.vector_load %arg6[%get3A_376] {strides = array<i32>} : memref<2560xi32, #tpu.memory_space<vmem>>, vector<16xi32>,
    %get3A_378 = vector.shape_cast %get3A_377 : vector<16xi32> to vector<16xi32>
    %get3A_379 = arith.constant 368 : index
    %get3A_380 = tpu.vector_load %arg7[%get3A_379] {strides = array<i32>} : memref<2560xi32, #tpu.memory_space<vmem>>, vector<16xi32>,
    %get3A_381 = vector.shape_cast %get3A_380 : vector<16xi32> to vector<16xi32>
    %mul3A_382 = arith.constant 16 : i32
    %mul3A_383 = vector.broadcast %mul3A_382 : i32 to vector<16xi32>
    %mul3A_384 = arith.muli %get3A_378, %mul3A_383 : vector<16xi32>
    %add3A_385 = arith.addi %mul3A_384, %get3A_381 : vector<16xi32>
    %swap3A_386 = arith.constant 2 : i32
    %swap3A_387 = arith.index_cast %swap3A_386 : i32 to index
    %swap3A_388 = arith.constant 112 : index
    %swap3A_389 = tpu.vector_load %arg9[%swap3A_387, %swap3A_388] {strides = array<i32>} : memref<20x128xi32, #tpu.memory_space<vmem>>, vector<1x16xi32>,
    %swap3A_390 = vector.shape_cast %swap3A_389 : vector<1x16xi32> to vector<16xi32>
    %swap3A_391 = vector.shape_cast %add3A_385 : vector<16xi32> to vector<1x16xi32>
    tpu.vector_store %arg9[%swap3A_387, %swap3A_388], %swap3A_391 {strides = array<i32>} : memref<20x128xi32, #tpu.memory_space<vmem>>, vector<1x16xi32>,
    %get3A_392 = arith.constant 384 : index
    %get3A_393 = tpu.vector_load %arg6[%get3A_392] {strides = array<i32>} : memref<2560xi32, #tpu.memory_space<vmem>>, vector<16xi32>,
    %get3A_394 = vector.shape_cast %get3A_393 : vector<16xi32> to vector<16xi32>
    %get3A_395 = arith.constant 384 : index
    %get3A_396 = tpu.vector_load %arg7[%get3A_395] {strides = array<i32>} : memref<2560xi32, #tpu.memory_space<vmem>>, vector<16xi32>,
    %get3A_397 = vector.shape_cast %get3A_396 : vector<16xi32> to vector<16xi32>
    %mul3A_398 = arith.constant 16 : i32
    %mul3A_399 = vector.broadcast %mul3A_398 : i32 to vector<16xi32>
    %mul3A_400 = arith.muli %get3A_394, %mul3A_399 : vector<16xi32>
    %add3A_401 = arith.addi %mul3A_400, %get3A_397 : vector<16xi32>
    %swap3A_402 = arith.constant 3 : i32
    %swap3A_403 = arith.index_cast %swap3A_402 : i32 to index
    %swap3A_404 = arith.constant 0 : index
    %swap3A_405 = tpu.vector_load %arg9[%swap3A_403, %swap3A_404] {strides = array<i32>} : memref<20x128xi32, #tpu.memory_space<vmem>>, vector<1x16xi32>,
    %swap3A_406 = vector.shape_cast %swap3A_405 : vector<1x16xi32> to vector<16xi32>
    %swap3A_407 = vector.shape_cast %add3A_401 : vector<16xi32> to vector<1x16xi32>
    tpu.vector_store %arg9[%swap3A_403, %swap3A_404], %swap3A_407 {strides = array<i32>} : memref<20x128xi32, #tpu.memory_space<vmem>>, vector<1x16xi32>,
    %get3A_408 = arith.constant 400 : index
    %get3A_409 = tpu.vector_load %arg6[%get3A_408] {strides = array<i32>} : memref<2560xi32, #tpu.memory_space<vmem>>, vector<16xi32>,
    %get3A_410 = vector.shape_cast %get3A_409 : vector<16xi32> to vector<16xi32>
    %get3A_411 = arith.constant 400 : index
    %get3A_412 = tpu.vector_load %arg7[%get3A_411] {strides = array<i32>} : memref<2560xi32, #tpu.memory_space<vmem>>, vector<16xi32>,
    %get3A_413 = vector.shape_cast %get3A_412 : vector<16xi32> to vector<16xi32>
    %mul3A_414 = arith.constant 16 : i32
    %mul3A_415 = vector.broadcast %mul3A_414 : i32 to vector<16xi32>
    %mul3A_416 = arith.muli %get3A_410, %mul3A_415 : vector<16xi32>
    %add3A_417 = arith.addi %mul3A_416, %get3A_413 : vector<16xi32>
    %swap3A_418 = arith.constant 3 : i32
    %swap3A_419 = arith.index_cast %swap3A_418 : i32 to index
    %swap3A_420 = arith.constant 16 : index
    %swap3A_421 = tpu.vector_load %arg9[%swap3A_419, %swap3A_420] {strides = array<i32>} : memref<20x128xi32, #tpu.memory_space<vmem>>, vector<1x16xi32>,
    %swap3A_422 = vector.shape_cast %swap3A_421 : vector<1x16xi32> to vector<16xi32>
    %swap3A_423 = vector.shape_cast %add3A_417 : vector<16xi32> to vector<1x16xi32>
    tpu.vector_store %arg9[%swap3A_419, %swap3A_420], %swap3A_423 {strides = array<i32>} : memref<20x128xi32, #tpu.memory_space<vmem>>, vector<1x16xi32>,
    %get3A_424 = arith.constant 416 : index
    %get3A_425 = tpu.vector_load %arg6[%get3A_424] {strides = array<i32>} : memref<2560xi32, #tpu.memory_space<vmem>>, vector<16xi32>,
    %get3A_426 = vector.shape_cast %get3A_425 : vector<16xi32> to vector<16xi32>
    %get3A_427 = arith.constant 416 : index
    %get3A_428 = tpu.vector_load %arg7[%get3A_427] {strides = array<i32>} : memref<2560xi32, #tpu.memory_space<vmem>>, vector<16xi32>,
    %get3A_429 = vector.shape_cast %get3A_428 : vector<16xi32> to vector<16xi32>
    %mul3A_430 = arith.constant 16 : i32
    %mul3A_431 = vector.broadcast %mul3A_430 : i32 to vector<16xi32>
    %mul3A_432 = arith.muli %get3A_426, %mul3A_431 : vector<16xi32>
    %add3A_433 = arith.addi %mul3A_432, %get3A_429 : vector<16xi32>
    %swap3A_434 = arith.constant 3 : i32
    %swap3A_435 = arith.index_cast %swap3A_434 : i32 to index
    %swap3A_436 = arith.constant 32 : index
    %swap3A_437 = tpu.vector_load %arg9[%swap3A_435, %swap3A_436] {strides = array<i32>} : memref<20x128xi32, #tpu.memory_space<vmem>>, vector<1x16xi32>,
    %swap3A_438 = vector.shape_cast %swap3A_437 : vector<1x16xi32> to vector<16xi32>
    %swap3A_439 = vector.shape_cast %add3A_433 : vector<16xi32> to vector<1x16xi32>
    tpu.vector_store %arg9[%swap3A_435, %swap3A_436], %swap3A_439 {strides = array<i32>} : memref<20x128xi32, #tpu.memory_space<vmem>>, vector<1x16xi32>,
    %get3A_440 = arith.constant 432 : index
    %get3A_441 = tpu.vector_load %arg6[%get3A_440] {strides = array<i32>} : memref<2560xi32, #tpu.memory_space<vmem>>, vector<16xi32>,
    %get3A_442 = vector.shape_cast %get3A_441 : vector<16xi32> to vector<16xi32>
    %get3A_443 = arith.constant 432 : index
    %get3A_444 = tpu.vector_load %arg7[%get3A_443] {strides = array<i32>} : memref<2560xi32, #tpu.memory_space<vmem>>, vector<16xi32>,
    %get3A_445 = vector.shape_cast %get3A_444 : vector<16xi32> to vector<16xi32>
    %mul3A_446 = arith.constant 16 : i32
    %mul3A_447 = vector.broadcast %mul3A_446 : i32 to vector<16xi32>
    %mul3A_448 = arith.muli %get3A_442, %mul3A_447 : vector<16xi32>
    %add3A_449 = arith.addi %mul3A_448, %get3A_445 : vector<16xi32>
    %swap3A_450 = arith.constant 3 : i32
    %swap3A_451 = arith.index_cast %swap3A_450 : i32 to index
    %swap3A_452 = arith.constant 48 : index
    %swap3A_453 = tpu.vector_load %arg9[%swap3A_451, %swap3A_452] {strides = array<i32>} : memref<20x128xi32, #tpu.memory_space<vmem>>, vector<1x16xi32>,
    %swap3A_454 = vector.shape_cast %swap3A_453 : vector<1x16xi32> to vector<16xi32>
    %swap3A_455 = vector.shape_cast %add3A_449 : vector<16xi32> to vector<1x16xi32>
    tpu.vector_store %arg9[%swap3A_451, %swap3A_452], %swap3A_455 {strides = array<i32>} : memref<20x128xi32, #tpu.memory_space<vmem>>, vector<1x16xi32>,
    %get3A_456 = arith.constant 448 : index
    %get3A_457 = tpu.vector_load %arg6[%get3A_456] {strides = array<i32>} : memref<2560xi32, #tpu.memory_space<vmem>>, vector<16xi32>,
    %get3A_458 = vector.shape_cast %get3A_457 : vector<16xi32> to vector<16xi32>
    %get3A_459 = arith.constant 448 : index
    %get3A_460 = tpu.vector_load %arg7[%get3A_459] {strides = array<i32>} : memref<2560xi32, #tpu.memory_space<vmem>>, vector<16xi32>,
    %get3A_461 = vector.shape_cast %get3A_460 : vector<16xi32> to vector<16xi32>
    %mul3A_462 = arith.constant 16 : i32
    %mul3A_463 = vector.broadcast %mul3A_462 : i32 to vector<16xi32>
    %mul3A_464 = arith.muli %get3A_458, %mul3A_463 : vector<16xi32>
    %add3A_465 = arith.addi %mul3A_464, %get3A_461 : vector<16xi32>
    %swap3A_466 = arith.constant 3 : i32
    %swap3A_467 = arith.index_cast %swap3A_466 : i32 to index
    %swap3A_468 = arith.constant 64 : index
    %swap3A_469 = tpu.vector_load %arg9[%swap3A_467, %swap3A_468] {strides = array<i32>} : memref<20x128xi32, #tpu.memory_space<vmem>>, vector<1x16xi32>,
    %swap3A_470 = vector.shape_cast %swap3A_469 : vector<1x16xi32> to vector<16xi32>
    %swap3A_471 = vector.shape_cast %add3A_465 : vector<16xi32> to vector<1x16xi32>
    tpu.vector_store %arg9[%swap3A_467, %swap3A_468], %swap3A_471 {strides = array<i32>} : memref<20x128xi32, #tpu.memory_space<vmem>>, vector<1x16xi32>,
    %get3A_472 = arith.constant 464 : index
    %get3A_473 = tpu.vector_load %arg6[%get3A_472] {strides = array<i32>} : memref<2560xi32, #tpu.memory_space<vmem>>, vector<16xi32>,
    %get3A_474 = vector.shape_cast %get3A_473 : vector<16xi32> to vector<16xi32>
    %get3A_475 = arith.constant 464 : index
    %get3A_476 = tpu.vector_load %arg7[%get3A_475] {strides = array<i32>} : memref<2560xi32, #tpu.memory_space<vmem>>, vector<16xi32>,
    %get3A_477 = vector.shape_cast %get3A_476 : vector<16xi32> to vector<16xi32>
    %mul3A_478 = arith.constant 16 : i32
    %mul3A_479 = vector.broadcast %mul3A_478 : i32 to vector<16xi32>
    %mul3A_480 = arith.muli %get3A_474, %mul3A_479 : vector<16xi32>
    %add3A_481 = arith.addi %mul3A_480, %get3A_477 : vector<16xi32>
    %swap3A_482 = arith.constant 3 : i32
    %swap3A_483 = arith.index_cast %swap3A_482 : i32 to index
    %swap3A_484 = arith.constant 80 : index
    %swap3A_485 = tpu.vector_load %arg9[%swap3A_483, %swap3A_484] {strides = array<i32>} : memref<20x128xi32, #tpu.memory_space<vmem>>, vector<1x16xi32>,
    %swap3A_486 = vector.shape_cast %swap3A_485 : vector<1x16xi32> to vector<16xi32>
    %swap3A_487 = vector.shape_cast %add3A_481 : vector<16xi32> to vector<1x16xi32>
    tpu.vector_store %arg9[%swap3A_483, %swap3A_484], %swap3A_487 {strides = array<i32>} : memref<20x128xi32, #tpu.memory_space<vmem>>, vector<1x16xi32>,
    %get3A_488 = arith.constant 480 : index
    %get3A_489 = tpu.vector_load %arg6[%get3A_488] {strides = array<i32>} : memref<2560xi32, #tpu.memory_space<vmem>>, vector<16xi32>,
    %get3A_490 = vector.shape_cast %get3A_489 : vector<16xi32> to vector<16xi32>
    %get3A_491 = arith.constant 480 : index
    %get3A_492 = tpu.vector_load %arg7[%get3A_491] {strides = array<i32>} : memref<2560xi32, #tpu.memory_space<vmem>>, vector<16xi32>,
    %get3A_493 = vector.shape_cast %get3A_492 : vector<16xi32> to vector<16xi32>
    %mul3A_494 = arith.constant 16 : i32
    %mul3A_495 = vector.broadcast %mul3A_494 : i32 to vector<16xi32>
    %mul3A_496 = arith.muli %get3A_490, %mul3A_495 : vector<16xi32>
    %add3A_497 = arith.addi %mul3A_496, %get3A_493 : vector<16xi32>
    %swap3A_498 = arith.constant 3 : i32
    %swap3A_499 = arith.index_cast %swap3A_498 : i32 to index
    %swap3A_500 = arith.constant 96 : index
    %swap3A_501 = tpu.vector_load %arg9[%swap3A_499, %swap3A_500] {strides = array<i32>} : memref<20x128xi32, #tpu.memory_space<vmem>>, vector<1x16xi32>,
    %swap3A_502 = vector.shape_cast %swap3A_501 : vector<1x16xi32> to vector<16xi32>
    %swap3A_503 = vector.shape_cast %add3A_497 : vector<16xi32> to vector<1x16xi32>
    tpu.vector_store %arg9[%swap3A_499, %swap3A_500], %swap3A_503 {strides = array<i32>} : memref<20x128xi32, #tpu.memory_space<vmem>>, vector<1x16xi32>,
    %get3A_504 = arith.constant 496 : index
    %get3A_505 = tpu.vector_load %arg6[%get3A_504] {strides = array<i32>} : memref<2560xi32, #tpu.memory_space<vmem>>, vector<16xi32>,
    %get3A_506 = vector.shape_cast %get3A_505 : vector<16xi32> to vector<16xi32>
    %get3A_507 = arith.constant 496 : index
    %get3A_508 = tpu.vector_load %arg7[%get3A_507] {strides = array<i32>} : memref<2560xi32, #tpu.memory_space<vmem>>, vector<16xi32>,
    %get3A_509 = vector.shape_cast %get3A_508 : vector<16xi32> to vector<16xi32>
    %mul3A_510 = arith.constant 16 : i32
    %mul3A_511 = vector.broadcast %mul3A_510 : i32 to vector<16xi32>
    %mul3A_512 = arith.muli %get3A_506, %mul3A_511 : vector<16xi32>
    %add3A_513 = arith.addi %mul3A_512, %get3A_509 : vector<16xi32>
    %swap3A_514 = arith.constant 3 : i32
    %swap3A_515 = arith.index_cast %swap3A_514 : i32 to index
    %swap3A_516 = arith.constant 112 : index
    %swap3A_517 = tpu.vector_load %arg9[%swap3A_515, %swap3A_516] {strides = array<i32>} : memref<20x128xi32, #tpu.memory_space<vmem>>, vector<1x16xi32>,
    %swap3A_518 = vector.shape_cast %swap3A_517 : vector<1x16xi32> to vector<16xi32>
    %swap3A_519 = vector.shape_cast %add3A_513 : vector<16xi32> to vector<1x16xi32>
    tpu.vector_store %arg9[%swap3A_515, %swap3A_516], %swap3A_519 {strides = array<i32>} : memref<20x128xi32, #tpu.memory_space<vmem>>, vector<1x16xi32>,
    %get3A_520 = arith.constant 512 : index
    %get3A_521 = tpu.vector_load %arg6[%get3A_520] {strides = array<i32>} : memref<2560xi32, #tpu.memory_space<vmem>>, vector<16xi32>,
    %get3A_522 = vector.shape_cast %get3A_521 : vector<16xi32> to vector<16xi32>
    %get3A_523 = arith.constant 512 : index
    %get3A_524 = tpu.vector_load %arg7[%get3A_523] {strides = array<i32>} : memref<2560xi32, #tpu.memory_space<vmem>>, vector<16xi32>,
    %get3A_525 = vector.shape_cast %get3A_524 : vector<16xi32> to vector<16xi32>
    %mul3A_526 = arith.constant 16 : i32
    %mul3A_527 = vector.broadcast %mul3A_526 : i32 to vector<16xi32>
    %mul3A_528 = arith.muli %get3A_522, %mul3A_527 : vector<16xi32>
    %add3A_529 = arith.addi %mul3A_528, %get3A_525 : vector<16xi32>
    %swap3A_530 = arith.constant 4 : i32
    %swap3A_531 = arith.index_cast %swap3A_530 : i32 to index
    %swap3A_532 = arith.constant 0 : index
    %swap3A_533 = tpu.vector_load %arg9[%swap3A_531, %swap3A_532] {strides = array<i32>} : memref<20x128xi32, #tpu.memory_space<vmem>>, vector<1x16xi32>,
    %swap3A_534 = vector.shape_cast %swap3A_533 : vector<1x16xi32> to vector<16xi32>
    %swap3A_535 = vector.shape_cast %add3A_529 : vector<16xi32> to vector<1x16xi32>
    tpu.vector_store %arg9[%swap3A_531, %swap3A_532], %swap3A_535 {strides = array<i32>} : memref<20x128xi32, #tpu.memory_space<vmem>>, vector<1x16xi32>,
    %get3A_536 = arith.constant 528 : index
    %get3A_537 = tpu.vector_load %arg6[%get3A_536] {strides = array<i32>} : memref<2560xi32, #tpu.memory_space<vmem>>, vector<16xi32>,
    %get3A_538 = vector.shape_cast %get3A_537 : vector<16xi32> to vector<16xi32>
    %get3A_539 = arith.constant 528 : index
    %get3A_540 = tpu.vector_load %arg7[%get3A_539] {strides = array<i32>} : memref<2560xi32, #tpu.memory_space<vmem>>, vector<16xi32>,
    %get3A_541 = vector.shape_cast %get3A_540 : vector<16xi32> to vector<16xi32>
    %mul3A_542 = arith.constant 16 : i32
    %mul3A_543 = vector.broadcast %mul3A_542 : i32 to vector<16xi32>
    %mul3A_544 = arith.muli %get3A_538, %mul3A_543 : vector<16xi32>
    %add3A_545 = arith.addi %mul3A_544, %get3A_541 : vector<16xi32>
    %swap3A_546 = arith.constant 4 : i32
    %swap3A_547 = arith.index_cast %swap3A_546 : i32 to index
    %swap3A_548 = arith.constant 16 : index
    %swap3A_549 = tpu.vector_load %arg9[%swap3A_547, %swap3A_548] {strides = array<i32>} : memref<20x128xi32, #tpu.memory_space<vmem>>, vector<1x16xi32>,
    %swap3A_550 = vector.shape_cast %swap3A_549 : vector<1x16xi32> to vector<16xi32>
    %swap3A_551 = vector.shape_cast %add3A_545 : vector<16xi32> to vector<1x16xi32>
    tpu.vector_store %arg9[%swap3A_547, %swap3A_548], %swap3A_551 {strides = array<i32>} : memref<20x128xi32, #tpu.memory_space<vmem>>, vector<1x16xi32>,
    %get3A_552 = arith.constant 544 : index
    %get3A_553 = tpu.vector_load %arg6[%get3A_552] {strides = array<i32>} : memref<2560xi32, #tpu.memory_space<vmem>>, vector<16xi32>,
    %get3A_554 = vector.shape_cast %get3A_553 : vector<16xi32> to vector<16xi32>
    %get3A_555 = arith.constant 544 : index
    %get3A_556 = tpu.vector_load %arg7[%get3A_555] {strides = array<i32>} : memref<2560xi32, #tpu.memory_space<vmem>>, vector<16xi32>,
    %get3A_557 = vector.shape_cast %get3A_556 : vector<16xi32> to vector<16xi32>
    %mul3A_558 = arith.constant 16 : i32
    %mul3A_559 = vector.broadcast %mul3A_558 : i32 to vector<16xi32>
    %mul3A_560 = arith.muli %get3A_554, %mul3A_559 : vector<16xi32>
    %add3A_561 = arith.addi %mul3A_560, %get3A_557 : vector<16xi32>
    %swap3A_562 = arith.constant 4 : i32
    %swap3A_563 = arith.index_cast %swap3A_562 : i32 to index
    %swap3A_564 = arith.constant 32 : index
    %swap3A_565 = tpu.vector_load %arg9[%swap3A_563, %swap3A_564] {strides = array<i32>} : memref<20x128xi32, #tpu.memory_space<vmem>>, vector<1x16xi32>,
    %swap3A_566 = vector.shape_cast %swap3A_565 : vector<1x16xi32> to vector<16xi32>
    %swap3A_567 = vector.shape_cast %add3A_561 : vector<16xi32> to vector<1x16xi32>
    tpu.vector_store %arg9[%swap3A_563, %swap3A_564], %swap3A_567 {strides = array<i32>} : memref<20x128xi32, #tpu.memory_space<vmem>>, vector<1x16xi32>,
    %get3A_568 = arith.constant 560 : index
    %get3A_569 = tpu.vector_load %arg6[%get3A_568] {strides = array<i32>} : memref<2560xi32, #tpu.memory_space<vmem>>, vector<16xi32>,
    %get3A_570 = vector.shape_cast %get3A_569 : vector<16xi32> to vector<16xi32>
    %get3A_571 = arith.constant 560 : index
    %get3A_572 = tpu.vector_load %arg7[%get3A_571] {strides = array<i32>} : memref<2560xi32, #tpu.memory_space<vmem>>, vector<16xi32>,
    %get3A_573 = vector.shape_cast %get3A_572 : vector<16xi32> to vector<16xi32>
    %mul3A_574 = arith.constant 16 : i32
    %mul3A_575 = vector.broadcast %mul3A_574 : i32 to vector<16xi32>
    %mul3A_576 = arith.muli %get3A_570, %mul3A_575 : vector<16xi32>
    %add3A_577 = arith.addi %mul3A_576, %get3A_573 : vector<16xi32>
    %swap3A_578 = arith.constant 4 : i32
    %swap3A_579 = arith.index_cast %swap3A_578 : i32 to index
    %swap3A_580 = arith.constant 48 : index
    %swap3A_581 = tpu.vector_load %arg9[%swap3A_579, %swap3A_580] {strides = array<i32>} : memref<20x128xi32, #tpu.memory_space<vmem>>, vector<1x16xi32>,
    %swap3A_582 = vector.shape_cast %swap3A_581 : vector<1x16xi32> to vector<16xi32>
    %swap3A_583 = vector.shape_cast %add3A_577 : vector<16xi32> to vector<1x16xi32>
    tpu.vector_store %arg9[%swap3A_579, %swap3A_580], %swap3A_583 {strides = array<i32>} : memref<20x128xi32, #tpu.memory_space<vmem>>, vector<1x16xi32>,
    %get3A_584 = arith.constant 576 : index
    %get3A_585 = tpu.vector_load %arg6[%get3A_584] {strides = array<i32>} : memref<2560xi32, #tpu.memory_space<vmem>>, vector<16xi32>,
    %get3A_586 = vector.shape_cast %get3A_585 : vector<16xi32> to vector<16xi32>
    %get3A_587 = arith.constant 576 : index
    %get3A_588 = tpu.vector_load %arg7[%get3A_587] {strides = array<i32>} : memref<2560xi32, #tpu.memory_space<vmem>>, vector<16xi32>,
    %get3A_589 = vector.shape_cast %get3A_588 : vector<16xi32> to vector<16xi32>
    %mul3A_590 = arith.constant 16 : i32
    %mul3A_591 = vector.broadcast %mul3A_590 : i32 to vector<16xi32>
    %mul3A_592 = arith.muli %get3A_586, %mul3A_591 : vector<16xi32>
    %add3A_593 = arith.addi %mul3A_592, %get3A_589 : vector<16xi32>
    %swap3A_594 = arith.constant 4 : i32
    %swap3A_595 = arith.index_cast %swap3A_594 : i32 to index
    %swap3A_596 = arith.constant 64 : index
    %swap3A_597 = tpu.vector_load %arg9[%swap3A_595, %swap3A_596] {strides = array<i32>} : memref<20x128xi32, #tpu.memory_space<vmem>>, vector<1x16xi32>,
    %swap3A_598 = vector.shape_cast %swap3A_597 : vector<1x16xi32> to vector<16xi32>
    %swap3A_599 = vector.shape_cast %add3A_593 : vector<16xi32> to vector<1x16xi32>
    tpu.vector_store %arg9[%swap3A_595, %swap3A_596], %swap3A_599 {strides = array<i32>} : memref<20x128xi32, #tpu.memory_space<vmem>>, vector<1x16xi32>,
    %get3A_600 = arith.constant 592 : index
    %get3A_601 = tpu.vector_load %arg6[%get3A_600] {strides = array<i32>} : memref<2560xi32, #tpu.memory_space<vmem>>, vector<16xi32>,
    %get3A_602 = vector.shape_cast %get3A_601 : vector<16xi32> to vector<16xi32>
    %get3A_603 = arith.constant 592 : index
    %get3A_604 = tpu.vector_load %arg7[%get3A_603] {strides = array<i32>} : memref<2560xi32, #tpu.memory_space<vmem>>, vector<16xi32>,
    %get3A_605 = vector.shape_cast %get3A_604 : vector<16xi32> to vector<16xi32>
    %mul3A_606 = arith.constant 16 : i32
    %mul3A_607 = vector.broadcast %mul3A_606 : i32 to vector<16xi32>
    %mul3A_608 = arith.muli %get3A_602, %mul3A_607 : vector<16xi32>
    %add3A_609 = arith.addi %mul3A_608, %get3A_605 : vector<16xi32>
    %swap3A_610 = arith.constant 4 : i32
    %swap3A_611 = arith.index_cast %swap3A_610 : i32 to index
    %swap3A_612 = arith.constant 80 : index
    %swap3A_613 = tpu.vector_load %arg9[%swap3A_611, %swap3A_612] {strides = array<i32>} : memref<20x128xi32, #tpu.memory_space<vmem>>, vector<1x16xi32>,
    %swap3A_614 = vector.shape_cast %swap3A_613 : vector<1x16xi32> to vector<16xi32>
    %swap3A_615 = vector.shape_cast %add3A_609 : vector<16xi32> to vector<1x16xi32>
    tpu.vector_store %arg9[%swap3A_611, %swap3A_612], %swap3A_615 {strides = array<i32>} : memref<20x128xi32, #tpu.memory_space<vmem>>, vector<1x16xi32>,
    %get3A_616 = arith.constant 608 : index
    %get3A_617 = tpu.vector_load %arg6[%get3A_616] {strides = array<i32>} : memref<2560xi32, #tpu.memory_space<vmem>>, vector<16xi32>,
    %get3A_618 = vector.shape_cast %get3A_617 : vector<16xi32> to vector<16xi32>
    %get3A_619 = arith.constant 608 : index
    %get3A_620 = tpu.vector_load %arg7[%get3A_619] {strides = array<i32>} : memref<2560xi32, #tpu.memory_space<vmem>>, vector<16xi32>,
    %get3A_621 = vector.shape_cast %get3A_620 : vector<16xi32> to vector<16xi32>
    %mul3A_622 = arith.constant 16 : i32
    %mul3A_623 = vector.broadcast %mul3A_622 : i32 to vector<16xi32>
    %mul3A_624 = arith.muli %get3A_618, %mul3A_623 : vector<16xi32>
    %add3A_625 = arith.addi %mul3A_624, %get3A_621 : vector<16xi32>
    %swap3A_626 = arith.constant 4 : i32
    %swap3A_627 = arith.index_cast %swap3A_626 : i32 to index
    %swap3A_628 = arith.constant 96 : index
    %swap3A_629 = tpu.vector_load %arg9[%swap3A_627, %swap3A_628] {strides = array<i32>} : memref<20x128xi32, #tpu.memory_space<vmem>>, vector<1x16xi32>,
    %swap3A_630 = vector.shape_cast %swap3A_629 : vector<1x16xi32> to vector<16xi32>
    %swap3A_631 = vector.shape_cast %add3A_625 : vector<16xi32> to vector<1x16xi32>
    tpu.vector_store %arg9[%swap3A_627, %swap3A_628], %swap3A_631 {strides = array<i32>} : memref<20x128xi32, #tpu.memory_space<vmem>>, vector<1x16xi32>,
    %get3A_632 = arith.constant 624 : index
    %get3A_633 = tpu.vector_load %arg6[%get3A_632] {strides = array<i32>} : memref<2560xi32, #tpu.memory_space<vmem>>, vector<16xi32>,
    %get3A_634 = vector.shape_cast %get3A_633 : vector<16xi32> to vector<16xi32>
    %get3A_635 = arith.constant 624 : index
    %get3A_636 = tpu.vector_load %arg7[%get3A_635] {strides = array<i32>} : memref<2560xi32, #tpu.memory_space<vmem>>, vector<16xi32>,
    %get3A_637 = vector.shape_cast %get3A_636 : vector<16xi32> to vector<16xi32>
    %mul3A_638 = arith.constant 16 : i32
    %mul3A_639 = vector.broadcast %mul3A_638 : i32 to vector<16xi32>
    %mul3A_640 = arith.muli %get3A_634, %mul3A_639 : vector<16xi32>
    %add3A_641 = arith.addi %mul3A_640, %get3A_637 : vector<16xi32>
    %swap3A_642 = arith.constant 4 : i32
    %swap3A_643 = arith.index_cast %swap3A_642 : i32 to index
    %swap3A_644 = arith.constant 112 : index
    %swap3A_645 = tpu.vector_load %arg9[%swap3A_643, %swap3A_644] {strides = array<i32>} : memref<20x128xi32, #tpu.memory_space<vmem>>, vector<1x16xi32>,
    %swap3A_646 = vector.shape_cast %swap3A_645 : vector<1x16xi32> to vector<16xi32>
    %swap3A_647 = vector.shape_cast %add3A_641 : vector<16xi32> to vector<1x16xi32>
    tpu.vector_store %arg9[%swap3A_643, %swap3A_644], %swap3A_647 {strides = array<i32>} : memref<20x128xi32, #tpu.memory_space<vmem>>, vector<1x16xi32>,
    %get3A_648 = arith.constant 640 : index
    %get3A_649 = tpu.vector_load %arg6[%get3A_648] {strides = array<i32>} : memref<2560xi32, #tpu.memory_space<vmem>>, vector<16xi32>,
    %get3A_650 = vector.shape_cast %get3A_649 : vector<16xi32> to vector<16xi32>
    %get3A_651 = arith.constant 640 : index
    %get3A_652 = tpu.vector_load %arg7[%get3A_651] {strides = array<i32>} : memref<2560xi32, #tpu.memory_space<vmem>>, vector<16xi32>,
    %get3A_653 = vector.shape_cast %get3A_652 : vector<16xi32> to vector<16xi32>
    %mul3A_654 = arith.constant 16 : i32
    %mul3A_655 = vector.broadcast %mul3A_654 : i32 to vector<16xi32>
    %mul3A_656 = arith.muli %get3A_650, %mul3A_655 : vector<16xi32>
    %add3A_657 = arith.addi %mul3A_656, %get3A_653 : vector<16xi32>
    %swap3A_658 = arith.constant 5 : i32
    %swap3A_659 = arith.index_cast %swap3A_658 : i32 to index
    %swap3A_660 = arith.constant 0 : index
    %swap3A_661 = tpu.vector_load %arg9[%swap3A_659, %swap3A_660] {strides = array<i32>} : memref<20x128xi32, #tpu.memory_space<vmem>>, vector<1x16xi32>,
    %swap3A_662 = vector.shape_cast %swap3A_661 : vector<1x16xi32> to vector<16xi32>
    %swap3A_663 = vector.shape_cast %add3A_657 : vector<16xi32> to vector<1x16xi32>
    tpu.vector_store %arg9[%swap3A_659, %swap3A_660], %swap3A_663 {strides = array<i32>} : memref<20x128xi32, #tpu.memory_space<vmem>>, vector<1x16xi32>,
    %get3A_664 = arith.constant 656 : index
    %get3A_665 = tpu.vector_load %arg6[%get3A_664] {strides = array<i32>} : memref<2560xi32, #tpu.memory_space<vmem>>, vector<16xi32>,
    %get3A_666 = vector.shape_cast %get3A_665 : vector<16xi32> to vector<16xi32>
    %get3A_667 = arith.constant 656 : index
    %get3A_668 = tpu.vector_load %arg7[%get3A_667] {strides = array<i32>} : memref<2560xi32, #tpu.memory_space<vmem>>, vector<16xi32>,
    %get3A_669 = vector.shape_cast %get3A_668 : vector<16xi32> to vector<16xi32>
    %mul3A_670 = arith.constant 16 : i32
    %mul3A_671 = vector.broadcast %mul3A_670 : i32 to vector<16xi32>
    %mul3A_672 = arith.muli %get3A_666, %mul3A_671 : vector<16xi32>
    %add3A_673 = arith.addi %mul3A_672, %get3A_669 : vector<16xi32>
    %swap3A_674 = arith.constant 5 : i32
    %swap3A_675 = arith.index_cast %swap3A_674 : i32 to index
    %swap3A_676 = arith.constant 16 : index
    %swap3A_677 = tpu.vector_load %arg9[%swap3A_675, %swap3A_676] {strides = array<i32>} : memref<20x128xi32, #tpu.memory_space<vmem>>, vector<1x16xi32>,
    %swap3A_678 = vector.shape_cast %swap3A_677 : vector<1x16xi32> to vector<16xi32>
    %swap3A_679 = vector.shape_cast %add3A_673 : vector<16xi32> to vector<1x16xi32>
    tpu.vector_store %arg9[%swap3A_675, %swap3A_676], %swap3A_679 {strides = array<i32>} : memref<20x128xi32, #tpu.memory_space<vmem>>, vector<1x16xi32>,
    %get3A_680 = arith.constant 672 : index
    %get3A_681 = tpu.vector_load %arg6[%get3A_680] {strides = array<i32>} : memref<2560xi32, #tpu.memory_space<vmem>>, vector<16xi32>,
    %get3A_682 = vector.shape_cast %get3A_681 : vector<16xi32> to vector<16xi32>
    %get3A_683 = arith.constant 672 : index
    %get3A_684 = tpu.vector_load %arg7[%get3A_683] {strides = array<i32>} : memref<2560xi32, #tpu.memory_space<vmem>>, vector<16xi32>,
    %get3A_685 = vector.shape_cast %get3A_684 : vector<16xi32> to vector<16xi32>
    %mul3A_686 = arith.constant 16 : i32
    %mul3A_687 = vector.broadcast %mul3A_686 : i32 to vector<16xi32>
    %mul3A_688 = arith.muli %get3A_682, %mul3A_687 : vector<16xi32>
    %add3A_689 = arith.addi %mul3A_688, %get3A_685 : vector<16xi32>
    %swap3A_690 = arith.constant 5 : i32
    %swap3A_691 = arith.index_cast %swap3A_690 : i32 to index
    %swap3A_692 = arith.constant 32 : index
    %swap3A_693 = tpu.vector_load %arg9[%swap3A_691, %swap3A_692] {strides = array<i32>} : memref<20x128xi32, #tpu.memory_space<vmem>>, vector<1x16xi32>,
    %swap3A_694 = vector.shape_cast %swap3A_693 : vector<1x16xi32> to vector<16xi32>
    %swap3A_695 = vector.shape_cast %add3A_689 : vector<16xi32> to vector<1x16xi32>
    tpu.vector_store %arg9[%swap3A_691, %swap3A_692], %swap3A_695 {strides = array<i32>} : memref<20x128xi32, #tpu.memory_space<vmem>>, vector<1x16xi32>,
    %get3A_696 = arith.constant 688 : index
    %get3A_697 = tpu.vector_load %arg6[%get3A_696] {strides = array<i32>} : memref<2560xi32, #tpu.memory_space<vmem>>, vector<16xi32>,
    %get3A_698 = vector.shape_cast %get3A_697 : vector<16xi32> to vector<16xi32>
    %get3A_699 = arith.constant 688 : index
    %get3A_700 = tpu.vector_load %arg7[%get3A_699] {strides = array<i32>} : memref<2560xi32, #tpu.memory_space<vmem>>, vector<16xi32>,
    %get3A_701 = vector.shape_cast %get3A_700 : vector<16xi32> to vector<16xi32>
    %mul3A_702 = arith.constant 16 : i32
    %mul3A_703 = vector.broadcast %mul3A_702 : i32 to vector<16xi32>
    %mul3A_704 = arith.muli %get3A_698, %mul3A_703 : vector<16xi32>
    %add3A_705 = arith.addi %mul3A_704, %get3A_701 : vector<16xi32>
    %swap3A_706 = arith.constant 5 : i32
    %swap3A_707 = arith.index_cast %swap3A_706 : i32 to index
    %swap3A_708 = arith.constant 48 : index
    %swap3A_709 = tpu.vector_load %arg9[%swap3A_707, %swap3A_708] {strides = array<i32>} : memref<20x128xi32, #tpu.memory_space<vmem>>, vector<1x16xi32>,
    %swap3A_710 = vector.shape_cast %swap3A_709 : vector<1x16xi32> to vector<16xi32>
    %swap3A_711 = vector.shape_cast %add3A_705 : vector<16xi32> to vector<1x16xi32>
    tpu.vector_store %arg9[%swap3A_707, %swap3A_708], %swap3A_711 {strides = array<i32>} : memref<20x128xi32, #tpu.memory_space<vmem>>, vector<1x16xi32>,
    %get3A_712 = arith.constant 704 : index
    %get3A_713 = tpu.vector_load %arg6[%get3A_712] {strides = array<i32>} : memref<2560xi32, #tpu.memory_space<vmem>>, vector<16xi32>,
    %get3A_714 = vector.shape_cast %get3A_713 : vector<16xi32> to vector<16xi32>
    %get3A_715 = arith.constant 704 : index
    %get3A_716 = tpu.vector_load %arg7[%get3A_715] {strides = array<i32>} : memref<2560xi32, #tpu.memory_space<vmem>>, vector<16xi32>,
    %get3A_717 = vector.shape_cast %get3A_716 : vector<16xi32> to vector<16xi32>
    %mul3A_718 = arith.constant 16 : i32
    %mul3A_719 = vector.broadcast %mul3A_718 : i32 to vector<16xi32>
    %mul3A_720 = arith.muli %get3A_714, %mul3A_719 : vector<16xi32>
    %add3A_721 = arith.addi %mul3A_720, %get3A_717 : vector<16xi32>
    %swap3A_722 = arith.constant 5 : i32
    %swap3A_723 = arith.index_cast %swap3A_722 : i32 to index
    %swap3A_724 = arith.constant 64 : index
    %swap3A_725 = tpu.vector_load %arg9[%swap3A_723, %swap3A_724] {strides = array<i32>} : memref<20x128xi32, #tpu.memory_space<vmem>>, vector<1x16xi32>,
    %swap3A_726 = vector.shape_cast %swap3A_725 : vector<1x16xi32> to vector<16xi32>
    %swap3A_727 = vector.shape_cast %add3A_721 : vector<16xi32> to vector<1x16xi32>
    tpu.vector_store %arg9[%swap3A_723, %swap3A_724], %swap3A_727 {strides = array<i32>} : memref<20x128xi32, #tpu.memory_space<vmem>>, vector<1x16xi32>,
    %get3A_728 = arith.constant 720 : index
    %get3A_729 = tpu.vector_load %arg6[%get3A_728] {strides = array<i32>} : memref<2560xi32, #tpu.memory_space<vmem>>, vector<16xi32>,
    %get3A_730 = vector.shape_cast %get3A_729 : vector<16xi32> to vector<16xi32>
    %get3A_731 = arith.constant 720 : index
    %get3A_732 = tpu.vector_load %arg7[%get3A_731] {strides = array<i32>} : memref<2560xi32, #tpu.memory_space<vmem>>, vector<16xi32>,
    %get3A_733 = vector.shape_cast %get3A_732 : vector<16xi32> to vector<16xi32>
    %mul3A_734 = arith.constant 16 : i32
    %mul3A_735 = vector.broadcast %mul3A_734 : i32 to vector<16xi32>
    %mul3A_736 = arith.muli %get3A_730, %mul3A_735 : vector<16xi32>
    %add3A_737 = arith.addi %mul3A_736, %get3A_733 : vector<16xi32>
    %swap3A_738 = arith.constant 5 : i32
    %swap3A_739 = arith.index_cast %swap3A_738 : i32 to index
    %swap3A_740 = arith.constant 80 : index
    %swap3A_741 = tpu.vector_load %arg9[%swap3A_739, %swap3A_740] {strides = array<i32>} : memref<20x128xi32, #tpu.memory_space<vmem>>, vector<1x16xi32>,
    %swap3A_742 = vector.shape_cast %swap3A_741 : vector<1x16xi32> to vector<16xi32>
    %swap3A_743 = vector.shape_cast %add3A_737 : vector<16xi32> to vector<1x16xi32>
    tpu.vector_store %arg9[%swap3A_739, %swap3A_740], %swap3A_743 {strides = array<i32>} : memref<20x128xi32, #tpu.memory_space<vmem>>, vector<1x16xi32>,
    %get3A_744 = arith.constant 736 : index
    %get3A_745 = tpu.vector_load %arg6[%get3A_744] {strides = array<i32>} : memref<2560xi32, #tpu.memory_space<vmem>>, vector<16xi32>,
    %get3A_746 = vector.shape_cast %get3A_745 : vector<16xi32> to vector<16xi32>
    %get3A_747 = arith.constant 736 : index
    %get3A_748 = tpu.vector_load %arg7[%get3A_747] {strides = array<i32>} : memref<2560xi32, #tpu.memory_space<vmem>>, vector<16xi32>,
    %get3A_749 = vector.shape_cast %get3A_748 : vector<16xi32> to vector<16xi32>
    %mul3A_750 = arith.constant 16 : i32
    %mul3A_751 = vector.broadcast %mul3A_750 : i32 to vector<16xi32>
    %mul3A_752 = arith.muli %get3A_746, %mul3A_751 : vector<16xi32>
    %add3A_753 = arith.addi %mul3A_752, %get3A_749 : vector<16xi32>
    %swap3A_754 = arith.constant 5 : i32
    %swap3A_755 = arith.index_cast %swap3A_754 : i32 to index
    %swap3A_756 = arith.constant 96 : index
    %swap3A_757 = tpu.vector_load %arg9[%swap3A_755, %swap3A_756] {strides = array<i32>} : memref<20x128xi32, #tpu.memory_space<vmem>>, vector<1x16xi32>,
    %swap3A_758 = vector.shape_cast %swap3A_757 : vector<1x16xi32> to vector<16xi32>
    %swap3A_759 = vector.shape_cast %add3A_753 : vector<16xi32> to vector<1x16xi32>
    tpu.vector_store %arg9[%swap3A_755, %swap3A_756], %swap3A_759 {strides = array<i32>} : memref<20x128xi32, #tpu.memory_space<vmem>>, vector<1x16xi32>,
    %get3A_760 = arith.constant 752 : index
    %get3A_761 = tpu.vector_load %arg6[%get3A_760] {strides = array<i32>} : memref<2560xi32, #tpu.memory_space<vmem>>, vector<16xi32>,
    %get3A_762 = vector.shape_cast %get3A_761 : vector<16xi32> to vector<16xi32>
    %get3A_763 = arith.constant 752 : index
    %get3A_764 = tpu.vector_load %arg7[%get3A_763] {strides = array<i32>} : memref<2560xi32, #tpu.memory_space<vmem>>, vector<16xi32>,
    %get3A_765 = vector.shape_cast %get3A_764 : vector<16xi32> to vector<16xi32>
    %mul3A_766 = arith.constant 16 : i32
    %mul3A_767 = vector.broadcast %mul3A_766 : i32 to vector<16xi32>
    %mul3A_768 = arith.muli %get3A_762, %mul3A_767 : vector<16xi32>
    %add3A_769 = arith.addi %mul3A_768, %get3A_765 : vector<16xi32>
    %swap3A_770 = arith.constant 5 : i32
    %swap3A_771 = arith.index_cast %swap3A_770 : i32 to index
    %swap3A_772 = arith.constant 112 : index
    %swap3A_773 = tpu.vector_load %arg9[%swap3A_771, %swap3A_772] {strides = array<i32>} : memref<20x128xi32, #tpu.memory_space<vmem>>, vector<1x16xi32>,
    %swap3A_774 = vector.shape_cast %swap3A_773 : vector<1x16xi32> to vector<16xi32>
    %swap3A_775 = vector.shape_cast %add3A_769 : vector<16xi32> to vector<1x16xi32>
    tpu.vector_store %arg9[%swap3A_771, %swap3A_772], %swap3A_775 {strides = array<i32>} : memref<20x128xi32, #tpu.memory_space<vmem>>, vector<1x16xi32>,
    %get3A_776 = arith.constant 768 : index
    %get3A_777 = tpu.vector_load %arg6[%get3A_776] {strides = array<i32>} : memref<2560xi32, #tpu.memory_space<vmem>>, vector<16xi32>,
    %get3A_778 = vector.shape_cast %get3A_777 : vector<16xi32> to vector<16xi32>
    %get3A_779 = arith.constant 768 : index
    %get3A_780 = tpu.vector_load %arg7[%get3A_779] {strides = array<i32>} : memref<2560xi32, #tpu.memory_space<vmem>>, vector<16xi32>,
    %get3A_781 = vector.shape_cast %get3A_780 : vector<16xi32> to vector<16xi32>
    %mul3A_782 = arith.constant 16 : i32
    %mul3A_783 = vector.broadcast %mul3A_782 : i32 to vector<16xi32>
    %mul3A_784 = arith.muli %get3A_778, %mul3A_783 : vector<16xi32>
    %add3A_785 = arith.addi %mul3A_784, %get3A_781 : vector<16xi32>
    %swap3A_786 = arith.constant 6 : i32
    %swap3A_787 = arith.index_cast %swap3A_786 : i32 to index
    %swap3A_788 = arith.constant 0 : index
    %swap3A_789 = tpu.vector_load %arg9[%swap3A_787, %swap3A_788] {strides = array<i32>} : memref<20x128xi32, #tpu.memory_space<vmem>>, vector<1x16xi32>,
    %swap3A_790 = vector.shape_cast %swap3A_789 : vector<1x16xi32> to vector<16xi32>
    %swap3A_791 = vector.shape_cast %add3A_785 : vector<16xi32> to vector<1x16xi32>
    tpu.vector_store %arg9[%swap3A_787, %swap3A_788], %swap3A_791 {strides = array<i32>} : memref<20x128xi32, #tpu.memory_space<vmem>>, vector<1x16xi32>,
    %get3A_792 = arith.constant 784 : index
    %get3A_793 = tpu.vector_load %arg6[%get3A_792] {strides = array<i32>} : memref<2560xi32, #tpu.memory_space<vmem>>, vector<16xi32>,
    %get3A_794 = vector.shape_cast %get3A_793 : vector<16xi32> to vector<16xi32>
    %get3A_795 = arith.constant 784 : index
    %get3A_796 = tpu.vector_load %arg7[%get3A_795] {strides = array<i32>} : memref<2560xi32, #tpu.memory_space<vmem>>, vector<16xi32>,
    %get3A_797 = vector.shape_cast %get3A_796 : vector<16xi32> to vector<16xi32>
    %mul3A_798 = arith.constant 16 : i32
    %mul3A_799 = vector.broadcast %mul3A_798 : i32 to vector<16xi32>
    %mul3A_800 = arith.muli %get3A_794, %mul3A_799 : vector<16xi32>
    %add3A_801 = arith.addi %mul3A_800, %get3A_797 : vector<16xi32>
    %swap3A_802 = arith.constant 6 : i32
    %swap3A_803 = arith.index_cast %swap3A_802 : i32 to index
    %swap3A_804 = arith.constant 16 : index
    %swap3A_805 = tpu.vector_load %arg9[%swap3A_803, %swap3A_804] {strides = array<i32>} : memref<20x128xi32, #tpu.memory_space<vmem>>, vector<1x16xi32>,
    %swap3A_806 = vector.shape_cast %swap3A_805 : vector<1x16xi32> to vector<16xi32>
    %swap3A_807 = vector.shape_cast %add3A_801 : vector<16xi32> to vector<1x16xi32>
    tpu.vector_store %arg9[%swap3A_803, %swap3A_804], %swap3A_807 {strides = array<i32>} : memref<20x128xi32, #tpu.memory_space<vmem>>, vector<1x16xi32>,
    %get3A_808 = arith.constant 800 : index
    %get3A_809 = tpu.vector_load %arg6[%get3A_808] {strides = array<i32>} : memref<2560xi32, #tpu.memory_space<vmem>>, vector<16xi32>,
    %get3A_810 = vector.shape_cast %get3A_809 : vector<16xi32> to vector<16xi32>
    %get3A_811 = arith.constant 800 : index
    %get3A_812 = tpu.vector_load %arg7[%get3A_811] {strides = array<i32>} : memref<2560xi32, #tpu.memory_space<vmem>>, vector<16xi32>,
    %get3A_813 = vector.shape_cast %get3A_812 : vector<16xi32> to vector<16xi32>
    %mul3A_814 = arith.constant 16 : i32
    %mul3A_815 = vector.broadcast %mul3A_814 : i32 to vector<16xi32>
    %mul3A_816 = arith.muli %get3A_810, %mul3A_815 : vector<16xi32>
    %add3A_817 = arith.addi %mul3A_816, %get3A_813 : vector<16xi32>
    %swap3A_818 = arith.constant 6 : i32
    %swap3A_819 = arith.index_cast %swap3A_818 : i32 to index
    %swap3A_820 = arith.constant 32 : index
    %swap3A_821 = tpu.vector_load %arg9[%swap3A_819, %swap3A_820] {strides = array<i32>} : memref<20x128xi32, #tpu.memory_space<vmem>>, vector<1x16xi32>,
    %swap3A_822 = vector.shape_cast %swap3A_821 : vector<1x16xi32> to vector<16xi32>
    %swap3A_823 = vector.shape_cast %add3A_817 : vector<16xi32> to vector<1x16xi32>
    tpu.vector_store %arg9[%swap3A_819, %swap3A_820], %swap3A_823 {strides = array<i32>} : memref<20x128xi32, #tpu.memory_space<vmem>>, vector<1x16xi32>,
    %get3A_824 = arith.constant 816 : index
    %get3A_825 = tpu.vector_load %arg6[%get3A_824] {strides = array<i32>} : memref<2560xi32, #tpu.memory_space<vmem>>, vector<16xi32>,
    %get3A_826 = vector.shape_cast %get3A_825 : vector<16xi32> to vector<16xi32>
    %get3A_827 = arith.constant 816 : index
    %get3A_828 = tpu.vector_load %arg7[%get3A_827] {strides = array<i32>} : memref<2560xi32, #tpu.memory_space<vmem>>, vector<16xi32>,
    %get3A_829 = vector.shape_cast %get3A_828 : vector<16xi32> to vector<16xi32>
    %mul3A_830 = arith.constant 16 : i32
    %mul3A_831 = vector.broadcast %mul3A_830 : i32 to vector<16xi32>
    %mul3A_832 = arith.muli %get3A_826, %mul3A_831 : vector<16xi32>
    %add3A_833 = arith.addi %mul3A_832, %get3A_829 : vector<16xi32>
    %swap3A_834 = arith.constant 6 : i32
    %swap3A_835 = arith.index_cast %swap3A_834 : i32 to index
    %swap3A_836 = arith.constant 48 : index
    %swap3A_837 = tpu.vector_load %arg9[%swap3A_835, %swap3A_836] {strides = array<i32>} : memref<20x128xi32, #tpu.memory_space<vmem>>, vector<1x16xi32>,
    %swap3A_838 = vector.shape_cast %swap3A_837 : vector<1x16xi32> to vector<16xi32>
    %swap3A_839 = vector.shape_cast %add3A_833 : vector<16xi32> to vector<1x16xi32>
    tpu.vector_store %arg9[%swap3A_835, %swap3A_836], %swap3A_839 {strides = array<i32>} : memref<20x128xi32, #tpu.memory_space<vmem>>, vector<1x16xi32>,
    %get3A_840 = arith.constant 832 : index
    %get3A_841 = tpu.vector_load %arg6[%get3A_840] {strides = array<i32>} : memref<2560xi32, #tpu.memory_space<vmem>>, vector<16xi32>,
    %get3A_842 = vector.shape_cast %get3A_841 : vector<16xi32> to vector<16xi32>
    %get3A_843 = arith.constant 832 : index
    %get3A_844 = tpu.vector_load %arg7[%get3A_843] {strides = array<i32>} : memref<2560xi32, #tpu.memory_space<vmem>>, vector<16xi32>,
    %get3A_845 = vector.shape_cast %get3A_844 : vector<16xi32> to vector<16xi32>
    %mul3A_846 = arith.constant 16 : i32
    %mul3A_847 = vector.broadcast %mul3A_846 : i32 to vector<16xi32>
    %mul3A_848 = arith.muli %get3A_842, %mul3A_847 : vector<16xi32>
    %add3A_849 = arith.addi %mul3A_848, %get3A_845 : vector<16xi32>
    %swap3A_850 = arith.constant 6 : i32
    %swap3A_851 = arith.index_cast %swap3A_850 : i32 to index
    %swap3A_852 = arith.constant 64 : index
    %swap3A_853 = tpu.vector_load %arg9[%swap3A_851, %swap3A_852] {strides = array<i32>} : memref<20x128xi32, #tpu.memory_space<vmem>>, vector<1x16xi32>,
    %swap3A_854 = vector.shape_cast %swap3A_853 : vector<1x16xi32> to vector<16xi32>
    %swap3A_855 = vector.shape_cast %add3A_849 : vector<16xi32> to vector<1x16xi32>
    tpu.vector_store %arg9[%swap3A_851, %swap3A_852], %swap3A_855 {strides = array<i32>} : memref<20x128xi32, #tpu.memory_space<vmem>>, vector<1x16xi32>,
    %get3A_856 = arith.constant 848 : index
    %get3A_857 = tpu.vector_load %arg6[%get3A_856] {strides = array<i32>} : memref<2560xi32, #tpu.memory_space<vmem>>, vector<16xi32>,
    %get3A_858 = vector.shape_cast %get3A_857 : vector<16xi32> to vector<16xi32>
    %get3A_859 = arith.constant 848 : index
    %get3A_860 = tpu.vector_load %arg7[%get3A_859] {strides = array<i32>} : memref<2560xi32, #tpu.memory_space<vmem>>, vector<16xi32>,
    %get3A_861 = vector.shape_cast %get3A_860 : vector<16xi32> to vector<16xi32>
    %mul3A_862 = arith.constant 16 : i32
    %mul3A_863 = vector.broadcast %mul3A_862 : i32 to vector<16xi32>
    %mul3A_864 = arith.muli %get3A_858, %mul3A_863 : vector<16xi32>
    %add3A_865 = arith.addi %mul3A_864, %get3A_861 : vector<16xi32>
    %swap3A_866 = arith.constant 6 : i32
    %swap3A_867 = arith.index_cast %swap3A_866 : i32 to index
    %swap3A_868 = arith.constant 80 : index
    %swap3A_869 = tpu.vector_load %arg9[%swap3A_867, %swap3A_868] {strides = array<i32>} : memref<20x128xi32, #tpu.memory_space<vmem>>, vector<1x16xi32>,
    %swap3A_870 = vector.shape_cast %swap3A_869 : vector<1x16xi32> to vector<16xi32>
    %swap3A_871 = vector.shape_cast %add3A_865 : vector<16xi32> to vector<1x16xi32>
    tpu.vector_store %arg9[%swap3A_867, %swap3A_868], %swap3A_871 {strides = array<i32>} : memref<20x128xi32, #tpu.memory_space<vmem>>, vector<1x16xi32>,
    %get3A_872 = arith.constant 864 : index
    %get3A_873 = tpu.vector_load %arg6[%get3A_872] {strides = array<i32>} : memref<2560xi32, #tpu.memory_space<vmem>>, vector<16xi32>,
    %get3A_874 = vector.shape_cast %get3A_873 : vector<16xi32> to vector<16xi32>
    %get3A_875 = arith.constant 864 : index
    %get3A_876 = tpu.vector_load %arg7[%get3A_875] {strides = array<i32>} : memref<2560xi32, #tpu.memory_space<vmem>>, vector<16xi32>,
    %get3A_877 = vector.shape_cast %get3A_876 : vector<16xi32> to vector<16xi32>
    %mul3A_878 = arith.constant 16 : i32
    %mul3A_879 = vector.broadcast %mul3A_878 : i32 to vector<16xi32>
    %mul3A_880 = arith.muli %get3A_874, %mul3A_879 : vector<16xi32>
    %add3A_881 = arith.addi %mul3A_880, %get3A_877 : vector<16xi32>
    %swap3A_882 = arith.constant 6 : i32
    %swap3A_883 = arith.index_cast %swap3A_882 : i32 to index
    %swap3A_884 = arith.constant 96 : index
    %swap3A_885 = tpu.vector_load %arg9[%swap3A_883, %swap3A_884] {strides = array<i32>} : memref<20x128xi32, #tpu.memory_space<vmem>>, vector<1x16xi32>,
    %swap3A_886 = vector.shape_cast %swap3A_885 : vector<1x16xi32> to vector<16xi32>
    %swap3A_887 = vector.shape_cast %add3A_881 : vector<16xi32> to vector<1x16xi32>
    tpu.vector_store %arg9[%swap3A_883, %swap3A_884], %swap3A_887 {strides = array<i32>} : memref<20x128xi32, #tpu.memory_space<vmem>>, vector<1x16xi32>,
    %get3A_888 = arith.constant 880 : index
    %get3A_889 = tpu.vector_load %arg6[%get3A_888] {strides = array<i32>} : memref<2560xi32, #tpu.memory_space<vmem>>, vector<16xi32>,
    %get3A_890 = vector.shape_cast %get3A_889 : vector<16xi32> to vector<16xi32>
    %get3A_891 = arith.constant 880 : index
    %get3A_892 = tpu.vector_load %arg7[%get3A_891] {strides = array<i32>} : memref<2560xi32, #tpu.memory_space<vmem>>, vector<16xi32>,
    %get3A_893 = vector.shape_cast %get3A_892 : vector<16xi32> to vector<16xi32>
    %mul3A_894 = arith.constant 16 : i32
    %mul3A_895 = vector.broadcast %mul3A_894 : i32 to vector<16xi32>
    %mul3A_896 = arith.muli %get3A_890, %mul3A_895 : vector<16xi32>
    %add3A_897 = arith.addi %mul3A_896, %get3A_893 : vector<16xi32>
    %swap3A_898 = arith.constant 6 : i32
    %swap3A_899 = arith.index_cast %swap3A_898 : i32 to index
    %swap3A_900 = arith.constant 112 : index
    %swap3A_901 = tpu.vector_load %arg9[%swap3A_899, %swap3A_900] {strides = array<i32>} : memref<20x128xi32, #tpu.memory_space<vmem>>, vector<1x16xi32>,
    %swap3A_902 = vector.shape_cast %swap3A_901 : vector<1x16xi32> to vector<16xi32>
    %swap3A_903 = vector.shape_cast %add3A_897 : vector<16xi32> to vector<1x16xi32>
    tpu.vector_store %arg9[%swap3A_899, %swap3A_900], %swap3A_903 {strides = array<i32>} : memref<20x128xi32, #tpu.memory_space<vmem>>, vector<1x16xi32>,
    %get3A_904 = arith.constant 896 : index
    %get3A_905 = tpu.vector_load %arg6[%get3A_904] {strides = array<i32>} : memref<2560xi32, #tpu.memory_space<vmem>>, vector<16xi32>,
    %get3A_906 = vector.shape_cast %get3A_905 : vector<16xi32> to vector<16xi32>
    %get3A_907 = arith.constant 896 : index
    %get3A_908 = tpu.vector_load %arg7[%get3A_907] {strides = array<i32>} : memref<2560xi32, #tpu.memory_space<vmem>>, vector<16xi32>,
    %get3A_909 = vector.shape_cast %get3A_908 : vector<16xi32> to vector<16xi32>
    %mul3A_910 = arith.constant 16 : i32
    %mul3A_911 = vector.broadcast %mul3A_910 : i32 to vector<16xi32>
    %mul3A_912 = arith.muli %get3A_906, %mul3A_911 : vector<16xi32>
    %add3A_913 = arith.addi %mul3A_912, %get3A_909 : vector<16xi32>
    %swap3A_914 = arith.constant 7 : i32
    %swap3A_915 = arith.index_cast %swap3A_914 : i32 to index
    %swap3A_916 = arith.constant 0 : index
    %swap3A_917 = tpu.vector_load %arg9[%swap3A_915, %swap3A_916] {strides = array<i32>} : memref<20x128xi32, #tpu.memory_space<vmem>>, vector<1x16xi32>,
    %swap3A_918 = vector.shape_cast %swap3A_917 : vector<1x16xi32> to vector<16xi32>
    %swap3A_919 = vector.shape_cast %add3A_913 : vector<16xi32> to vector<1x16xi32>
    tpu.vector_store %arg9[%swap3A_915, %swap3A_916], %swap3A_919 {strides = array<i32>} : memref<20x128xi32, #tpu.memory_space<vmem>>, vector<1x16xi32>,
    %get3A_920 = arith.constant 912 : index
    %get3A_921 = tpu.vector_load %arg6[%get3A_920] {strides = array<i32>} : memref<2560xi32, #tpu.memory_space<vmem>>, vector<16xi32>,
    %get3A_922 = vector.shape_cast %get3A_921 : vector<16xi32> to vector<16xi32>
    %get3A_923 = arith.constant 912 : index
    %get3A_924 = tpu.vector_load %arg7[%get3A_923] {strides = array<i32>} : memref<2560xi32, #tpu.memory_space<vmem>>, vector<16xi32>,
    %get3A_925 = vector.shape_cast %get3A_924 : vector<16xi32> to vector<16xi32>
    %mul3A_926 = arith.constant 16 : i32
    %mul3A_927 = vector.broadcast %mul3A_926 : i32 to vector<16xi32>
    %mul3A_928 = arith.muli %get3A_922, %mul3A_927 : vector<16xi32>
    %add3A_929 = arith.addi %mul3A_928, %get3A_925 : vector<16xi32>
    %swap3A_930 = arith.constant 7 : i32
    %swap3A_931 = arith.index_cast %swap3A_930 : i32 to index
    %swap3A_932 = arith.constant 16 : index
    %swap3A_933 = tpu.vector_load %arg9[%swap3A_931, %swap3A_932] {strides = array<i32>} : memref<20x128xi32, #tpu.memory_space<vmem>>, vector<1x16xi32>,
    %swap3A_934 = vector.shape_cast %swap3A_933 : vector<1x16xi32> to vector<16xi32>
    %swap3A_935 = vector.shape_cast %add3A_929 : vector<16xi32> to vector<1x16xi32>
    tpu.vector_store %arg9[%swap3A_931, %swap3A_932], %swap3A_935 {strides = array<i32>} : memref<20x128xi32, #tpu.memory_space<vmem>>, vector<1x16xi32>,
    %get3A_936 = arith.constant 928 : index
    %get3A_937 = tpu.vector_load %arg6[%get3A_936] {strides = array<i32>} : memref<2560xi32, #tpu.memory_space<vmem>>, vector<16xi32>,
    %get3A_938 = vector.shape_cast %get3A_937 : vector<16xi32> to vector<16xi32>
    %get3A_939 = arith.constant 928 : index
    %get3A_940 = tpu.vector_load %arg7[%get3A_939] {strides = array<i32>} : memref<2560xi32, #tpu.memory_space<vmem>>, vector<16xi32>,
    %get3A_941 = vector.shape_cast %get3A_940 : vector<16xi32> to vector<16xi32>
    %mul3A_942 = arith.constant 16 : i32
    %mul3A_943 = vector.broadcast %mul3A_942 : i32 to vector<16xi32>
    %mul3A_944 = arith.muli %get3A_938, %mul3A_943 : vector<16xi32>
    %add3A_945 = arith.addi %mul3A_944, %get3A_941 : vector<16xi32>
    %swap3A_946 = arith.constant 7 : i32
    %swap3A_947 = arith.index_cast %swap3A_946 : i32 to index
    %swap3A_948 = arith.constant 32 : index
    %swap3A_949 = tpu.vector_load %arg9[%swap3A_947, %swap3A_948] {strides = array<i32>} : memref<20x128xi32, #tpu.memory_space<vmem>>, vector<1x16xi32>,
    %swap3A_950 = vector.shape_cast %swap3A_949 : vector<1x16xi32> to vector<16xi32>
    %swap3A_951 = vector.shape_cast %add3A_945 : vector<16xi32> to vector<1x16xi32>
    tpu.vector_store %arg9[%swap3A_947, %swap3A_948], %swap3A_951 {strides = array<i32>} : memref<20x128xi32, #tpu.memory_space<vmem>>, vector<1x16xi32>,
    %get3A_952 = arith.constant 944 : index
    %get3A_953 = tpu.vector_load %arg6[%get3A_952] {strides = array<i32>} : memref<2560xi32, #tpu.memory_space<vmem>>, vector<16xi32>,
    %get3A_954 = vector.shape_cast %get3A_953 : vector<16xi32> to vector<16xi32>
    %get3A_955 = arith.constant 944 : index
    %get3A_956 = tpu.vector_load %arg7[%get3A_955] {strides = array<i32>} : memref<2560xi32, #tpu.memory_space<vmem>>, vector<16xi32>,
    %get3A_957 = vector.shape_cast %get3A_956 : vector<16xi32> to vector<16xi32>
    %mul3A_958 = arith.constant 16 : i32
    %mul3A_959 = vector.broadcast %mul3A_958 : i32 to vector<16xi32>
    %mul3A_960 = arith.muli %get3A_954, %mul3A_959 : vector<16xi32>
    %add3A_961 = arith.addi %mul3A_960, %get3A_957 : vector<16xi32>
    %swap3A_962 = arith.constant 7 : i32
    %swap3A_963 = arith.index_cast %swap3A_962 : i32 to index
    %swap3A_964 = arith.constant 48 : index
    %swap3A_965 = tpu.vector_load %arg9[%swap3A_963, %swap3A_964] {strides = array<i32>} : memref<20x128xi32, #tpu.memory_space<vmem>>, vector<1x16xi32>,
    %swap3A_966 = vector.shape_cast %swap3A_965 : vector<1x16xi32> to vector<16xi32>
    %swap3A_967 = vector.shape_cast %add3A_961 : vector<16xi32> to vector<1x16xi32>
    tpu.vector_store %arg9[%swap3A_963, %swap3A_964], %swap3A_967 {strides = array<i32>} : memref<20x128xi32, #tpu.memory_space<vmem>>, vector<1x16xi32>,
    %get3A_968 = arith.constant 960 : index
    %get3A_969 = tpu.vector_load %arg6[%get3A_968] {strides = array<i32>} : memref<2560xi32, #tpu.memory_space<vmem>>, vector<16xi32>,
    %get3A_970 = vector.shape_cast %get3A_969 : vector<16xi32> to vector<16xi32>
    %get3A_971 = arith.constant 960 : index
    %get3A_972 = tpu.vector_load %arg7[%get3A_971] {strides = array<i32>} : memref<2560xi32, #tpu.memory_space<vmem>>, vector<16xi32>,
    %get3A_973 = vector.shape_cast %get3A_972 : vector<16xi32> to vector<16xi32>
    %mul3A_974 = arith.constant 16 : i32
    %mul3A_975 = vector.broadcast %mul3A_974 : i32 to vector<16xi32>
    %mul3A_976 = arith.muli %get3A_970, %mul3A_975 : vector<16xi32>
    %add3A_977 = arith.addi %mul3A_976, %get3A_973 : vector<16xi32>
    %swap3A_978 = arith.constant 7 : i32
    %swap3A_979 = arith.index_cast %swap3A_978 : i32 to index
    %swap3A_980 = arith.constant 64 : index
    %swap3A_981 = tpu.vector_load %arg9[%swap3A_979, %swap3A_980] {strides = array<i32>} : memref<20x128xi32, #tpu.memory_space<vmem>>, vector<1x16xi32>,
    %swap3A_982 = vector.shape_cast %swap3A_981 : vector<1x16xi32> to vector<16xi32>
    %swap3A_983 = vector.shape_cast %add3A_977 : vector<16xi32> to vector<1x16xi32>
    tpu.vector_store %arg9[%swap3A_979, %swap3A_980], %swap3A_983 {strides = array<i32>} : memref<20x128xi32, #tpu.memory_space<vmem>>, vector<1x16xi32>,
    %get3A_984 = arith.constant 976 : index
    %get3A_985 = tpu.vector_load %arg6[%get3A_984] {strides = array<i32>} : memref<2560xi32, #tpu.memory_space<vmem>>, vector<16xi32>,
    %get3A_986 = vector.shape_cast %get3A_985 : vector<16xi32> to vector<16xi32>
    %get3A_987 = arith.constant 976 : index
    %get3A_988 = tpu.vector_load %arg7[%get3A_987] {strides = array<i32>} : memref<2560xi32, #tpu.memory_space<vmem>>, vector<16xi32>,
    %get3A_989 = vector.shape_cast %get3A_988 : vector<16xi32> to vector<16xi32>
    %mul3A_990 = arith.constant 16 : i32
    %mul3A_991 = vector.broadcast %mul3A_990 : i32 to vector<16xi32>
    %mul3A_992 = arith.muli %get3A_986, %mul3A_991 : vector<16xi32>
    %add3A_993 = arith.addi %mul3A_992, %get3A_989 : vector<16xi32>
    %swap3A_994 = arith.constant 7 : i32
    %swap3A_995 = arith.index_cast %swap3A_994 : i32 to index
    %swap3A_996 = arith.constant 80 : index
    %swap3A_997 = tpu.vector_load %arg9[%swap3A_995, %swap3A_996] {strides = array<i32>} : memref<20x128xi32, #tpu.memory_space<vmem>>, vector<1x16xi32>,
    %swap3A_998 = vector.shape_cast %swap3A_997 : vector<1x16xi32> to vector<16xi32>
    %swap3A_999 = vector.shape_cast %add3A_993 : vector<16xi32> to vector<1x16xi32>
    tpu.vector_store %arg9[%swap3A_995, %swap3A_996], %swap3A_999 {strides = array<i32>} : memref<20x128xi32, #tpu.memory_space<vmem>>, vector<1x16xi32>,
    %get3A_1000 = arith.constant 992 : index
    %get3A_1001 = tpu.vector_load %arg6[%get3A_1000] {strides = array<i32>} : memref<2560xi32, #tpu.memory_space<vmem>>, vector<16xi32>,
    %get3A_1002 = vector.shape_cast %get3A_1001 : vector<16xi32> to vector<16xi32>
    %get3A_1003 = arith.constant 992 : index
    %get3A_1004 = tpu.vector_load %arg7[%get3A_1003] {strides = array<i32>} : memref<2560xi32, #tpu.memory_space<vmem>>, vector<16xi32>,
    %get3A_1005 = vector.shape_cast %get3A_1004 : vector<16xi32> to vector<16xi32>
    %mul3A_1006 = arith.constant 16 : i32
    %mul3A_1007 = vector.broadcast %mul3A_1006 : i32 to vector<16xi32>
    %mul3A_1008 = arith.muli %get3A_1002, %mul3A_1007 : vector<16xi32>
    %add3A_1009 = arith.addi %mul3A_1008, %get3A_1005 : vector<16xi32>
    %swap3A_1010 = arith.constant 7 : i32
    %swap3A_1011 = arith.index_cast %swap3A_1010 : i32 to index
    %swap3A_1012 = arith.constant 96 : index
    %swap3A_1013 = tpu.vector_load %arg9[%swap3A_1011, %swap3A_1012] {strides = array<i32>} : memref<20x128xi32, #tpu.memory_space<vmem>>, vector<1x16xi32>,
    %swap3A_1014 = vector.shape_cast %swap3A_1013 : vector<1x16xi32> to vector<16xi32>
    %swap3A_1015 = vector.shape_cast %add3A_1009 : vector<16xi32> to vector<1x16xi32>
    tpu.vector_store %arg9[%swap3A_1011, %swap3A_1012], %swap3A_1015 {strides = array<i32>} : memref<20x128xi32, #tpu.memory_space<vmem>>, vector<1x16xi32>,
    %get3A_1016 = arith.constant 1008 : index
    %get3A_1017 = tpu.vector_load %arg6[%get3A_1016] {strides = array<i32>} : memref<2560xi32, #tpu.memory_space<vmem>>, vector<16xi32>,
    %get3A_1018 = vector.shape_cast %get3A_1017 : vector<16xi32> to vector<16xi32>
    %get3A_1019 = arith.constant 1008 : index
    %get3A_1020 = tpu.vector_load %arg7[%get3A_1019] {strides = array<i32>} : memref<2560xi32, #tpu.memory_space<vmem>>, vector<16xi32>,
    %get3A_1021 = vector.shape_cast %get3A_1020 : vector<16xi32> to vector<16xi32>
    %mul3A_1022 = arith.constant 16 : i32
    %mul3A_1023 = vector.broadcast %mul3A_1022 : i32 to vector<16xi32>
    %mul3A_1024 = arith.muli %get3A_1018, %mul3A_1023 : vector<16xi32>
    %add3A_1025 = arith.addi %mul3A_1024, %get3A_1021 : vector<16xi32>
    %swap3A_1026 = arith.constant 7 : i32
    %swap3A_1027 = arith.index_cast %swap3A_1026 : i32 to index
    %swap3A_1028 = arith.constant 112 : index
    %swap3A_1029 = tpu.vector_load %arg9[%swap3A_1027, %swap3A_1028] {strides = array<i32>} : memref<20x128xi32, #tpu.memory_space<vmem>>, vector<1x16xi32>,
    %swap3A_1030 = vector.shape_cast %swap3A_1029 : vector<1x16xi32> to vector<16xi32>
    %swap3A_1031 = vector.shape_cast %add3A_1025 : vector<16xi32> to vector<1x16xi32>
    tpu.vector_store %arg9[%swap3A_1027, %swap3A_1028], %swap3A_1031 {strides = array<i32>} : memref<20x128xi32, #tpu.memory_space<vmem>>, vector<1x16xi32>,
    %get3A_1032 = arith.constant 1024 : index
    %get3A_1033 = tpu.vector_load %arg6[%get3A_1032] {strides = array<i32>} : memref<2560xi32, #tpu.memory_space<vmem>>, vector<16xi32>,
    %get3A_1034 = vector.shape_cast %get3A_1033 : vector<16xi32> to vector<16xi32>
    %get3A_1035 = arith.constant 1024 : index
    %get3A_1036 = tpu.vector_load %arg7[%get3A_1035] {strides = array<i32>} : memref<2560xi32, #tpu.memory_space<vmem>>, vector<16xi32>,
    %get3A_1037 = vector.shape_cast %get3A_1036 : vector<16xi32> to vector<16xi32>
    %mul3A_1038 = arith.constant 16 : i32
    %mul3A_1039 = vector.broadcast %mul3A_1038 : i32 to vector<16xi32>
    %mul3A_1040 = arith.muli %get3A_1034, %mul3A_1039 : vector<16xi32>
    %add3A_1041 = arith.addi %mul3A_1040, %get3A_1037 : vector<16xi32>
    %swap3A_1042 = arith.constant 8 : i32
    %swap3A_1043 = arith.index_cast %swap3A_1042 : i32 to index
    %swap3A_1044 = arith.constant 0 : index
    %swap3A_1045 = tpu.vector_load %arg9[%swap3A_1043, %swap3A_1044] {strides = array<i32>} : memref<20x128xi32, #tpu.memory_space<vmem>>, vector<1x16xi32>,
    %swap3A_1046 = vector.shape_cast %swap3A_1045 : vector<1x16xi32> to vector<16xi32>
    %swap3A_1047 = vector.shape_cast %add3A_1041 : vector<16xi32> to vector<1x16xi32>
    tpu.vector_store %arg9[%swap3A_1043, %swap3A_1044], %swap3A_1047 {strides = array<i32>} : memref<20x128xi32, #tpu.memory_space<vmem>>, vector<1x16xi32>,
    %get3A_1048 = arith.constant 1040 : index
    %get3A_1049 = tpu.vector_load %arg6[%get3A_1048] {strides = array<i32>} : memref<2560xi32, #tpu.memory_space<vmem>>, vector<16xi32>,
    %get3A_1050 = vector.shape_cast %get3A_1049 : vector<16xi32> to vector<16xi32>
    %get3A_1051 = arith.constant 1040 : index
    %get3A_1052 = tpu.vector_load %arg7[%get3A_1051] {strides = array<i32>} : memref<2560xi32, #tpu.memory_space<vmem>>, vector<16xi32>,
    %get3A_1053 = vector.shape_cast %get3A_1052 : vector<16xi32> to vector<16xi32>
    %mul3A_1054 = arith.constant 16 : i32
    %mul3A_1055 = vector.broadcast %mul3A_1054 : i32 to vector<16xi32>
    %mul3A_1056 = arith.muli %get3A_1050, %mul3A_1055 : vector<16xi32>
    %add3A_1057 = arith.addi %mul3A_1056, %get3A_1053 : vector<16xi32>
    %swap3A_1058 = arith.constant 8 : i32
    %swap3A_1059 = arith.index_cast %swap3A_1058 : i32 to index
    %swap3A_1060 = arith.constant 16 : index
    %swap3A_1061 = tpu.vector_load %arg9[%swap3A_1059, %swap3A_1060] {strides = array<i32>} : memref<20x128xi32, #tpu.memory_space<vmem>>, vector<1x16xi32>,
    %swap3A_1062 = vector.shape_cast %swap3A_1061 : vector<1x16xi32> to vector<16xi32>
    %swap3A_1063 = vector.shape_cast %add3A_1057 : vector<16xi32> to vector<1x16xi32>
    tpu.vector_store %arg9[%swap3A_1059, %swap3A_1060], %swap3A_1063 {strides = array<i32>} : memref<20x128xi32, #tpu.memory_space<vmem>>, vector<1x16xi32>,
    %get3A_1064 = arith.constant 1056 : index
    %get3A_1065 = tpu.vector_load %arg6[%get3A_1064] {strides = array<i32>} : memref<2560xi32, #tpu.memory_space<vmem>>, vector<16xi32>,
    %get3A_1066 = vector.shape_cast %get3A_1065 : vector<16xi32> to vector<16xi32>
    %get3A_1067 = arith.constant 1056 : index
    %get3A_1068 = tpu.vector_load %arg7[%get3A_1067] {strides = array<i32>} : memref<2560xi32, #tpu.memory_space<vmem>>, vector<16xi32>,
    %get3A_1069 = vector.shape_cast %get3A_1068 : vector<16xi32> to vector<16xi32>
    %mul3A_1070 = arith.constant 16 : i32
    %mul3A_1071 = vector.broadcast %mul3A_1070 : i32 to vector<16xi32>
    %mul3A_1072 = arith.muli %get3A_1066, %mul3A_1071 : vector<16xi32>
    %add3A_1073 = arith.addi %mul3A_1072, %get3A_1069 : vector<16xi32>
    %swap3A_1074 = arith.constant 8 : i32
    %swap3A_1075 = arith.index_cast %swap3A_1074 : i32 to index
    %swap3A_1076 = arith.constant 32 : index
    %swap3A_1077 = tpu.vector_load %arg9[%swap3A_1075, %swap3A_1076] {strides = array<i32>} : memref<20x128xi32, #tpu.memory_space<vmem>>, vector<1x16xi32>,
    %swap3A_1078 = vector.shape_cast %swap3A_1077 : vector<1x16xi32> to vector<16xi32>
    %swap3A_1079 = vector.shape_cast %add3A_1073 : vector<16xi32> to vector<1x16xi32>
    tpu.vector_store %arg9[%swap3A_1075, %swap3A_1076], %swap3A_1079 {strides = array<i32>} : memref<20x128xi32, #tpu.memory_space<vmem>>, vector<1x16xi32>,
    %get3A_1080 = arith.constant 1072 : index
    %get3A_1081 = tpu.vector_load %arg6[%get3A_1080] {strides = array<i32>} : memref<2560xi32, #tpu.memory_space<vmem>>, vector<16xi32>,
    %get3A_1082 = vector.shape_cast %get3A_1081 : vector<16xi32> to vector<16xi32>
    %get3A_1083 = arith.constant 1072 : index
    %get3A_1084 = tpu.vector_load %arg7[%get3A_1083] {strides = array<i32>} : memref<2560xi32, #tpu.memory_space<vmem>>, vector<16xi32>,
    %get3A_1085 = vector.shape_cast %get3A_1084 : vector<16xi32> to vector<16xi32>
    %mul3A_1086 = arith.constant 16 : i32
    %mul3A_1087 = vector.broadcast %mul3A_1086 : i32 to vector<16xi32>
    %mul3A_1088 = arith.muli %get3A_1082, %mul3A_1087 : vector<16xi32>
    %add3A_1089 = arith.addi %mul3A_1088, %get3A_1085 : vector<16xi32>
    %swap3A_1090 = arith.constant 8 : i32
    %swap3A_1091 = arith.index_cast %swap3A_1090 : i32 to index
    %swap3A_1092 = arith.constant 48 : index
    %swap3A_1093 = tpu.vector_load %arg9[%swap3A_1091, %swap3A_1092] {strides = array<i32>} : memref<20x128xi32, #tpu.memory_space<vmem>>, vector<1x16xi32>,
    %swap3A_1094 = vector.shape_cast %swap3A_1093 : vector<1x16xi32> to vector<16xi32>
    %swap3A_1095 = vector.shape_cast %add3A_1089 : vector<16xi32> to vector<1x16xi32>
    tpu.vector_store %arg9[%swap3A_1091, %swap3A_1092], %swap3A_1095 {strides = array<i32>} : memref<20x128xi32, #tpu.memory_space<vmem>>, vector<1x16xi32>,
    %get3A_1096 = arith.constant 1088 : index
    %get3A_1097 = tpu.vector_load %arg6[%get3A_1096] {strides = array<i32>} : memref<2560xi32, #tpu.memory_space<vmem>>, vector<16xi32>,
    %get3A_1098 = vector.shape_cast %get3A_1097 : vector<16xi32> to vector<16xi32>
    %get3A_1099 = arith.constant 1088 : index
    %get3A_1100 = tpu.vector_load %arg7[%get3A_1099] {strides = array<i32>} : memref<2560xi32, #tpu.memory_space<vmem>>, vector<16xi32>,
    %get3A_1101 = vector.shape_cast %get3A_1100 : vector<16xi32> to vector<16xi32>
    %mul3A_1102 = arith.constant 16 : i32
    %mul3A_1103 = vector.broadcast %mul3A_1102 : i32 to vector<16xi32>
    %mul3A_1104 = arith.muli %get3A_1098, %mul3A_1103 : vector<16xi32>
    %add3A_1105 = arith.addi %mul3A_1104, %get3A_1101 : vector<16xi32>
    %swap3A_1106 = arith.constant 8 : i32
    %swap3A_1107 = arith.index_cast %swap3A_1106 : i32 to index
    %swap3A_1108 = arith.constant 64 : index
    %swap3A_1109 = tpu.vector_load %arg9[%swap3A_1107, %swap3A_1108] {strides = array<i32>} : memref<20x128xi32, #tpu.memory_space<vmem>>, vector<1x16xi32>,
    %swap3A_1110 = vector.shape_cast %swap3A_1109 : vector<1x16xi32> to vector<16xi32>
    %swap3A_1111 = vector.shape_cast %add3A_1105 : vector<16xi32> to vector<1x16xi32>
    tpu.vector_store %arg9[%swap3A_1107, %swap3A_1108], %swap3A_1111 {strides = array<i32>} : memref<20x128xi32, #tpu.memory_space<vmem>>, vector<1x16xi32>,
    %get3A_1112 = arith.constant 1104 : index
    %get3A_1113 = tpu.vector_load %arg6[%get3A_1112] {strides = array<i32>} : memref<2560xi32, #tpu.memory_space<vmem>>, vector<16xi32>,
    %get3A_1114 = vector.shape_cast %get3A_1113 : vector<16xi32> to vector<16xi32>
    %get3A_1115 = arith.constant 1104 : index
    %get3A_1116 = tpu.vector_load %arg7[%get3A_1115] {strides = array<i32>} : memref<2560xi32, #tpu.memory_space<vmem>>, vector<16xi32>,
    %get3A_1117 = vector.shape_cast %get3A_1116 : vector<16xi32> to vector<16xi32>
    %mul3A_1118 = arith.constant 16 : i32
    %mul3A_1119 = vector.broadcast %mul3A_1118 : i32 to vector<16xi32>
    %mul3A_1120 = arith.muli %get3A_1114, %mul3A_1119 : vector<16xi32>
    %add3A_1121 = arith.addi %mul3A_1120, %get3A_1117 : vector<16xi32>
    %swap3A_1122 = arith.constant 8 : i32
    %swap3A_1123 = arith.index_cast %swap3A_1122 : i32 to index
    %swap3A_1124 = arith.constant 80 : index
    %swap3A_1125 = tpu.vector_load %arg9[%swap3A_1123, %swap3A_1124] {strides = array<i32>} : memref<20x128xi32, #tpu.memory_space<vmem>>, vector<1x16xi32>,
    %swap3A_1126 = vector.shape_cast %swap3A_1125 : vector<1x16xi32> to vector<16xi32>
    %swap3A_1127 = vector.shape_cast %add3A_1121 : vector<16xi32> to vector<1x16xi32>
    tpu.vector_store %arg9[%swap3A_1123, %swap3A_1124], %swap3A_1127 {strides = array<i32>} : memref<20x128xi32, #tpu.memory_space<vmem>>, vector<1x16xi32>,
    %get3A_1128 = arith.constant 1120 : index
    %get3A_1129 = tpu.vector_load %arg6[%get3A_1128] {strides = array<i32>} : memref<2560xi32, #tpu.memory_space<vmem>>, vector<16xi32>,
    %get3A_1130 = vector.shape_cast %get3A_1129 : vector<16xi32> to vector<16xi32>
    %get3A_1131 = arith.constant 1120 : index
    %get3A_1132 = tpu.vector_load %arg7[%get3A_1131] {strides = array<i32>} : memref<2560xi32, #tpu.memory_space<vmem>>, vector<16xi32>,
    %get3A_1133 = vector.shape_cast %get3A_1132 : vector<16xi32> to vector<16xi32>
    %mul3A_1134 = arith.constant 16 : i32
    %mul3A_1135 = vector.broadcast %mul3A_1134 : i32 to vector<16xi32>
    %mul3A_1136 = arith.muli %get3A_1130, %mul3A_1135 : vector<16xi32>
    %add3A_1137 = arith.addi %mul3A_1136, %get3A_1133 : vector<16xi32>
    %swap3A_1138 = arith.constant 8 : i32
    %swap3A_1139 = arith.index_cast %swap3A_1138 : i32 to index
    %swap3A_1140 = arith.constant 96 : index
    %swap3A_1141 = tpu.vector_load %arg9[%swap3A_1139, %swap3A_1140] {strides = array<i32>} : memref<20x128xi32, #tpu.memory_space<vmem>>, vector<1x16xi32>,
    %swap3A_1142 = vector.shape_cast %swap3A_1141 : vector<1x16xi32> to vector<16xi32>
    %swap3A_1143 = vector.shape_cast %add3A_1137 : vector<16xi32> to vector<1x16xi32>
    tpu.vector_store %arg9[%swap3A_1139, %swap3A_1140], %swap3A_1143 {strides = array<i32>} : memref<20x128xi32, #tpu.memory_space<vmem>>, vector<1x16xi32>,
    %get3A_1144 = arith.constant 1136 : index
    %get3A_1145 = tpu.vector_load %arg6[%get3A_1144] {strides = array<i32>} : memref<2560xi32, #tpu.memory_space<vmem>>, vector<16xi32>,
    %get3A_1146 = vector.shape_cast %get3A_1145 : vector<16xi32> to vector<16xi32>
    %get3A_1147 = arith.constant 1136 : index
    %get3A_1148 = tpu.vector_load %arg7[%get3A_1147] {strides = array<i32>} : memref<2560xi32, #tpu.memory_space<vmem>>, vector<16xi32>,
    %get3A_1149 = vector.shape_cast %get3A_1148 : vector<16xi32> to vector<16xi32>
    %mul3A_1150 = arith.constant 16 : i32
    %mul3A_1151 = vector.broadcast %mul3A_1150 : i32 to vector<16xi32>
    %mul3A_1152 = arith.muli %get3A_1146, %mul3A_1151 : vector<16xi32>
    %add3A_1153 = arith.addi %mul3A_1152, %get3A_1149 : vector<16xi32>
    %swap3A_1154 = arith.constant 8 : i32
    %swap3A_1155 = arith.index_cast %swap3A_1154 : i32 to index
    %swap3A_1156 = arith.constant 112 : index
    %swap3A_1157 = tpu.vector_load %arg9[%swap3A_1155, %swap3A_1156] {strides = array<i32>} : memref<20x128xi32, #tpu.memory_space<vmem>>, vector<1x16xi32>,
    %swap3A_1158 = vector.shape_cast %swap3A_1157 : vector<1x16xi32> to vector<16xi32>
    %swap3A_1159 = vector.shape_cast %add3A_1153 : vector<16xi32> to vector<1x16xi32>
    tpu.vector_store %arg9[%swap3A_1155, %swap3A_1156], %swap3A_1159 {strides = array<i32>} : memref<20x128xi32, #tpu.memory_space<vmem>>, vector<1x16xi32>,
    %get3A_1160 = arith.constant 1152 : index
    %get3A_1161 = tpu.vector_load %arg6[%get3A_1160] {strides = array<i32>} : memref<2560xi32, #tpu.memory_space<vmem>>, vector<16xi32>,
    %get3A_1162 = vector.shape_cast %get3A_1161 : vector<16xi32> to vector<16xi32>
    %get3A_1163 = arith.constant 1152 : index
    %get3A_1164 = tpu.vector_load %arg7[%get3A_1163] {strides = array<i32>} : memref<2560xi32, #tpu.memory_space<vmem>>, vector<16xi32>,
    %get3A_1165 = vector.shape_cast %get3A_1164 : vector<16xi32> to vector<16xi32>
    %mul3A_1166 = arith.constant 16 : i32
    %mul3A_1167 = vector.broadcast %mul3A_1166 : i32 to vector<16xi32>
    %mul3A_1168 = arith.muli %get3A_1162, %mul3A_1167 : vector<16xi32>
    %add3A_1169 = arith.addi %mul3A_1168, %get3A_1165 : vector<16xi32>
    %swap3A_1170 = arith.constant 9 : i32
    %swap3A_1171 = arith.index_cast %swap3A_1170 : i32 to index
    %swap3A_1172 = arith.constant 0 : index
    %swap3A_1173 = tpu.vector_load %arg9[%swap3A_1171, %swap3A_1172] {strides = array<i32>} : memref<20x128xi32, #tpu.memory_space<vmem>>, vector<1x16xi32>,
    %swap3A_1174 = vector.shape_cast %swap3A_1173 : vector<1x16xi32> to vector<16xi32>
    %swap3A_1175 = vector.shape_cast %add3A_1169 : vector<16xi32> to vector<1x16xi32>
    tpu.vector_store %arg9[%swap3A_1171, %swap3A_1172], %swap3A_1175 {strides = array<i32>} : memref<20x128xi32, #tpu.memory_space<vmem>>, vector<1x16xi32>,
    %get3A_1176 = arith.constant 1168 : index
    %get3A_1177 = tpu.vector_load %arg6[%get3A_1176] {strides = array<i32>} : memref<2560xi32, #tpu.memory_space<vmem>>, vector<16xi32>,
    %get3A_1178 = vector.shape_cast %get3A_1177 : vector<16xi32> to vector<16xi32>
    %get3A_1179 = arith.constant 1168 : index
    %get3A_1180 = tpu.vector_load %arg7[%get3A_1179] {strides = array<i32>} : memref<2560xi32, #tpu.memory_space<vmem>>, vector<16xi32>,
    %get3A_1181 = vector.shape_cast %get3A_1180 : vector<16xi32> to vector<16xi32>
    %mul3A_1182 = arith.constant 16 : i32
    %mul3A_1183 = vector.broadcast %mul3A_1182 : i32 to vector<16xi32>
    %mul3A_1184 = arith.muli %get3A_1178, %mul3A_1183 : vector<16xi32>
    %add3A_1185 = arith.addi %mul3A_1184, %get3A_1181 : vector<16xi32>
    %swap3A_1186 = arith.constant 9 : i32
    %swap3A_1187 = arith.index_cast %swap3A_1186 : i32 to index
    %swap3A_1188 = arith.constant 16 : index
    %swap3A_1189 = tpu.vector_load %arg9[%swap3A_1187, %swap3A_1188] {strides = array<i32>} : memref<20x128xi32, #tpu.memory_space<vmem>>, vector<1x16xi32>,
    %swap3A_1190 = vector.shape_cast %swap3A_1189 : vector<1x16xi32> to vector<16xi32>
    %swap3A_1191 = vector.shape_cast %add3A_1185 : vector<16xi32> to vector<1x16xi32>
    tpu.vector_store %arg9[%swap3A_1187, %swap3A_1188], %swap3A_1191 {strides = array<i32>} : memref<20x128xi32, #tpu.memory_space<vmem>>, vector<1x16xi32>,
    %get3A_1192 = arith.constant 1184 : index
    %get3A_1193 = tpu.vector_load %arg6[%get3A_1192] {strides = array<i32>} : memref<2560xi32, #tpu.memory_space<vmem>>, vector<16xi32>,
    %get3A_1194 = vector.shape_cast %get3A_1193 : vector<16xi32> to vector<16xi32>
    %get3A_1195 = arith.constant 1184 : index
    %get3A_1196 = tpu.vector_load %arg7[%get3A_1195] {strides = array<i32>} : memref<2560xi32, #tpu.memory_space<vmem>>, vector<16xi32>,
    %get3A_1197 = vector.shape_cast %get3A_1196 : vector<16xi32> to vector<16xi32>
    %mul3A_1198 = arith.constant 16 : i32
    %mul3A_1199 = vector.broadcast %mul3A_1198 : i32 to vector<16xi32>
    %mul3A_1200 = arith.muli %get3A_1194, %mul3A_1199 : vector<16xi32>
    %add3A_1201 = arith.addi %mul3A_1200, %get3A_1197 : vector<16xi32>
    %swap3A_1202 = arith.constant 9 : i32
    %swap3A_1203 = arith.index_cast %swap3A_1202 : i32 to index
    %swap3A_1204 = arith.constant 32 : index
    %swap3A_1205 = tpu.vector_load %arg9[%swap3A_1203, %swap3A_1204] {strides = array<i32>} : memref<20x128xi32, #tpu.memory_space<vmem>>, vector<1x16xi32>,
    %swap3A_1206 = vector.shape_cast %swap3A_1205 : vector<1x16xi32> to vector<16xi32>
    %swap3A_1207 = vector.shape_cast %add3A_1201 : vector<16xi32> to vector<1x16xi32>
    tpu.vector_store %arg9[%swap3A_1203, %swap3A_1204], %swap3A_1207 {strides = array<i32>} : memref<20x128xi32, #tpu.memory_space<vmem>>, vector<1x16xi32>,
    %get3A_1208 = arith.constant 1200 : index
    %get3A_1209 = tpu.vector_load %arg6[%get3A_1208] {strides = array<i32>} : memref<2560xi32, #tpu.memory_space<vmem>>, vector<16xi32>,
    %get3A_1210 = vector.shape_cast %get3A_1209 : vector<16xi32> to vector<16xi32>
    %get3A_1211 = arith.constant 1200 : index
    %get3A_1212 = tpu.vector_load %arg7[%get3A_1211] {strides = array<i32>} : memref<2560xi32, #tpu.memory_space<vmem>>, vector<16xi32>,
    %get3A_1213 = vector.shape_cast %get3A_1212 : vector<16xi32> to vector<16xi32>
    %mul3A_1214 = arith.constant 16 : i32
    %mul3A_1215 = vector.broadcast %mul3A_1214 : i32 to vector<16xi32>
    %mul3A_1216 = arith.muli %get3A_1210, %mul3A_1215 : vector<16xi32>
    %add3A_1217 = arith.addi %mul3A_1216, %get3A_1213 : vector<16xi32>
    %swap3A_1218 = arith.constant 9 : i32
    %swap3A_1219 = arith.index_cast %swap3A_1218 : i32 to index
    %swap3A_1220 = arith.constant 48 : index
    %swap3A_1221 = tpu.vector_load %arg9[%swap3A_1219, %swap3A_1220] {strides = array<i32>} : memref<20x128xi32, #tpu.memory_space<vmem>>, vector<1x16xi32>,
    %swap3A_1222 = vector.shape_cast %swap3A_1221 : vector<1x16xi32> to vector<16xi32>
    %swap3A_1223 = vector.shape_cast %add3A_1217 : vector<16xi32> to vector<1x16xi32>
    tpu.vector_store %arg9[%swap3A_1219, %swap3A_1220], %swap3A_1223 {strides = array<i32>} : memref<20x128xi32, #tpu.memory_space<vmem>>, vector<1x16xi32>,
    %get3A_1224 = arith.constant 1216 : index
    %get3A_1225 = tpu.vector_load %arg6[%get3A_1224] {strides = array<i32>} : memref<2560xi32, #tpu.memory_space<vmem>>, vector<16xi32>,
    %get3A_1226 = vector.shape_cast %get3A_1225 : vector<16xi32> to vector<16xi32>
    %get3A_1227 = arith.constant 1216 : index
    %get3A_1228 = tpu.vector_load %arg7[%get3A_1227] {strides = array<i32>} : memref<2560xi32, #tpu.memory_space<vmem>>, vector<16xi32>,
    %get3A_1229 = vector.shape_cast %get3A_1228 : vector<16xi32> to vector<16xi32>
    %mul3A_1230 = arith.constant 16 : i32
    %mul3A_1231 = vector.broadcast %mul3A_1230 : i32 to vector<16xi32>
    %mul3A_1232 = arith.muli %get3A_1226, %mul3A_1231 : vector<16xi32>
    %add3A_1233 = arith.addi %mul3A_1232, %get3A_1229 : vector<16xi32>
    %swap3A_1234 = arith.constant 9 : i32
    %swap3A_1235 = arith.index_cast %swap3A_1234 : i32 to index
    %swap3A_1236 = arith.constant 64 : index
    %swap3A_1237 = tpu.vector_load %arg9[%swap3A_1235, %swap3A_1236] {strides = array<i32>} : memref<20x128xi32, #tpu.memory_space<vmem>>, vector<1x16xi32>,
    %swap3A_1238 = vector.shape_cast %swap3A_1237 : vector<1x16xi32> to vector<16xi32>
    %swap3A_1239 = vector.shape_cast %add3A_1233 : vector<16xi32> to vector<1x16xi32>
    tpu.vector_store %arg9[%swap3A_1235, %swap3A_1236], %swap3A_1239 {strides = array<i32>} : memref<20x128xi32, #tpu.memory_space<vmem>>, vector<1x16xi32>,
    %get3A_1240 = arith.constant 1232 : index
    %get3A_1241 = tpu.vector_load %arg6[%get3A_1240] {strides = array<i32>} : memref<2560xi32, #tpu.memory_space<vmem>>, vector<16xi32>,
    %get3A_1242 = vector.shape_cast %get3A_1241 : vector<16xi32> to vector<16xi32>
    %get3A_1243 = arith.constant 1232 : index
    %get3A_1244 = tpu.vector_load %arg7[%get3A_1243] {strides = array<i32>} : memref<2560xi32, #tpu.memory_space<vmem>>, vector<16xi32>,
    %get3A_1245 = vector.shape_cast %get3A_1244 : vector<16xi32> to vector<16xi32>
    %mul3A_1246 = arith.constant 16 : i32
    %mul3A_1247 = vector.broadcast %mul3A_1246 : i32 to vector<16xi32>
    %mul3A_1248 = arith.muli %get3A_1242, %mul3A_1247 : vector<16xi32>
    %add3A_1249 = arith.addi %mul3A_1248, %get3A_1245 : vector<16xi32>
    %swap3A_1250 = arith.constant 9 : i32
    %swap3A_1251 = arith.index_cast %swap3A_1250 : i32 to index
    %swap3A_1252 = arith.constant 80 : index
    %swap3A_1253 = tpu.vector_load %arg9[%swap3A_1251, %swap3A_1252] {strides = array<i32>} : memref<20x128xi32, #tpu.memory_space<vmem>>, vector<1x16xi32>,
    %swap3A_1254 = vector.shape_cast %swap3A_1253 : vector<1x16xi32> to vector<16xi32>
    %swap3A_1255 = vector.shape_cast %add3A_1249 : vector<16xi32> to vector<1x16xi32>
    tpu.vector_store %arg9[%swap3A_1251, %swap3A_1252], %swap3A_1255 {strides = array<i32>} : memref<20x128xi32, #tpu.memory_space<vmem>>, vector<1x16xi32>,
    %get3A_1256 = arith.constant 1248 : index
    %get3A_1257 = tpu.vector_load %arg6[%get3A_1256] {strides = array<i32>} : memref<2560xi32, #tpu.memory_space<vmem>>, vector<16xi32>,
    %get3A_1258 = vector.shape_cast %get3A_1257 : vector<16xi32> to vector<16xi32>
    %get3A_1259 = arith.constant 1248 : index
    %get3A_1260 = tpu.vector_load %arg7[%get3A_1259] {strides = array<i32>} : memref<2560xi32, #tpu.memory_space<vmem>>, vector<16xi32>,
    %get3A_1261 = vector.shape_cast %get3A_1260 : vector<16xi32> to vector<16xi32>
    %mul3A_1262 = arith.constant 16 : i32
    %mul3A_1263 = vector.broadcast %mul3A_1262 : i32 to vector<16xi32>
    %mul3A_1264 = arith.muli %get3A_1258, %mul3A_1263 : vector<16xi32>
    %add3A_1265 = arith.addi %mul3A_1264, %get3A_1261 : vector<16xi32>
    %swap3A_1266 = arith.constant 9 : i32
    %swap3A_1267 = arith.index_cast %swap3A_1266 : i32 to index
    %swap3A_1268 = arith.constant 96 : index
    %swap3A_1269 = tpu.vector_load %arg9[%swap3A_1267, %swap3A_1268] {strides = array<i32>} : memref<20x128xi32, #tpu.memory_space<vmem>>, vector<1x16xi32>,
    %swap3A_1270 = vector.shape_cast %swap3A_1269 : vector<1x16xi32> to vector<16xi32>
    %swap3A_1271 = vector.shape_cast %add3A_1265 : vector<16xi32> to vector<1x16xi32>
    tpu.vector_store %arg9[%swap3A_1267, %swap3A_1268], %swap3A_1271 {strides = array<i32>} : memref<20x128xi32, #tpu.memory_space<vmem>>, vector<1x16xi32>,
    %get3A_1272 = arith.constant 1264 : index
    %get3A_1273 = tpu.vector_load %arg6[%get3A_1272] {strides = array<i32>} : memref<2560xi32, #tpu.memory_space<vmem>>, vector<16xi32>,
    %get3A_1274 = vector.shape_cast %get3A_1273 : vector<16xi32> to vector<16xi32>
    %get3A_1275 = arith.constant 1264 : index
    %get3A_1276 = tpu.vector_load %arg7[%get3A_1275] {strides = array<i32>} : memref<2560xi32, #tpu.memory_space<vmem>>, vector<16xi32>,
    %get3A_1277 = vector.shape_cast %get3A_1276 : vector<16xi32> to vector<16xi32>
    %mul3A_1278 = arith.constant 16 : i32
    %mul3A_1279 = vector.broadcast %mul3A_1278 : i32 to vector<16xi32>
    %mul3A_1280 = arith.muli %get3A_1274, %mul3A_1279 : vector<16xi32>
    %add3A_1281 = arith.addi %mul3A_1280, %get3A_1277 : vector<16xi32>
    %swap3A_1282 = arith.constant 9 : i32
    %swap3A_1283 = arith.index_cast %swap3A_1282 : i32 to index
    %swap3A_1284 = arith.constant 112 : index
    %swap3A_1285 = tpu.vector_load %arg9[%swap3A_1283, %swap3A_1284] {strides = array<i32>} : memref<20x128xi32, #tpu.memory_space<vmem>>, vector<1x16xi32>,
    %swap3A_1286 = vector.shape_cast %swap3A_1285 : vector<1x16xi32> to vector<16xi32>
    %swap3A_1287 = vector.shape_cast %add3A_1281 : vector<16xi32> to vector<1x16xi32>
    tpu.vector_store %arg9[%swap3A_1283, %swap3A_1284], %swap3A_1287 {strides = array<i32>} : memref<20x128xi32, #tpu.memory_space<vmem>>, vector<1x16xi32>,
    %get3A_1288 = arith.constant 1280 : index
    %get3A_1289 = tpu.vector_load %arg6[%get3A_1288] {strides = array<i32>} : memref<2560xi32, #tpu.memory_space<vmem>>, vector<16xi32>,
    %get3A_1290 = vector.shape_cast %get3A_1289 : vector<16xi32> to vector<16xi32>
    %get3A_1291 = arith.constant 1280 : index
    %get3A_1292 = tpu.vector_load %arg7[%get3A_1291] {strides = array<i32>} : memref<2560xi32, #tpu.memory_space<vmem>>, vector<16xi32>,
    %get3A_1293 = vector.shape_cast %get3A_1292 : vector<16xi32> to vector<16xi32>
    %mul3A_1294 = arith.constant 16 : i32
    %mul3A_1295 = vector.broadcast %mul3A_1294 : i32 to vector<16xi32>
    %mul3A_1296 = arith.muli %get3A_1290, %mul3A_1295 : vector<16xi32>
    %add3A_1297 = arith.addi %mul3A_1296, %get3A_1293 : vector<16xi32>
    %swap3A_1298 = arith.constant 10 : i32
    %swap3A_1299 = arith.index_cast %swap3A_1298 : i32 to index
    %swap3A_1300 = arith.constant 0 : index
    %swap3A_1301 = tpu.vector_load %arg9[%swap3A_1299, %swap3A_1300] {strides = array<i32>} : memref<20x128xi32, #tpu.memory_space<vmem>>, vector<1x16xi32>,
    %swap3A_1302 = vector.shape_cast %swap3A_1301 : vector<1x16xi32> to vector<16xi32>
    %swap3A_1303 = vector.shape_cast %add3A_1297 : vector<16xi32> to vector<1x16xi32>
    tpu.vector_store %arg9[%swap3A_1299, %swap3A_1300], %swap3A_1303 {strides = array<i32>} : memref<20x128xi32, #tpu.memory_space<vmem>>, vector<1x16xi32>,
    %get3A_1304 = arith.constant 1296 : index
    %get3A_1305 = tpu.vector_load %arg6[%get3A_1304] {strides = array<i32>} : memref<2560xi32, #tpu.memory_space<vmem>>, vector<16xi32>,
    %get3A_1306 = vector.shape_cast %get3A_1305 : vector<16xi32> to vector<16xi32>
    %get3A_1307 = arith.constant 1296 : index
    %get3A_1308 = tpu.vector_load %arg7[%get3A_1307] {strides = array<i32>} : memref<2560xi32, #tpu.memory_space<vmem>>, vector<16xi32>,
    %get3A_1309 = vector.shape_cast %get3A_1308 : vector<16xi32> to vector<16xi32>
    %mul3A_1310 = arith.constant 16 : i32
    %mul3A_1311 = vector.broadcast %mul3A_1310 : i32 to vector<16xi32>
    %mul3A_1312 = arith.muli %get3A_1306, %mul3A_1311 : vector<16xi32>
    %add3A_1313 = arith.addi %mul3A_1312, %get3A_1309 : vector<16xi32>
    %swap3A_1314 = arith.constant 10 : i32
    %swap3A_1315 = arith.index_cast %swap3A_1314 : i32 to index
    %swap3A_1316 = arith.constant 16 : index
    %swap3A_1317 = tpu.vector_load %arg9[%swap3A_1315, %swap3A_1316] {strides = array<i32>} : memref<20x128xi32, #tpu.memory_space<vmem>>, vector<1x16xi32>,
    %swap3A_1318 = vector.shape_cast %swap3A_1317 : vector<1x16xi32> to vector<16xi32>
    %swap3A_1319 = vector.shape_cast %add3A_1313 : vector<16xi32> to vector<1x16xi32>
    tpu.vector_store %arg9[%swap3A_1315, %swap3A_1316], %swap3A_1319 {strides = array<i32>} : memref<20x128xi32, #tpu.memory_space<vmem>>, vector<1x16xi32>,
    %get3A_1320 = arith.constant 1312 : index
    %get3A_1321 = tpu.vector_load %arg6[%get3A_1320] {strides = array<i32>} : memref<2560xi32, #tpu.memory_space<vmem>>, vector<16xi32>,
    %get3A_1322 = vector.shape_cast %get3A_1321 : vector<16xi32> to vector<16xi32>
    %get3A_1323 = arith.constant 1312 : index
    %get3A_1324 = tpu.vector_load %arg7[%get3A_1323] {strides = array<i32>} : memref<2560xi32, #tpu.memory_space<vmem>>, vector<16xi32>,
    %get3A_1325 = vector.shape_cast %get3A_1324 : vector<16xi32> to vector<16xi32>
    %mul3A_1326 = arith.constant 16 : i32
    %mul3A_1327 = vector.broadcast %mul3A_1326 : i32 to vector<16xi32>
    %mul3A_1328 = arith.muli %get3A_1322, %mul3A_1327 : vector<16xi32>
    %add3A_1329 = arith.addi %mul3A_1328, %get3A_1325 : vector<16xi32>
    %swap3A_1330 = arith.constant 10 : i32
    %swap3A_1331 = arith.index_cast %swap3A_1330 : i32 to index
    %swap3A_1332 = arith.constant 32 : index
    %swap3A_1333 = tpu.vector_load %arg9[%swap3A_1331, %swap3A_1332] {strides = array<i32>} : memref<20x128xi32, #tpu.memory_space<vmem>>, vector<1x16xi32>,
    %swap3A_1334 = vector.shape_cast %swap3A_1333 : vector<1x16xi32> to vector<16xi32>
    %swap3A_1335 = vector.shape_cast %add3A_1329 : vector<16xi32> to vector<1x16xi32>
    tpu.vector_store %arg9[%swap3A_1331, %swap3A_1332], %swap3A_1335 {strides = array<i32>} : memref<20x128xi32, #tpu.memory_space<vmem>>, vector<1x16xi32>,
    %get3A_1336 = arith.constant 1328 : index
    %get3A_1337 = tpu.vector_load %arg6[%get3A_1336] {strides = array<i32>} : memref<2560xi32, #tpu.memory_space<vmem>>, vector<16xi32>,
    %get3A_1338 = vector.shape_cast %get3A_1337 : vector<16xi32> to vector<16xi32>
    %get3A_1339 = arith.constant 1328 : index
    %get3A_1340 = tpu.vector_load %arg7[%get3A_1339] {strides = array<i32>} : memref<2560xi32, #tpu.memory_space<vmem>>, vector<16xi32>,
    %get3A_1341 = vector.shape_cast %get3A_1340 : vector<16xi32> to vector<16xi32>
    %mul3A_1342 = arith.constant 16 : i32
    %mul3A_1343 = vector.broadcast %mul3A_1342 : i32 to vector<16xi32>
    %mul3A_1344 = arith.muli %get3A_1338, %mul3A_1343 : vector<16xi32>
    %add3A_1345 = arith.addi %mul3A_1344, %get3A_1341 : vector<16xi32>
    %swap3A_1346 = arith.constant 10 : i32
    %swap3A_1347 = arith.index_cast %swap3A_1346 : i32 to index
    %swap3A_1348 = arith.constant 48 : index
    %swap3A_1349 = tpu.vector_load %arg9[%swap3A_1347, %swap3A_1348] {strides = array<i32>} : memref<20x128xi32, #tpu.memory_space<vmem>>, vector<1x16xi32>,
    %swap3A_1350 = vector.shape_cast %swap3A_1349 : vector<1x16xi32> to vector<16xi32>
    %swap3A_1351 = vector.shape_cast %add3A_1345 : vector<16xi32> to vector<1x16xi32>
    tpu.vector_store %arg9[%swap3A_1347, %swap3A_1348], %swap3A_1351 {strides = array<i32>} : memref<20x128xi32, #tpu.memory_space<vmem>>, vector<1x16xi32>,
    %get3A_1352 = arith.constant 1344 : index
    %get3A_1353 = tpu.vector_load %arg6[%get3A_1352] {strides = array<i32>} : memref<2560xi32, #tpu.memory_space<vmem>>, vector<16xi32>,
    %get3A_1354 = vector.shape_cast %get3A_1353 : vector<16xi32> to vector<16xi32>
    %get3A_1355 = arith.constant 1344 : index
    %get3A_1356 = tpu.vector_load %arg7[%get3A_1355] {strides = array<i32>} : memref<2560xi32, #tpu.memory_space<vmem>>, vector<16xi32>,
    %get3A_1357 = vector.shape_cast %get3A_1356 : vector<16xi32> to vector<16xi32>
    %mul3A_1358 = arith.constant 16 : i32
    %mul3A_1359 = vector.broadcast %mul3A_1358 : i32 to vector<16xi32>
    %mul3A_1360 = arith.muli %get3A_1354, %mul3A_1359 : vector<16xi32>
    %add3A_1361 = arith.addi %mul3A_1360, %get3A_1357 : vector<16xi32>
    %swap3A_1362 = arith.constant 10 : i32
    %swap3A_1363 = arith.index_cast %swap3A_1362 : i32 to index
    %swap3A_1364 = arith.constant 64 : index
    %swap3A_1365 = tpu.vector_load %arg9[%swap3A_1363, %swap3A_1364] {strides = array<i32>} : memref<20x128xi32, #tpu.memory_space<vmem>>, vector<1x16xi32>,
    %swap3A_1366 = vector.shape_cast %swap3A_1365 : vector<1x16xi32> to vector<16xi32>
    %swap3A_1367 = vector.shape_cast %add3A_1361 : vector<16xi32> to vector<1x16xi32>
    tpu.vector_store %arg9[%swap3A_1363, %swap3A_1364], %swap3A_1367 {strides = array<i32>} : memref<20x128xi32, #tpu.memory_space<vmem>>, vector<1x16xi32>,
    %get3A_1368 = arith.constant 1360 : index
    %get3A_1369 = tpu.vector_load %arg6[%get3A_1368] {strides = array<i32>} : memref<2560xi32, #tpu.memory_space<vmem>>, vector<16xi32>,
    %get3A_1370 = vector.shape_cast %get3A_1369 : vector<16xi32> to vector<16xi32>
    %get3A_1371 = arith.constant 1360 : index
    %get3A_1372 = tpu.vector_load %arg7[%get3A_1371] {strides = array<i32>} : memref<2560xi32, #tpu.memory_space<vmem>>, vector<16xi32>,
    %get3A_1373 = vector.shape_cast %get3A_1372 : vector<16xi32> to vector<16xi32>
    %mul3A_1374 = arith.constant 16 : i32
    %mul3A_1375 = vector.broadcast %mul3A_1374 : i32 to vector<16xi32>
    %mul3A_1376 = arith.muli %get3A_1370, %mul3A_1375 : vector<16xi32>
    %add3A_1377 = arith.addi %mul3A_1376, %get3A_1373 : vector<16xi32>
    %swap3A_1378 = arith.constant 10 : i32
    %swap3A_1379 = arith.index_cast %swap3A_1378 : i32 to index
    %swap3A_1380 = arith.constant 80 : index
    %swap3A_1381 = tpu.vector_load %arg9[%swap3A_1379, %swap3A_1380] {strides = array<i32>} : memref<20x128xi32, #tpu.memory_space<vmem>>, vector<1x16xi32>,
    %swap3A_1382 = vector.shape_cast %swap3A_1381 : vector<1x16xi32> to vector<16xi32>
    %swap3A_1383 = vector.shape_cast %add3A_1377 : vector<16xi32> to vector<1x16xi32>
    tpu.vector_store %arg9[%swap3A_1379, %swap3A_1380], %swap3A_1383 {strides = array<i32>} : memref<20x128xi32, #tpu.memory_space<vmem>>, vector<1x16xi32>,
    %get3A_1384 = arith.constant 1376 : index
    %get3A_1385 = tpu.vector_load %arg6[%get3A_1384] {strides = array<i32>} : memref<2560xi32, #tpu.memory_space<vmem>>, vector<16xi32>,
    %get3A_1386 = vector.shape_cast %get3A_1385 : vector<16xi32> to vector<16xi32>
    %get3A_1387 = arith.constant 1376 : index
    %get3A_1388 = tpu.vector_load %arg7[%get3A_1387] {strides = array<i32>} : memref<2560xi32, #tpu.memory_space<vmem>>, vector<16xi32>,
    %get3A_1389 = vector.shape_cast %get3A_1388 : vector<16xi32> to vector<16xi32>
    %mul3A_1390 = arith.constant 16 : i32
    %mul3A_1391 = vector.broadcast %mul3A_1390 : i32 to vector<16xi32>
    %mul3A_1392 = arith.muli %get3A_1386, %mul3A_1391 : vector<16xi32>
    %add3A_1393 = arith.addi %mul3A_1392, %get3A_1389 : vector<16xi32>
    %swap3A_1394 = arith.constant 10 : i32
    %swap3A_1395 = arith.index_cast %swap3A_1394 : i32 to index
    %swap3A_1396 = arith.constant 96 : index
    %swap3A_1397 = tpu.vector_load %arg9[%swap3A_1395, %swap3A_1396] {strides = array<i32>} : memref<20x128xi32, #tpu.memory_space<vmem>>, vector<1x16xi32>,
    %swap3A_1398 = vector.shape_cast %swap3A_1397 : vector<1x16xi32> to vector<16xi32>
    %swap3A_1399 = vector.shape_cast %add3A_1393 : vector<16xi32> to vector<1x16xi32>
    tpu.vector_store %arg9[%swap3A_1395, %swap3A_1396], %swap3A_1399 {strides = array<i32>} : memref<20x128xi32, #tpu.memory_space<vmem>>, vector<1x16xi32>,
    %get3A_1400 = arith.constant 1392 : index
    %get3A_1401 = tpu.vector_load %arg6[%get3A_1400] {strides = array<i32>} : memref<2560xi32, #tpu.memory_space<vmem>>, vector<16xi32>,
    %get3A_1402 = vector.shape_cast %get3A_1401 : vector<16xi32> to vector<16xi32>
    %get3A_1403 = arith.constant 1392 : index
    %get3A_1404 = tpu.vector_load %arg7[%get3A_1403] {strides = array<i32>} : memref<2560xi32, #tpu.memory_space<vmem>>, vector<16xi32>,
    %get3A_1405 = vector.shape_cast %get3A_1404 : vector<16xi32> to vector<16xi32>
    %mul3A_1406 = arith.constant 16 : i32
    %mul3A_1407 = vector.broadcast %mul3A_1406 : i32 to vector<16xi32>
    %mul3A_1408 = arith.muli %get3A_1402, %mul3A_1407 : vector<16xi32>
    %add3A_1409 = arith.addi %mul3A_1408, %get3A_1405 : vector<16xi32>
    %swap3A_1410 = arith.constant 10 : i32
    %swap3A_1411 = arith.index_cast %swap3A_1410 : i32 to index
    %swap3A_1412 = arith.constant 112 : index
    %swap3A_1413 = tpu.vector_load %arg9[%swap3A_1411, %swap3A_1412] {strides = array<i32>} : memref<20x128xi32, #tpu.memory_space<vmem>>, vector<1x16xi32>,
    %swap3A_1414 = vector.shape_cast %swap3A_1413 : vector<1x16xi32> to vector<16xi32>
    %swap3A_1415 = vector.shape_cast %add3A_1409 : vector<16xi32> to vector<1x16xi32>
    tpu.vector_store %arg9[%swap3A_1411, %swap3A_1412], %swap3A_1415 {strides = array<i32>} : memref<20x128xi32, #tpu.memory_space<vmem>>, vector<1x16xi32>,
    %get3A_1416 = arith.constant 1408 : index
    %get3A_1417 = tpu.vector_load %arg6[%get3A_1416] {strides = array<i32>} : memref<2560xi32, #tpu.memory_space<vmem>>, vector<16xi32>,
    %get3A_1418 = vector.shape_cast %get3A_1417 : vector<16xi32> to vector<16xi32>
    %get3A_1419 = arith.constant 1408 : index
    %get3A_1420 = tpu.vector_load %arg7[%get3A_1419] {strides = array<i32>} : memref<2560xi32, #tpu.memory_space<vmem>>, vector<16xi32>,
    %get3A_1421 = vector.shape_cast %get3A_1420 : vector<16xi32> to vector<16xi32>
    %mul3A_1422 = arith.constant 16 : i32
    %mul3A_1423 = vector.broadcast %mul3A_1422 : i32 to vector<16xi32>
    %mul3A_1424 = arith.muli %get3A_1418, %mul3A_1423 : vector<16xi32>
    %add3A_1425 = arith.addi %mul3A_1424, %get3A_1421 : vector<16xi32>
    %swap3A_1426 = arith.constant 11 : i32
    %swap3A_1427 = arith.index_cast %swap3A_1426 : i32 to index
    %swap3A_1428 = arith.constant 0 : index
    %swap3A_1429 = tpu.vector_load %arg9[%swap3A_1427, %swap3A_1428] {strides = array<i32>} : memref<20x128xi32, #tpu.memory_space<vmem>>, vector<1x16xi32>,
    %swap3A_1430 = vector.shape_cast %swap3A_1429 : vector<1x16xi32> to vector<16xi32>
    %swap3A_1431 = vector.shape_cast %add3A_1425 : vector<16xi32> to vector<1x16xi32>
    tpu.vector_store %arg9[%swap3A_1427, %swap3A_1428], %swap3A_1431 {strides = array<i32>} : memref<20x128xi32, #tpu.memory_space<vmem>>, vector<1x16xi32>,
    %get3A_1432 = arith.constant 1424 : index
    %get3A_1433 = tpu.vector_load %arg6[%get3A_1432] {strides = array<i32>} : memref<2560xi32, #tpu.memory_space<vmem>>, vector<16xi32>,
    %get3A_1434 = vector.shape_cast %get3A_1433 : vector<16xi32> to vector<16xi32>
    %get3A_1435 = arith.constant 1424 : index
    %get3A_1436 = tpu.vector_load %arg7[%get3A_1435] {strides = array<i32>} : memref<2560xi32, #tpu.memory_space<vmem>>, vector<16xi32>,
    %get3A_1437 = vector.shape_cast %get3A_1436 : vector<16xi32> to vector<16xi32>
    %mul3A_1438 = arith.constant 16 : i32
    %mul3A_1439 = vector.broadcast %mul3A_1438 : i32 to vector<16xi32>
    %mul3A_1440 = arith.muli %get3A_1434, %mul3A_1439 : vector<16xi32>
    %add3A_1441 = arith.addi %mul3A_1440, %get3A_1437 : vector<16xi32>
    %swap3A_1442 = arith.constant 11 : i32
    %swap3A_1443 = arith.index_cast %swap3A_1442 : i32 to index
    %swap3A_1444 = arith.constant 16 : index
    %swap3A_1445 = tpu.vector_load %arg9[%swap3A_1443, %swap3A_1444] {strides = array<i32>} : memref<20x128xi32, #tpu.memory_space<vmem>>, vector<1x16xi32>,
    %swap3A_1446 = vector.shape_cast %swap3A_1445 : vector<1x16xi32> to vector<16xi32>
    %swap3A_1447 = vector.shape_cast %add3A_1441 : vector<16xi32> to vector<1x16xi32>
    tpu.vector_store %arg9[%swap3A_1443, %swap3A_1444], %swap3A_1447 {strides = array<i32>} : memref<20x128xi32, #tpu.memory_space<vmem>>, vector<1x16xi32>,
    %get3A_1448 = arith.constant 1440 : index
    %get3A_1449 = tpu.vector_load %arg6[%get3A_1448] {strides = array<i32>} : memref<2560xi32, #tpu.memory_space<vmem>>, vector<16xi32>,
    %get3A_1450 = vector.shape_cast %get3A_1449 : vector<16xi32> to vector<16xi32>
    %get3A_1451 = arith.constant 1440 : index
    %get3A_1452 = tpu.vector_load %arg7[%get3A_1451] {strides = array<i32>} : memref<2560xi32, #tpu.memory_space<vmem>>, vector<16xi32>,
    %get3A_1453 = vector.shape_cast %get3A_1452 : vector<16xi32> to vector<16xi32>
    %mul3A_1454 = arith.constant 16 : i32
    %mul3A_1455 = vector.broadcast %mul3A_1454 : i32 to vector<16xi32>
    %mul3A_1456 = arith.muli %get3A_1450, %mul3A_1455 : vector<16xi32>
    %add3A_1457 = arith.addi %mul3A_1456, %get3A_1453 : vector<16xi32>
    %swap3A_1458 = arith.constant 11 : i32
    %swap3A_1459 = arith.index_cast %swap3A_1458 : i32 to index
    %swap3A_1460 = arith.constant 32 : index
    %swap3A_1461 = tpu.vector_load %arg9[%swap3A_1459, %swap3A_1460] {strides = array<i32>} : memref<20x128xi32, #tpu.memory_space<vmem>>, vector<1x16xi32>,
    %swap3A_1462 = vector.shape_cast %swap3A_1461 : vector<1x16xi32> to vector<16xi32>
    %swap3A_1463 = vector.shape_cast %add3A_1457 : vector<16xi32> to vector<1x16xi32>
    tpu.vector_store %arg9[%swap3A_1459, %swap3A_1460], %swap3A_1463 {strides = array<i32>} : memref<20x128xi32, #tpu.memory_space<vmem>>, vector<1x16xi32>,
    %get3A_1464 = arith.constant 1456 : index
    %get3A_1465 = tpu.vector_load %arg6[%get3A_1464] {strides = array<i32>} : memref<2560xi32, #tpu.memory_space<vmem>>, vector<16xi32>,
    %get3A_1466 = vector.shape_cast %get3A_1465 : vector<16xi32> to vector<16xi32>
    %get3A_1467 = arith.constant 1456 : index
    %get3A_1468 = tpu.vector_load %arg7[%get3A_1467] {strides = array<i32>} : memref<2560xi32, #tpu.memory_space<vmem>>, vector<16xi32>,
    %get3A_1469 = vector.shape_cast %get3A_1468 : vector<16xi32> to vector<16xi32>
    %mul3A_1470 = arith.constant 16 : i32
    %mul3A_1471 = vector.broadcast %mul3A_1470 : i32 to vector<16xi32>
    %mul3A_1472 = arith.muli %get3A_1466, %mul3A_1471 : vector<16xi32>
    %add3A_1473 = arith.addi %mul3A_1472, %get3A_1469 : vector<16xi32>
    %swap3A_1474 = arith.constant 11 : i32
    %swap3A_1475 = arith.index_cast %swap3A_1474 : i32 to index
    %swap3A_1476 = arith.constant 48 : index
    %swap3A_1477 = tpu.vector_load %arg9[%swap3A_1475, %swap3A_1476] {strides = array<i32>} : memref<20x128xi32, #tpu.memory_space<vmem>>, vector<1x16xi32>,
    %swap3A_1478 = vector.shape_cast %swap3A_1477 : vector<1x16xi32> to vector<16xi32>
    %swap3A_1479 = vector.shape_cast %add3A_1473 : vector<16xi32> to vector<1x16xi32>
    tpu.vector_store %arg9[%swap3A_1475, %swap3A_1476], %swap3A_1479 {strides = array<i32>} : memref<20x128xi32, #tpu.memory_space<vmem>>, vector<1x16xi32>,
    %get3A_1480 = arith.constant 1472 : index
    %get3A_1481 = tpu.vector_load %arg6[%get3A_1480] {strides = array<i32>} : memref<2560xi32, #tpu.memory_space<vmem>>, vector<16xi32>,
    %get3A_1482 = vector.shape_cast %get3A_1481 : vector<16xi32> to vector<16xi32>
    %get3A_1483 = arith.constant 1472 : index
    %get3A_1484 = tpu.vector_load %arg7[%get3A_1483] {strides = array<i32>} : memref<2560xi32, #tpu.memory_space<vmem>>, vector<16xi32>,
    %get3A_1485 = vector.shape_cast %get3A_1484 : vector<16xi32> to vector<16xi32>
    %mul3A_1486 = arith.constant 16 : i32
    %mul3A_1487 = vector.broadcast %mul3A_1486 : i32 to vector<16xi32>
    %mul3A_1488 = arith.muli %get3A_1482, %mul3A_1487 : vector<16xi32>
    %add3A_1489 = arith.addi %mul3A_1488, %get3A_1485 : vector<16xi32>
    %swap3A_1490 = arith.constant 11 : i32
    %swap3A_1491 = arith.index_cast %swap3A_1490 : i32 to index
    %swap3A_1492 = arith.constant 64 : index
    %swap3A_1493 = tpu.vector_load %arg9[%swap3A_1491, %swap3A_1492] {strides = array<i32>} : memref<20x128xi32, #tpu.memory_space<vmem>>, vector<1x16xi32>,
    %swap3A_1494 = vector.shape_cast %swap3A_1493 : vector<1x16xi32> to vector<16xi32>
    %swap3A_1495 = vector.shape_cast %add3A_1489 : vector<16xi32> to vector<1x16xi32>
    tpu.vector_store %arg9[%swap3A_1491, %swap3A_1492], %swap3A_1495 {strides = array<i32>} : memref<20x128xi32, #tpu.memory_space<vmem>>, vector<1x16xi32>,
    %get3A_1496 = arith.constant 1488 : index
    %get3A_1497 = tpu.vector_load %arg6[%get3A_1496] {strides = array<i32>} : memref<2560xi32, #tpu.memory_space<vmem>>, vector<16xi32>,
    %get3A_1498 = vector.shape_cast %get3A_1497 : vector<16xi32> to vector<16xi32>
    %get3A_1499 = arith.constant 1488 : index
    %get3A_1500 = tpu.vector_load %arg7[%get3A_1499] {strides = array<i32>} : memref<2560xi32, #tpu.memory_space<vmem>>, vector<16xi32>,
    %get3A_1501 = vector.shape_cast %get3A_1500 : vector<16xi32> to vector<16xi32>
    %mul3A_1502 = arith.constant 16 : i32
    %mul3A_1503 = vector.broadcast %mul3A_1502 : i32 to vector<16xi32>
    %mul3A_1504 = arith.muli %get3A_1498, %mul3A_1503 : vector<16xi32>
    %add3A_1505 = arith.addi %mul3A_1504, %get3A_1501 : vector<16xi32>
    %swap3A_1506 = arith.constant 11 : i32
    %swap3A_1507 = arith.index_cast %swap3A_1506 : i32 to index
    %swap3A_1508 = arith.constant 80 : index
    %swap3A_1509 = tpu.vector_load %arg9[%swap3A_1507, %swap3A_1508] {strides = array<i32>} : memref<20x128xi32, #tpu.memory_space<vmem>>, vector<1x16xi32>,
    %swap3A_1510 = vector.shape_cast %swap3A_1509 : vector<1x16xi32> to vector<16xi32>
    %swap3A_1511 = vector.shape_cast %add3A_1505 : vector<16xi32> to vector<1x16xi32>
    tpu.vector_store %arg9[%swap3A_1507, %swap3A_1508], %swap3A_1511 {strides = array<i32>} : memref<20x128xi32, #tpu.memory_space<vmem>>, vector<1x16xi32>,
    %get3A_1512 = arith.constant 1504 : index
    %get3A_1513 = tpu.vector_load %arg6[%get3A_1512] {strides = array<i32>} : memref<2560xi32, #tpu.memory_space<vmem>>, vector<16xi32>,
    %get3A_1514 = vector.shape_cast %get3A_1513 : vector<16xi32> to vector<16xi32>
    %get3A_1515 = arith.constant 1504 : index
    %get3A_1516 = tpu.vector_load %arg7[%get3A_1515] {strides = array<i32>} : memref<2560xi32, #tpu.memory_space<vmem>>, vector<16xi32>,
    %get3A_1517 = vector.shape_cast %get3A_1516 : vector<16xi32> to vector<16xi32>
    %mul3A_1518 = arith.constant 16 : i32
    %mul3A_1519 = vector.broadcast %mul3A_1518 : i32 to vector<16xi32>
    %mul3A_1520 = arith.muli %get3A_1514, %mul3A_1519 : vector<16xi32>
    %add3A_1521 = arith.addi %mul3A_1520, %get3A_1517 : vector<16xi32>
    %swap3A_1522 = arith.constant 11 : i32
    %swap3A_1523 = arith.index_cast %swap3A_1522 : i32 to index
    %swap3A_1524 = arith.constant 96 : index
    %swap3A_1525 = tpu.vector_load %arg9[%swap3A_1523, %swap3A_1524] {strides = array<i32>} : memref<20x128xi32, #tpu.memory_space<vmem>>, vector<1x16xi32>,
    %swap3A_1526 = vector.shape_cast %swap3A_1525 : vector<1x16xi32> to vector<16xi32>
    %swap3A_1527 = vector.shape_cast %add3A_1521 : vector<16xi32> to vector<1x16xi32>
    tpu.vector_store %arg9[%swap3A_1523, %swap3A_1524], %swap3A_1527 {strides = array<i32>} : memref<20x128xi32, #tpu.memory_space<vmem>>, vector<1x16xi32>,
    %get3A_1528 = arith.constant 1520 : index
    %get3A_1529 = tpu.vector_load %arg6[%get3A_1528] {strides = array<i32>} : memref<2560xi32, #tpu.memory_space<vmem>>, vector<16xi32>,
    %get3A_1530 = vector.shape_cast %get3A_1529 : vector<16xi32> to vector<16xi32>
    %get3A_1531 = arith.constant 1520 : index
    %get3A_1532 = tpu.vector_load %arg7[%get3A_1531] {strides = array<i32>} : memref<2560xi32, #tpu.memory_space<vmem>>, vector<16xi32>,
    %get3A_1533 = vector.shape_cast %get3A_1532 : vector<16xi32> to vector<16xi32>
    %mul3A_1534 = arith.constant 16 : i32
    %mul3A_1535 = vector.broadcast %mul3A_1534 : i32 to vector<16xi32>
    %mul3A_1536 = arith.muli %get3A_1530, %mul3A_1535 : vector<16xi32>
    %add3A_1537 = arith.addi %mul3A_1536, %get3A_1533 : vector<16xi32>
    %swap3A_1538 = arith.constant 11 : i32
    %swap3A_1539 = arith.index_cast %swap3A_1538 : i32 to index
    %swap3A_1540 = arith.constant 112 : index
    %swap3A_1541 = tpu.vector_load %arg9[%swap3A_1539, %swap3A_1540] {strides = array<i32>} : memref<20x128xi32, #tpu.memory_space<vmem>>, vector<1x16xi32>,
    %swap3A_1542 = vector.shape_cast %swap3A_1541 : vector<1x16xi32> to vector<16xi32>
    %swap3A_1543 = vector.shape_cast %add3A_1537 : vector<16xi32> to vector<1x16xi32>
    tpu.vector_store %arg9[%swap3A_1539, %swap3A_1540], %swap3A_1543 {strides = array<i32>} : memref<20x128xi32, #tpu.memory_space<vmem>>, vector<1x16xi32>,
    %get3A_1544 = arith.constant 1536 : index
    %get3A_1545 = tpu.vector_load %arg6[%get3A_1544] {strides = array<i32>} : memref<2560xi32, #tpu.memory_space<vmem>>, vector<16xi32>,
    %get3A_1546 = vector.shape_cast %get3A_1545 : vector<16xi32> to vector<16xi32>
    %get3A_1547 = arith.constant 1536 : index
    %get3A_1548 = tpu.vector_load %arg7[%get3A_1547] {strides = array<i32>} : memref<2560xi32, #tpu.memory_space<vmem>>, vector<16xi32>,
    %get3A_1549 = vector.shape_cast %get3A_1548 : vector<16xi32> to vector<16xi32>
    %mul3A_1550 = arith.constant 16 : i32
    %mul3A_1551 = vector.broadcast %mul3A_1550 : i32 to vector<16xi32>
    %mul3A_1552 = arith.muli %get3A_1546, %mul3A_1551 : vector<16xi32>
    %add3A_1553 = arith.addi %mul3A_1552, %get3A_1549 : vector<16xi32>
    %swap3A_1554 = arith.constant 12 : i32
    %swap3A_1555 = arith.index_cast %swap3A_1554 : i32 to index
    %swap3A_1556 = arith.constant 0 : index
    %swap3A_1557 = tpu.vector_load %arg9[%swap3A_1555, %swap3A_1556] {strides = array<i32>} : memref<20x128xi32, #tpu.memory_space<vmem>>, vector<1x16xi32>,
    %swap3A_1558 = vector.shape_cast %swap3A_1557 : vector<1x16xi32> to vector<16xi32>
    %swap3A_1559 = vector.shape_cast %add3A_1553 : vector<16xi32> to vector<1x16xi32>
    tpu.vector_store %arg9[%swap3A_1555, %swap3A_1556], %swap3A_1559 {strides = array<i32>} : memref<20x128xi32, #tpu.memory_space<vmem>>, vector<1x16xi32>,
    %get3A_1560 = arith.constant 1552 : index
    %get3A_1561 = tpu.vector_load %arg6[%get3A_1560] {strides = array<i32>} : memref<2560xi32, #tpu.memory_space<vmem>>, vector<16xi32>,
    %get3A_1562 = vector.shape_cast %get3A_1561 : vector<16xi32> to vector<16xi32>
    %get3A_1563 = arith.constant 1552 : index
    %get3A_1564 = tpu.vector_load %arg7[%get3A_1563] {strides = array<i32>} : memref<2560xi32, #tpu.memory_space<vmem>>, vector<16xi32>,
    %get3A_1565 = vector.shape_cast %get3A_1564 : vector<16xi32> to vector<16xi32>
    %mul3A_1566 = arith.constant 16 : i32
    %mul3A_1567 = vector.broadcast %mul3A_1566 : i32 to vector<16xi32>
    %mul3A_1568 = arith.muli %get3A_1562, %mul3A_1567 : vector<16xi32>
    %add3A_1569 = arith.addi %mul3A_1568, %get3A_1565 : vector<16xi32>
    %swap3A_1570 = arith.constant 12 : i32
    %swap3A_1571 = arith.index_cast %swap3A_1570 : i32 to index
    %swap3A_1572 = arith.constant 16 : index
    %swap3A_1573 = tpu.vector_load %arg9[%swap3A_1571, %swap3A_1572] {strides = array<i32>} : memref<20x128xi32, #tpu.memory_space<vmem>>, vector<1x16xi32>,
    %swap3A_1574 = vector.shape_cast %swap3A_1573 : vector<1x16xi32> to vector<16xi32>
    %swap3A_1575 = vector.shape_cast %add3A_1569 : vector<16xi32> to vector<1x16xi32>
    tpu.vector_store %arg9[%swap3A_1571, %swap3A_1572], %swap3A_1575 {strides = array<i32>} : memref<20x128xi32, #tpu.memory_space<vmem>>, vector<1x16xi32>,
    %get3A_1576 = arith.constant 1568 : index
    %get3A_1577 = tpu.vector_load %arg6[%get3A_1576] {strides = array<i32>} : memref<2560xi32, #tpu.memory_space<vmem>>, vector<16xi32>,
    %get3A_1578 = vector.shape_cast %get3A_1577 : vector<16xi32> to vector<16xi32>
    %get3A_1579 = arith.constant 1568 : index
    %get3A_1580 = tpu.vector_load %arg7[%get3A_1579] {strides = array<i32>} : memref<2560xi32, #tpu.memory_space<vmem>>, vector<16xi32>,
    %get3A_1581 = vector.shape_cast %get3A_1580 : vector<16xi32> to vector<16xi32>
    %mul3A_1582 = arith.constant 16 : i32
    %mul3A_1583 = vector.broadcast %mul3A_1582 : i32 to vector<16xi32>
    %mul3A_1584 = arith.muli %get3A_1578, %mul3A_1583 : vector<16xi32>
    %add3A_1585 = arith.addi %mul3A_1584, %get3A_1581 : vector<16xi32>
    %swap3A_1586 = arith.constant 12 : i32
    %swap3A_1587 = arith.index_cast %swap3A_1586 : i32 to index
    %swap3A_1588 = arith.constant 32 : index
    %swap3A_1589 = tpu.vector_load %arg9[%swap3A_1587, %swap3A_1588] {strides = array<i32>} : memref<20x128xi32, #tpu.memory_space<vmem>>, vector<1x16xi32>,
    %swap3A_1590 = vector.shape_cast %swap3A_1589 : vector<1x16xi32> to vector<16xi32>
    %swap3A_1591 = vector.shape_cast %add3A_1585 : vector<16xi32> to vector<1x16xi32>
    tpu.vector_store %arg9[%swap3A_1587, %swap3A_1588], %swap3A_1591 {strides = array<i32>} : memref<20x128xi32, #tpu.memory_space<vmem>>, vector<1x16xi32>,
    %get3A_1592 = arith.constant 1584 : index
    %get3A_1593 = tpu.vector_load %arg6[%get3A_1592] {strides = array<i32>} : memref<2560xi32, #tpu.memory_space<vmem>>, vector<16xi32>,
    %get3A_1594 = vector.shape_cast %get3A_1593 : vector<16xi32> to vector<16xi32>
    %get3A_1595 = arith.constant 1584 : index
    %get3A_1596 = tpu.vector_load %arg7[%get3A_1595] {strides = array<i32>} : memref<2560xi32, #tpu.memory_space<vmem>>, vector<16xi32>,
    %get3A_1597 = vector.shape_cast %get3A_1596 : vector<16xi32> to vector<16xi32>
    %mul3A_1598 = arith.constant 16 : i32
    %mul3A_1599 = vector.broadcast %mul3A_1598 : i32 to vector<16xi32>
    %mul3A_1600 = arith.muli %get3A_1594, %mul3A_1599 : vector<16xi32>
    %add3A_1601 = arith.addi %mul3A_1600, %get3A_1597 : vector<16xi32>
    %swap3A_1602 = arith.constant 12 : i32
    %swap3A_1603 = arith.index_cast %swap3A_1602 : i32 to index
    %swap3A_1604 = arith.constant 48 : index
    %swap3A_1605 = tpu.vector_load %arg9[%swap3A_1603, %swap3A_1604] {strides = array<i32>} : memref<20x128xi32, #tpu.memory_space<vmem>>, vector<1x16xi32>,
    %swap3A_1606 = vector.shape_cast %swap3A_1605 : vector<1x16xi32> to vector<16xi32>
    %swap3A_1607 = vector.shape_cast %add3A_1601 : vector<16xi32> to vector<1x16xi32>
    tpu.vector_store %arg9[%swap3A_1603, %swap3A_1604], %swap3A_1607 {strides = array<i32>} : memref<20x128xi32, #tpu.memory_space<vmem>>, vector<1x16xi32>,
    %get3A_1608 = arith.constant 1600 : index
    %get3A_1609 = tpu.vector_load %arg6[%get3A_1608] {strides = array<i32>} : memref<2560xi32, #tpu.memory_space<vmem>>, vector<16xi32>,
    %get3A_1610 = vector.shape_cast %get3A_1609 : vector<16xi32> to vector<16xi32>
    %get3A_1611 = arith.constant 1600 : index
    %get3A_1612 = tpu.vector_load %arg7[%get3A_1611] {strides = array<i32>} : memref<2560xi32, #tpu.memory_space<vmem>>, vector<16xi32>,
    %get3A_1613 = vector.shape_cast %get3A_1612 : vector<16xi32> to vector<16xi32>
    %mul3A_1614 = arith.constant 16 : i32
    %mul3A_1615 = vector.broadcast %mul3A_1614 : i32 to vector<16xi32>
    %mul3A_1616 = arith.muli %get3A_1610, %mul3A_1615 : vector<16xi32>
    %add3A_1617 = arith.addi %mul3A_1616, %get3A_1613 : vector<16xi32>
    %swap3A_1618 = arith.constant 12 : i32
    %swap3A_1619 = arith.index_cast %swap3A_1618 : i32 to index
    %swap3A_1620 = arith.constant 64 : index
    %swap3A_1621 = tpu.vector_load %arg9[%swap3A_1619, %swap3A_1620] {strides = array<i32>} : memref<20x128xi32, #tpu.memory_space<vmem>>, vector<1x16xi32>,
    %swap3A_1622 = vector.shape_cast %swap3A_1621 : vector<1x16xi32> to vector<16xi32>
    %swap3A_1623 = vector.shape_cast %add3A_1617 : vector<16xi32> to vector<1x16xi32>
    tpu.vector_store %arg9[%swap3A_1619, %swap3A_1620], %swap3A_1623 {strides = array<i32>} : memref<20x128xi32, #tpu.memory_space<vmem>>, vector<1x16xi32>,
    %get3A_1624 = arith.constant 1616 : index
    %get3A_1625 = tpu.vector_load %arg6[%get3A_1624] {strides = array<i32>} : memref<2560xi32, #tpu.memory_space<vmem>>, vector<16xi32>,
    %get3A_1626 = vector.shape_cast %get3A_1625 : vector<16xi32> to vector<16xi32>
    %get3A_1627 = arith.constant 1616 : index
    %get3A_1628 = tpu.vector_load %arg7[%get3A_1627] {strides = array<i32>} : memref<2560xi32, #tpu.memory_space<vmem>>, vector<16xi32>,
    %get3A_1629 = vector.shape_cast %get3A_1628 : vector<16xi32> to vector<16xi32>
    %mul3A_1630 = arith.constant 16 : i32
    %mul3A_1631 = vector.broadcast %mul3A_1630 : i32 to vector<16xi32>
    %mul3A_1632 = arith.muli %get3A_1626, %mul3A_1631 : vector<16xi32>
    %add3A_1633 = arith.addi %mul3A_1632, %get3A_1629 : vector<16xi32>
    %swap3A_1634 = arith.constant 12 : i32
    %swap3A_1635 = arith.index_cast %swap3A_1634 : i32 to index
    %swap3A_1636 = arith.constant 80 : index
    %swap3A_1637 = tpu.vector_load %arg9[%swap3A_1635, %swap3A_1636] {strides = array<i32>} : memref<20x128xi32, #tpu.memory_space<vmem>>, vector<1x16xi32>,
    %swap3A_1638 = vector.shape_cast %swap3A_1637 : vector<1x16xi32> to vector<16xi32>
    %swap3A_1639 = vector.shape_cast %add3A_1633 : vector<16xi32> to vector<1x16xi32>
    tpu.vector_store %arg9[%swap3A_1635, %swap3A_1636], %swap3A_1639 {strides = array<i32>} : memref<20x128xi32, #tpu.memory_space<vmem>>, vector<1x16xi32>,
    %get3A_1640 = arith.constant 1632 : index
    %get3A_1641 = tpu.vector_load %arg6[%get3A_1640] {strides = array<i32>} : memref<2560xi32, #tpu.memory_space<vmem>>, vector<16xi32>,
    %get3A_1642 = vector.shape_cast %get3A_1641 : vector<16xi32> to vector<16xi32>
    %get3A_1643 = arith.constant 1632 : index
    %get3A_1644 = tpu.vector_load %arg7[%get3A_1643] {strides = array<i32>} : memref<2560xi32, #tpu.memory_space<vmem>>, vector<16xi32>,
    %get3A_1645 = vector.shape_cast %get3A_1644 : vector<16xi32> to vector<16xi32>
    %mul3A_1646 = arith.constant 16 : i32
    %mul3A_1647 = vector.broadcast %mul3A_1646 : i32 to vector<16xi32>
    %mul3A_1648 = arith.muli %get3A_1642, %mul3A_1647 : vector<16xi32>
    %add3A_1649 = arith.addi %mul3A_1648, %get3A_1645 : vector<16xi32>
    %swap3A_1650 = arith.constant 12 : i32
    %swap3A_1651 = arith.index_cast %swap3A_1650 : i32 to index
    %swap3A_1652 = arith.constant 96 : index
    %swap3A_1653 = tpu.vector_load %arg9[%swap3A_1651, %swap3A_1652] {strides = array<i32>} : memref<20x128xi32, #tpu.memory_space<vmem>>, vector<1x16xi32>,
    %swap3A_1654 = vector.shape_cast %swap3A_1653 : vector<1x16xi32> to vector<16xi32>
    %swap3A_1655 = vector.shape_cast %add3A_1649 : vector<16xi32> to vector<1x16xi32>
    tpu.vector_store %arg9[%swap3A_1651, %swap3A_1652], %swap3A_1655 {strides = array<i32>} : memref<20x128xi32, #tpu.memory_space<vmem>>, vector<1x16xi32>,
    %get3A_1656 = arith.constant 1648 : index
    %get3A_1657 = tpu.vector_load %arg6[%get3A_1656] {strides = array<i32>} : memref<2560xi32, #tpu.memory_space<vmem>>, vector<16xi32>,
    %get3A_1658 = vector.shape_cast %get3A_1657 : vector<16xi32> to vector<16xi32>
    %get3A_1659 = arith.constant 1648 : index
    %get3A_1660 = tpu.vector_load %arg7[%get3A_1659] {strides = array<i32>} : memref<2560xi32, #tpu.memory_space<vmem>>, vector<16xi32>,
    %get3A_1661 = vector.shape_cast %get3A_1660 : vector<16xi32> to vector<16xi32>
    %mul3A_1662 = arith.constant 16 : i32
    %mul3A_1663 = vector.broadcast %mul3A_1662 : i32 to vector<16xi32>
    %mul3A_1664 = arith.muli %get3A_1658, %mul3A_1663 : vector<16xi32>
    %add3A_1665 = arith.addi %mul3A_1664, %get3A_1661 : vector<16xi32>
    %swap3A_1666 = arith.constant 12 : i32
    %swap3A_1667 = arith.index_cast %swap3A_1666 : i32 to index
    %swap3A_1668 = arith.constant 112 : index
    %swap3A_1669 = tpu.vector_load %arg9[%swap3A_1667, %swap3A_1668] {strides = array<i32>} : memref<20x128xi32, #tpu.memory_space<vmem>>, vector<1x16xi32>,
    %swap3A_1670 = vector.shape_cast %swap3A_1669 : vector<1x16xi32> to vector<16xi32>
    %swap3A_1671 = vector.shape_cast %add3A_1665 : vector<16xi32> to vector<1x16xi32>
    tpu.vector_store %arg9[%swap3A_1667, %swap3A_1668], %swap3A_1671 {strides = array<i32>} : memref<20x128xi32, #tpu.memory_space<vmem>>, vector<1x16xi32>,
    %get3A_1672 = arith.constant 1664 : index
    %get3A_1673 = tpu.vector_load %arg6[%get3A_1672] {strides = array<i32>} : memref<2560xi32, #tpu.memory_space<vmem>>, vector<16xi32>,
    %get3A_1674 = vector.shape_cast %get3A_1673 : vector<16xi32> to vector<16xi32>
    %get3A_1675 = arith.constant 1664 : index
    %get3A_1676 = tpu.vector_load %arg7[%get3A_1675] {strides = array<i32>} : memref<2560xi32, #tpu.memory_space<vmem>>, vector<16xi32>,
    %get3A_1677 = vector.shape_cast %get3A_1676 : vector<16xi32> to vector<16xi32>
    %mul3A_1678 = arith.constant 16 : i32
    %mul3A_1679 = vector.broadcast %mul3A_1678 : i32 to vector<16xi32>
    %mul3A_1680 = arith.muli %get3A_1674, %mul3A_1679 : vector<16xi32>
    %add3A_1681 = arith.addi %mul3A_1680, %get3A_1677 : vector<16xi32>
    %swap3A_1682 = arith.constant 13 : i32
    %swap3A_1683 = arith.index_cast %swap3A_1682 : i32 to index
    %swap3A_1684 = arith.constant 0 : index
    %swap3A_1685 = tpu.vector_load %arg9[%swap3A_1683, %swap3A_1684] {strides = array<i32>} : memref<20x128xi32, #tpu.memory_space<vmem>>, vector<1x16xi32>,
    %swap3A_1686 = vector.shape_cast %swap3A_1685 : vector<1x16xi32> to vector<16xi32>
    %swap3A_1687 = vector.shape_cast %add3A_1681 : vector<16xi32> to vector<1x16xi32>
    tpu.vector_store %arg9[%swap3A_1683, %swap3A_1684], %swap3A_1687 {strides = array<i32>} : memref<20x128xi32, #tpu.memory_space<vmem>>, vector<1x16xi32>,
    %get3A_1688 = arith.constant 1680 : index
    %get3A_1689 = tpu.vector_load %arg6[%get3A_1688] {strides = array<i32>} : memref<2560xi32, #tpu.memory_space<vmem>>, vector<16xi32>,
    %get3A_1690 = vector.shape_cast %get3A_1689 : vector<16xi32> to vector<16xi32>
    %get3A_1691 = arith.constant 1680 : index
    %get3A_1692 = tpu.vector_load %arg7[%get3A_1691] {strides = array<i32>} : memref<2560xi32, #tpu.memory_space<vmem>>, vector<16xi32>,
    %get3A_1693 = vector.shape_cast %get3A_1692 : vector<16xi32> to vector<16xi32>
    %mul3A_1694 = arith.constant 16 : i32
    %mul3A_1695 = vector.broadcast %mul3A_1694 : i32 to vector<16xi32>
    %mul3A_1696 = arith.muli %get3A_1690, %mul3A_1695 : vector<16xi32>
    %add3A_1697 = arith.addi %mul3A_1696, %get3A_1693 : vector<16xi32>
    %swap3A_1698 = arith.constant 13 : i32
    %swap3A_1699 = arith.index_cast %swap3A_1698 : i32 to index
    %swap3A_1700 = arith.constant 16 : index
    %swap3A_1701 = tpu.vector_load %arg9[%swap3A_1699, %swap3A_1700] {strides = array<i32>} : memref<20x128xi32, #tpu.memory_space<vmem>>, vector<1x16xi32>,
    %swap3A_1702 = vector.shape_cast %swap3A_1701 : vector<1x16xi32> to vector<16xi32>
    %swap3A_1703 = vector.shape_cast %add3A_1697 : vector<16xi32> to vector<1x16xi32>
    tpu.vector_store %arg9[%swap3A_1699, %swap3A_1700], %swap3A_1703 {strides = array<i32>} : memref<20x128xi32, #tpu.memory_space<vmem>>, vector<1x16xi32>,
    %get3A_1704 = arith.constant 1696 : index
    %get3A_1705 = tpu.vector_load %arg6[%get3A_1704] {strides = array<i32>} : memref<2560xi32, #tpu.memory_space<vmem>>, vector<16xi32>,
    %get3A_1706 = vector.shape_cast %get3A_1705 : vector<16xi32> to vector<16xi32>
    %get3A_1707 = arith.constant 1696 : index
    %get3A_1708 = tpu.vector_load %arg7[%get3A_1707] {strides = array<i32>} : memref<2560xi32, #tpu.memory_space<vmem>>, vector<16xi32>,
    %get3A_1709 = vector.shape_cast %get3A_1708 : vector<16xi32> to vector<16xi32>
    %mul3A_1710 = arith.constant 16 : i32
    %mul3A_1711 = vector.broadcast %mul3A_1710 : i32 to vector<16xi32>
    %mul3A_1712 = arith.muli %get3A_1706, %mul3A_1711 : vector<16xi32>
    %add3A_1713 = arith.addi %mul3A_1712, %get3A_1709 : vector<16xi32>
    %swap3A_1714 = arith.constant 13 : i32
    %swap3A_1715 = arith.index_cast %swap3A_1714 : i32 to index
    %swap3A_1716 = arith.constant 32 : index
    %swap3A_1717 = tpu.vector_load %arg9[%swap3A_1715, %swap3A_1716] {strides = array<i32>} : memref<20x128xi32, #tpu.memory_space<vmem>>, vector<1x16xi32>,
    %swap3A_1718 = vector.shape_cast %swap3A_1717 : vector<1x16xi32> to vector<16xi32>
    %swap3A_1719 = vector.shape_cast %add3A_1713 : vector<16xi32> to vector<1x16xi32>
    tpu.vector_store %arg9[%swap3A_1715, %swap3A_1716], %swap3A_1719 {strides = array<i32>} : memref<20x128xi32, #tpu.memory_space<vmem>>, vector<1x16xi32>,
    %get3A_1720 = arith.constant 1712 : index
    %get3A_1721 = tpu.vector_load %arg6[%get3A_1720] {strides = array<i32>} : memref<2560xi32, #tpu.memory_space<vmem>>, vector<16xi32>,
    %get3A_1722 = vector.shape_cast %get3A_1721 : vector<16xi32> to vector<16xi32>
    %get3A_1723 = arith.constant 1712 : index
    %get3A_1724 = tpu.vector_load %arg7[%get3A_1723] {strides = array<i32>} : memref<2560xi32, #tpu.memory_space<vmem>>, vector<16xi32>,
    %get3A_1725 = vector.shape_cast %get3A_1724 : vector<16xi32> to vector<16xi32>
    %mul3A_1726 = arith.constant 16 : i32
    %mul3A_1727 = vector.broadcast %mul3A_1726 : i32 to vector<16xi32>
    %mul3A_1728 = arith.muli %get3A_1722, %mul3A_1727 : vector<16xi32>
    %add3A_1729 = arith.addi %mul3A_1728, %get3A_1725 : vector<16xi32>
    %swap3A_1730 = arith.constant 13 : i32
    %swap3A_1731 = arith.index_cast %swap3A_1730 : i32 to index
    %swap3A_1732 = arith.constant 48 : index
    %swap3A_1733 = tpu.vector_load %arg9[%swap3A_1731, %swap3A_1732] {strides = array<i32>} : memref<20x128xi32, #tpu.memory_space<vmem>>, vector<1x16xi32>,
    %swap3A_1734 = vector.shape_cast %swap3A_1733 : vector<1x16xi32> to vector<16xi32>
    %swap3A_1735 = vector.shape_cast %add3A_1729 : vector<16xi32> to vector<1x16xi32>
    tpu.vector_store %arg9[%swap3A_1731, %swap3A_1732], %swap3A_1735 {strides = array<i32>} : memref<20x128xi32, #tpu.memory_space<vmem>>, vector<1x16xi32>,
    %get3A_1736 = arith.constant 1728 : index
    %get3A_1737 = tpu.vector_load %arg6[%get3A_1736] {strides = array<i32>} : memref<2560xi32, #tpu.memory_space<vmem>>, vector<16xi32>,
    %get3A_1738 = vector.shape_cast %get3A_1737 : vector<16xi32> to vector<16xi32>
    %get3A_1739 = arith.constant 1728 : index
    %get3A_1740 = tpu.vector_load %arg7[%get3A_1739] {strides = array<i32>} : memref<2560xi32, #tpu.memory_space<vmem>>, vector<16xi32>,
    %get3A_1741 = vector.shape_cast %get3A_1740 : vector<16xi32> to vector<16xi32>
    %mul3A_1742 = arith.constant 16 : i32
    %mul3A_1743 = vector.broadcast %mul3A_1742 : i32 to vector<16xi32>
    %mul3A_1744 = arith.muli %get3A_1738, %mul3A_1743 : vector<16xi32>
    %add3A_1745 = arith.addi %mul3A_1744, %get3A_1741 : vector<16xi32>
    %swap3A_1746 = arith.constant 13 : i32
    %swap3A_1747 = arith.index_cast %swap3A_1746 : i32 to index
    %swap3A_1748 = arith.constant 64 : index
    %swap3A_1749 = tpu.vector_load %arg9[%swap3A_1747, %swap3A_1748] {strides = array<i32>} : memref<20x128xi32, #tpu.memory_space<vmem>>, vector<1x16xi32>,
    %swap3A_1750 = vector.shape_cast %swap3A_1749 : vector<1x16xi32> to vector<16xi32>
    %swap3A_1751 = vector.shape_cast %add3A_1745 : vector<16xi32> to vector<1x16xi32>
    tpu.vector_store %arg9[%swap3A_1747, %swap3A_1748], %swap3A_1751 {strides = array<i32>} : memref<20x128xi32, #tpu.memory_space<vmem>>, vector<1x16xi32>,
    %get3A_1752 = arith.constant 1744 : index
    %get3A_1753 = tpu.vector_load %arg6[%get3A_1752] {strides = array<i32>} : memref<2560xi32, #tpu.memory_space<vmem>>, vector<16xi32>,
    %get3A_1754 = vector.shape_cast %get3A_1753 : vector<16xi32> to vector<16xi32>
    %get3A_1755 = arith.constant 1744 : index
    %get3A_1756 = tpu.vector_load %arg7[%get3A_1755] {strides = array<i32>} : memref<2560xi32, #tpu.memory_space<vmem>>, vector<16xi32>,
    %get3A_1757 = vector.shape_cast %get3A_1756 : vector<16xi32> to vector<16xi32>
    %mul3A_1758 = arith.constant 16 : i32
    %mul3A_1759 = vector.broadcast %mul3A_1758 : i32 to vector<16xi32>
    %mul3A_1760 = arith.muli %get3A_1754, %mul3A_1759 : vector<16xi32>
    %add3A_1761 = arith.addi %mul3A_1760, %get3A_1757 : vector<16xi32>
    %swap3A_1762 = arith.constant 13 : i32
    %swap3A_1763 = arith.index_cast %swap3A_1762 : i32 to index
    %swap3A_1764 = arith.constant 80 : index
    %swap3A_1765 = tpu.vector_load %arg9[%swap3A_1763, %swap3A_1764] {strides = array<i32>} : memref<20x128xi32, #tpu.memory_space<vmem>>, vector<1x16xi32>,
    %swap3A_1766 = vector.shape_cast %swap3A_1765 : vector<1x16xi32> to vector<16xi32>
    %swap3A_1767 = vector.shape_cast %add3A_1761 : vector<16xi32> to vector<1x16xi32>
    tpu.vector_store %arg9[%swap3A_1763, %swap3A_1764], %swap3A_1767 {strides = array<i32>} : memref<20x128xi32, #tpu.memory_space<vmem>>, vector<1x16xi32>,
    %get3A_1768 = arith.constant 1760 : index
    %get3A_1769 = tpu.vector_load %arg6[%get3A_1768] {strides = array<i32>} : memref<2560xi32, #tpu.memory_space<vmem>>, vector<16xi32>,
    %get3A_1770 = vector.shape_cast %get3A_1769 : vector<16xi32> to vector<16xi32>
    %get3A_1771 = arith.constant 1760 : index
    %get3A_1772 = tpu.vector_load %arg7[%get3A_1771] {strides = array<i32>} : memref<2560xi32, #tpu.memory_space<vmem>>, vector<16xi32>,
    %get3A_1773 = vector.shape_cast %get3A_1772 : vector<16xi32> to vector<16xi32>
    %mul3A_1774 = arith.constant 16 : i32
    %mul3A_1775 = vector.broadcast %mul3A_1774 : i32 to vector<16xi32>
    %mul3A_1776 = arith.muli %get3A_1770, %mul3A_1775 : vector<16xi32>
    %add3A_1777 = arith.addi %mul3A_1776, %get3A_1773 : vector<16xi32>
    %swap3A_1778 = arith.constant 13 : i32
    %swap3A_1779 = arith.index_cast %swap3A_1778 : i32 to index
    %swap3A_1780 = arith.constant 96 : index
    %swap3A_1781 = tpu.vector_load %arg9[%swap3A_1779, %swap3A_1780] {strides = array<i32>} : memref<20x128xi32, #tpu.memory_space<vmem>>, vector<1x16xi32>,
    %swap3A_1782 = vector.shape_cast %swap3A_1781 : vector<1x16xi32> to vector<16xi32>
    %swap3A_1783 = vector.shape_cast %add3A_1777 : vector<16xi32> to vector<1x16xi32>
    tpu.vector_store %arg9[%swap3A_1779, %swap3A_1780], %swap3A_1783 {strides = array<i32>} : memref<20x128xi32, #tpu.memory_space<vmem>>, vector<1x16xi32>,
    %get3A_1784 = arith.constant 1776 : index
    %get3A_1785 = tpu.vector_load %arg6[%get3A_1784] {strides = array<i32>} : memref<2560xi32, #tpu.memory_space<vmem>>, vector<16xi32>,
    %get3A_1786 = vector.shape_cast %get3A_1785 : vector<16xi32> to vector<16xi32>
    %get3A_1787 = arith.constant 1776 : index
    %get3A_1788 = tpu.vector_load %arg7[%get3A_1787] {strides = array<i32>} : memref<2560xi32, #tpu.memory_space<vmem>>, vector<16xi32>,
    %get3A_1789 = vector.shape_cast %get3A_1788 : vector<16xi32> to vector<16xi32>
    %mul3A_1790 = arith.constant 16 : i32
    %mul3A_1791 = vector.broadcast %mul3A_1790 : i32 to vector<16xi32>
    %mul3A_1792 = arith.muli %get3A_1786, %mul3A_1791 : vector<16xi32>
    %add3A_1793 = arith.addi %mul3A_1792, %get3A_1789 : vector<16xi32>
    %swap3A_1794 = arith.constant 13 : i32
    %swap3A_1795 = arith.index_cast %swap3A_1794 : i32 to index
    %swap3A_1796 = arith.constant 112 : index
    %swap3A_1797 = tpu.vector_load %arg9[%swap3A_1795, %swap3A_1796] {strides = array<i32>} : memref<20x128xi32, #tpu.memory_space<vmem>>, vector<1x16xi32>,
    %swap3A_1798 = vector.shape_cast %swap3A_1797 : vector<1x16xi32> to vector<16xi32>
    %swap3A_1799 = vector.shape_cast %add3A_1793 : vector<16xi32> to vector<1x16xi32>
    tpu.vector_store %arg9[%swap3A_1795, %swap3A_1796], %swap3A_1799 {strides = array<i32>} : memref<20x128xi32, #tpu.memory_space<vmem>>, vector<1x16xi32>,
    %get3A_1800 = arith.constant 1792 : index
    %get3A_1801 = tpu.vector_load %arg6[%get3A_1800] {strides = array<i32>} : memref<2560xi32, #tpu.memory_space<vmem>>, vector<16xi32>,
    %get3A_1802 = vector.shape_cast %get3A_1801 : vector<16xi32> to vector<16xi32>
    %get3A_1803 = arith.constant 1792 : index
    %get3A_1804 = tpu.vector_load %arg7[%get3A_1803] {strides = array<i32>} : memref<2560xi32, #tpu.memory_space<vmem>>, vector<16xi32>,
    %get3A_1805 = vector.shape_cast %get3A_1804 : vector<16xi32> to vector<16xi32>
    %mul3A_1806 = arith.constant 16 : i32
    %mul3A_1807 = vector.broadcast %mul3A_1806 : i32 to vector<16xi32>
    %mul3A_1808 = arith.muli %get3A_1802, %mul3A_1807 : vector<16xi32>
    %add3A_1809 = arith.addi %mul3A_1808, %get3A_1805 : vector<16xi32>
    %swap3A_1810 = arith.constant 14 : i32
    %swap3A_1811 = arith.index_cast %swap3A_1810 : i32 to index
    %swap3A_1812 = arith.constant 0 : index
    %swap3A_1813 = tpu.vector_load %arg9[%swap3A_1811, %swap3A_1812] {strides = array<i32>} : memref<20x128xi32, #tpu.memory_space<vmem>>, vector<1x16xi32>,
    %swap3A_1814 = vector.shape_cast %swap3A_1813 : vector<1x16xi32> to vector<16xi32>
    %swap3A_1815 = vector.shape_cast %add3A_1809 : vector<16xi32> to vector<1x16xi32>
    tpu.vector_store %arg9[%swap3A_1811, %swap3A_1812], %swap3A_1815 {strides = array<i32>} : memref<20x128xi32, #tpu.memory_space<vmem>>, vector<1x16xi32>,
    %get3A_1816 = arith.constant 1808 : index
    %get3A_1817 = tpu.vector_load %arg6[%get3A_1816] {strides = array<i32>} : memref<2560xi32, #tpu.memory_space<vmem>>, vector<16xi32>,
    %get3A_1818 = vector.shape_cast %get3A_1817 : vector<16xi32> to vector<16xi32>
    %get3A_1819 = arith.constant 1808 : index
    %get3A_1820 = tpu.vector_load %arg7[%get3A_1819] {strides = array<i32>} : memref<2560xi32, #tpu.memory_space<vmem>>, vector<16xi32>,
    %get3A_1821 = vector.shape_cast %get3A_1820 : vector<16xi32> to vector<16xi32>
    %mul3A_1822 = arith.constant 16 : i32
    %mul3A_1823 = vector.broadcast %mul3A_1822 : i32 to vector<16xi32>
    %mul3A_1824 = arith.muli %get3A_1818, %mul3A_1823 : vector<16xi32>
    %add3A_1825 = arith.addi %mul3A_1824, %get3A_1821 : vector<16xi32>
    %swap3A_1826 = arith.constant 14 : i32
    %swap3A_1827 = arith.index_cast %swap3A_1826 : i32 to index
    %swap3A_1828 = arith.constant 16 : index
    %swap3A_1829 = tpu.vector_load %arg9[%swap3A_1827, %swap3A_1828] {strides = array<i32>} : memref<20x128xi32, #tpu.memory_space<vmem>>, vector<1x16xi32>,
    %swap3A_1830 = vector.shape_cast %swap3A_1829 : vector<1x16xi32> to vector<16xi32>
    %swap3A_1831 = vector.shape_cast %add3A_1825 : vector<16xi32> to vector<1x16xi32>
    tpu.vector_store %arg9[%swap3A_1827, %swap3A_1828], %swap3A_1831 {strides = array<i32>} : memref<20x128xi32, #tpu.memory_space<vmem>>, vector<1x16xi32>,
    %get3A_1832 = arith.constant 1824 : index
    %get3A_1833 = tpu.vector_load %arg6[%get3A_1832] {strides = array<i32>} : memref<2560xi32, #tpu.memory_space<vmem>>, vector<16xi32>,
    %get3A_1834 = vector.shape_cast %get3A_1833 : vector<16xi32> to vector<16xi32>
    %get3A_1835 = arith.constant 1824 : index
    %get3A_1836 = tpu.vector_load %arg7[%get3A_1835] {strides = array<i32>} : memref<2560xi32, #tpu.memory_space<vmem>>, vector<16xi32>,
    %get3A_1837 = vector.shape_cast %get3A_1836 : vector<16xi32> to vector<16xi32>
    %mul3A_1838 = arith.constant 16 : i32
    %mul3A_1839 = vector.broadcast %mul3A_1838 : i32 to vector<16xi32>
    %mul3A_1840 = arith.muli %get3A_1834, %mul3A_1839 : vector<16xi32>
    %add3A_1841 = arith.addi %mul3A_1840, %get3A_1837 : vector<16xi32>
    %swap3A_1842 = arith.constant 14 : i32
    %swap3A_1843 = arith.index_cast %swap3A_1842 : i32 to index
    %swap3A_1844 = arith.constant 32 : index
    %swap3A_1845 = tpu.vector_load %arg9[%swap3A_1843, %swap3A_1844] {strides = array<i32>} : memref<20x128xi32, #tpu.memory_space<vmem>>, vector<1x16xi32>,
    %swap3A_1846 = vector.shape_cast %swap3A_1845 : vector<1x16xi32> to vector<16xi32>
    %swap3A_1847 = vector.shape_cast %add3A_1841 : vector<16xi32> to vector<1x16xi32>
    tpu.vector_store %arg9[%swap3A_1843, %swap3A_1844], %swap3A_1847 {strides = array<i32>} : memref<20x128xi32, #tpu.memory_space<vmem>>, vector<1x16xi32>,
    %get3A_1848 = arith.constant 1840 : index
    %get3A_1849 = tpu.vector_load %arg6[%get3A_1848] {strides = array<i32>} : memref<2560xi32, #tpu.memory_space<vmem>>, vector<16xi32>,
    %get3A_1850 = vector.shape_cast %get3A_1849 : vector<16xi32> to vector<16xi32>
    %get3A_1851 = arith.constant 1840 : index
    %get3A_1852 = tpu.vector_load %arg7[%get3A_1851] {strides = array<i32>} : memref<2560xi32, #tpu.memory_space<vmem>>, vector<16xi32>,
    %get3A_1853 = vector.shape_cast %get3A_1852 : vector<16xi32> to vector<16xi32>
    %mul3A_1854 = arith.constant 16 : i32
    %mul3A_1855 = vector.broadcast %mul3A_1854 : i32 to vector<16xi32>
    %mul3A_1856 = arith.muli %get3A_1850, %mul3A_1855 : vector<16xi32>
    %add3A_1857 = arith.addi %mul3A_1856, %get3A_1853 : vector<16xi32>
    %swap3A_1858 = arith.constant 14 : i32
    %swap3A_1859 = arith.index_cast %swap3A_1858 : i32 to index
    %swap3A_1860 = arith.constant 48 : index
    %swap3A_1861 = tpu.vector_load %arg9[%swap3A_1859, %swap3A_1860] {strides = array<i32>} : memref<20x128xi32, #tpu.memory_space<vmem>>, vector<1x16xi32>,
    %swap3A_1862 = vector.shape_cast %swap3A_1861 : vector<1x16xi32> to vector<16xi32>
    %swap3A_1863 = vector.shape_cast %add3A_1857 : vector<16xi32> to vector<1x16xi32>
    tpu.vector_store %arg9[%swap3A_1859, %swap3A_1860], %swap3A_1863 {strides = array<i32>} : memref<20x128xi32, #tpu.memory_space<vmem>>, vector<1x16xi32>,
    %get3A_1864 = arith.constant 1856 : index
    %get3A_1865 = tpu.vector_load %arg6[%get3A_1864] {strides = array<i32>} : memref<2560xi32, #tpu.memory_space<vmem>>, vector<16xi32>,
    %get3A_1866 = vector.shape_cast %get3A_1865 : vector<16xi32> to vector<16xi32>
    %get3A_1867 = arith.constant 1856 : index
    %get3A_1868 = tpu.vector_load %arg7[%get3A_1867] {strides = array<i32>} : memref<2560xi32, #tpu.memory_space<vmem>>, vector<16xi32>,
    %get3A_1869 = vector.shape_cast %get3A_1868 : vector<16xi32> to vector<16xi32>
    %mul3A_1870 = arith.constant 16 : i32
    %mul3A_1871 = vector.broadcast %mul3A_1870 : i32 to vector<16xi32>
    %mul3A_1872 = arith.muli %get3A_1866, %mul3A_1871 : vector<16xi32>
    %add3A_1873 = arith.addi %mul3A_1872, %get3A_1869 : vector<16xi32>
    %swap3A_1874 = arith.constant 14 : i32
    %swap3A_1875 = arith.index_cast %swap3A_1874 : i32 to index
    %swap3A_1876 = arith.constant 64 : index
    %swap3A_1877 = tpu.vector_load %arg9[%swap3A_1875, %swap3A_1876] {strides = array<i32>} : memref<20x128xi32, #tpu.memory_space<vmem>>, vector<1x16xi32>,
    %swap3A_1878 = vector.shape_cast %swap3A_1877 : vector<1x16xi32> to vector<16xi32>
    %swap3A_1879 = vector.shape_cast %add3A_1873 : vector<16xi32> to vector<1x16xi32>
    tpu.vector_store %arg9[%swap3A_1875, %swap3A_1876], %swap3A_1879 {strides = array<i32>} : memref<20x128xi32, #tpu.memory_space<vmem>>, vector<1x16xi32>,
    %get3A_1880 = arith.constant 1872 : index
    %get3A_1881 = tpu.vector_load %arg6[%get3A_1880] {strides = array<i32>} : memref<2560xi32, #tpu.memory_space<vmem>>, vector<16xi32>,
    %get3A_1882 = vector.shape_cast %get3A_1881 : vector<16xi32> to vector<16xi32>
    %get3A_1883 = arith.constant 1872 : index
    %get3A_1884 = tpu.vector_load %arg7[%get3A_1883] {strides = array<i32>} : memref<2560xi32, #tpu.memory_space<vmem>>, vector<16xi32>,
    %get3A_1885 = vector.shape_cast %get3A_1884 : vector<16xi32> to vector<16xi32>
    %mul3A_1886 = arith.constant 16 : i32
    %mul3A_1887 = vector.broadcast %mul3A_1886 : i32 to vector<16xi32>
    %mul3A_1888 = arith.muli %get3A_1882, %mul3A_1887 : vector<16xi32>
    %add3A_1889 = arith.addi %mul3A_1888, %get3A_1885 : vector<16xi32>
    %swap3A_1890 = arith.constant 14 : i32
    %swap3A_1891 = arith.index_cast %swap3A_1890 : i32 to index
    %swap3A_1892 = arith.constant 80 : index
    %swap3A_1893 = tpu.vector_load %arg9[%swap3A_1891, %swap3A_1892] {strides = array<i32>} : memref<20x128xi32, #tpu.memory_space<vmem>>, vector<1x16xi32>,
    %swap3A_1894 = vector.shape_cast %swap3A_1893 : vector<1x16xi32> to vector<16xi32>
    %swap3A_1895 = vector.shape_cast %add3A_1889 : vector<16xi32> to vector<1x16xi32>
    tpu.vector_store %arg9[%swap3A_1891, %swap3A_1892], %swap3A_1895 {strides = array<i32>} : memref<20x128xi32, #tpu.memory_space<vmem>>, vector<1x16xi32>,
    %get3A_1896 = arith.constant 1888 : index
    %get3A_1897 = tpu.vector_load %arg6[%get3A_1896] {strides = array<i32>} : memref<2560xi32, #tpu.memory_space<vmem>>, vector<16xi32>,
    %get3A_1898 = vector.shape_cast %get3A_1897 : vector<16xi32> to vector<16xi32>
    %get3A_1899 = arith.constant 1888 : index
    %get3A_1900 = tpu.vector_load %arg7[%get3A_1899] {strides = array<i32>} : memref<2560xi32, #tpu.memory_space<vmem>>, vector<16xi32>,
    %get3A_1901 = vector.shape_cast %get3A_1900 : vector<16xi32> to vector<16xi32>
    %mul3A_1902 = arith.constant 16 : i32
    %mul3A_1903 = vector.broadcast %mul3A_1902 : i32 to vector<16xi32>
    %mul3A_1904 = arith.muli %get3A_1898, %mul3A_1903 : vector<16xi32>
    %add3A_1905 = arith.addi %mul3A_1904, %get3A_1901 : vector<16xi32>
    %swap3A_1906 = arith.constant 14 : i32
    %swap3A_1907 = arith.index_cast %swap3A_1906 : i32 to index
    %swap3A_1908 = arith.constant 96 : index
    %swap3A_1909 = tpu.vector_load %arg9[%swap3A_1907, %swap3A_1908] {strides = array<i32>} : memref<20x128xi32, #tpu.memory_space<vmem>>, vector<1x16xi32>,
    %swap3A_1910 = vector.shape_cast %swap3A_1909 : vector<1x16xi32> to vector<16xi32>
    %swap3A_1911 = vector.shape_cast %add3A_1905 : vector<16xi32> to vector<1x16xi32>
    tpu.vector_store %arg9[%swap3A_1907, %swap3A_1908], %swap3A_1911 {strides = array<i32>} : memref<20x128xi32, #tpu.memory_space<vmem>>, vector<1x16xi32>,
    %get3A_1912 = arith.constant 1904 : index
    %get3A_1913 = tpu.vector_load %arg6[%get3A_1912] {strides = array<i32>} : memref<2560xi32, #tpu.memory_space<vmem>>, vector<16xi32>,
    %get3A_1914 = vector.shape_cast %get3A_1913 : vector<16xi32> to vector<16xi32>
    %get3A_1915 = arith.constant 1904 : index
    %get3A_1916 = tpu.vector_load %arg7[%get3A_1915] {strides = array<i32>} : memref<2560xi32, #tpu.memory_space<vmem>>, vector<16xi32>,
    %get3A_1917 = vector.shape_cast %get3A_1916 : vector<16xi32> to vector<16xi32>
    %mul3A_1918 = arith.constant 16 : i32
    %mul3A_1919 = vector.broadcast %mul3A_1918 : i32 to vector<16xi32>
    %mul3A_1920 = arith.muli %get3A_1914, %mul3A_1919 : vector<16xi32>
    %add3A_1921 = arith.addi %mul3A_1920, %get3A_1917 : vector<16xi32>
    %swap3A_1922 = arith.constant 14 : i32
    %swap3A_1923 = arith.index_cast %swap3A_1922 : i32 to index
    %swap3A_1924 = arith.constant 112 : index
    %swap3A_1925 = tpu.vector_load %arg9[%swap3A_1923, %swap3A_1924] {strides = array<i32>} : memref<20x128xi32, #tpu.memory_space<vmem>>, vector<1x16xi32>,
    %swap3A_1926 = vector.shape_cast %swap3A_1925 : vector<1x16xi32> to vector<16xi32>
    %swap3A_1927 = vector.shape_cast %add3A_1921 : vector<16xi32> to vector<1x16xi32>
    tpu.vector_store %arg9[%swap3A_1923, %swap3A_1924], %swap3A_1927 {strides = array<i32>} : memref<20x128xi32, #tpu.memory_space<vmem>>, vector<1x16xi32>,
    %get3A_1928 = arith.constant 1920 : index
    %get3A_1929 = tpu.vector_load %arg6[%get3A_1928] {strides = array<i32>} : memref<2560xi32, #tpu.memory_space<vmem>>, vector<16xi32>,
    %get3A_1930 = vector.shape_cast %get3A_1929 : vector<16xi32> to vector<16xi32>
    %get3A_1931 = arith.constant 1920 : index
    %get3A_1932 = tpu.vector_load %arg7[%get3A_1931] {strides = array<i32>} : memref<2560xi32, #tpu.memory_space<vmem>>, vector<16xi32>,
    %get3A_1933 = vector.shape_cast %get3A_1932 : vector<16xi32> to vector<16xi32>
    %mul3A_1934 = arith.constant 16 : i32
    %mul3A_1935 = vector.broadcast %mul3A_1934 : i32 to vector<16xi32>
    %mul3A_1936 = arith.muli %get3A_1930, %mul3A_1935 : vector<16xi32>
    %add3A_1937 = arith.addi %mul3A_1936, %get3A_1933 : vector<16xi32>
    %swap3A_1938 = arith.constant 15 : i32
    %swap3A_1939 = arith.index_cast %swap3A_1938 : i32 to index
    %swap3A_1940 = arith.constant 0 : index
    %swap3A_1941 = tpu.vector_load %arg9[%swap3A_1939, %swap3A_1940] {strides = array<i32>} : memref<20x128xi32, #tpu.memory_space<vmem>>, vector<1x16xi32>,
    %swap3A_1942 = vector.shape_cast %swap3A_1941 : vector<1x16xi32> to vector<16xi32>
    %swap3A_1943 = vector.shape_cast %add3A_1937 : vector<16xi32> to vector<1x16xi32>
    tpu.vector_store %arg9[%swap3A_1939, %swap3A_1940], %swap3A_1943 {strides = array<i32>} : memref<20x128xi32, #tpu.memory_space<vmem>>, vector<1x16xi32>,
    %get3A_1944 = arith.constant 1936 : index
    %get3A_1945 = tpu.vector_load %arg6[%get3A_1944] {strides = array<i32>} : memref<2560xi32, #tpu.memory_space<vmem>>, vector<16xi32>,
    %get3A_1946 = vector.shape_cast %get3A_1945 : vector<16xi32> to vector<16xi32>
    %get3A_1947 = arith.constant 1936 : index
    %get3A_1948 = tpu.vector_load %arg7[%get3A_1947] {strides = array<i32>} : memref<2560xi32, #tpu.memory_space<vmem>>, vector<16xi32>,
    %get3A_1949 = vector.shape_cast %get3A_1948 : vector<16xi32> to vector<16xi32>
    %mul3A_1950 = arith.constant 16 : i32
    %mul3A_1951 = vector.broadcast %mul3A_1950 : i32 to vector<16xi32>
    %mul3A_1952 = arith.muli %get3A_1946, %mul3A_1951 : vector<16xi32>
    %add3A_1953 = arith.addi %mul3A_1952, %get3A_1949 : vector<16xi32>
    %swap3A_1954 = arith.constant 15 : i32
    %swap3A_1955 = arith.index_cast %swap3A_1954 : i32 to index
    %swap3A_1956 = arith.constant 16 : index
    %swap3A_1957 = tpu.vector_load %arg9[%swap3A_1955, %swap3A_1956] {strides = array<i32>} : memref<20x128xi32, #tpu.memory_space<vmem>>, vector<1x16xi32>,
    %swap3A_1958 = vector.shape_cast %swap3A_1957 : vector<1x16xi32> to vector<16xi32>
    %swap3A_1959 = vector.shape_cast %add3A_1953 : vector<16xi32> to vector<1x16xi32>
    tpu.vector_store %arg9[%swap3A_1955, %swap3A_1956], %swap3A_1959 {strides = array<i32>} : memref<20x128xi32, #tpu.memory_space<vmem>>, vector<1x16xi32>,
    %get3A_1960 = arith.constant 1952 : index
    %get3A_1961 = tpu.vector_load %arg6[%get3A_1960] {strides = array<i32>} : memref<2560xi32, #tpu.memory_space<vmem>>, vector<16xi32>,
    %get3A_1962 = vector.shape_cast %get3A_1961 : vector<16xi32> to vector<16xi32>
    %get3A_1963 = arith.constant 1952 : index
    %get3A_1964 = tpu.vector_load %arg7[%get3A_1963] {strides = array<i32>} : memref<2560xi32, #tpu.memory_space<vmem>>, vector<16xi32>,
    %get3A_1965 = vector.shape_cast %get3A_1964 : vector<16xi32> to vector<16xi32>
    %mul3A_1966 = arith.constant 16 : i32
    %mul3A_1967 = vector.broadcast %mul3A_1966 : i32 to vector<16xi32>
    %mul3A_1968 = arith.muli %get3A_1962, %mul3A_1967 : vector<16xi32>
    %add3A_1969 = arith.addi %mul3A_1968, %get3A_1965 : vector<16xi32>
    %swap3A_1970 = arith.constant 15 : i32
    %swap3A_1971 = arith.index_cast %swap3A_1970 : i32 to index
    %swap3A_1972 = arith.constant 32 : index
    %swap3A_1973 = tpu.vector_load %arg9[%swap3A_1971, %swap3A_1972] {strides = array<i32>} : memref<20x128xi32, #tpu.memory_space<vmem>>, vector<1x16xi32>,
    %swap3A_1974 = vector.shape_cast %swap3A_1973 : vector<1x16xi32> to vector<16xi32>
    %swap3A_1975 = vector.shape_cast %add3A_1969 : vector<16xi32> to vector<1x16xi32>
    tpu.vector_store %arg9[%swap3A_1971, %swap3A_1972], %swap3A_1975 {strides = array<i32>} : memref<20x128xi32, #tpu.memory_space<vmem>>, vector<1x16xi32>,
    %get3A_1976 = arith.constant 1968 : index
    %get3A_1977 = tpu.vector_load %arg6[%get3A_1976] {strides = array<i32>} : memref<2560xi32, #tpu.memory_space<vmem>>, vector<16xi32>,
    %get3A_1978 = vector.shape_cast %get3A_1977 : vector<16xi32> to vector<16xi32>
    %get3A_1979 = arith.constant 1968 : index
    %get3A_1980 = tpu.vector_load %arg7[%get3A_1979] {strides = array<i32>} : memref<2560xi32, #tpu.memory_space<vmem>>, vector<16xi32>,
    %get3A_1981 = vector.shape_cast %get3A_1980 : vector<16xi32> to vector<16xi32>
    %mul3A_1982 = arith.constant 16 : i32
    %mul3A_1983 = vector.broadcast %mul3A_1982 : i32 to vector<16xi32>
    %mul3A_1984 = arith.muli %get3A_1978, %mul3A_1983 : vector<16xi32>
    %add3A_1985 = arith.addi %mul3A_1984, %get3A_1981 : vector<16xi32>
    %swap3A_1986 = arith.constant 15 : i32
    %swap3A_1987 = arith.index_cast %swap3A_1986 : i32 to index
    %swap3A_1988 = arith.constant 48 : index
    %swap3A_1989 = tpu.vector_load %arg9[%swap3A_1987, %swap3A_1988] {strides = array<i32>} : memref<20x128xi32, #tpu.memory_space<vmem>>, vector<1x16xi32>,
    %swap3A_1990 = vector.shape_cast %swap3A_1989 : vector<1x16xi32> to vector<16xi32>
    %swap3A_1991 = vector.shape_cast %add3A_1985 : vector<16xi32> to vector<1x16xi32>
    tpu.vector_store %arg9[%swap3A_1987, %swap3A_1988], %swap3A_1991 {strides = array<i32>} : memref<20x128xi32, #tpu.memory_space<vmem>>, vector<1x16xi32>,
    %get3A_1992 = arith.constant 1984 : index
    %get3A_1993 = tpu.vector_load %arg6[%get3A_1992] {strides = array<i32>} : memref<2560xi32, #tpu.memory_space<vmem>>, vector<16xi32>,
    %get3A_1994 = vector.shape_cast %get3A_1993 : vector<16xi32> to vector<16xi32>
    %get3A_1995 = arith.constant 1984 : index
    %get3A_1996 = tpu.vector_load %arg7[%get3A_1995] {strides = array<i32>} : memref<2560xi32, #tpu.memory_space<vmem>>, vector<16xi32>,
    %get3A_1997 = vector.shape_cast %get3A_1996 : vector<16xi32> to vector<16xi32>
    %mul3A_1998 = arith.constant 16 : i32
    %mul3A_1999 = vector.broadcast %mul3A_1998 : i32 to vector<16xi32>
    %mul3A_2000 = arith.muli %get3A_1994, %mul3A_1999 : vector<16xi32>
    %add3A_2001 = arith.addi %mul3A_2000, %get3A_1997 : vector<16xi32>
    %swap3A_2002 = arith.constant 15 : i32
    %swap3A_2003 = arith.index_cast %swap3A_2002 : i32 to index
    %swap3A_2004 = arith.constant 64 : index
    %swap3A_2005 = tpu.vector_load %arg9[%swap3A_2003, %swap3A_2004] {strides = array<i32>} : memref<20x128xi32, #tpu.memory_space<vmem>>, vector<1x16xi32>,
    %swap3A_2006 = vector.shape_cast %swap3A_2005 : vector<1x16xi32> to vector<16xi32>
    %swap3A_2007 = vector.shape_cast %add3A_2001 : vector<16xi32> to vector<1x16xi32>
    tpu.vector_store %arg9[%swap3A_2003, %swap3A_2004], %swap3A_2007 {strides = array<i32>} : memref<20x128xi32, #tpu.memory_space<vmem>>, vector<1x16xi32>,
    %get3A_2008 = arith.constant 2000 : index
    %get3A_2009 = tpu.vector_load %arg6[%get3A_2008] {strides = array<i32>} : memref<2560xi32, #tpu.memory_space<vmem>>, vector<16xi32>,
    %get3A_2010 = vector.shape_cast %get3A_2009 : vector<16xi32> to vector<16xi32>
    %get3A_2011 = arith.constant 2000 : index
    %get3A_2012 = tpu.vector_load %arg7[%get3A_2011] {strides = array<i32>} : memref<2560xi32, #tpu.memory_space<vmem>>, vector<16xi32>,
    %get3A_2013 = vector.shape_cast %get3A_2012 : vector<16xi32> to vector<16xi32>
    %mul3A_2014 = arith.constant 16 : i32
    %mul3A_2015 = vector.broadcast %mul3A_2014 : i32 to vector<16xi32>
    %mul3A_2016 = arith.muli %get3A_2010, %mul3A_2015 : vector<16xi32>
    %add3A_2017 = arith.addi %mul3A_2016, %get3A_2013 : vector<16xi32>
    %swap3A_2018 = arith.constant 15 : i32
    %swap3A_2019 = arith.index_cast %swap3A_2018 : i32 to index
    %swap3A_2020 = arith.constant 80 : index
    %swap3A_2021 = tpu.vector_load %arg9[%swap3A_2019, %swap3A_2020] {strides = array<i32>} : memref<20x128xi32, #tpu.memory_space<vmem>>, vector<1x16xi32>,
    %swap3A_2022 = vector.shape_cast %swap3A_2021 : vector<1x16xi32> to vector<16xi32>
    %swap3A_2023 = vector.shape_cast %add3A_2017 : vector<16xi32> to vector<1x16xi32>
    tpu.vector_store %arg9[%swap3A_2019, %swap3A_2020], %swap3A_2023 {strides = array<i32>} : memref<20x128xi32, #tpu.memory_space<vmem>>, vector<1x16xi32>,
    %get3A_2024 = arith.constant 2016 : index
    %get3A_2025 = tpu.vector_load %arg6[%get3A_2024] {strides = array<i32>} : memref<2560xi32, #tpu.memory_space<vmem>>, vector<16xi32>,
    %get3A_2026 = vector.shape_cast %get3A_2025 : vector<16xi32> to vector<16xi32>
    %get3A_2027 = arith.constant 2016 : index
    %get3A_2028 = tpu.vector_load %arg7[%get3A_2027] {strides = array<i32>} : memref<2560xi32, #tpu.memory_space<vmem>>, vector<16xi32>,
    %get3A_2029 = vector.shape_cast %get3A_2028 : vector<16xi32> to vector<16xi32>
    %mul3A_2030 = arith.constant 16 : i32
    %mul3A_2031 = vector.broadcast %mul3A_2030 : i32 to vector<16xi32>
    %mul3A_2032 = arith.muli %get3A_2026, %mul3A_2031 : vector<16xi32>
    %add3A_2033 = arith.addi %mul3A_2032, %get3A_2029 : vector<16xi32>
    %swap3A_2034 = arith.constant 15 : i32
    %swap3A_2035 = arith.index_cast %swap3A_2034 : i32 to index
    %swap3A_2036 = arith.constant 96 : index
    %swap3A_2037 = tpu.vector_load %arg9[%swap3A_2035, %swap3A_2036] {strides = array<i32>} : memref<20x128xi32, #tpu.memory_space<vmem>>, vector<1x16xi32>,
    %swap3A_2038 = vector.shape_cast %swap3A_2037 : vector<1x16xi32> to vector<16xi32>
    %swap3A_2039 = vector.shape_cast %add3A_2033 : vector<16xi32> to vector<1x16xi32>
    tpu.vector_store %arg9[%swap3A_2035, %swap3A_2036], %swap3A_2039 {strides = array<i32>} : memref<20x128xi32, #tpu.memory_space<vmem>>, vector<1x16xi32>,
    %get3A_2040 = arith.constant 2032 : index
    %get3A_2041 = tpu.vector_load %arg6[%get3A_2040] {strides = array<i32>} : memref<2560xi32, #tpu.memory_space<vmem>>, vector<16xi32>,
    %get3A_2042 = vector.shape_cast %get3A_2041 : vector<16xi32> to vector<16xi32>
    %get3A_2043 = arith.constant 2032 : index
    %get3A_2044 = tpu.vector_load %arg7[%get3A_2043] {strides = array<i32>} : memref<2560xi32, #tpu.memory_space<vmem>>, vector<16xi32>,
    %get3A_2045 = vector.shape_cast %get3A_2044 : vector<16xi32> to vector<16xi32>
    %mul3A_2046 = arith.constant 16 : i32
    %mul3A_2047 = vector.broadcast %mul3A_2046 : i32 to vector<16xi32>
    %mul3A_2048 = arith.muli %get3A_2042, %mul3A_2047 : vector<16xi32>
    %add3A_2049 = arith.addi %mul3A_2048, %get3A_2045 : vector<16xi32>
    %swap3A_2050 = arith.constant 15 : i32
    %swap3A_2051 = arith.index_cast %swap3A_2050 : i32 to index
    %swap3A_2052 = arith.constant 112 : index
    %swap3A_2053 = tpu.vector_load %arg9[%swap3A_2051, %swap3A_2052] {strides = array<i32>} : memref<20x128xi32, #tpu.memory_space<vmem>>, vector<1x16xi32>,
    %swap3A_2054 = vector.shape_cast %swap3A_2053 : vector<1x16xi32> to vector<16xi32>
    %swap3A_2055 = vector.shape_cast %add3A_2049 : vector<16xi32> to vector<1x16xi32>
    tpu.vector_store %arg9[%swap3A_2051, %swap3A_2052], %swap3A_2055 {strides = array<i32>} : memref<20x128xi32, #tpu.memory_space<vmem>>, vector<1x16xi32>,
    %get3A_2056 = arith.constant 2048 : index
    %get3A_2057 = tpu.vector_load %arg6[%get3A_2056] {strides = array<i32>} : memref<2560xi32, #tpu.memory_space<vmem>>, vector<16xi32>,
    %get3A_2058 = vector.shape_cast %get3A_2057 : vector<16xi32> to vector<16xi32>
    %get3A_2059 = arith.constant 2048 : index
    %get3A_2060 = tpu.vector_load %arg7[%get3A_2059] {strides = array<i32>} : memref<2560xi32, #tpu.memory_space<vmem>>, vector<16xi32>,
    %get3A_2061 = vector.shape_cast %get3A_2060 : vector<16xi32> to vector<16xi32>
    %mul3A_2062 = arith.constant 16 : i32
    %mul3A_2063 = vector.broadcast %mul3A_2062 : i32 to vector<16xi32>
    %mul3A_2064 = arith.muli %get3A_2058, %mul3A_2063 : vector<16xi32>
    %add3A_2065 = arith.addi %mul3A_2064, %get3A_2061 : vector<16xi32>
    %swap3A_2066 = arith.constant 16 : i32
    %swap3A_2067 = arith.index_cast %swap3A_2066 : i32 to index
    %swap3A_2068 = arith.constant 0 : index
    %swap3A_2069 = tpu.vector_load %arg9[%swap3A_2067, %swap3A_2068] {strides = array<i32>} : memref<20x128xi32, #tpu.memory_space<vmem>>, vector<1x16xi32>,
    %swap3A_2070 = vector.shape_cast %swap3A_2069 : vector<1x16xi32> to vector<16xi32>
    %swap3A_2071 = vector.shape_cast %add3A_2065 : vector<16xi32> to vector<1x16xi32>
    tpu.vector_store %arg9[%swap3A_2067, %swap3A_2068], %swap3A_2071 {strides = array<i32>} : memref<20x128xi32, #tpu.memory_space<vmem>>, vector<1x16xi32>,
    %get3A_2072 = arith.constant 2064 : index
    %get3A_2073 = tpu.vector_load %arg6[%get3A_2072] {strides = array<i32>} : memref<2560xi32, #tpu.memory_space<vmem>>, vector<16xi32>,
    %get3A_2074 = vector.shape_cast %get3A_2073 : vector<16xi32> to vector<16xi32>
    %get3A_2075 = arith.constant 2064 : index
    %get3A_2076 = tpu.vector_load %arg7[%get3A_2075] {strides = array<i32>} : memref<2560xi32, #tpu.memory_space<vmem>>, vector<16xi32>,
    %get3A_2077 = vector.shape_cast %get3A_2076 : vector<16xi32> to vector<16xi32>
    %mul3A_2078 = arith.constant 16 : i32
    %mul3A_2079 = vector.broadcast %mul3A_2078 : i32 to vector<16xi32>
    %mul3A_2080 = arith.muli %get3A_2074, %mul3A_2079 : vector<16xi32>
    %add3A_2081 = arith.addi %mul3A_2080, %get3A_2077 : vector<16xi32>
    %swap3A_2082 = arith.constant 16 : i32
    %swap3A_2083 = arith.index_cast %swap3A_2082 : i32 to index
    %swap3A_2084 = arith.constant 16 : index
    %swap3A_2085 = tpu.vector_load %arg9[%swap3A_2083, %swap3A_2084] {strides = array<i32>} : memref<20x128xi32, #tpu.memory_space<vmem>>, vector<1x16xi32>,
    %swap3A_2086 = vector.shape_cast %swap3A_2085 : vector<1x16xi32> to vector<16xi32>
    %swap3A_2087 = vector.shape_cast %add3A_2081 : vector<16xi32> to vector<1x16xi32>
    tpu.vector_store %arg9[%swap3A_2083, %swap3A_2084], %swap3A_2087 {strides = array<i32>} : memref<20x128xi32, #tpu.memory_space<vmem>>, vector<1x16xi32>,
    %get3A_2088 = arith.constant 2080 : index
    %get3A_2089 = tpu.vector_load %arg6[%get3A_2088] {strides = array<i32>} : memref<2560xi32, #tpu.memory_space<vmem>>, vector<16xi32>,
    %get3A_2090 = vector.shape_cast %get3A_2089 : vector<16xi32> to vector<16xi32>
    %get3A_2091 = arith.constant 2080 : index
    %get3A_2092 = tpu.vector_load %arg7[%get3A_2091] {strides = array<i32>} : memref<2560xi32, #tpu.memory_space<vmem>>, vector<16xi32>,
    %get3A_2093 = vector.shape_cast %get3A_2092 : vector<16xi32> to vector<16xi32>
    %mul3A_2094 = arith.constant 16 : i32
    %mul3A_2095 = vector.broadcast %mul3A_2094 : i32 to vector<16xi32>
    %mul3A_2096 = arith.muli %get3A_2090, %mul3A_2095 : vector<16xi32>
    %add3A_2097 = arith.addi %mul3A_2096, %get3A_2093 : vector<16xi32>
    %swap3A_2098 = arith.constant 16 : i32
    %swap3A_2099 = arith.index_cast %swap3A_2098 : i32 to index
    %swap3A_2100 = arith.constant 32 : index
    %swap3A_2101 = tpu.vector_load %arg9[%swap3A_2099, %swap3A_2100] {strides = array<i32>} : memref<20x128xi32, #tpu.memory_space<vmem>>, vector<1x16xi32>,
    %swap3A_2102 = vector.shape_cast %swap3A_2101 : vector<1x16xi32> to vector<16xi32>
    %swap3A_2103 = vector.shape_cast %add3A_2097 : vector<16xi32> to vector<1x16xi32>
    tpu.vector_store %arg9[%swap3A_2099, %swap3A_2100], %swap3A_2103 {strides = array<i32>} : memref<20x128xi32, #tpu.memory_space<vmem>>, vector<1x16xi32>,
    %get3A_2104 = arith.constant 2096 : index
    %get3A_2105 = tpu.vector_load %arg6[%get3A_2104] {strides = array<i32>} : memref<2560xi32, #tpu.memory_space<vmem>>, vector<16xi32>,
    %get3A_2106 = vector.shape_cast %get3A_2105 : vector<16xi32> to vector<16xi32>
    %get3A_2107 = arith.constant 2096 : index
    %get3A_2108 = tpu.vector_load %arg7[%get3A_2107] {strides = array<i32>} : memref<2560xi32, #tpu.memory_space<vmem>>, vector<16xi32>,
    %get3A_2109 = vector.shape_cast %get3A_2108 : vector<16xi32> to vector<16xi32>
    %mul3A_2110 = arith.constant 16 : i32
    %mul3A_2111 = vector.broadcast %mul3A_2110 : i32 to vector<16xi32>
    %mul3A_2112 = arith.muli %get3A_2106, %mul3A_2111 : vector<16xi32>
    %add3A_2113 = arith.addi %mul3A_2112, %get3A_2109 : vector<16xi32>
    %swap3A_2114 = arith.constant 16 : i32
    %swap3A_2115 = arith.index_cast %swap3A_2114 : i32 to index
    %swap3A_2116 = arith.constant 48 : index
    %swap3A_2117 = tpu.vector_load %arg9[%swap3A_2115, %swap3A_2116] {strides = array<i32>} : memref<20x128xi32, #tpu.memory_space<vmem>>, vector<1x16xi32>,
    %swap3A_2118 = vector.shape_cast %swap3A_2117 : vector<1x16xi32> to vector<16xi32>
    %swap3A_2119 = vector.shape_cast %add3A_2113 : vector<16xi32> to vector<1x16xi32>
    tpu.vector_store %arg9[%swap3A_2115, %swap3A_2116], %swap3A_2119 {strides = array<i32>} : memref<20x128xi32, #tpu.memory_space<vmem>>, vector<1x16xi32>,
    %get3A_2120 = arith.constant 2112 : index
    %get3A_2121 = tpu.vector_load %arg6[%get3A_2120] {strides = array<i32>} : memref<2560xi32, #tpu.memory_space<vmem>>, vector<16xi32>,
    %get3A_2122 = vector.shape_cast %get3A_2121 : vector<16xi32> to vector<16xi32>
    %get3A_2123 = arith.constant 2112 : index
    %get3A_2124 = tpu.vector_load %arg7[%get3A_2123] {strides = array<i32>} : memref<2560xi32, #tpu.memory_space<vmem>>, vector<16xi32>,
    %get3A_2125 = vector.shape_cast %get3A_2124 : vector<16xi32> to vector<16xi32>
    %mul3A_2126 = arith.constant 16 : i32
    %mul3A_2127 = vector.broadcast %mul3A_2126 : i32 to vector<16xi32>
    %mul3A_2128 = arith.muli %get3A_2122, %mul3A_2127 : vector<16xi32>
    %add3A_2129 = arith.addi %mul3A_2128, %get3A_2125 : vector<16xi32>
    %swap3A_2130 = arith.constant 16 : i32
    %swap3A_2131 = arith.index_cast %swap3A_2130 : i32 to index
    %swap3A_2132 = arith.constant 64 : index
    %swap3A_2133 = tpu.vector_load %arg9[%swap3A_2131, %swap3A_2132] {strides = array<i32>} : memref<20x128xi32, #tpu.memory_space<vmem>>, vector<1x16xi32>,
    %swap3A_2134 = vector.shape_cast %swap3A_2133 : vector<1x16xi32> to vector<16xi32>
    %swap3A_2135 = vector.shape_cast %add3A_2129 : vector<16xi32> to vector<1x16xi32>
    tpu.vector_store %arg9[%swap3A_2131, %swap3A_2132], %swap3A_2135 {strides = array<i32>} : memref<20x128xi32, #tpu.memory_space<vmem>>, vector<1x16xi32>,
    %get3A_2136 = arith.constant 2128 : index
    %get3A_2137 = tpu.vector_load %arg6[%get3A_2136] {strides = array<i32>} : memref<2560xi32, #tpu.memory_space<vmem>>, vector<16xi32>,
    %get3A_2138 = vector.shape_cast %get3A_2137 : vector<16xi32> to vector<16xi32>
    %get3A_2139 = arith.constant 2128 : index
    %get3A_2140 = tpu.vector_load %arg7[%get3A_2139] {strides = array<i32>} : memref<2560xi32, #tpu.memory_space<vmem>>, vector<16xi32>,
    %get3A_2141 = vector.shape_cast %get3A_2140 : vector<16xi32> to vector<16xi32>
    %mul3A_2142 = arith.constant 16 : i32
    %mul3A_2143 = vector.broadcast %mul3A_2142 : i32 to vector<16xi32>
    %mul3A_2144 = arith.muli %get3A_2138, %mul3A_2143 : vector<16xi32>
    %add3A_2145 = arith.addi %mul3A_2144, %get3A_2141 : vector<16xi32>
    %swap3A_2146 = arith.constant 16 : i32
    %swap3A_2147 = arith.index_cast %swap3A_2146 : i32 to index
    %swap3A_2148 = arith.constant 80 : index
    %swap3A_2149 = tpu.vector_load %arg9[%swap3A_2147, %swap3A_2148] {strides = array<i32>} : memref<20x128xi32, #tpu.memory_space<vmem>>, vector<1x16xi32>,
    %swap3A_2150 = vector.shape_cast %swap3A_2149 : vector<1x16xi32> to vector<16xi32>
    %swap3A_2151 = vector.shape_cast %add3A_2145 : vector<16xi32> to vector<1x16xi32>
    tpu.vector_store %arg9[%swap3A_2147, %swap3A_2148], %swap3A_2151 {strides = array<i32>} : memref<20x128xi32, #tpu.memory_space<vmem>>, vector<1x16xi32>,
    %get3A_2152 = arith.constant 2144 : index
    %get3A_2153 = tpu.vector_load %arg6[%get3A_2152] {strides = array<i32>} : memref<2560xi32, #tpu.memory_space<vmem>>, vector<16xi32>,
    %get3A_2154 = vector.shape_cast %get3A_2153 : vector<16xi32> to vector<16xi32>
    %get3A_2155 = arith.constant 2144 : index
    %get3A_2156 = tpu.vector_load %arg7[%get3A_2155] {strides = array<i32>} : memref<2560xi32, #tpu.memory_space<vmem>>, vector<16xi32>,
    %get3A_2157 = vector.shape_cast %get3A_2156 : vector<16xi32> to vector<16xi32>
    %mul3A_2158 = arith.constant 16 : i32
    %mul3A_2159 = vector.broadcast %mul3A_2158 : i32 to vector<16xi32>
    %mul3A_2160 = arith.muli %get3A_2154, %mul3A_2159 : vector<16xi32>
    %add3A_2161 = arith.addi %mul3A_2160, %get3A_2157 : vector<16xi32>
    %swap3A_2162 = arith.constant 16 : i32
    %swap3A_2163 = arith.index_cast %swap3A_2162 : i32 to index
    %swap3A_2164 = arith.constant 96 : index
    %swap3A_2165 = tpu.vector_load %arg9[%swap3A_2163, %swap3A_2164] {strides = array<i32>} : memref<20x128xi32, #tpu.memory_space<vmem>>, vector<1x16xi32>,
    %swap3A_2166 = vector.shape_cast %swap3A_2165 : vector<1x16xi32> to vector<16xi32>
    %swap3A_2167 = vector.shape_cast %add3A_2161 : vector<16xi32> to vector<1x16xi32>
    tpu.vector_store %arg9[%swap3A_2163, %swap3A_2164], %swap3A_2167 {strides = array<i32>} : memref<20x128xi32, #tpu.memory_space<vmem>>, vector<1x16xi32>,
    %get3A_2168 = arith.constant 2160 : index
    %get3A_2169 = tpu.vector_load %arg6[%get3A_2168] {strides = array<i32>} : memref<2560xi32, #tpu.memory_space<vmem>>, vector<16xi32>,
    %get3A_2170 = vector.shape_cast %get3A_2169 : vector<16xi32> to vector<16xi32>
    %get3A_2171 = arith.constant 2160 : index
    %get3A_2172 = tpu.vector_load %arg7[%get3A_2171] {strides = array<i32>} : memref<2560xi32, #tpu.memory_space<vmem>>, vector<16xi32>,
    %get3A_2173 = vector.shape_cast %get3A_2172 : vector<16xi32> to vector<16xi32>
    %mul3A_2174 = arith.constant 16 : i32
    %mul3A_2175 = vector.broadcast %mul3A_2174 : i32 to vector<16xi32>
    %mul3A_2176 = arith.muli %get3A_2170, %mul3A_2175 : vector<16xi32>
    %add3A_2177 = arith.addi %mul3A_2176, %get3A_2173 : vector<16xi32>
    %swap3A_2178 = arith.constant 16 : i32
    %swap3A_2179 = arith.index_cast %swap3A_2178 : i32 to index
    %swap3A_2180 = arith.constant 112 : index
    %swap3A_2181 = tpu.vector_load %arg9[%swap3A_2179, %swap3A_2180] {strides = array<i32>} : memref<20x128xi32, #tpu.memory_space<vmem>>, vector<1x16xi32>,
    %swap3A_2182 = vector.shape_cast %swap3A_2181 : vector<1x16xi32> to vector<16xi32>
    %swap3A_2183 = vector.shape_cast %add3A_2177 : vector<16xi32> to vector<1x16xi32>
    tpu.vector_store %arg9[%swap3A_2179, %swap3A_2180], %swap3A_2183 {strides = array<i32>} : memref<20x128xi32, #tpu.memory_space<vmem>>, vector<1x16xi32>,
    %get3A_2184 = arith.constant 2176 : index
    %get3A_2185 = tpu.vector_load %arg6[%get3A_2184] {strides = array<i32>} : memref<2560xi32, #tpu.memory_space<vmem>>, vector<16xi32>,
    %get3A_2186 = vector.shape_cast %get3A_2185 : vector<16xi32> to vector<16xi32>
    %get3A_2187 = arith.constant 2176 : index
    %get3A_2188 = tpu.vector_load %arg7[%get3A_2187] {strides = array<i32>} : memref<2560xi32, #tpu.memory_space<vmem>>, vector<16xi32>,
    %get3A_2189 = vector.shape_cast %get3A_2188 : vector<16xi32> to vector<16xi32>
    %mul3A_2190 = arith.constant 16 : i32
    %mul3A_2191 = vector.broadcast %mul3A_2190 : i32 to vector<16xi32>
    %mul3A_2192 = arith.muli %get3A_2186, %mul3A_2191 : vector<16xi32>
    %add3A_2193 = arith.addi %mul3A_2192, %get3A_2189 : vector<16xi32>
    %swap3A_2194 = arith.constant 17 : i32
    %swap3A_2195 = arith.index_cast %swap3A_2194 : i32 to index
    %swap3A_2196 = arith.constant 0 : index
    %swap3A_2197 = tpu.vector_load %arg9[%swap3A_2195, %swap3A_2196] {strides = array<i32>} : memref<20x128xi32, #tpu.memory_space<vmem>>, vector<1x16xi32>,
    %swap3A_2198 = vector.shape_cast %swap3A_2197 : vector<1x16xi32> to vector<16xi32>
    %swap3A_2199 = vector.shape_cast %add3A_2193 : vector<16xi32> to vector<1x16xi32>
    tpu.vector_store %arg9[%swap3A_2195, %swap3A_2196], %swap3A_2199 {strides = array<i32>} : memref<20x128xi32, #tpu.memory_space<vmem>>, vector<1x16xi32>,
    %get3A_2200 = arith.constant 2192 : index
    %get3A_2201 = tpu.vector_load %arg6[%get3A_2200] {strides = array<i32>} : memref<2560xi32, #tpu.memory_space<vmem>>, vector<16xi32>,
    %get3A_2202 = vector.shape_cast %get3A_2201 : vector<16xi32> to vector<16xi32>
    %get3A_2203 = arith.constant 2192 : index
    %get3A_2204 = tpu.vector_load %arg7[%get3A_2203] {strides = array<i32>} : memref<2560xi32, #tpu.memory_space<vmem>>, vector<16xi32>,
    %get3A_2205 = vector.shape_cast %get3A_2204 : vector<16xi32> to vector<16xi32>
    %mul3A_2206 = arith.constant 16 : i32
    %mul3A_2207 = vector.broadcast %mul3A_2206 : i32 to vector<16xi32>
    %mul3A_2208 = arith.muli %get3A_2202, %mul3A_2207 : vector<16xi32>
    %add3A_2209 = arith.addi %mul3A_2208, %get3A_2205 : vector<16xi32>
    %swap3A_2210 = arith.constant 17 : i32
    %swap3A_2211 = arith.index_cast %swap3A_2210 : i32 to index
    %swap3A_2212 = arith.constant 16 : index
    %swap3A_2213 = tpu.vector_load %arg9[%swap3A_2211, %swap3A_2212] {strides = array<i32>} : memref<20x128xi32, #tpu.memory_space<vmem>>, vector<1x16xi32>,
    %swap3A_2214 = vector.shape_cast %swap3A_2213 : vector<1x16xi32> to vector<16xi32>
    %swap3A_2215 = vector.shape_cast %add3A_2209 : vector<16xi32> to vector<1x16xi32>
    tpu.vector_store %arg9[%swap3A_2211, %swap3A_2212], %swap3A_2215 {strides = array<i32>} : memref<20x128xi32, #tpu.memory_space<vmem>>, vector<1x16xi32>,
    %get3A_2216 = arith.constant 2208 : index
    %get3A_2217 = tpu.vector_load %arg6[%get3A_2216] {strides = array<i32>} : memref<2560xi32, #tpu.memory_space<vmem>>, vector<16xi32>,
    %get3A_2218 = vector.shape_cast %get3A_2217 : vector<16xi32> to vector<16xi32>
    %get3A_2219 = arith.constant 2208 : index
    %get3A_2220 = tpu.vector_load %arg7[%get3A_2219] {strides = array<i32>} : memref<2560xi32, #tpu.memory_space<vmem>>, vector<16xi32>,
    %get3A_2221 = vector.shape_cast %get3A_2220 : vector<16xi32> to vector<16xi32>
    %mul3A_2222 = arith.constant 16 : i32
    %mul3A_2223 = vector.broadcast %mul3A_2222 : i32 to vector<16xi32>
    %mul3A_2224 = arith.muli %get3A_2218, %mul3A_2223 : vector<16xi32>
    %add3A_2225 = arith.addi %mul3A_2224, %get3A_2221 : vector<16xi32>
    %swap3A_2226 = arith.constant 17 : i32
    %swap3A_2227 = arith.index_cast %swap3A_2226 : i32 to index
    %swap3A_2228 = arith.constant 32 : index
    %swap3A_2229 = tpu.vector_load %arg9[%swap3A_2227, %swap3A_2228] {strides = array<i32>} : memref<20x128xi32, #tpu.memory_space<vmem>>, vector<1x16xi32>,
    %swap3A_2230 = vector.shape_cast %swap3A_2229 : vector<1x16xi32> to vector<16xi32>
    %swap3A_2231 = vector.shape_cast %add3A_2225 : vector<16xi32> to vector<1x16xi32>
    tpu.vector_store %arg9[%swap3A_2227, %swap3A_2228], %swap3A_2231 {strides = array<i32>} : memref<20x128xi32, #tpu.memory_space<vmem>>, vector<1x16xi32>,
    %get3A_2232 = arith.constant 2224 : index
    %get3A_2233 = tpu.vector_load %arg6[%get3A_2232] {strides = array<i32>} : memref<2560xi32, #tpu.memory_space<vmem>>, vector<16xi32>,
    %get3A_2234 = vector.shape_cast %get3A_2233 : vector<16xi32> to vector<16xi32>
    %get3A_2235 = arith.constant 2224 : index
    %get3A_2236 = tpu.vector_load %arg7[%get3A_2235] {strides = array<i32>} : memref<2560xi32, #tpu.memory_space<vmem>>, vector<16xi32>,
    %get3A_2237 = vector.shape_cast %get3A_2236 : vector<16xi32> to vector<16xi32>
    %mul3A_2238 = arith.constant 16 : i32
    %mul3A_2239 = vector.broadcast %mul3A_2238 : i32 to vector<16xi32>
    %mul3A_2240 = arith.muli %get3A_2234, %mul3A_2239 : vector<16xi32>
    %add3A_2241 = arith.addi %mul3A_2240, %get3A_2237 : vector<16xi32>
    %swap3A_2242 = arith.constant 17 : i32
    %swap3A_2243 = arith.index_cast %swap3A_2242 : i32 to index
    %swap3A_2244 = arith.constant 48 : index
    %swap3A_2245 = tpu.vector_load %arg9[%swap3A_2243, %swap3A_2244] {strides = array<i32>} : memref<20x128xi32, #tpu.memory_space<vmem>>, vector<1x16xi32>,
    %swap3A_2246 = vector.shape_cast %swap3A_2245 : vector<1x16xi32> to vector<16xi32>
    %swap3A_2247 = vector.shape_cast %add3A_2241 : vector<16xi32> to vector<1x16xi32>
    tpu.vector_store %arg9[%swap3A_2243, %swap3A_2244], %swap3A_2247 {strides = array<i32>} : memref<20x128xi32, #tpu.memory_space<vmem>>, vector<1x16xi32>,
    %get3A_2248 = arith.constant 2240 : index
    %get3A_2249 = tpu.vector_load %arg6[%get3A_2248] {strides = array<i32>} : memref<2560xi32, #tpu.memory_space<vmem>>, vector<16xi32>,
    %get3A_2250 = vector.shape_cast %get3A_2249 : vector<16xi32> to vector<16xi32>
    %get3A_2251 = arith.constant 2240 : index
    %get3A_2252 = tpu.vector_load %arg7[%get3A_2251] {strides = array<i32>} : memref<2560xi32, #tpu.memory_space<vmem>>, vector<16xi32>,
    %get3A_2253 = vector.shape_cast %get3A_2252 : vector<16xi32> to vector<16xi32>
    %mul3A_2254 = arith.constant 16 : i32
    %mul3A_2255 = vector.broadcast %mul3A_2254 : i32 to vector<16xi32>
    %mul3A_2256 = arith.muli %get3A_2250, %mul3A_2255 : vector<16xi32>
    %add3A_2257 = arith.addi %mul3A_2256, %get3A_2253 : vector<16xi32>
    %swap3A_2258 = arith.constant 17 : i32
    %swap3A_2259 = arith.index_cast %swap3A_2258 : i32 to index
    %swap3A_2260 = arith.constant 64 : index
    %swap3A_2261 = tpu.vector_load %arg9[%swap3A_2259, %swap3A_2260] {strides = array<i32>} : memref<20x128xi32, #tpu.memory_space<vmem>>, vector<1x16xi32>,
    %swap3A_2262 = vector.shape_cast %swap3A_2261 : vector<1x16xi32> to vector<16xi32>
    %swap3A_2263 = vector.shape_cast %add3A_2257 : vector<16xi32> to vector<1x16xi32>
    tpu.vector_store %arg9[%swap3A_2259, %swap3A_2260], %swap3A_2263 {strides = array<i32>} : memref<20x128xi32, #tpu.memory_space<vmem>>, vector<1x16xi32>,
    %get3A_2264 = arith.constant 2256 : index
    %get3A_2265 = tpu.vector_load %arg6[%get3A_2264] {strides = array<i32>} : memref<2560xi32, #tpu.memory_space<vmem>>, vector<16xi32>,
    %get3A_2266 = vector.shape_cast %get3A_2265 : vector<16xi32> to vector<16xi32>
    %get3A_2267 = arith.constant 2256 : index
    %get3A_2268 = tpu.vector_load %arg7[%get3A_2267] {strides = array<i32>} : memref<2560xi32, #tpu.memory_space<vmem>>, vector<16xi32>,
    %get3A_2269 = vector.shape_cast %get3A_2268 : vector<16xi32> to vector<16xi32>
    %mul3A_2270 = arith.constant 16 : i32
    %mul3A_2271 = vector.broadcast %mul3A_2270 : i32 to vector<16xi32>
    %mul3A_2272 = arith.muli %get3A_2266, %mul3A_2271 : vector<16xi32>
    %add3A_2273 = arith.addi %mul3A_2272, %get3A_2269 : vector<16xi32>
    %swap3A_2274 = arith.constant 17 : i32
    %swap3A_2275 = arith.index_cast %swap3A_2274 : i32 to index
    %swap3A_2276 = arith.constant 80 : index
    %swap3A_2277 = tpu.vector_load %arg9[%swap3A_2275, %swap3A_2276] {strides = array<i32>} : memref<20x128xi32, #tpu.memory_space<vmem>>, vector<1x16xi32>,
    %swap3A_2278 = vector.shape_cast %swap3A_2277 : vector<1x16xi32> to vector<16xi32>
    %swap3A_2279 = vector.shape_cast %add3A_2273 : vector<16xi32> to vector<1x16xi32>
    tpu.vector_store %arg9[%swap3A_2275, %swap3A_2276], %swap3A_2279 {strides = array<i32>} : memref<20x128xi32, #tpu.memory_space<vmem>>, vector<1x16xi32>,
    %get3A_2280 = arith.constant 2272 : index
    %get3A_2281 = tpu.vector_load %arg6[%get3A_2280] {strides = array<i32>} : memref<2560xi32, #tpu.memory_space<vmem>>, vector<16xi32>,
    %get3A_2282 = vector.shape_cast %get3A_2281 : vector<16xi32> to vector<16xi32>
    %get3A_2283 = arith.constant 2272 : index
    %get3A_2284 = tpu.vector_load %arg7[%get3A_2283] {strides = array<i32>} : memref<2560xi32, #tpu.memory_space<vmem>>, vector<16xi32>,
    %get3A_2285 = vector.shape_cast %get3A_2284 : vector<16xi32> to vector<16xi32>
    %mul3A_2286 = arith.constant 16 : i32
    %mul3A_2287 = vector.broadcast %mul3A_2286 : i32 to vector<16xi32>
    %mul3A_2288 = arith.muli %get3A_2282, %mul3A_2287 : vector<16xi32>
    %add3A_2289 = arith.addi %mul3A_2288, %get3A_2285 : vector<16xi32>
    %swap3A_2290 = arith.constant 17 : i32
    %swap3A_2291 = arith.index_cast %swap3A_2290 : i32 to index
    %swap3A_2292 = arith.constant 96 : index
    %swap3A_2293 = tpu.vector_load %arg9[%swap3A_2291, %swap3A_2292] {strides = array<i32>} : memref<20x128xi32, #tpu.memory_space<vmem>>, vector<1x16xi32>,
    %swap3A_2294 = vector.shape_cast %swap3A_2293 : vector<1x16xi32> to vector<16xi32>
    %swap3A_2295 = vector.shape_cast %add3A_2289 : vector<16xi32> to vector<1x16xi32>
    tpu.vector_store %arg9[%swap3A_2291, %swap3A_2292], %swap3A_2295 {strides = array<i32>} : memref<20x128xi32, #tpu.memory_space<vmem>>, vector<1x16xi32>,
    %get3A_2296 = arith.constant 2288 : index
    %get3A_2297 = tpu.vector_load %arg6[%get3A_2296] {strides = array<i32>} : memref<2560xi32, #tpu.memory_space<vmem>>, vector<16xi32>,
    %get3A_2298 = vector.shape_cast %get3A_2297 : vector<16xi32> to vector<16xi32>
    %get3A_2299 = arith.constant 2288 : index
    %get3A_2300 = tpu.vector_load %arg7[%get3A_2299] {strides = array<i32>} : memref<2560xi32, #tpu.memory_space<vmem>>, vector<16xi32>,
    %get3A_2301 = vector.shape_cast %get3A_2300 : vector<16xi32> to vector<16xi32>
    %mul3A_2302 = arith.constant 16 : i32
    %mul3A_2303 = vector.broadcast %mul3A_2302 : i32 to vector<16xi32>
    %mul3A_2304 = arith.muli %get3A_2298, %mul3A_2303 : vector<16xi32>
    %add3A_2305 = arith.addi %mul3A_2304, %get3A_2301 : vector<16xi32>
    %swap3A_2306 = arith.constant 17 : i32
    %swap3A_2307 = arith.index_cast %swap3A_2306 : i32 to index
    %swap3A_2308 = arith.constant 112 : index
    %swap3A_2309 = tpu.vector_load %arg9[%swap3A_2307, %swap3A_2308] {strides = array<i32>} : memref<20x128xi32, #tpu.memory_space<vmem>>, vector<1x16xi32>,
    %swap3A_2310 = vector.shape_cast %swap3A_2309 : vector<1x16xi32> to vector<16xi32>
    %swap3A_2311 = vector.shape_cast %add3A_2305 : vector<16xi32> to vector<1x16xi32>
    tpu.vector_store %arg9[%swap3A_2307, %swap3A_2308], %swap3A_2311 {strides = array<i32>} : memref<20x128xi32, #tpu.memory_space<vmem>>, vector<1x16xi32>,
    %get3A_2312 = arith.constant 2304 : index
    %get3A_2313 = tpu.vector_load %arg6[%get3A_2312] {strides = array<i32>} : memref<2560xi32, #tpu.memory_space<vmem>>, vector<16xi32>,
    %get3A_2314 = vector.shape_cast %get3A_2313 : vector<16xi32> to vector<16xi32>
    %get3A_2315 = arith.constant 2304 : index
    %get3A_2316 = tpu.vector_load %arg7[%get3A_2315] {strides = array<i32>} : memref<2560xi32, #tpu.memory_space<vmem>>, vector<16xi32>,
    %get3A_2317 = vector.shape_cast %get3A_2316 : vector<16xi32> to vector<16xi32>
    %mul3A_2318 = arith.constant 16 : i32
    %mul3A_2319 = vector.broadcast %mul3A_2318 : i32 to vector<16xi32>
    %mul3A_2320 = arith.muli %get3A_2314, %mul3A_2319 : vector<16xi32>
    %add3A_2321 = arith.addi %mul3A_2320, %get3A_2317 : vector<16xi32>
    %swap3A_2322 = arith.constant 18 : i32
    %swap3A_2323 = arith.index_cast %swap3A_2322 : i32 to index
    %swap3A_2324 = arith.constant 0 : index
    %swap3A_2325 = tpu.vector_load %arg9[%swap3A_2323, %swap3A_2324] {strides = array<i32>} : memref<20x128xi32, #tpu.memory_space<vmem>>, vector<1x16xi32>,
    %swap3A_2326 = vector.shape_cast %swap3A_2325 : vector<1x16xi32> to vector<16xi32>
    %swap3A_2327 = vector.shape_cast %add3A_2321 : vector<16xi32> to vector<1x16xi32>
    tpu.vector_store %arg9[%swap3A_2323, %swap3A_2324], %swap3A_2327 {strides = array<i32>} : memref<20x128xi32, #tpu.memory_space<vmem>>, vector<1x16xi32>,
    %get3A_2328 = arith.constant 2320 : index
    %get3A_2329 = tpu.vector_load %arg6[%get3A_2328] {strides = array<i32>} : memref<2560xi32, #tpu.memory_space<vmem>>, vector<16xi32>,
    %get3A_2330 = vector.shape_cast %get3A_2329 : vector<16xi32> to vector<16xi32>
    %get3A_2331 = arith.constant 2320 : index
    %get3A_2332 = tpu.vector_load %arg7[%get3A_2331] {strides = array<i32>} : memref<2560xi32, #tpu.memory_space<vmem>>, vector<16xi32>,
    %get3A_2333 = vector.shape_cast %get3A_2332 : vector<16xi32> to vector<16xi32>
    %mul3A_2334 = arith.constant 16 : i32
    %mul3A_2335 = vector.broadcast %mul3A_2334 : i32 to vector<16xi32>
    %mul3A_2336 = arith.muli %get3A_2330, %mul3A_2335 : vector<16xi32>
    %add3A_2337 = arith.addi %mul3A_2336, %get3A_2333 : vector<16xi32>
    %swap3A_2338 = arith.constant 18 : i32
    %swap3A_2339 = arith.index_cast %swap3A_2338 : i32 to index
    %swap3A_2340 = arith.constant 16 : index
    %swap3A_2341 = tpu.vector_load %arg9[%swap3A_2339, %swap3A_2340] {strides = array<i32>} : memref<20x128xi32, #tpu.memory_space<vmem>>, vector<1x16xi32>,
    %swap3A_2342 = vector.shape_cast %swap3A_2341 : vector<1x16xi32> to vector<16xi32>
    %swap3A_2343 = vector.shape_cast %add3A_2337 : vector<16xi32> to vector<1x16xi32>
    tpu.vector_store %arg9[%swap3A_2339, %swap3A_2340], %swap3A_2343 {strides = array<i32>} : memref<20x128xi32, #tpu.memory_space<vmem>>, vector<1x16xi32>,
    %get3A_2344 = arith.constant 2336 : index
    %get3A_2345 = tpu.vector_load %arg6[%get3A_2344] {strides = array<i32>} : memref<2560xi32, #tpu.memory_space<vmem>>, vector<16xi32>,
    %get3A_2346 = vector.shape_cast %get3A_2345 : vector<16xi32> to vector<16xi32>
    %get3A_2347 = arith.constant 2336 : index
    %get3A_2348 = tpu.vector_load %arg7[%get3A_2347] {strides = array<i32>} : memref<2560xi32, #tpu.memory_space<vmem>>, vector<16xi32>,
    %get3A_2349 = vector.shape_cast %get3A_2348 : vector<16xi32> to vector<16xi32>
    %mul3A_2350 = arith.constant 16 : i32
    %mul3A_2351 = vector.broadcast %mul3A_2350 : i32 to vector<16xi32>
    %mul3A_2352 = arith.muli %get3A_2346, %mul3A_2351 : vector<16xi32>
    %add3A_2353 = arith.addi %mul3A_2352, %get3A_2349 : vector<16xi32>
    %swap3A_2354 = arith.constant 18 : i32
    %swap3A_2355 = arith.index_cast %swap3A_2354 : i32 to index
    %swap3A_2356 = arith.constant 32 : index
    %swap3A_2357 = tpu.vector_load %arg9[%swap3A_2355, %swap3A_2356] {strides = array<i32>} : memref<20x128xi32, #tpu.memory_space<vmem>>, vector<1x16xi32>,
    %swap3A_2358 = vector.shape_cast %swap3A_2357 : vector<1x16xi32> to vector<16xi32>
    %swap3A_2359 = vector.shape_cast %add3A_2353 : vector<16xi32> to vector<1x16xi32>
    tpu.vector_store %arg9[%swap3A_2355, %swap3A_2356], %swap3A_2359 {strides = array<i32>} : memref<20x128xi32, #tpu.memory_space<vmem>>, vector<1x16xi32>,
    %get3A_2360 = arith.constant 2352 : index
    %get3A_2361 = tpu.vector_load %arg6[%get3A_2360] {strides = array<i32>} : memref<2560xi32, #tpu.memory_space<vmem>>, vector<16xi32>,
    %get3A_2362 = vector.shape_cast %get3A_2361 : vector<16xi32> to vector<16xi32>
    %get3A_2363 = arith.constant 2352 : index
    %get3A_2364 = tpu.vector_load %arg7[%get3A_2363] {strides = array<i32>} : memref<2560xi32, #tpu.memory_space<vmem>>, vector<16xi32>,
    %get3A_2365 = vector.shape_cast %get3A_2364 : vector<16xi32> to vector<16xi32>
    %mul3A_2366 = arith.constant 16 : i32
    %mul3A_2367 = vector.broadcast %mul3A_2366 : i32 to vector<16xi32>
    %mul3A_2368 = arith.muli %get3A_2362, %mul3A_2367 : vector<16xi32>
    %add3A_2369 = arith.addi %mul3A_2368, %get3A_2365 : vector<16xi32>
    %swap3A_2370 = arith.constant 18 : i32
    %swap3A_2371 = arith.index_cast %swap3A_2370 : i32 to index
    %swap3A_2372 = arith.constant 48 : index
    %swap3A_2373 = tpu.vector_load %arg9[%swap3A_2371, %swap3A_2372] {strides = array<i32>} : memref<20x128xi32, #tpu.memory_space<vmem>>, vector<1x16xi32>,
    %swap3A_2374 = vector.shape_cast %swap3A_2373 : vector<1x16xi32> to vector<16xi32>
    %swap3A_2375 = vector.shape_cast %add3A_2369 : vector<16xi32> to vector<1x16xi32>
    tpu.vector_store %arg9[%swap3A_2371, %swap3A_2372], %swap3A_2375 {strides = array<i32>} : memref<20x128xi32, #tpu.memory_space<vmem>>, vector<1x16xi32>,
    %get3A_2376 = arith.constant 2368 : index
    %get3A_2377 = tpu.vector_load %arg6[%get3A_2376] {strides = array<i32>} : memref<2560xi32, #tpu.memory_space<vmem>>, vector<16xi32>,
    %get3A_2378 = vector.shape_cast %get3A_2377 : vector<16xi32> to vector<16xi32>
    %get3A_2379 = arith.constant 2368 : index
    %get3A_2380 = tpu.vector_load %arg7[%get3A_2379] {strides = array<i32>} : memref<2560xi32, #tpu.memory_space<vmem>>, vector<16xi32>,
    %get3A_2381 = vector.shape_cast %get3A_2380 : vector<16xi32> to vector<16xi32>
    %mul3A_2382 = arith.constant 16 : i32
    %mul3A_2383 = vector.broadcast %mul3A_2382 : i32 to vector<16xi32>
    %mul3A_2384 = arith.muli %get3A_2378, %mul3A_2383 : vector<16xi32>
    %add3A_2385 = arith.addi %mul3A_2384, %get3A_2381 : vector<16xi32>
    %swap3A_2386 = arith.constant 18 : i32
    %swap3A_2387 = arith.index_cast %swap3A_2386 : i32 to index
    %swap3A_2388 = arith.constant 64 : index
    %swap3A_2389 = tpu.vector_load %arg9[%swap3A_2387, %swap3A_2388] {strides = array<i32>} : memref<20x128xi32, #tpu.memory_space<vmem>>, vector<1x16xi32>,
    %swap3A_2390 = vector.shape_cast %swap3A_2389 : vector<1x16xi32> to vector<16xi32>
    %swap3A_2391 = vector.shape_cast %add3A_2385 : vector<16xi32> to vector<1x16xi32>
    tpu.vector_store %arg9[%swap3A_2387, %swap3A_2388], %swap3A_2391 {strides = array<i32>} : memref<20x128xi32, #tpu.memory_space<vmem>>, vector<1x16xi32>,
    %get3A_2392 = arith.constant 2384 : index
    %get3A_2393 = tpu.vector_load %arg6[%get3A_2392] {strides = array<i32>} : memref<2560xi32, #tpu.memory_space<vmem>>, vector<16xi32>,
    %get3A_2394 = vector.shape_cast %get3A_2393 : vector<16xi32> to vector<16xi32>
    %get3A_2395 = arith.constant 2384 : index
    %get3A_2396 = tpu.vector_load %arg7[%get3A_2395] {strides = array<i32>} : memref<2560xi32, #tpu.memory_space<vmem>>, vector<16xi32>,
    %get3A_2397 = vector.shape_cast %get3A_2396 : vector<16xi32> to vector<16xi32>
    %mul3A_2398 = arith.constant 16 : i32
    %mul3A_2399 = vector.broadcast %mul3A_2398 : i32 to vector<16xi32>
    %mul3A_2400 = arith.muli %get3A_2394, %mul3A_2399 : vector<16xi32>
    %add3A_2401 = arith.addi %mul3A_2400, %get3A_2397 : vector<16xi32>
    %swap3A_2402 = arith.constant 18 : i32
    %swap3A_2403 = arith.index_cast %swap3A_2402 : i32 to index
    %swap3A_2404 = arith.constant 80 : index
    %swap3A_2405 = tpu.vector_load %arg9[%swap3A_2403, %swap3A_2404] {strides = array<i32>} : memref<20x128xi32, #tpu.memory_space<vmem>>, vector<1x16xi32>,
    %swap3A_2406 = vector.shape_cast %swap3A_2405 : vector<1x16xi32> to vector<16xi32>
    %swap3A_2407 = vector.shape_cast %add3A_2401 : vector<16xi32> to vector<1x16xi32>
    tpu.vector_store %arg9[%swap3A_2403, %swap3A_2404], %swap3A_2407 {strides = array<i32>} : memref<20x128xi32, #tpu.memory_space<vmem>>, vector<1x16xi32>,
    %get3A_2408 = arith.constant 2400 : index
    %get3A_2409 = tpu.vector_load %arg6[%get3A_2408] {strides = array<i32>} : memref<2560xi32, #tpu.memory_space<vmem>>, vector<16xi32>,
    %get3A_2410 = vector.shape_cast %get3A_2409 : vector<16xi32> to vector<16xi32>
    %get3A_2411 = arith.constant 2400 : index
    %get3A_2412 = tpu.vector_load %arg7[%get3A_2411] {strides = array<i32>} : memref<2560xi32, #tpu.memory_space<vmem>>, vector<16xi32>,
    %get3A_2413 = vector.shape_cast %get3A_2412 : vector<16xi32> to vector<16xi32>
    %mul3A_2414 = arith.constant 16 : i32
    %mul3A_2415 = vector.broadcast %mul3A_2414 : i32 to vector<16xi32>
    %mul3A_2416 = arith.muli %get3A_2410, %mul3A_2415 : vector<16xi32>
    %add3A_2417 = arith.addi %mul3A_2416, %get3A_2413 : vector<16xi32>
    %swap3A_2418 = arith.constant 18 : i32
    %swap3A_2419 = arith.index_cast %swap3A_2418 : i32 to index
    %swap3A_2420 = arith.constant 96 : index
    %swap3A_2421 = tpu.vector_load %arg9[%swap3A_2419, %swap3A_2420] {strides = array<i32>} : memref<20x128xi32, #tpu.memory_space<vmem>>, vector<1x16xi32>,
    %swap3A_2422 = vector.shape_cast %swap3A_2421 : vector<1x16xi32> to vector<16xi32>
    %swap3A_2423 = vector.shape_cast %add3A_2417 : vector<16xi32> to vector<1x16xi32>
    tpu.vector_store %arg9[%swap3A_2419, %swap3A_2420], %swap3A_2423 {strides = array<i32>} : memref<20x128xi32, #tpu.memory_space<vmem>>, vector<1x16xi32>,
    %get3A_2424 = arith.constant 2416 : index
    %get3A_2425 = tpu.vector_load %arg6[%get3A_2424] {strides = array<i32>} : memref<2560xi32, #tpu.memory_space<vmem>>, vector<16xi32>,
    %get3A_2426 = vector.shape_cast %get3A_2425 : vector<16xi32> to vector<16xi32>
    %get3A_2427 = arith.constant 2416 : index
    %get3A_2428 = tpu.vector_load %arg7[%get3A_2427] {strides = array<i32>} : memref<2560xi32, #tpu.memory_space<vmem>>, vector<16xi32>,
    %get3A_2429 = vector.shape_cast %get3A_2428 : vector<16xi32> to vector<16xi32>
    %mul3A_2430 = arith.constant 16 : i32
    %mul3A_2431 = vector.broadcast %mul3A_2430 : i32 to vector<16xi32>
    %mul3A_2432 = arith.muli %get3A_2426, %mul3A_2431 : vector<16xi32>
    %add3A_2433 = arith.addi %mul3A_2432, %get3A_2429 : vector<16xi32>
    %swap3A_2434 = arith.constant 18 : i32
    %swap3A_2435 = arith.index_cast %swap3A_2434 : i32 to index
    %swap3A_2436 = arith.constant 112 : index
    %swap3A_2437 = tpu.vector_load %arg9[%swap3A_2435, %swap3A_2436] {strides = array<i32>} : memref<20x128xi32, #tpu.memory_space<vmem>>, vector<1x16xi32>,
    %swap3A_2438 = vector.shape_cast %swap3A_2437 : vector<1x16xi32> to vector<16xi32>
    %swap3A_2439 = vector.shape_cast %add3A_2433 : vector<16xi32> to vector<1x16xi32>
    tpu.vector_store %arg9[%swap3A_2435, %swap3A_2436], %swap3A_2439 {strides = array<i32>} : memref<20x128xi32, #tpu.memory_space<vmem>>, vector<1x16xi32>,
    %get3A_2440 = arith.constant 2432 : index
    %get3A_2441 = tpu.vector_load %arg6[%get3A_2440] {strides = array<i32>} : memref<2560xi32, #tpu.memory_space<vmem>>, vector<16xi32>,
    %get3A_2442 = vector.shape_cast %get3A_2441 : vector<16xi32> to vector<16xi32>
    %get3A_2443 = arith.constant 2432 : index
    %get3A_2444 = tpu.vector_load %arg7[%get3A_2443] {strides = array<i32>} : memref<2560xi32, #tpu.memory_space<vmem>>, vector<16xi32>,
    %get3A_2445 = vector.shape_cast %get3A_2444 : vector<16xi32> to vector<16xi32>
    %mul3A_2446 = arith.constant 16 : i32
    %mul3A_2447 = vector.broadcast %mul3A_2446 : i32 to vector<16xi32>
    %mul3A_2448 = arith.muli %get3A_2442, %mul3A_2447 : vector<16xi32>
    %add3A_2449 = arith.addi %mul3A_2448, %get3A_2445 : vector<16xi32>
    %swap3A_2450 = arith.constant 19 : i32
    %swap3A_2451 = arith.index_cast %swap3A_2450 : i32 to index
    %swap3A_2452 = arith.constant 0 : index
    %swap3A_2453 = tpu.vector_load %arg9[%swap3A_2451, %swap3A_2452] {strides = array<i32>} : memref<20x128xi32, #tpu.memory_space<vmem>>, vector<1x16xi32>,
    %swap3A_2454 = vector.shape_cast %swap3A_2453 : vector<1x16xi32> to vector<16xi32>
    %swap3A_2455 = vector.shape_cast %add3A_2449 : vector<16xi32> to vector<1x16xi32>
    tpu.vector_store %arg9[%swap3A_2451, %swap3A_2452], %swap3A_2455 {strides = array<i32>} : memref<20x128xi32, #tpu.memory_space<vmem>>, vector<1x16xi32>,
    %get3A_2456 = arith.constant 2448 : index
    %get3A_2457 = tpu.vector_load %arg6[%get3A_2456] {strides = array<i32>} : memref<2560xi32, #tpu.memory_space<vmem>>, vector<16xi32>,
    %get3A_2458 = vector.shape_cast %get3A_2457 : vector<16xi32> to vector<16xi32>
    %get3A_2459 = arith.constant 2448 : index
    %get3A_2460 = tpu.vector_load %arg7[%get3A_2459] {strides = array<i32>} : memref<2560xi32, #tpu.memory_space<vmem>>, vector<16xi32>,
    %get3A_2461 = vector.shape_cast %get3A_2460 : vector<16xi32> to vector<16xi32>
    %mul3A_2462 = arith.constant 16 : i32
    %mul3A_2463 = vector.broadcast %mul3A_2462 : i32 to vector<16xi32>
    %mul3A_2464 = arith.muli %get3A_2458, %mul3A_2463 : vector<16xi32>
    %add3A_2465 = arith.addi %mul3A_2464, %get3A_2461 : vector<16xi32>
    %swap3A_2466 = arith.constant 19 : i32
    %swap3A_2467 = arith.index_cast %swap3A_2466 : i32 to index
    %swap3A_2468 = arith.constant 16 : index
    %swap3A_2469 = tpu.vector_load %arg9[%swap3A_2467, %swap3A_2468] {strides = array<i32>} : memref<20x128xi32, #tpu.memory_space<vmem>>, vector<1x16xi32>,
    %swap3A_2470 = vector.shape_cast %swap3A_2469 : vector<1x16xi32> to vector<16xi32>
    %swap3A_2471 = vector.shape_cast %add3A_2465 : vector<16xi32> to vector<1x16xi32>
    tpu.vector_store %arg9[%swap3A_2467, %swap3A_2468], %swap3A_2471 {strides = array<i32>} : memref<20x128xi32, #tpu.memory_space<vmem>>, vector<1x16xi32>,
    %get3A_2472 = arith.constant 2464 : index
    %get3A_2473 = tpu.vector_load %arg6[%get3A_2472] {strides = array<i32>} : memref<2560xi32, #tpu.memory_space<vmem>>, vector<16xi32>,
    %get3A_2474 = vector.shape_cast %get3A_2473 : vector<16xi32> to vector<16xi32>
    %get3A_2475 = arith.constant 2464 : index
    %get3A_2476 = tpu.vector_load %arg7[%get3A_2475] {strides = array<i32>} : memref<2560xi32, #tpu.memory_space<vmem>>, vector<16xi32>,
    %get3A_2477 = vector.shape_cast %get3A_2476 : vector<16xi32> to vector<16xi32>
    %mul3A_2478 = arith.constant 16 : i32
    %mul3A_2479 = vector.broadcast %mul3A_2478 : i32 to vector<16xi32>
    %mul3A_2480 = arith.muli %get3A_2474, %mul3A_2479 : vector<16xi32>
    %add3A_2481 = arith.addi %mul3A_2480, %get3A_2477 : vector<16xi32>
    %swap3A_2482 = arith.constant 19 : i32
    %swap3A_2483 = arith.index_cast %swap3A_2482 : i32 to index
    %swap3A_2484 = arith.constant 32 : index
    %swap3A_2485 = tpu.vector_load %arg9[%swap3A_2483, %swap3A_2484] {strides = array<i32>} : memref<20x128xi32, #tpu.memory_space<vmem>>, vector<1x16xi32>,
    %swap3A_2486 = vector.shape_cast %swap3A_2485 : vector<1x16xi32> to vector<16xi32>
    %swap3A_2487 = vector.shape_cast %add3A_2481 : vector<16xi32> to vector<1x16xi32>
    tpu.vector_store %arg9[%swap3A_2483, %swap3A_2484], %swap3A_2487 {strides = array<i32>} : memref<20x128xi32, #tpu.memory_space<vmem>>, vector<1x16xi32>,
    %get3A_2488 = arith.constant 2480 : index
    %get3A_2489 = tpu.vector_load %arg6[%get3A_2488] {strides = array<i32>} : memref<2560xi32, #tpu.memory_space<vmem>>, vector<16xi32>,
    %get3A_2490 = vector.shape_cast %get3A_2489 : vector<16xi32> to vector<16xi32>
    %get3A_2491 = arith.constant 2480 : index
    %get3A_2492 = tpu.vector_load %arg7[%get3A_2491] {strides = array<i32>} : memref<2560xi32, #tpu.memory_space<vmem>>, vector<16xi32>,
    %get3A_2493 = vector.shape_cast %get3A_2492 : vector<16xi32> to vector<16xi32>
    %mul3A_2494 = arith.constant 16 : i32
    %mul3A_2495 = vector.broadcast %mul3A_2494 : i32 to vector<16xi32>
    %mul3A_2496 = arith.muli %get3A_2490, %mul3A_2495 : vector<16xi32>
    %add3A_2497 = arith.addi %mul3A_2496, %get3A_2493 : vector<16xi32>
    %swap3A_2498 = arith.constant 19 : i32
    %swap3A_2499 = arith.index_cast %swap3A_2498 : i32 to index
    %swap3A_2500 = arith.constant 48 : index
    %swap3A_2501 = tpu.vector_load %arg9[%swap3A_2499, %swap3A_2500] {strides = array<i32>} : memref<20x128xi32, #tpu.memory_space<vmem>>, vector<1x16xi32>,
    %swap3A_2502 = vector.shape_cast %swap3A_2501 : vector<1x16xi32> to vector<16xi32>
    %swap3A_2503 = vector.shape_cast %add3A_2497 : vector<16xi32> to vector<1x16xi32>
    tpu.vector_store %arg9[%swap3A_2499, %swap3A_2500], %swap3A_2503 {strides = array<i32>} : memref<20x128xi32, #tpu.memory_space<vmem>>, vector<1x16xi32>,
    %get3A_2504 = arith.constant 2496 : index
    %get3A_2505 = tpu.vector_load %arg6[%get3A_2504] {strides = array<i32>} : memref<2560xi32, #tpu.memory_space<vmem>>, vector<16xi32>,
    %get3A_2506 = vector.shape_cast %get3A_2505 : vector<16xi32> to vector<16xi32>
    %get3A_2507 = arith.constant 2496 : index
    %get3A_2508 = tpu.vector_load %arg7[%get3A_2507] {strides = array<i32>} : memref<2560xi32, #tpu.memory_space<vmem>>, vector<16xi32>,
    %get3A_2509 = vector.shape_cast %get3A_2508 : vector<16xi32> to vector<16xi32>
    %mul3A_2510 = arith.constant 16 : i32
    %mul3A_2511 = vector.broadcast %mul3A_2510 : i32 to vector<16xi32>
    %mul3A_2512 = arith.muli %get3A_2506, %mul3A_2511 : vector<16xi32>
    %add3A_2513 = arith.addi %mul3A_2512, %get3A_2509 : vector<16xi32>
    %swap3A_2514 = arith.constant 19 : i32
    %swap3A_2515 = arith.index_cast %swap3A_2514 : i32 to index
    %swap3A_2516 = arith.constant 64 : index
    %swap3A_2517 = tpu.vector_load %arg9[%swap3A_2515, %swap3A_2516] {strides = array<i32>} : memref<20x128xi32, #tpu.memory_space<vmem>>, vector<1x16xi32>,
    %swap3A_2518 = vector.shape_cast %swap3A_2517 : vector<1x16xi32> to vector<16xi32>
    %swap3A_2519 = vector.shape_cast %add3A_2513 : vector<16xi32> to vector<1x16xi32>
    tpu.vector_store %arg9[%swap3A_2515, %swap3A_2516], %swap3A_2519 {strides = array<i32>} : memref<20x128xi32, #tpu.memory_space<vmem>>, vector<1x16xi32>,
    %get3A_2520 = arith.constant 2512 : index
    %get3A_2521 = tpu.vector_load %arg6[%get3A_2520] {strides = array<i32>} : memref<2560xi32, #tpu.memory_space<vmem>>, vector<16xi32>,
    %get3A_2522 = vector.shape_cast %get3A_2521 : vector<16xi32> to vector<16xi32>
    %get3A_2523 = arith.constant 2512 : index
    %get3A_2524 = tpu.vector_load %arg7[%get3A_2523] {strides = array<i32>} : memref<2560xi32, #tpu.memory_space<vmem>>, vector<16xi32>,
    %get3A_2525 = vector.shape_cast %get3A_2524 : vector<16xi32> to vector<16xi32>
    %mul3A_2526 = arith.constant 16 : i32
    %mul3A_2527 = vector.broadcast %mul3A_2526 : i32 to vector<16xi32>
    %mul3A_2528 = arith.muli %get3A_2522, %mul3A_2527 : vector<16xi32>
    %add3A_2529 = arith.addi %mul3A_2528, %get3A_2525 : vector<16xi32>
    %swap3A_2530 = arith.constant 19 : i32
    %swap3A_2531 = arith.index_cast %swap3A_2530 : i32 to index
    %swap3A_2532 = arith.constant 80 : index
    %swap3A_2533 = tpu.vector_load %arg9[%swap3A_2531, %swap3A_2532] {strides = array<i32>} : memref<20x128xi32, #tpu.memory_space<vmem>>, vector<1x16xi32>,
    %swap3A_2534 = vector.shape_cast %swap3A_2533 : vector<1x16xi32> to vector<16xi32>
    %swap3A_2535 = vector.shape_cast %add3A_2529 : vector<16xi32> to vector<1x16xi32>
    tpu.vector_store %arg9[%swap3A_2531, %swap3A_2532], %swap3A_2535 {strides = array<i32>} : memref<20x128xi32, #tpu.memory_space<vmem>>, vector<1x16xi32>,
    %get3A_2536 = arith.constant 2528 : index
    %get3A_2537 = tpu.vector_load %arg6[%get3A_2536] {strides = array<i32>} : memref<2560xi32, #tpu.memory_space<vmem>>, vector<16xi32>,
    %get3A_2538 = vector.shape_cast %get3A_2537 : vector<16xi32> to vector<16xi32>
    %get3A_2539 = arith.constant 2528 : index
    %get3A_2540 = tpu.vector_load %arg7[%get3A_2539] {strides = array<i32>} : memref<2560xi32, #tpu.memory_space<vmem>>, vector<16xi32>,
    %get3A_2541 = vector.shape_cast %get3A_2540 : vector<16xi32> to vector<16xi32>
    %mul3A_2542 = arith.constant 16 : i32
    %mul3A_2543 = vector.broadcast %mul3A_2542 : i32 to vector<16xi32>
    %mul3A_2544 = arith.muli %get3A_2538, %mul3A_2543 : vector<16xi32>
    %add3A_2545 = arith.addi %mul3A_2544, %get3A_2541 : vector<16xi32>
    %swap3A_2546 = arith.constant 19 : i32
    %swap3A_2547 = arith.index_cast %swap3A_2546 : i32 to index
    %swap3A_2548 = arith.constant 96 : index
    %swap3A_2549 = tpu.vector_load %arg9[%swap3A_2547, %swap3A_2548] {strides = array<i32>} : memref<20x128xi32, #tpu.memory_space<vmem>>, vector<1x16xi32>,
    %swap3A_2550 = vector.shape_cast %swap3A_2549 : vector<1x16xi32> to vector<16xi32>
    %swap3A_2551 = vector.shape_cast %add3A_2545 : vector<16xi32> to vector<1x16xi32>
    tpu.vector_store %arg9[%swap3A_2547, %swap3A_2548], %swap3A_2551 {strides = array<i32>} : memref<20x128xi32, #tpu.memory_space<vmem>>, vector<1x16xi32>,
    %get3A_2552 = arith.constant 2544 : index
    %get3A_2553 = tpu.vector_load %arg6[%get3A_2552] {strides = array<i32>} : memref<2560xi32, #tpu.memory_space<vmem>>, vector<16xi32>,
    %get3A_2554 = vector.shape_cast %get3A_2553 : vector<16xi32> to vector<16xi32>
    %get3A_2555 = arith.constant 2544 : index
    %get3A_2556 = tpu.vector_load %arg7[%get3A_2555] {strides = array<i32>} : memref<2560xi32, #tpu.memory_space<vmem>>, vector<16xi32>,
    %get3A_2557 = vector.shape_cast %get3A_2556 : vector<16xi32> to vector<16xi32>
    %mul3A_2558 = arith.constant 16 : i32
    %mul3A_2559 = vector.broadcast %mul3A_2558 : i32 to vector<16xi32>
    %mul3A_2560 = arith.muli %get3A_2554, %mul3A_2559 : vector<16xi32>
    %add3A_2561 = arith.addi %mul3A_2560, %get3A_2557 : vector<16xi32>
    %swap3A_2562 = arith.constant 19 : i32
    %swap3A_2563 = arith.index_cast %swap3A_2562 : i32 to index
    %swap3A_2564 = arith.constant 112 : index
    %swap3A_2565 = tpu.vector_load %arg9[%swap3A_2563, %swap3A_2564] {strides = array<i32>} : memref<20x128xi32, #tpu.memory_space<vmem>>, vector<1x16xi32>,
    %swap3A_2566 = vector.shape_cast %swap3A_2565 : vector<1x16xi32> to vector<16xi32>
    %swap3A_2567 = vector.shape_cast %add3A_2561 : vector<16xi32> to vector<1x16xi32>
    tpu.vector_store %arg9[%swap3A_2563, %swap3A_2564], %swap3A_2567 {strides = array<i32>} : memref<20x128xi32, #tpu.memory_space<vmem>>, vector<1x16xi32>,
    %barrier3A = arith.constant 0 : index
    tpu.barrier barrier_id(%barrier3A)
    %run_scoped3A = arith.constant 0 : i32
    "tpu.region"() ({
      %run_scoped3A_2595 = tpu.sem_alloc : memref<!tpu.dma_semaphore, #tpu.memory_space<semaphore_mem>>
      %dma_start3A = arith.constant 0 : i32
      %dma_start3A_2596 = tpu.memref_slice %arg8[%dma_start3A] : memref<2560xf32, #tpu.memory_space<vmem>> -> memref<128xf32, #tpu.memory_space<vmem>>
      %dma_start3A_2597 = arith.constant 0 : i32
      %dma_start3A_2598 = tpu.memref_slice %arg9[%run_scoped3A, %dma_start3A_2597] : memref<20x128xi32, #tpu.memory_space<vmem>> -> memref<1x128xi32, #tpu.memory_space<vmem>>
      %dma_start3A_2599 = tpu.memref_squeeze %dma_start3A_2598 : memref<1x128xi32, #tpu.memory_space<vmem>> -> memref<128xi32, #tpu.memory_space<vmem>>
      %dma_start3A_2600 = arith.constant 0 : i32
      %dma_start3A_2601 = tpu.memref_slice %arg11[%dma_start3A_2600] : memref<160000xf32, #tpu.memory_space<vmem_shared>> -> memref<160000xf32, #tpu.memory_space<vmem_shared>>
      tpu.enqueue_indirect_dma source(%dma_start3A_2596 : memref<128xf32, #tpu.memory_space<vmem>>) target(%dma_start3A_2601 : memref<160000xf32, #tpu.memory_space<vmem_shared>>) offsets(%dma_start3A_2599 : memref<128xi32, #tpu.memory_space<vmem>>) semaphore(%run_scoped3A_2595 : memref<!tpu.dma_semaphore, #tpu.memory_space<semaphore_mem>>) {add = true}
      %dma_wait3A = arith.constant 0 : i32
      %dma_wait3A_2602 = tpu.memref_slice %arg8[%dma_wait3A] : memref<2560xf32, #tpu.memory_space<vmem>> -> memref<128xf32, #tpu.memory_space<vmem>>
      %dma_wait3A_2603 = arith.constant 0 : i32
      %dma_wait3A_2604 = tpu.memref_slice %arg9[%run_scoped3A, %dma_wait3A_2603] : memref<20x128xi32, #tpu.memory_space<vmem>> -> memref<1x128xi32, #tpu.memory_space<vmem>>
      %dma_wait3A_2605 = tpu.memref_squeeze %dma_wait3A_2604 : memref<1x128xi32, #tpu.memory_space<vmem>> -> memref<128xi32, #tpu.memory_space<vmem>>
      %dma_wait3A_2606 = arith.constant 0 : i32
      %dma_wait3A_2607 = tpu.memref_slice %arg11[%dma_wait3A_2606] : memref<160000xf32, #tpu.memory_space<vmem_shared>> -> memref<160000xf32, #tpu.memory_space<vmem_shared>>
      tpu.wait_indirect_dma semaphore(%run_scoped3A_2595 : memref<!tpu.dma_semaphore, #tpu.memory_space<semaphore_mem>>) src(%dma_wait3A_2602 : memref<128xf32, #tpu.memory_space<vmem>>) dst(%dma_wait3A_2607 : memref<160000xf32, #tpu.memory_space<vmem_shared>>)
      tpu.yield
    }) : () -> ()
    %run_scoped3A_2568 = arith.constant 1 : i32
    "tpu.region"() ({
      %run_scoped3A_2595 = tpu.sem_alloc : memref<!tpu.dma_semaphore, #tpu.memory_space<semaphore_mem>>
      %dma_start3A = arith.constant 128 : i32
      %dma_start3A_2596 = tpu.memref_slice %arg8[%dma_start3A] : memref<2560xf32, #tpu.memory_space<vmem>> -> memref<128xf32, #tpu.memory_space<vmem>>
      %dma_start3A_2597 = arith.constant 0 : i32
      %dma_start3A_2598 = tpu.memref_slice %arg9[%run_scoped3A_2568, %dma_start3A_2597] : memref<20x128xi32, #tpu.memory_space<vmem>> -> memref<1x128xi32, #tpu.memory_space<vmem>>
      %dma_start3A_2599 = tpu.memref_squeeze %dma_start3A_2598 : memref<1x128xi32, #tpu.memory_space<vmem>> -> memref<128xi32, #tpu.memory_space<vmem>>
      %dma_start3A_2600 = arith.constant 0 : i32
      %dma_start3A_2601 = tpu.memref_slice %arg11[%dma_start3A_2600] : memref<160000xf32, #tpu.memory_space<vmem_shared>> -> memref<160000xf32, #tpu.memory_space<vmem_shared>>
      tpu.enqueue_indirect_dma source(%dma_start3A_2596 : memref<128xf32, #tpu.memory_space<vmem>>) target(%dma_start3A_2601 : memref<160000xf32, #tpu.memory_space<vmem_shared>>) offsets(%dma_start3A_2599 : memref<128xi32, #tpu.memory_space<vmem>>) semaphore(%run_scoped3A_2595 : memref<!tpu.dma_semaphore, #tpu.memory_space<semaphore_mem>>) {add = true}
      %dma_wait3A = arith.constant 128 : i32
      %dma_wait3A_2602 = tpu.memref_slice %arg8[%dma_wait3A] : memref<2560xf32, #tpu.memory_space<vmem>> -> memref<128xf32, #tpu.memory_space<vmem>>
      %dma_wait3A_2603 = arith.constant 0 : i32
      %dma_wait3A_2604 = tpu.memref_slice %arg9[%run_scoped3A_2568, %dma_wait3A_2603] : memref<20x128xi32, #tpu.memory_space<vmem>> -> memref<1x128xi32, #tpu.memory_space<vmem>>
      %dma_wait3A_2605 = tpu.memref_squeeze %dma_wait3A_2604 : memref<1x128xi32, #tpu.memory_space<vmem>> -> memref<128xi32, #tpu.memory_space<vmem>>
      %dma_wait3A_2606 = arith.constant 0 : i32
      %dma_wait3A_2607 = tpu.memref_slice %arg11[%dma_wait3A_2606] : memref<160000xf32, #tpu.memory_space<vmem_shared>> -> memref<160000xf32, #tpu.memory_space<vmem_shared>>
      tpu.wait_indirect_dma semaphore(%run_scoped3A_2595 : memref<!tpu.dma_semaphore, #tpu.memory_space<semaphore_mem>>) src(%dma_wait3A_2602 : memref<128xf32, #tpu.memory_space<vmem>>) dst(%dma_wait3A_2607 : memref<160000xf32, #tpu.memory_space<vmem_shared>>)
      tpu.yield
    }) : () -> ()
    %run_scoped3A_2569 = arith.constant 2 : i32
    "tpu.region"() ({
      %run_scoped3A_2595 = tpu.sem_alloc : memref<!tpu.dma_semaphore, #tpu.memory_space<semaphore_mem>>
      %dma_start3A = arith.constant 256 : i32
      %dma_start3A_2596 = tpu.memref_slice %arg8[%dma_start3A] : memref<2560xf32, #tpu.memory_space<vmem>> -> memref<128xf32, #tpu.memory_space<vmem>>
      %dma_start3A_2597 = arith.constant 0 : i32
      %dma_start3A_2598 = tpu.memref_slice %arg9[%run_scoped3A_2569, %dma_start3A_2597] : memref<20x128xi32, #tpu.memory_space<vmem>> -> memref<1x128xi32, #tpu.memory_space<vmem>>
      %dma_start3A_2599 = tpu.memref_squeeze %dma_start3A_2598 : memref<1x128xi32, #tpu.memory_space<vmem>> -> memref<128xi32, #tpu.memory_space<vmem>>
      %dma_start3A_2600 = arith.constant 0 : i32
      %dma_start3A_2601 = tpu.memref_slice %arg11[%dma_start3A_2600] : memref<160000xf32, #tpu.memory_space<vmem_shared>> -> memref<160000xf32, #tpu.memory_space<vmem_shared>>
      tpu.enqueue_indirect_dma source(%dma_start3A_2596 : memref<128xf32, #tpu.memory_space<vmem>>) target(%dma_start3A_2601 : memref<160000xf32, #tpu.memory_space<vmem_shared>>) offsets(%dma_start3A_2599 : memref<128xi32, #tpu.memory_space<vmem>>) semaphore(%run_scoped3A_2595 : memref<!tpu.dma_semaphore, #tpu.memory_space<semaphore_mem>>) {add = true}
      %dma_wait3A = arith.constant 256 : i32
      %dma_wait3A_2602 = tpu.memref_slice %arg8[%dma_wait3A] : memref<2560xf32, #tpu.memory_space<vmem>> -> memref<128xf32, #tpu.memory_space<vmem>>
      %dma_wait3A_2603 = arith.constant 0 : i32
      %dma_wait3A_2604 = tpu.memref_slice %arg9[%run_scoped3A_2569, %dma_wait3A_2603] : memref<20x128xi32, #tpu.memory_space<vmem>> -> memref<1x128xi32, #tpu.memory_space<vmem>>
      %dma_wait3A_2605 = tpu.memref_squeeze %dma_wait3A_2604 : memref<1x128xi32, #tpu.memory_space<vmem>> -> memref<128xi32, #tpu.memory_space<vmem>>
      %dma_wait3A_2606 = arith.constant 0 : i32
      %dma_wait3A_2607 = tpu.memref_slice %arg11[%dma_wait3A_2606] : memref<160000xf32, #tpu.memory_space<vmem_shared>> -> memref<160000xf32, #tpu.memory_space<vmem_shared>>
      tpu.wait_indirect_dma semaphore(%run_scoped3A_2595 : memref<!tpu.dma_semaphore, #tpu.memory_space<semaphore_mem>>) src(%dma_wait3A_2602 : memref<128xf32, #tpu.memory_space<vmem>>) dst(%dma_wait3A_2607 : memref<160000xf32, #tpu.memory_space<vmem_shared>>)
      tpu.yield
    }) : () -> ()
    %run_scoped3A_2570 = arith.constant 3 : i32
    "tpu.region"() ({
      %run_scoped3A_2595 = tpu.sem_alloc : memref<!tpu.dma_semaphore, #tpu.memory_space<semaphore_mem>>
      %dma_start3A = arith.constant 384 : i32
      %dma_start3A_2596 = tpu.memref_slice %arg8[%dma_start3A] : memref<2560xf32, #tpu.memory_space<vmem>> -> memref<128xf32, #tpu.memory_space<vmem>>
      %dma_start3A_2597 = arith.constant 0 : i32
      %dma_start3A_2598 = tpu.memref_slice %arg9[%run_scoped3A_2570, %dma_start3A_2597] : memref<20x128xi32, #tpu.memory_space<vmem>> -> memref<1x128xi32, #tpu.memory_space<vmem>>
      %dma_start3A_2599 = tpu.memref_squeeze %dma_start3A_2598 : memref<1x128xi32, #tpu.memory_space<vmem>> -> memref<128xi32, #tpu.memory_space<vmem>>
      %dma_start3A_2600 = arith.constant 0 : i32
      %dma_start3A_2601 = tpu.memref_slice %arg11[%dma_start3A_2600] : memref<160000xf32, #tpu.memory_space<vmem_shared>> -> memref<160000xf32, #tpu.memory_space<vmem_shared>>
      tpu.enqueue_indirect_dma source(%dma_start3A_2596 : memref<128xf32, #tpu.memory_space<vmem>>) target(%dma_start3A_2601 : memref<160000xf32, #tpu.memory_space<vmem_shared>>) offsets(%dma_start3A_2599 : memref<128xi32, #tpu.memory_space<vmem>>) semaphore(%run_scoped3A_2595 : memref<!tpu.dma_semaphore, #tpu.memory_space<semaphore_mem>>) {add = true}
      %dma_wait3A = arith.constant 384 : i32
      %dma_wait3A_2602 = tpu.memref_slice %arg8[%dma_wait3A] : memref<2560xf32, #tpu.memory_space<vmem>> -> memref<128xf32, #tpu.memory_space<vmem>>
      %dma_wait3A_2603 = arith.constant 0 : i32
      %dma_wait3A_2604 = tpu.memref_slice %arg9[%run_scoped3A_2570, %dma_wait3A_2603] : memref<20x128xi32, #tpu.memory_space<vmem>> -> memref<1x128xi32, #tpu.memory_space<vmem>>
      %dma_wait3A_2605 = tpu.memref_squeeze %dma_wait3A_2604 : memref<1x128xi32, #tpu.memory_space<vmem>> -> memref<128xi32, #tpu.memory_space<vmem>>
      %dma_wait3A_2606 = arith.constant 0 : i32
      %dma_wait3A_2607 = tpu.memref_slice %arg11[%dma_wait3A_2606] : memref<160000xf32, #tpu.memory_space<vmem_shared>> -> memref<160000xf32, #tpu.memory_space<vmem_shared>>
      tpu.wait_indirect_dma semaphore(%run_scoped3A_2595 : memref<!tpu.dma_semaphore, #tpu.memory_space<semaphore_mem>>) src(%dma_wait3A_2602 : memref<128xf32, #tpu.memory_space<vmem>>) dst(%dma_wait3A_2607 : memref<160000xf32, #tpu.memory_space<vmem_shared>>)
      tpu.yield
    }) : () -> ()
    %run_scoped3A_2571 = arith.constant 4 : i32
    "tpu.region"() ({
      %run_scoped3A_2595 = tpu.sem_alloc : memref<!tpu.dma_semaphore, #tpu.memory_space<semaphore_mem>>
      %dma_start3A = arith.constant 512 : i32
      %dma_start3A_2596 = tpu.memref_slice %arg8[%dma_start3A] : memref<2560xf32, #tpu.memory_space<vmem>> -> memref<128xf32, #tpu.memory_space<vmem>>
      %dma_start3A_2597 = arith.constant 0 : i32
      %dma_start3A_2598 = tpu.memref_slice %arg9[%run_scoped3A_2571, %dma_start3A_2597] : memref<20x128xi32, #tpu.memory_space<vmem>> -> memref<1x128xi32, #tpu.memory_space<vmem>>
      %dma_start3A_2599 = tpu.memref_squeeze %dma_start3A_2598 : memref<1x128xi32, #tpu.memory_space<vmem>> -> memref<128xi32, #tpu.memory_space<vmem>>
      %dma_start3A_2600 = arith.constant 0 : i32
      %dma_start3A_2601 = tpu.memref_slice %arg11[%dma_start3A_2600] : memref<160000xf32, #tpu.memory_space<vmem_shared>> -> memref<160000xf32, #tpu.memory_space<vmem_shared>>
      tpu.enqueue_indirect_dma source(%dma_start3A_2596 : memref<128xf32, #tpu.memory_space<vmem>>) target(%dma_start3A_2601 : memref<160000xf32, #tpu.memory_space<vmem_shared>>) offsets(%dma_start3A_2599 : memref<128xi32, #tpu.memory_space<vmem>>) semaphore(%run_scoped3A_2595 : memref<!tpu.dma_semaphore, #tpu.memory_space<semaphore_mem>>) {add = true}
      %dma_wait3A = arith.constant 512 : i32
      %dma_wait3A_2602 = tpu.memref_slice %arg8[%dma_wait3A] : memref<2560xf32, #tpu.memory_space<vmem>> -> memref<128xf32, #tpu.memory_space<vmem>>
      %dma_wait3A_2603 = arith.constant 0 : i32
      %dma_wait3A_2604 = tpu.memref_slice %arg9[%run_scoped3A_2571, %dma_wait3A_2603] : memref<20x128xi32, #tpu.memory_space<vmem>> -> memref<1x128xi32, #tpu.memory_space<vmem>>
      %dma_wait3A_2605 = tpu.memref_squeeze %dma_wait3A_2604 : memref<1x128xi32, #tpu.memory_space<vmem>> -> memref<128xi32, #tpu.memory_space<vmem>>
      %dma_wait3A_2606 = arith.constant 0 : i32
      %dma_wait3A_2607 = tpu.memref_slice %arg11[%dma_wait3A_2606] : memref<160000xf32, #tpu.memory_space<vmem_shared>> -> memref<160000xf32, #tpu.memory_space<vmem_shared>>
      tpu.wait_indirect_dma semaphore(%run_scoped3A_2595 : memref<!tpu.dma_semaphore, #tpu.memory_space<semaphore_mem>>) src(%dma_wait3A_2602 : memref<128xf32, #tpu.memory_space<vmem>>) dst(%dma_wait3A_2607 : memref<160000xf32, #tpu.memory_space<vmem_shared>>)
      tpu.yield
    }) : () -> ()
    %run_scoped3A_2572 = arith.constant 5 : i32
    "tpu.region"() ({
      %run_scoped3A_2595 = tpu.sem_alloc : memref<!tpu.dma_semaphore, #tpu.memory_space<semaphore_mem>>
      %dma_start3A = arith.constant 640 : i32
      %dma_start3A_2596 = tpu.memref_slice %arg8[%dma_start3A] : memref<2560xf32, #tpu.memory_space<vmem>> -> memref<128xf32, #tpu.memory_space<vmem>>
      %dma_start3A_2597 = arith.constant 0 : i32
      %dma_start3A_2598 = tpu.memref_slice %arg9[%run_scoped3A_2572, %dma_start3A_2597] : memref<20x128xi32, #tpu.memory_space<vmem>> -> memref<1x128xi32, #tpu.memory_space<vmem>>
      %dma_start3A_2599 = tpu.memref_squeeze %dma_start3A_2598 : memref<1x128xi32, #tpu.memory_space<vmem>> -> memref<128xi32, #tpu.memory_space<vmem>>
      %dma_start3A_2600 = arith.constant 0 : i32
      %dma_start3A_2601 = tpu.memref_slice %arg11[%dma_start3A_2600] : memref<160000xf32, #tpu.memory_space<vmem_shared>> -> memref<160000xf32, #tpu.memory_space<vmem_shared>>
      tpu.enqueue_indirect_dma source(%dma_start3A_2596 : memref<128xf32, #tpu.memory_space<vmem>>) target(%dma_start3A_2601 : memref<160000xf32, #tpu.memory_space<vmem_shared>>) offsets(%dma_start3A_2599 : memref<128xi32, #tpu.memory_space<vmem>>) semaphore(%run_scoped3A_2595 : memref<!tpu.dma_semaphore, #tpu.memory_space<semaphore_mem>>) {add = true}
      %dma_wait3A = arith.constant 640 : i32
      %dma_wait3A_2602 = tpu.memref_slice %arg8[%dma_wait3A] : memref<2560xf32, #tpu.memory_space<vmem>> -> memref<128xf32, #tpu.memory_space<vmem>>
      %dma_wait3A_2603 = arith.constant 0 : i32
      %dma_wait3A_2604 = tpu.memref_slice %arg9[%run_scoped3A_2572, %dma_wait3A_2603] : memref<20x128xi32, #tpu.memory_space<vmem>> -> memref<1x128xi32, #tpu.memory_space<vmem>>
      %dma_wait3A_2605 = tpu.memref_squeeze %dma_wait3A_2604 : memref<1x128xi32, #tpu.memory_space<vmem>> -> memref<128xi32, #tpu.memory_space<vmem>>
      %dma_wait3A_2606 = arith.constant 0 : i32
      %dma_wait3A_2607 = tpu.memref_slice %arg11[%dma_wait3A_2606] : memref<160000xf32, #tpu.memory_space<vmem_shared>> -> memref<160000xf32, #tpu.memory_space<vmem_shared>>
      tpu.wait_indirect_dma semaphore(%run_scoped3A_2595 : memref<!tpu.dma_semaphore, #tpu.memory_space<semaphore_mem>>) src(%dma_wait3A_2602 : memref<128xf32, #tpu.memory_space<vmem>>) dst(%dma_wait3A_2607 : memref<160000xf32, #tpu.memory_space<vmem_shared>>)
      tpu.yield
    }) : () -> ()
    %run_scoped3A_2573 = arith.constant 6 : i32
    "tpu.region"() ({
      %run_scoped3A_2595 = tpu.sem_alloc : memref<!tpu.dma_semaphore, #tpu.memory_space<semaphore_mem>>
      %dma_start3A = arith.constant 768 : i32
      %dma_start3A_2596 = tpu.memref_slice %arg8[%dma_start3A] : memref<2560xf32, #tpu.memory_space<vmem>> -> memref<128xf32, #tpu.memory_space<vmem>>
      %dma_start3A_2597 = arith.constant 0 : i32
      %dma_start3A_2598 = tpu.memref_slice %arg9[%run_scoped3A_2573, %dma_start3A_2597] : memref<20x128xi32, #tpu.memory_space<vmem>> -> memref<1x128xi32, #tpu.memory_space<vmem>>
      %dma_start3A_2599 = tpu.memref_squeeze %dma_start3A_2598 : memref<1x128xi32, #tpu.memory_space<vmem>> -> memref<128xi32, #tpu.memory_space<vmem>>
      %dma_start3A_2600 = arith.constant 0 : i32
      %dma_start3A_2601 = tpu.memref_slice %arg11[%dma_start3A_2600] : memref<160000xf32, #tpu.memory_space<vmem_shared>> -> memref<160000xf32, #tpu.memory_space<vmem_shared>>
      tpu.enqueue_indirect_dma source(%dma_start3A_2596 : memref<128xf32, #tpu.memory_space<vmem>>) target(%dma_start3A_2601 : memref<160000xf32, #tpu.memory_space<vmem_shared>>) offsets(%dma_start3A_2599 : memref<128xi32, #tpu.memory_space<vmem>>) semaphore(%run_scoped3A_2595 : memref<!tpu.dma_semaphore, #tpu.memory_space<semaphore_mem>>) {add = true}
      %dma_wait3A = arith.constant 768 : i32
      %dma_wait3A_2602 = tpu.memref_slice %arg8[%dma_wait3A] : memref<2560xf32, #tpu.memory_space<vmem>> -> memref<128xf32, #tpu.memory_space<vmem>>
      %dma_wait3A_2603 = arith.constant 0 : i32
      %dma_wait3A_2604 = tpu.memref_slice %arg9[%run_scoped3A_2573, %dma_wait3A_2603] : memref<20x128xi32, #tpu.memory_space<vmem>> -> memref<1x128xi32, #tpu.memory_space<vmem>>
      %dma_wait3A_2605 = tpu.memref_squeeze %dma_wait3A_2604 : memref<1x128xi32, #tpu.memory_space<vmem>> -> memref<128xi32, #tpu.memory_space<vmem>>
      %dma_wait3A_2606 = arith.constant 0 : i32
      %dma_wait3A_2607 = tpu.memref_slice %arg11[%dma_wait3A_2606] : memref<160000xf32, #tpu.memory_space<vmem_shared>> -> memref<160000xf32, #tpu.memory_space<vmem_shared>>
      tpu.wait_indirect_dma semaphore(%run_scoped3A_2595 : memref<!tpu.dma_semaphore, #tpu.memory_space<semaphore_mem>>) src(%dma_wait3A_2602 : memref<128xf32, #tpu.memory_space<vmem>>) dst(%dma_wait3A_2607 : memref<160000xf32, #tpu.memory_space<vmem_shared>>)
      tpu.yield
    }) : () -> ()
    %run_scoped3A_2574 = arith.constant 7 : i32
    "tpu.region"() ({
      %run_scoped3A_2595 = tpu.sem_alloc : memref<!tpu.dma_semaphore, #tpu.memory_space<semaphore_mem>>
      %dma_start3A = arith.constant 896 : i32
      %dma_start3A_2596 = tpu.memref_slice %arg8[%dma_start3A] : memref<2560xf32, #tpu.memory_space<vmem>> -> memref<128xf32, #tpu.memory_space<vmem>>
      %dma_start3A_2597 = arith.constant 0 : i32
      %dma_start3A_2598 = tpu.memref_slice %arg9[%run_scoped3A_2574, %dma_start3A_2597] : memref<20x128xi32, #tpu.memory_space<vmem>> -> memref<1x128xi32, #tpu.memory_space<vmem>>
      %dma_start3A_2599 = tpu.memref_squeeze %dma_start3A_2598 : memref<1x128xi32, #tpu.memory_space<vmem>> -> memref<128xi32, #tpu.memory_space<vmem>>
      %dma_start3A_2600 = arith.constant 0 : i32
      %dma_start3A_2601 = tpu.memref_slice %arg11[%dma_start3A_2600] : memref<160000xf32, #tpu.memory_space<vmem_shared>> -> memref<160000xf32, #tpu.memory_space<vmem_shared>>
      tpu.enqueue_indirect_dma source(%dma_start3A_2596 : memref<128xf32, #tpu.memory_space<vmem>>) target(%dma_start3A_2601 : memref<160000xf32, #tpu.memory_space<vmem_shared>>) offsets(%dma_start3A_2599 : memref<128xi32, #tpu.memory_space<vmem>>) semaphore(%run_scoped3A_2595 : memref<!tpu.dma_semaphore, #tpu.memory_space<semaphore_mem>>) {add = true}
      %dma_wait3A = arith.constant 896 : i32
      %dma_wait3A_2602 = tpu.memref_slice %arg8[%dma_wait3A] : memref<2560xf32, #tpu.memory_space<vmem>> -> memref<128xf32, #tpu.memory_space<vmem>>
      %dma_wait3A_2603 = arith.constant 0 : i32
      %dma_wait3A_2604 = tpu.memref_slice %arg9[%run_scoped3A_2574, %dma_wait3A_2603] : memref<20x128xi32, #tpu.memory_space<vmem>> -> memref<1x128xi32, #tpu.memory_space<vmem>>
      %dma_wait3A_2605 = tpu.memref_squeeze %dma_wait3A_2604 : memref<1x128xi32, #tpu.memory_space<vmem>> -> memref<128xi32, #tpu.memory_space<vmem>>
      %dma_wait3A_2606 = arith.constant 0 : i32
      %dma_wait3A_2607 = tpu.memref_slice %arg11[%dma_wait3A_2606] : memref<160000xf32, #tpu.memory_space<vmem_shared>> -> memref<160000xf32, #tpu.memory_space<vmem_shared>>
      tpu.wait_indirect_dma semaphore(%run_scoped3A_2595 : memref<!tpu.dma_semaphore, #tpu.memory_space<semaphore_mem>>) src(%dma_wait3A_2602 : memref<128xf32, #tpu.memory_space<vmem>>) dst(%dma_wait3A_2607 : memref<160000xf32, #tpu.memory_space<vmem_shared>>)
      tpu.yield
    }) : () -> ()
    %run_scoped3A_2575 = arith.constant 8 : i32
    "tpu.region"() ({
      %run_scoped3A_2595 = tpu.sem_alloc : memref<!tpu.dma_semaphore, #tpu.memory_space<semaphore_mem>>
      %dma_start3A = arith.constant 1024 : i32
      %dma_start3A_2596 = tpu.memref_slice %arg8[%dma_start3A] : memref<2560xf32, #tpu.memory_space<vmem>> -> memref<128xf32, #tpu.memory_space<vmem>>
      %dma_start3A_2597 = arith.constant 0 : i32
      %dma_start3A_2598 = tpu.memref_slice %arg9[%run_scoped3A_2575, %dma_start3A_2597] : memref<20x128xi32, #tpu.memory_space<vmem>> -> memref<1x128xi32, #tpu.memory_space<vmem>>
      %dma_start3A_2599 = tpu.memref_squeeze %dma_start3A_2598 : memref<1x128xi32, #tpu.memory_space<vmem>> -> memref<128xi32, #tpu.memory_space<vmem>>
      %dma_start3A_2600 = arith.constant 0 : i32
      %dma_start3A_2601 = tpu.memref_slice %arg11[%dma_start3A_2600] : memref<160000xf32, #tpu.memory_space<vmem_shared>> -> memref<160000xf32, #tpu.memory_space<vmem_shared>>
      tpu.enqueue_indirect_dma source(%dma_start3A_2596 : memref<128xf32, #tpu.memory_space<vmem>>) target(%dma_start3A_2601 : memref<160000xf32, #tpu.memory_space<vmem_shared>>) offsets(%dma_start3A_2599 : memref<128xi32, #tpu.memory_space<vmem>>) semaphore(%run_scoped3A_2595 : memref<!tpu.dma_semaphore, #tpu.memory_space<semaphore_mem>>) {add = true}
      %dma_wait3A = arith.constant 1024 : i32
      %dma_wait3A_2602 = tpu.memref_slice %arg8[%dma_wait3A] : memref<2560xf32, #tpu.memory_space<vmem>> -> memref<128xf32, #tpu.memory_space<vmem>>
      %dma_wait3A_2603 = arith.constant 0 : i32
      %dma_wait3A_2604 = tpu.memref_slice %arg9[%run_scoped3A_2575, %dma_wait3A_2603] : memref<20x128xi32, #tpu.memory_space<vmem>> -> memref<1x128xi32, #tpu.memory_space<vmem>>
      %dma_wait3A_2605 = tpu.memref_squeeze %dma_wait3A_2604 : memref<1x128xi32, #tpu.memory_space<vmem>> -> memref<128xi32, #tpu.memory_space<vmem>>
      %dma_wait3A_2606 = arith.constant 0 : i32
      %dma_wait3A_2607 = tpu.memref_slice %arg11[%dma_wait3A_2606] : memref<160000xf32, #tpu.memory_space<vmem_shared>> -> memref<160000xf32, #tpu.memory_space<vmem_shared>>
      tpu.wait_indirect_dma semaphore(%run_scoped3A_2595 : memref<!tpu.dma_semaphore, #tpu.memory_space<semaphore_mem>>) src(%dma_wait3A_2602 : memref<128xf32, #tpu.memory_space<vmem>>) dst(%dma_wait3A_2607 : memref<160000xf32, #tpu.memory_space<vmem_shared>>)
      tpu.yield
    }) : () -> ()
    %run_scoped3A_2576 = arith.constant 9 : i32
    "tpu.region"() ({
      %run_scoped3A_2595 = tpu.sem_alloc : memref<!tpu.dma_semaphore, #tpu.memory_space<semaphore_mem>>
      %dma_start3A = arith.constant 1152 : i32
      %dma_start3A_2596 = tpu.memref_slice %arg8[%dma_start3A] : memref<2560xf32, #tpu.memory_space<vmem>> -> memref<128xf32, #tpu.memory_space<vmem>>
      %dma_start3A_2597 = arith.constant 0 : i32
      %dma_start3A_2598 = tpu.memref_slice %arg9[%run_scoped3A_2576, %dma_start3A_2597] : memref<20x128xi32, #tpu.memory_space<vmem>> -> memref<1x128xi32, #tpu.memory_space<vmem>>
      %dma_start3A_2599 = tpu.memref_squeeze %dma_start3A_2598 : memref<1x128xi32, #tpu.memory_space<vmem>> -> memref<128xi32, #tpu.memory_space<vmem>>
      %dma_start3A_2600 = arith.constant 0 : i32
      %dma_start3A_2601 = tpu.memref_slice %arg11[%dma_start3A_2600] : memref<160000xf32, #tpu.memory_space<vmem_shared>> -> memref<160000xf32, #tpu.memory_space<vmem_shared>>
      tpu.enqueue_indirect_dma source(%dma_start3A_2596 : memref<128xf32, #tpu.memory_space<vmem>>) target(%dma_start3A_2601 : memref<160000xf32, #tpu.memory_space<vmem_shared>>) offsets(%dma_start3A_2599 : memref<128xi32, #tpu.memory_space<vmem>>) semaphore(%run_scoped3A_2595 : memref<!tpu.dma_semaphore, #tpu.memory_space<semaphore_mem>>) {add = true}
      %dma_wait3A = arith.constant 1152 : i32
      %dma_wait3A_2602 = tpu.memref_slice %arg8[%dma_wait3A] : memref<2560xf32, #tpu.memory_space<vmem>> -> memref<128xf32, #tpu.memory_space<vmem>>
      %dma_wait3A_2603 = arith.constant 0 : i32
      %dma_wait3A_2604 = tpu.memref_slice %arg9[%run_scoped3A_2576, %dma_wait3A_2603] : memref<20x128xi32, #tpu.memory_space<vmem>> -> memref<1x128xi32, #tpu.memory_space<vmem>>
      %dma_wait3A_2605 = tpu.memref_squeeze %dma_wait3A_2604 : memref<1x128xi32, #tpu.memory_space<vmem>> -> memref<128xi32, #tpu.memory_space<vmem>>
      %dma_wait3A_2606 = arith.constant 0 : i32
      %dma_wait3A_2607 = tpu.memref_slice %arg11[%dma_wait3A_2606] : memref<160000xf32, #tpu.memory_space<vmem_shared>> -> memref<160000xf32, #tpu.memory_space<vmem_shared>>
      tpu.wait_indirect_dma semaphore(%run_scoped3A_2595 : memref<!tpu.dma_semaphore, #tpu.memory_space<semaphore_mem>>) src(%dma_wait3A_2602 : memref<128xf32, #tpu.memory_space<vmem>>) dst(%dma_wait3A_2607 : memref<160000xf32, #tpu.memory_space<vmem_shared>>)
      tpu.yield
    }) : () -> ()
    %run_scoped3A_2577 = arith.constant 10 : i32
    "tpu.region"() ({
      %run_scoped3A_2595 = tpu.sem_alloc : memref<!tpu.dma_semaphore, #tpu.memory_space<semaphore_mem>>
      %dma_start3A = arith.constant 1280 : i32
      %dma_start3A_2596 = tpu.memref_slice %arg8[%dma_start3A] : memref<2560xf32, #tpu.memory_space<vmem>> -> memref<128xf32, #tpu.memory_space<vmem>>
      %dma_start3A_2597 = arith.constant 0 : i32
      %dma_start3A_2598 = tpu.memref_slice %arg9[%run_scoped3A_2577, %dma_start3A_2597] : memref<20x128xi32, #tpu.memory_space<vmem>> -> memref<1x128xi32, #tpu.memory_space<vmem>>
      %dma_start3A_2599 = tpu.memref_squeeze %dma_start3A_2598 : memref<1x128xi32, #tpu.memory_space<vmem>> -> memref<128xi32, #tpu.memory_space<vmem>>
      %dma_start3A_2600 = arith.constant 0 : i32
      %dma_start3A_2601 = tpu.memref_slice %arg11[%dma_start3A_2600] : memref<160000xf32, #tpu.memory_space<vmem_shared>> -> memref<160000xf32, #tpu.memory_space<vmem_shared>>
      tpu.enqueue_indirect_dma source(%dma_start3A_2596 : memref<128xf32, #tpu.memory_space<vmem>>) target(%dma_start3A_2601 : memref<160000xf32, #tpu.memory_space<vmem_shared>>) offsets(%dma_start3A_2599 : memref<128xi32, #tpu.memory_space<vmem>>) semaphore(%run_scoped3A_2595 : memref<!tpu.dma_semaphore, #tpu.memory_space<semaphore_mem>>) {add = true}
      %dma_wait3A = arith.constant 1280 : i32
      %dma_wait3A_2602 = tpu.memref_slice %arg8[%dma_wait3A] : memref<2560xf32, #tpu.memory_space<vmem>> -> memref<128xf32, #tpu.memory_space<vmem>>
      %dma_wait3A_2603 = arith.constant 0 : i32
      %dma_wait3A_2604 = tpu.memref_slice %arg9[%run_scoped3A_2577, %dma_wait3A_2603] : memref<20x128xi32, #tpu.memory_space<vmem>> -> memref<1x128xi32, #tpu.memory_space<vmem>>
      %dma_wait3A_2605 = tpu.memref_squeeze %dma_wait3A_2604 : memref<1x128xi32, #tpu.memory_space<vmem>> -> memref<128xi32, #tpu.memory_space<vmem>>
      %dma_wait3A_2606 = arith.constant 0 : i32
      %dma_wait3A_2607 = tpu.memref_slice %arg11[%dma_wait3A_2606] : memref<160000xf32, #tpu.memory_space<vmem_shared>> -> memref<160000xf32, #tpu.memory_space<vmem_shared>>
      tpu.wait_indirect_dma semaphore(%run_scoped3A_2595 : memref<!tpu.dma_semaphore, #tpu.memory_space<semaphore_mem>>) src(%dma_wait3A_2602 : memref<128xf32, #tpu.memory_space<vmem>>) dst(%dma_wait3A_2607 : memref<160000xf32, #tpu.memory_space<vmem_shared>>)
      tpu.yield
    }) : () -> ()
    %run_scoped3A_2578 = arith.constant 11 : i32
    "tpu.region"() ({
      %run_scoped3A_2595 = tpu.sem_alloc : memref<!tpu.dma_semaphore, #tpu.memory_space<semaphore_mem>>
      %dma_start3A = arith.constant 1408 : i32
      %dma_start3A_2596 = tpu.memref_slice %arg8[%dma_start3A] : memref<2560xf32, #tpu.memory_space<vmem>> -> memref<128xf32, #tpu.memory_space<vmem>>
      %dma_start3A_2597 = arith.constant 0 : i32
      %dma_start3A_2598 = tpu.memref_slice %arg9[%run_scoped3A_2578, %dma_start3A_2597] : memref<20x128xi32, #tpu.memory_space<vmem>> -> memref<1x128xi32, #tpu.memory_space<vmem>>
      %dma_start3A_2599 = tpu.memref_squeeze %dma_start3A_2598 : memref<1x128xi32, #tpu.memory_space<vmem>> -> memref<128xi32, #tpu.memory_space<vmem>>
      %dma_start3A_2600 = arith.constant 0 : i32
      %dma_start3A_2601 = tpu.memref_slice %arg11[%dma_start3A_2600] : memref<160000xf32, #tpu.memory_space<vmem_shared>> -> memref<160000xf32, #tpu.memory_space<vmem_shared>>
      tpu.enqueue_indirect_dma source(%dma_start3A_2596 : memref<128xf32, #tpu.memory_space<vmem>>) target(%dma_start3A_2601 : memref<160000xf32, #tpu.memory_space<vmem_shared>>) offsets(%dma_start3A_2599 : memref<128xi32, #tpu.memory_space<vmem>>) semaphore(%run_scoped3A_2595 : memref<!tpu.dma_semaphore, #tpu.memory_space<semaphore_mem>>) {add = true}
      %dma_wait3A = arith.constant 1408 : i32
      %dma_wait3A_2602 = tpu.memref_slice %arg8[%dma_wait3A] : memref<2560xf32, #tpu.memory_space<vmem>> -> memref<128xf32, #tpu.memory_space<vmem>>
      %dma_wait3A_2603 = arith.constant 0 : i32
      %dma_wait3A_2604 = tpu.memref_slice %arg9[%run_scoped3A_2578, %dma_wait3A_2603] : memref<20x128xi32, #tpu.memory_space<vmem>> -> memref<1x128xi32, #tpu.memory_space<vmem>>
      %dma_wait3A_2605 = tpu.memref_squeeze %dma_wait3A_2604 : memref<1x128xi32, #tpu.memory_space<vmem>> -> memref<128xi32, #tpu.memory_space<vmem>>
      %dma_wait3A_2606 = arith.constant 0 : i32
      %dma_wait3A_2607 = tpu.memref_slice %arg11[%dma_wait3A_2606] : memref<160000xf32, #tpu.memory_space<vmem_shared>> -> memref<160000xf32, #tpu.memory_space<vmem_shared>>
      tpu.wait_indirect_dma semaphore(%run_scoped3A_2595 : memref<!tpu.dma_semaphore, #tpu.memory_space<semaphore_mem>>) src(%dma_wait3A_2602 : memref<128xf32, #tpu.memory_space<vmem>>) dst(%dma_wait3A_2607 : memref<160000xf32, #tpu.memory_space<vmem_shared>>)
      tpu.yield
    }) : () -> ()
    %run_scoped3A_2579 = arith.constant 12 : i32
    "tpu.region"() ({
      %run_scoped3A_2595 = tpu.sem_alloc : memref<!tpu.dma_semaphore, #tpu.memory_space<semaphore_mem>>
      %dma_start3A = arith.constant 1536 : i32
      %dma_start3A_2596 = tpu.memref_slice %arg8[%dma_start3A] : memref<2560xf32, #tpu.memory_space<vmem>> -> memref<128xf32, #tpu.memory_space<vmem>>
      %dma_start3A_2597 = arith.constant 0 : i32
      %dma_start3A_2598 = tpu.memref_slice %arg9[%run_scoped3A_2579, %dma_start3A_2597] : memref<20x128xi32, #tpu.memory_space<vmem>> -> memref<1x128xi32, #tpu.memory_space<vmem>>
      %dma_start3A_2599 = tpu.memref_squeeze %dma_start3A_2598 : memref<1x128xi32, #tpu.memory_space<vmem>> -> memref<128xi32, #tpu.memory_space<vmem>>
      %dma_start3A_2600 = arith.constant 0 : i32
      %dma_start3A_2601 = tpu.memref_slice %arg11[%dma_start3A_2600] : memref<160000xf32, #tpu.memory_space<vmem_shared>> -> memref<160000xf32, #tpu.memory_space<vmem_shared>>
      tpu.enqueue_indirect_dma source(%dma_start3A_2596 : memref<128xf32, #tpu.memory_space<vmem>>) target(%dma_start3A_2601 : memref<160000xf32, #tpu.memory_space<vmem_shared>>) offsets(%dma_start3A_2599 : memref<128xi32, #tpu.memory_space<vmem>>) semaphore(%run_scoped3A_2595 : memref<!tpu.dma_semaphore, #tpu.memory_space<semaphore_mem>>) {add = true}
      %dma_wait3A = arith.constant 1536 : i32
      %dma_wait3A_2602 = tpu.memref_slice %arg8[%dma_wait3A] : memref<2560xf32, #tpu.memory_space<vmem>> -> memref<128xf32, #tpu.memory_space<vmem>>
      %dma_wait3A_2603 = arith.constant 0 : i32
      %dma_wait3A_2604 = tpu.memref_slice %arg9[%run_scoped3A_2579, %dma_wait3A_2603] : memref<20x128xi32, #tpu.memory_space<vmem>> -> memref<1x128xi32, #tpu.memory_space<vmem>>
      %dma_wait3A_2605 = tpu.memref_squeeze %dma_wait3A_2604 : memref<1x128xi32, #tpu.memory_space<vmem>> -> memref<128xi32, #tpu.memory_space<vmem>>
      %dma_wait3A_2606 = arith.constant 0 : i32
      %dma_wait3A_2607 = tpu.memref_slice %arg11[%dma_wait3A_2606] : memref<160000xf32, #tpu.memory_space<vmem_shared>> -> memref<160000xf32, #tpu.memory_space<vmem_shared>>
      tpu.wait_indirect_dma semaphore(%run_scoped3A_2595 : memref<!tpu.dma_semaphore, #tpu.memory_space<semaphore_mem>>) src(%dma_wait3A_2602 : memref<128xf32, #tpu.memory_space<vmem>>) dst(%dma_wait3A_2607 : memref<160000xf32, #tpu.memory_space<vmem_shared>>)
      tpu.yield
    }) : () -> ()
    %run_scoped3A_2580 = arith.constant 13 : i32
    "tpu.region"() ({
      %run_scoped3A_2595 = tpu.sem_alloc : memref<!tpu.dma_semaphore, #tpu.memory_space<semaphore_mem>>
      %dma_start3A = arith.constant 1664 : i32
      %dma_start3A_2596 = tpu.memref_slice %arg8[%dma_start3A] : memref<2560xf32, #tpu.memory_space<vmem>> -> memref<128xf32, #tpu.memory_space<vmem>>
      %dma_start3A_2597 = arith.constant 0 : i32
      %dma_start3A_2598 = tpu.memref_slice %arg9[%run_scoped3A_2580, %dma_start3A_2597] : memref<20x128xi32, #tpu.memory_space<vmem>> -> memref<1x128xi32, #tpu.memory_space<vmem>>
      %dma_start3A_2599 = tpu.memref_squeeze %dma_start3A_2598 : memref<1x128xi32, #tpu.memory_space<vmem>> -> memref<128xi32, #tpu.memory_space<vmem>>
      %dma_start3A_2600 = arith.constant 0 : i32
      %dma_start3A_2601 = tpu.memref_slice %arg11[%dma_start3A_2600] : memref<160000xf32, #tpu.memory_space<vmem_shared>> -> memref<160000xf32, #tpu.memory_space<vmem_shared>>
      tpu.enqueue_indirect_dma source(%dma_start3A_2596 : memref<128xf32, #tpu.memory_space<vmem>>) target(%dma_start3A_2601 : memref<160000xf32, #tpu.memory_space<vmem_shared>>) offsets(%dma_start3A_2599 : memref<128xi32, #tpu.memory_space<vmem>>) semaphore(%run_scoped3A_2595 : memref<!tpu.dma_semaphore, #tpu.memory_space<semaphore_mem>>) {add = true}
      %dma_wait3A = arith.constant 1664 : i32
      %dma_wait3A_2602 = tpu.memref_slice %arg8[%dma_wait3A] : memref<2560xf32, #tpu.memory_space<vmem>> -> memref<128xf32, #tpu.memory_space<vmem>>
      %dma_wait3A_2603 = arith.constant 0 : i32
      %dma_wait3A_2604 = tpu.memref_slice %arg9[%run_scoped3A_2580, %dma_wait3A_2603] : memref<20x128xi32, #tpu.memory_space<vmem>> -> memref<1x128xi32, #tpu.memory_space<vmem>>
      %dma_wait3A_2605 = tpu.memref_squeeze %dma_wait3A_2604 : memref<1x128xi32, #tpu.memory_space<vmem>> -> memref<128xi32, #tpu.memory_space<vmem>>
      %dma_wait3A_2606 = arith.constant 0 : i32
      %dma_wait3A_2607 = tpu.memref_slice %arg11[%dma_wait3A_2606] : memref<160000xf32, #tpu.memory_space<vmem_shared>> -> memref<160000xf32, #tpu.memory_space<vmem_shared>>
      tpu.wait_indirect_dma semaphore(%run_scoped3A_2595 : memref<!tpu.dma_semaphore, #tpu.memory_space<semaphore_mem>>) src(%dma_wait3A_2602 : memref<128xf32, #tpu.memory_space<vmem>>) dst(%dma_wait3A_2607 : memref<160000xf32, #tpu.memory_space<vmem_shared>>)
      tpu.yield
    }) : () -> ()
    %run_scoped3A_2581 = arith.constant 14 : i32
    "tpu.region"() ({
      %run_scoped3A_2595 = tpu.sem_alloc : memref<!tpu.dma_semaphore, #tpu.memory_space<semaphore_mem>>
      %dma_start3A = arith.constant 1792 : i32
      %dma_start3A_2596 = tpu.memref_slice %arg8[%dma_start3A] : memref<2560xf32, #tpu.memory_space<vmem>> -> memref<128xf32, #tpu.memory_space<vmem>>
      %dma_start3A_2597 = arith.constant 0 : i32
      %dma_start3A_2598 = tpu.memref_slice %arg9[%run_scoped3A_2581, %dma_start3A_2597] : memref<20x128xi32, #tpu.memory_space<vmem>> -> memref<1x128xi32, #tpu.memory_space<vmem>>
      %dma_start3A_2599 = tpu.memref_squeeze %dma_start3A_2598 : memref<1x128xi32, #tpu.memory_space<vmem>> -> memref<128xi32, #tpu.memory_space<vmem>>
      %dma_start3A_2600 = arith.constant 0 : i32
      %dma_start3A_2601 = tpu.memref_slice %arg11[%dma_start3A_2600] : memref<160000xf32, #tpu.memory_space<vmem_shared>> -> memref<160000xf32, #tpu.memory_space<vmem_shared>>
      tpu.enqueue_indirect_dma source(%dma_start3A_2596 : memref<128xf32, #tpu.memory_space<vmem>>) target(%dma_start3A_2601 : memref<160000xf32, #tpu.memory_space<vmem_shared>>) offsets(%dma_start3A_2599 : memref<128xi32, #tpu.memory_space<vmem>>) semaphore(%run_scoped3A_2595 : memref<!tpu.dma_semaphore, #tpu.memory_space<semaphore_mem>>) {add = true}
      %dma_wait3A = arith.constant 1792 : i32
      %dma_wait3A_2602 = tpu.memref_slice %arg8[%dma_wait3A] : memref<2560xf32, #tpu.memory_space<vmem>> -> memref<128xf32, #tpu.memory_space<vmem>>
      %dma_wait3A_2603 = arith.constant 0 : i32
      %dma_wait3A_2604 = tpu.memref_slice %arg9[%run_scoped3A_2581, %dma_wait3A_2603] : memref<20x128xi32, #tpu.memory_space<vmem>> -> memref<1x128xi32, #tpu.memory_space<vmem>>
      %dma_wait3A_2605 = tpu.memref_squeeze %dma_wait3A_2604 : memref<1x128xi32, #tpu.memory_space<vmem>> -> memref<128xi32, #tpu.memory_space<vmem>>
      %dma_wait3A_2606 = arith.constant 0 : i32
      %dma_wait3A_2607 = tpu.memref_slice %arg11[%dma_wait3A_2606] : memref<160000xf32, #tpu.memory_space<vmem_shared>> -> memref<160000xf32, #tpu.memory_space<vmem_shared>>
      tpu.wait_indirect_dma semaphore(%run_scoped3A_2595 : memref<!tpu.dma_semaphore, #tpu.memory_space<semaphore_mem>>) src(%dma_wait3A_2602 : memref<128xf32, #tpu.memory_space<vmem>>) dst(%dma_wait3A_2607 : memref<160000xf32, #tpu.memory_space<vmem_shared>>)
      tpu.yield
    }) : () -> ()
    %run_scoped3A_2582 = arith.constant 15 : i32
    "tpu.region"() ({
      %run_scoped3A_2595 = tpu.sem_alloc : memref<!tpu.dma_semaphore, #tpu.memory_space<semaphore_mem>>
      %dma_start3A = arith.constant 1920 : i32
      %dma_start3A_2596 = tpu.memref_slice %arg8[%dma_start3A] : memref<2560xf32, #tpu.memory_space<vmem>> -> memref<128xf32, #tpu.memory_space<vmem>>
      %dma_start3A_2597 = arith.constant 0 : i32
      %dma_start3A_2598 = tpu.memref_slice %arg9[%run_scoped3A_2582, %dma_start3A_2597] : memref<20x128xi32, #tpu.memory_space<vmem>> -> memref<1x128xi32, #tpu.memory_space<vmem>>
      %dma_start3A_2599 = tpu.memref_squeeze %dma_start3A_2598 : memref<1x128xi32, #tpu.memory_space<vmem>> -> memref<128xi32, #tpu.memory_space<vmem>>
      %dma_start3A_2600 = arith.constant 0 : i32
      %dma_start3A_2601 = tpu.memref_slice %arg11[%dma_start3A_2600] : memref<160000xf32, #tpu.memory_space<vmem_shared>> -> memref<160000xf32, #tpu.memory_space<vmem_shared>>
      tpu.enqueue_indirect_dma source(%dma_start3A_2596 : memref<128xf32, #tpu.memory_space<vmem>>) target(%dma_start3A_2601 : memref<160000xf32, #tpu.memory_space<vmem_shared>>) offsets(%dma_start3A_2599 : memref<128xi32, #tpu.memory_space<vmem>>) semaphore(%run_scoped3A_2595 : memref<!tpu.dma_semaphore, #tpu.memory_space<semaphore_mem>>) {add = true}
      %dma_wait3A = arith.constant 1920 : i32
      %dma_wait3A_2602 = tpu.memref_slice %arg8[%dma_wait3A] : memref<2560xf32, #tpu.memory_space<vmem>> -> memref<128xf32, #tpu.memory_space<vmem>>
      %dma_wait3A_2603 = arith.constant 0 : i32
      %dma_wait3A_2604 = tpu.memref_slice %arg9[%run_scoped3A_2582, %dma_wait3A_2603] : memref<20x128xi32, #tpu.memory_space<vmem>> -> memref<1x128xi32, #tpu.memory_space<vmem>>
      %dma_wait3A_2605 = tpu.memref_squeeze %dma_wait3A_2604 : memref<1x128xi32, #tpu.memory_space<vmem>> -> memref<128xi32, #tpu.memory_space<vmem>>
      %dma_wait3A_2606 = arith.constant 0 : i32
      %dma_wait3A_2607 = tpu.memref_slice %arg11[%dma_wait3A_2606] : memref<160000xf32, #tpu.memory_space<vmem_shared>> -> memref<160000xf32, #tpu.memory_space<vmem_shared>>
      tpu.wait_indirect_dma semaphore(%run_scoped3A_2595 : memref<!tpu.dma_semaphore, #tpu.memory_space<semaphore_mem>>) src(%dma_wait3A_2602 : memref<128xf32, #tpu.memory_space<vmem>>) dst(%dma_wait3A_2607 : memref<160000xf32, #tpu.memory_space<vmem_shared>>)
      tpu.yield
    }) : () -> ()
    %run_scoped3A_2583 = arith.constant 16 : i32
    "tpu.region"() ({
      %run_scoped3A_2595 = tpu.sem_alloc : memref<!tpu.dma_semaphore, #tpu.memory_space<semaphore_mem>>
      %dma_start3A = arith.constant 2048 : i32
      %dma_start3A_2596 = tpu.memref_slice %arg8[%dma_start3A] : memref<2560xf32, #tpu.memory_space<vmem>> -> memref<128xf32, #tpu.memory_space<vmem>>
      %dma_start3A_2597 = arith.constant 0 : i32
      %dma_start3A_2598 = tpu.memref_slice %arg9[%run_scoped3A_2583, %dma_start3A_2597] : memref<20x128xi32, #tpu.memory_space<vmem>> -> memref<1x128xi32, #tpu.memory_space<vmem>>
      %dma_start3A_2599 = tpu.memref_squeeze %dma_start3A_2598 : memref<1x128xi32, #tpu.memory_space<vmem>> -> memref<128xi32, #tpu.memory_space<vmem>>
      %dma_start3A_2600 = arith.constant 0 : i32
      %dma_start3A_2601 = tpu.memref_slice %arg11[%dma_start3A_2600] : memref<160000xf32, #tpu.memory_space<vmem_shared>> -> memref<160000xf32, #tpu.memory_space<vmem_shared>>
      tpu.enqueue_indirect_dma source(%dma_start3A_2596 : memref<128xf32, #tpu.memory_space<vmem>>) target(%dma_start3A_2601 : memref<160000xf32, #tpu.memory_space<vmem_shared>>) offsets(%dma_start3A_2599 : memref<128xi32, #tpu.memory_space<vmem>>) semaphore(%run_scoped3A_2595 : memref<!tpu.dma_semaphore, #tpu.memory_space<semaphore_mem>>) {add = true}
      %dma_wait3A = arith.constant 2048 : i32
      %dma_wait3A_2602 = tpu.memref_slice %arg8[%dma_wait3A] : memref<2560xf32, #tpu.memory_space<vmem>> -> memref<128xf32, #tpu.memory_space<vmem>>
      %dma_wait3A_2603 = arith.constant 0 : i32
      %dma_wait3A_2604 = tpu.memref_slice %arg9[%run_scoped3A_2583, %dma_wait3A_2603] : memref<20x128xi32, #tpu.memory_space<vmem>> -> memref<1x128xi32, #tpu.memory_space<vmem>>
      %dma_wait3A_2605 = tpu.memref_squeeze %dma_wait3A_2604 : memref<1x128xi32, #tpu.memory_space<vmem>> -> memref<128xi32, #tpu.memory_space<vmem>>
      %dma_wait3A_2606 = arith.constant 0 : i32
      %dma_wait3A_2607 = tpu.memref_slice %arg11[%dma_wait3A_2606] : memref<160000xf32, #tpu.memory_space<vmem_shared>> -> memref<160000xf32, #tpu.memory_space<vmem_shared>>
      tpu.wait_indirect_dma semaphore(%run_scoped3A_2595 : memref<!tpu.dma_semaphore, #tpu.memory_space<semaphore_mem>>) src(%dma_wait3A_2602 : memref<128xf32, #tpu.memory_space<vmem>>) dst(%dma_wait3A_2607 : memref<160000xf32, #tpu.memory_space<vmem_shared>>)
      tpu.yield
    }) : () -> ()
    %run_scoped3A_2584 = arith.constant 17 : i32
    "tpu.region"() ({
      %run_scoped3A_2595 = tpu.sem_alloc : memref<!tpu.dma_semaphore, #tpu.memory_space<semaphore_mem>>
      %dma_start3A = arith.constant 2176 : i32
      %dma_start3A_2596 = tpu.memref_slice %arg8[%dma_start3A] : memref<2560xf32, #tpu.memory_space<vmem>> -> memref<128xf32, #tpu.memory_space<vmem>>
      %dma_start3A_2597 = arith.constant 0 : i32
      %dma_start3A_2598 = tpu.memref_slice %arg9[%run_scoped3A_2584, %dma_start3A_2597] : memref<20x128xi32, #tpu.memory_space<vmem>> -> memref<1x128xi32, #tpu.memory_space<vmem>>
      %dma_start3A_2599 = tpu.memref_squeeze %dma_start3A_2598 : memref<1x128xi32, #tpu.memory_space<vmem>> -> memref<128xi32, #tpu.memory_space<vmem>>
      %dma_start3A_2600 = arith.constant 0 : i32
      %dma_start3A_2601 = tpu.memref_slice %arg11[%dma_start3A_2600] : memref<160000xf32, #tpu.memory_space<vmem_shared>> -> memref<160000xf32, #tpu.memory_space<vmem_shared>>
      tpu.enqueue_indirect_dma source(%dma_start3A_2596 : memref<128xf32, #tpu.memory_space<vmem>>) target(%dma_start3A_2601 : memref<160000xf32, #tpu.memory_space<vmem_shared>>) offsets(%dma_start3A_2599 : memref<128xi32, #tpu.memory_space<vmem>>) semaphore(%run_scoped3A_2595 : memref<!tpu.dma_semaphore, #tpu.memory_space<semaphore_mem>>) {add = true}
      %dma_wait3A = arith.constant 2176 : i32
      %dma_wait3A_2602 = tpu.memref_slice %arg8[%dma_wait3A] : memref<2560xf32, #tpu.memory_space<vmem>> -> memref<128xf32, #tpu.memory_space<vmem>>
      %dma_wait3A_2603 = arith.constant 0 : i32
      %dma_wait3A_2604 = tpu.memref_slice %arg9[%run_scoped3A_2584, %dma_wait3A_2603] : memref<20x128xi32, #tpu.memory_space<vmem>> -> memref<1x128xi32, #tpu.memory_space<vmem>>
      %dma_wait3A_2605 = tpu.memref_squeeze %dma_wait3A_2604 : memref<1x128xi32, #tpu.memory_space<vmem>> -> memref<128xi32, #tpu.memory_space<vmem>>
      %dma_wait3A_2606 = arith.constant 0 : i32
      %dma_wait3A_2607 = tpu.memref_slice %arg11[%dma_wait3A_2606] : memref<160000xf32, #tpu.memory_space<vmem_shared>> -> memref<160000xf32, #tpu.memory_space<vmem_shared>>
      tpu.wait_indirect_dma semaphore(%run_scoped3A_2595 : memref<!tpu.dma_semaphore, #tpu.memory_space<semaphore_mem>>) src(%dma_wait3A_2602 : memref<128xf32, #tpu.memory_space<vmem>>) dst(%dma_wait3A_2607 : memref<160000xf32, #tpu.memory_space<vmem_shared>>)
      tpu.yield
    }) : () -> ()
    %run_scoped3A_2585 = arith.constant 18 : i32
    "tpu.region"() ({
      %run_scoped3A_2595 = tpu.sem_alloc : memref<!tpu.dma_semaphore, #tpu.memory_space<semaphore_mem>>
      %dma_start3A = arith.constant 2304 : i32
      %dma_start3A_2596 = tpu.memref_slice %arg8[%dma_start3A] : memref<2560xf32, #tpu.memory_space<vmem>> -> memref<128xf32, #tpu.memory_space<vmem>>
      %dma_start3A_2597 = arith.constant 0 : i32
      %dma_start3A_2598 = tpu.memref_slice %arg9[%run_scoped3A_2585, %dma_start3A_2597] : memref<20x128xi32, #tpu.memory_space<vmem>> -> memref<1x128xi32, #tpu.memory_space<vmem>>
      %dma_start3A_2599 = tpu.memref_squeeze %dma_start3A_2598 : memref<1x128xi32, #tpu.memory_space<vmem>> -> memref<128xi32, #tpu.memory_space<vmem>>
      %dma_start3A_2600 = arith.constant 0 : i32
      %dma_start3A_2601 = tpu.memref_slice %arg11[%dma_start3A_2600] : memref<160000xf32, #tpu.memory_space<vmem_shared>> -> memref<160000xf32, #tpu.memory_space<vmem_shared>>
      tpu.enqueue_indirect_dma source(%dma_start3A_2596 : memref<128xf32, #tpu.memory_space<vmem>>) target(%dma_start3A_2601 : memref<160000xf32, #tpu.memory_space<vmem_shared>>) offsets(%dma_start3A_2599 : memref<128xi32, #tpu.memory_space<vmem>>) semaphore(%run_scoped3A_2595 : memref<!tpu.dma_semaphore, #tpu.memory_space<semaphore_mem>>) {add = true}
      %dma_wait3A = arith.constant 2304 : i32
      %dma_wait3A_2602 = tpu.memref_slice %arg8[%dma_wait3A] : memref<2560xf32, #tpu.memory_space<vmem>> -> memref<128xf32, #tpu.memory_space<vmem>>
      %dma_wait3A_2603 = arith.constant 0 : i32
      %dma_wait3A_2604 = tpu.memref_slice %arg9[%run_scoped3A_2585, %dma_wait3A_2603] : memref<20x128xi32, #tpu.memory_space<vmem>> -> memref<1x128xi32, #tpu.memory_space<vmem>>
      %dma_wait3A_2605 = tpu.memref_squeeze %dma_wait3A_2604 : memref<1x128xi32, #tpu.memory_space<vmem>> -> memref<128xi32, #tpu.memory_space<vmem>>
      %dma_wait3A_2606 = arith.constant 0 : i32
      %dma_wait3A_2607 = tpu.memref_slice %arg11[%dma_wait3A_2606] : memref<160000xf32, #tpu.memory_space<vmem_shared>> -> memref<160000xf32, #tpu.memory_space<vmem_shared>>
      tpu.wait_indirect_dma semaphore(%run_scoped3A_2595 : memref<!tpu.dma_semaphore, #tpu.memory_space<semaphore_mem>>) src(%dma_wait3A_2602 : memref<128xf32, #tpu.memory_space<vmem>>) dst(%dma_wait3A_2607 : memref<160000xf32, #tpu.memory_space<vmem_shared>>)
      tpu.yield
    }) : () -> ()
    %run_scoped3A_2586 = arith.constant 19 : i32
    "tpu.region"() ({
      %run_scoped3A_2595 = tpu.sem_alloc : memref<!tpu.dma_semaphore, #tpu.memory_space<semaphore_mem>>
      %dma_start3A = arith.constant 2432 : i32
      %dma_start3A_2596 = tpu.memref_slice %arg8[%dma_start3A] : memref<2560xf32, #tpu.memory_space<vmem>> -> memref<128xf32, #tpu.memory_space<vmem>>
      %dma_start3A_2597 = arith.constant 0 : i32
      %dma_start3A_2598 = tpu.memref_slice %arg9[%run_scoped3A_2586, %dma_start3A_2597] : memref<20x128xi32, #tpu.memory_space<vmem>> -> memref<1x128xi32, #tpu.memory_space<vmem>>
      %dma_start3A_2599 = tpu.memref_squeeze %dma_start3A_2598 : memref<1x128xi32, #tpu.memory_space<vmem>> -> memref<128xi32, #tpu.memory_space<vmem>>
      %dma_start3A_2600 = arith.constant 0 : i32
      %dma_start3A_2601 = tpu.memref_slice %arg11[%dma_start3A_2600] : memref<160000xf32, #tpu.memory_space<vmem_shared>> -> memref<160000xf32, #tpu.memory_space<vmem_shared>>
      tpu.enqueue_indirect_dma source(%dma_start3A_2596 : memref<128xf32, #tpu.memory_space<vmem>>) target(%dma_start3A_2601 : memref<160000xf32, #tpu.memory_space<vmem_shared>>) offsets(%dma_start3A_2599 : memref<128xi32, #tpu.memory_space<vmem>>) semaphore(%run_scoped3A_2595 : memref<!tpu.dma_semaphore, #tpu.memory_space<semaphore_mem>>) {add = true}
      %dma_wait3A = arith.constant 2432 : i32
      %dma_wait3A_2602 = tpu.memref_slice %arg8[%dma_wait3A] : memref<2560xf32, #tpu.memory_space<vmem>> -> memref<128xf32, #tpu.memory_space<vmem>>
      %dma_wait3A_2603 = arith.constant 0 : i32
      %dma_wait3A_2604 = tpu.memref_slice %arg9[%run_scoped3A_2586, %dma_wait3A_2603] : memref<20x128xi32, #tpu.memory_space<vmem>> -> memref<1x128xi32, #tpu.memory_space<vmem>>
      %dma_wait3A_2605 = tpu.memref_squeeze %dma_wait3A_2604 : memref<1x128xi32, #tpu.memory_space<vmem>> -> memref<128xi32, #tpu.memory_space<vmem>>
      %dma_wait3A_2606 = arith.constant 0 : i32
      %dma_wait3A_2607 = tpu.memref_slice %arg11[%dma_wait3A_2606] : memref<160000xf32, #tpu.memory_space<vmem_shared>> -> memref<160000xf32, #tpu.memory_space<vmem_shared>>
      tpu.wait_indirect_dma semaphore(%run_scoped3A_2595 : memref<!tpu.dma_semaphore, #tpu.memory_space<semaphore_mem>>) src(%dma_wait3A_2602 : memref<128xf32, #tpu.memory_space<vmem>>) dst(%dma_wait3A_2607 : memref<160000xf32, #tpu.memory_space<vmem_shared>>)
      tpu.yield
    }) : () -> ()
    %barrier3A_2587 = arith.constant 0 : index
    tpu.barrier barrier_id(%barrier3A_2587)
    %mul3A_2588 = arith.constant 10000 : i32
    %mul3A_2589 = arith.muli %arg1, %mul3A_2588 : i32
    "tpu.region"() ({
      %run_scoped3A_2595 = tpu.sem_alloc : memref<!tpu.dma_semaphore, #tpu.memory_space<semaphore_mem>>
      %dma_start3A = tpu.memref_slice %arg11[%mul3A_2589] : memref<160000xf32, #tpu.memory_space<vmem_shared>> -> memref<10000xf32, #tpu.memory_space<vmem_shared>>
      %dma_start3A_2596 = tpu.memref_slice %arg11[%mul3A_2589] : memref<160000xf32, #tpu.memory_space<vmem_shared>> -> memref<10000xf32, #tpu.memory_space<vmem_shared>>
      tpu.enqueue_dma source(%dma_start3A_2596 : memref<10000xf32, #tpu.memory_space<vmem_shared>>) target(%arg10 : memref<10000xf32, #tpu.memory_space<vmem>>) target_semaphore(%run_scoped3A_2595 : memref<!tpu.dma_semaphore, #tpu.memory_space<semaphore_mem>>)
      %dma_wait3A = tpu.memref_slice %arg11[%mul3A_2589] : memref<160000xf32, #tpu.memory_space<vmem_shared>> -> memref<10000xf32, #tpu.memory_space<vmem_shared>>
      %dma_wait3A_2597 = tpu.memref_slice %arg11[%mul3A_2589] : memref<160000xf32, #tpu.memory_space<vmem_shared>> -> memref<10000xf32, #tpu.memory_space<vmem_shared>>
      tpu.wait_dma2 semaphore(%run_scoped3A_2595 : memref<!tpu.dma_semaphore, #tpu.memory_space<semaphore_mem>>) src(%dma_wait3A_2597 : memref<10000xf32, #tpu.memory_space<vmem_shared>>) dst(%arg10 : memref<10000xf32, #tpu.memory_space<vmem>>)
      tpu.yield
    }) : () -> ()
    %mul3A_2590 = arith.constant 160000 : i32
    %mul3A_2591 = arith.muli %arg0, %mul3A_2590 : i32
    %mul3A_2592 = arith.constant 10000 : i32
    %mul3A_2593 = arith.muli %arg1, %mul3A_2592 : i32
    %add3A_2594 = arith.addi %mul3A_2591, %mul3A_2593 : i32
    "tpu.region"() ({
      %run_scoped3A_2595 = tpu.sem_alloc : memref<!tpu.dma_semaphore, #tpu.memory_space<semaphore_mem>>
      %dma_start3A = tpu.memref_slice %arg5[%add3A_2594] : memref<320000xf32, #tpu.memory_space<hbm>> -> memref<10000xf32, #tpu.memory_space<hbm>>
      %dma_start3A_2596 = tpu.memref_slice %arg5[%add3A_2594] : memref<320000xf32, #tpu.memory_space<hbm>> -> memref<10000xf32, #tpu.memory_space<hbm>>
      tpu.enqueue_dma source(%arg10 : memref<10000xf32, #tpu.memory_space<vmem>>) target(%dma_start3A_2596 : memref<10000xf32, #tpu.memory_space<hbm>>) target_semaphore(%run_scoped3A_2595 : memref<!tpu.dma_semaphore, #tpu.memory_space<semaphore_mem>>)
      %dma_wait3A = tpu.memref_slice %arg5[%add3A_2594] : memref<320000xf32, #tpu.memory_space<hbm>> -> memref<10000xf32, #tpu.memory_space<hbm>>
      %dma_wait3A_2597 = tpu.memref_slice %arg5[%add3A_2594] : memref<320000xf32, #tpu.memory_space<hbm>> -> memref<10000xf32, #tpu.memory_space<hbm>>
      tpu.wait_dma2 semaphore(%run_scoped3A_2595 : memref<!tpu.dma_semaphore, #tpu.memory_space<semaphore_mem>>) src(%arg10 : memref<10000xf32, #tpu.memory_space<vmem>>) dst(%dma_wait3A_2597 : memref<10000xf32, #tpu.memory_space<hbm>>)
      tpu.yield
    }) : () -> ()
    return
  }
}

module attributes {stable_mosaic.version = 14 : i64} {
  func.func @body(%arg0: i32, %arg1: memref<1000x16xf32, #tpu.memory_space<vmem>>, %arg2: memref<16x2048xf32, #tpu.memory_space<vmem>>, %arg3: memref<1000x2048xf32, #tpu.memory_space<vmem>>) attributes {dimension_semantics = [#tpu.dimension_semantics<arbitrary>], iteration_bounds = array<i64: 20>, scalar_prefetch = 0 : i64, scratch_operands = 0 : i64, tpu.core_type = #tpu.core_type<tc>, window_params = [{transform_indices = @transform_0, window_bounds = array<i64: 1000, 16>}, {pipeline_mode = #tpu.pipeline_mode<synchronous>, transform_indices = @transform_1, window_bounds = array<i64: 16, 2048>}, {transform_indices = @transform_2, window_bounds = array<i64: 1000, 2048>}]} {
    %get3A = arith.constant 0 : index
    %get3A_0 = arith.constant 0 : index
    %get3A_1 = vector.load %arg1[%get3A, %get3A_0] : memref<1000x16xf32, #tpu.memory_space<vmem>>, vector<1000x16xf32>
    %get3A_2 = arith.constant 0 : index
    %get3A_3 = arith.constant 0 : index
    %get3A_4 = vector.load %arg2[%get3A_2, %get3A_3] : memref<16x2048xf32, #tpu.memory_space<vmem>>, vector<16x2048xf32>
    %dot_general3A = arith.constant dense<0.000000e+00> : vector<1000x2048xf32>
    %dot_general3A_5 = tpu.matmul %get3A_1, %get3A_4, %dot_general3A {dimension_numbers = #tpu.dot_dimension_numbers<[1], [0], [0], [1], [0, 0, 1, 1], [], []>, precision = #tpu.contract_precision<fp32>, transpose_lhs_hint = false} : vector<1000x16xf32>, vector<16x2048xf32>, vector<1000x2048xf32> -> vector<1000x2048xf32>
    %swap3A = arith.constant 0 : index
    %swap3A_6 = arith.constant 0 : index
    %swap3A_7 = vector.load %arg3[%swap3A, %swap3A_6] : memref<1000x2048xf32, #tpu.memory_space<vmem>>, vector<1000x2048xf32>
    tpu.vector_store %arg3[%swap3A, %swap3A_6], %dot_general3A_5 {strides = array<i32>} : memref<1000x2048xf32, #tpu.memory_space<vmem>>, vector<1000x2048xf32>,
    return
  }
  func.func @transform_0(%arg0: i32) -> (i32, i32) {
    %c0_i32 = arith.constant 0 : i32
    %c0_i32_0 = arith.constant 0 : i32
    return %arg0, %c0_i32 : i32, i32
  }
  func.func @transform_1(%arg0: i32) -> (i32, i32) {
    %c0_i32 = arith.constant 0 : i32
    %c0_i32_0 = arith.constant 0 : i32
    %c0_i32_1 = arith.constant 0 : i32
    return %c0_i32, %c0_i32_0 : i32, i32
  }
  func.func @transform_2(%arg0: i32) -> (i32, i32) {
    %c0_i32 = arith.constant 0 : i32
    %c0_i32_0 = arith.constant 0 : i32
    return %arg0, %c0_i32 : i32, i32
  }
}

</mosaic_0001>

<sc_bundles>
// kernel: kernel.4.cloned.1.call-start
scs
__scs_entry_jumppad:
0x0: {  	(pc) =	sbr.rel $0x88, $3  }
0x1: {  	(tag) =	ssettag $0x0;
	lr =	simm.s32 $0x1  }
0x2: {  	[smem:$0x3F9B] =	sst lr;
	_ =	strace $0xD0000000  }
0x3: {  	_ = 	snop  }
0x4: {  	_ = 	snop  }
0x5: {  	_ = 	snop  }
0x6: {  	_ = 	snop  }
0x7: {  	_ = 	snop  }
__scs_overlays_trampoline_lowered:
0x8: {  	[smem:$0x3FAA] =	sst s0  }
0x9: {  	[smem:$0x3FAB] =	sst s1  }
0xa: {  	[smem:$0x3FAC] =	sst s2  }
0xb: {  	[smem:$0x3FAD] =	sst s3  }
0xc: {  	[smem:$0x3FAE] =	sst s4  }
0xd: {  	[smem:$0x3FAF] =	sst s5  }
0xe: {  	[smem:$0x3FB0] =	sst s6  }
0xf: {  	[smem:$0x3FB1] =	sst s7  }
0x10: {  	[smem:$0x3FB2] =	sst s8  }
0x11: {  	[smem:$0x3FB3] =	sst s9;
	s0 =	simm.s32 @!p0 $0x0  }
0x12: {  	s1 =	sld [smem:$0x3F99];
	s0 =	simm.s32 @p0 $0x1  }
0x13: {  	[smem:$0x3FB4] =	sst s0;
	s0 =	simm.s32 @!p1 $0x0  }
0x14: {  	s2 =	sld [smem:$0x3F98];
	s0 =	simm.s32 @p1 $0x1  }
0x15: {  	[smem:$0x3FB5] =	sst s0;
	s0 =	simm.s32 @!p2 $0x0  }
0x16: {  	s3 =	sld [smem:$0x3FDB];
	s0 =	simm.s32 @p2 $0x1  }
0x17: {  	s4 =	simm.s32 $0x1BF5;
	[smem:$0x3FB7] =	sst s0  }
0x18: {  	s0 =	sld [smem:$0x3F9A];
	_ =	swait.ge [sflag:s4], $0x0  }
0x19: {  	s7 =	sld [smem:$0x3F9B]  }
0x1a: {  	s8 =	sadd.s32 $0xFFFFE003, lr  }
0x1b: {  	s9 =	sadd.s32 $0xFFFFFEF7, lr;
	s5 =	simm.s32 $0xFFFFFFFF;
	p2 =	slt.u32 s8, $0xFFFFF086  }
0x1c: {  	p1 =	slt.u32 s9, $0xF7A;
	s5 =	simm.s32 @!p2 $0x0  }
0x1d: {  	s5 =	simm.s32 @p1 $0x1;
	p0 =	seq.s32 s7, s2  }
0x1e: {  	s7 =	smul.u32 @!p0 $0xF7A, s2;
	p2 =	seq.s32 @!p0 s5, $0x0  }
0x1f: {  	s9 =	smul.u32 $0xF7A, s1;
	s8 =	simm.s32 @!p0 $0x1BF5;
	p2 =	por !p2, p0  }
0x20: {  	[sflag:s8] =	ssyncset.s32 @!p0 $0xFFFFF086;
	s6 =	sadd.s32 @!p0 s3, s7;
	s7 =	simm.s32 @!p0 $0x108  }
0x21: {  	s3 =	sadd.s32 s3, s9;
	s6 =	sadd.s32 @!p0 $0x88, s6;
	s7 =	simm.s32 @p2 $0x1082  }
0x22: {  	[simem:s7], [sflag:s8] =	dma.local @!p0 [hbm:s6], $0xF7A  }
0x23: {  	s9 =	sor.u32 $0xD0000000, s2;
	s6 =	simm.s32 $0x108;
	_ =	swait.ge @!p0 [sflag:s8], $0x0  }
0x24: {  	s3 =	sadd.s32 $0x88, s3;
	s6 =	simm.s32 @!p1 $0x1082;
	[sflag:s4] =	ssyncset.s32 $0xFFFFF086  }
0x25: {  	[simem:s6], [sflag:s4] =	dma.local [hbm:s3], $0xF7A  }
0x26: {  	[smem:$0x3F9B] =	sst s1;
	(tag) =	ssettag s2;
	_ =	strace s9  }
0x27: {  	s1 =	sld [smem:$0x3FAB]  }
0x28: {  	s2 =	sld [smem:$0x3FAC]  }
0x29: {  	s4 =	sld [smem:$0x3FAE]  }
0x2a: {  	p0 =	seq.s32 s5, $0x0;
	s5 =	sld [smem:$0x3FAF]  }
0x2b: {  	s6 =	sld [smem:$0x3FB0]  }
0x2c: {  	s7 =	sld [smem:$0x3FB1]  }
0x2d: {  	s3 =	simm.s32 $0x108;
	s8 =	sld [smem:$0x3FB2]  }
0x2e: {  	s3 =	simm.s32 @!p0 $0x1082;
	s9 =	sld [smem:$0x3FB3]  }
0x2f: {  	lr =	sadd.s32 s0, s3;
	s0 =	sld [smem:$0x3FAA]  }
0x30: {  	s3 =	sld [smem:$0x3FAD]  }
0x31: {  	[smem:$0x3FB6] =	sst s10  }
0x32: {  	s10 =	sld [smem:$0x3FB4];
	_ =	sdelay $0x3  }
0x33: {  	p0 =	seq.s32 s10, $0x1;
	s10 =	sld [smem:$0x3FB6];
	_ =	sdelay $0x3  }
0x34: {  	[smem:$0x3FB6] =	sst s10  }
0x35: {  	s10 =	sld [smem:$0x3FB5];
	_ =	sdelay $0x3  }
0x36: {  	p1 =	seq.s32 s10, $0x1;
	s10 =	sld [smem:$0x3FB6];
	_ =	sdelay $0x3  }
0x37: {  	[smem:$0x3FB6] =	sst s10  }
0x38: {  	s10 =	sld [smem:$0x3FB7]  }
0x39: {  	_ = 	snop;
	(pc) =	sbr.ind lr, $3  }
0x3a: {  	_ = 	snop  }
0x3b: {  	_ = 	snop  }
0x3c: {  	p2 =	seq.s32 s10, $0x1;
	s10 =	sld [smem:$0x3FB6]  }
0x3d: {  	_ =	shalt  }
0x3e: {  	_ =	shalt  }
0x3f: {  	_ =	shalt  }
0x40: {  	_ =	shalt  }
0x41: {  	_ =	shalt  }
0x42: {  	_ =	shalt  }
0x43: {  	_ =	shalt  }
0x44: {  	_ =	shalt  }
0x45: {  	_ =	shalt  }
0x46: {  	_ =	shalt  }
0x47: {  	_ =	shalt  }
0x48: {  	_ =	shalt  }
0x49: {  	_ =	shalt  }
0x4a: {  	_ =	shalt  }
0x4b: {  	_ =	shalt  }
0x4c: {  	_ =	shalt  }
0x4d: {  	_ =	shalt  }
0x4e: {  	_ =	shalt  }
0x4f: {  	_ =	shalt  }
0x50: {  	_ =	shalt  }
0x51: {  	_ =	shalt  }
0x52: {  	_ =	shalt  }
0x53: {  	_ =	shalt  }
0x54: {  	_ =	shalt  }
0x55: {  	_ =	shalt  }
0x56: {  	_ =	shalt  }
0x57: {  	_ =	shalt  }
0x58: {  	_ =	shalt  }
0x59: {  	_ =	shalt  }
0x5a: {  	_ =	shalt  }
0x5b: {  	_ =	shalt  }
0x5c: {  	_ =	shalt  }
0x5d: {  	_ =	shalt  }
0x5e: {  	_ =	shalt  }
0x5f: {  	_ =	shalt  }
0x60: {  	_ =	shalt  }
0x61: {  	_ =	shalt  }
0x62: {  	_ =	shalt  }
0x63: {  	_ =	shalt  }
0x64: {  	_ =	shalt  }
0x65: {  	_ =	shalt  }
0x66: {  	_ =	shalt  }
0x67: {  	_ =	shalt  }
0x68: {  	_ =	shalt  }
0x69: {  	_ =	shalt  }
0x6a: {  	_ =	shalt  }
0x6b: {  	_ =	shalt  }
0x6c: {  	_ =	shalt  }
0x6d: {  	_ =	shalt  }
0x6e: {  	_ =	shalt  }
0x6f: {  	_ =	shalt  }
0x70: {  	_ =	shalt  }
0x71: {  	_ =	shalt  }
0x72: {  	_ =	shalt  }
0x73: {  	_ =	shalt  }
0x74: {  	_ =	shalt  }
0x75: {  	_ =	shalt  }
0x76: {  	_ =	shalt  }
0x77: {  	_ =	shalt  }
0x78: {  	_ =	shalt  }
0x79: {  	_ =	shalt  }
0x7a: {  	_ =	shalt  }
0x7b: {  	_ =	shalt  }
0x7c: {  	_ =	shalt  }
0x7d: {  	_ =	shalt  }
0x7e: {  	_ =	shalt  }
0x7f: {  	_ =	shalt  }
0x80: {  	_ =	shalt  }
0x81: {  	_ =	shalt  }
0x82: {  	_ =	shalt  }
0x83: {  	_ =	shalt  }
0x84: {  	_ =	shalt  }
0x85: {  	_ =	shalt  }
0x86: {  	_ =	shalt  }
0x87: {  	_ =	shalt  }
.Lfunc_end0:
.L_simem_size_0:
called_computation_lowered:
.L_overlay_start_0:
0x88: {  	s2 =	sld [smem:$0x3FD9]  }
0x89: {  	s3 =	sld [smem:$0x3FFE];
	_ =	sdelay $0x1  }
0x8a: {  	s1 =	srdreg.scid  }
0x8b: {  	s0 =	sand.u32 $0x1, s1  }
0x8c: {  	s17 =	sshll.u32 s0, $0xA;
	s2 =	sadd.s32 s3, s2  }
0x8d: {  	s2 =	sadd.s32 s2, s17  }
0x8e: {  	[smem:$0x3FC2] =	sst s2  }
0x8f: {  	_ = 	snop  }
0x90: {  	s2 =	sld [smem:$0x3FD0];
	(tm) =	ssettm $0x1  }
0x91: {  	s18 =	sld [smem:$0x3FFB];
	_ =	sdelay $0x3  }
0x92: {  	_ =	strace s18  }
0x93: {  	s3 =	sld [smem:$0x3FFC];
	_ =	sdelay $0x3  }
0x94: {  	_ =	strace s3  }
0x95: {  	s3 =	sld [smem:$0x3FFD];
	_ =	sdelay $0x3  }
0x96: {  	_ =	strace s3  }
0x97: {  	_ =	strace $0x8FFFFFFF  }
0x98: {  	s19 =	sld [smem:$0x3FDB];
	_ =	sdelay $0x1  }
0x99: {  	s4 =	simm.s32 $_scs_section_size  }
0x9a: {  	s5 =	simm.s32 $_size__tile_overlayer_lowered;
	s6 =	simm.s32 $_tile_overlayer_lowered  }
0x9b: {  	s22 =	simm.s32 $0x1BFF;
	s21 =	sshll.u32 s6, $0x1;
	s3 =	sadd.s32 s4, s19  }
0x9c: {  	s7 =	simm.s32 $0x0;
	s20 =	sshll.u32 s5, $0x1;
	s5 =	sadd.s32 s21, s3  }
0x9d: {  	[timem:s7], [sflag:s22] =	dma.local [hbm:s5], s20  }
0x9e: {  	_ =	swait.ge [sflag:s22], s20  }
0x9f: {  	s4 =	ssub.s32 $0x0, s20;
	[sflag:s22] =	ssyncset.done $0x0  }
0xa0: {  	[sflag:s22] =	ssyncadd.s32 s4;
	_ =	sdelay $0x1  }
0xa1: {  	s23 =	simm.s32 $0x1B8B  }
0xa2: {  	_ =	swait.ge [sflag:s23], $0x1  }
0xa3: {  	[sflag:s23] =	ssyncset.done $0x0  }
0xa4: {  	s25 =	simm.s32 $0x1B8E;
	s24 =	sld [smem:$0x3FFE];
	[sflag:s23] =	ssyncadd.s32 $0xFFFFFFFF  }
0xa5: {  	s26 =	simm.s32 $execute0_lowered;
	[smem:$0x3FD2] =	sst s25  }
0xa6: {  	s5 =	sshll.u32 s26, $0x1;
	_ =	strace $0x80000046;
	[dreg:$0x1] =	wrdreg $0xFFFFFFFF  }
0xa7: {  	s28 =	simm.s32 $_size_execute0_lowered;
	s3 =	sadd.s32 s3, s5;
	[dreg:$0x0] =	wrdreg $0x0  }
0xa8: {  	s5 =	sshll.u32 s28, $0x1;
	[dreg:$0x2] =	wrdreg s3  }
0xa9: {  	[dreg:$0x3] =	wrdreg s5  }
0xaa: {  	[dreg:$0x4] =	wrdreg $0xC0  }
0xab: {  	_ =	task [dreg:s7], $0x5FFFF  }
0xac: {  	[dreg:$0x1] =	wrdreg $0xFFFFFFFF  }
0xad: {  	[dreg:$0x0] =	wrdreg $0x60  }
0xae: {  	[dreg:$0x2] =	wrdreg s24  }
0xaf: {  	[dreg:$0x3] =	wrdreg s2  }
0xb0: {  	[dreg:$0x4] =	wrdreg $0x51800  }
0xb1: {  	[dreg:$0x5] =	wrdreg $0x9  }
0xb2: {  	_ =	task.clear_ibuf [dreg:s7], $0x6FFFF;
	_ =	strace $0x90000046  }
0xb3: {  	s29 =	simm.s32 $0x9;
	_ =	strace $0x80000048  }
0xb4: {  	_ =	swait.ge [sflag:s29], $0x1  }
0xb5: {  	[sflag:s29] =	ssyncadd.s32 $0xFFFFFFFF  }
0xb6: {  	_ =	strace $0x90000048  }
0xb7: {  	_ =	sfence  }
0xb8: {  	s30 =	sld [smem:$0x0];
	_ =	sdelay $0x2  }
0xb9: {  	s31 =	sshll.u32 s1, $0xD;
	s1 =	sshrl.u32 s1, $0x2  }
0xba: {  	s3 =	sand.u32 $0x4000, s31;
	s1 =	sadd.s32 s1, s30  }
0xbb: {  	s0 =	sor.u32 s3, s0;
	s1 =	sshll.u32 s1, $0x11  }
0xbc: {  	s0 =	sor.u32 s1, s0  }
0xbd: {  	s0 =	sadd.s32 $0x8F2B, s0  }
0xbe: {  	[sflag:s0] =	ssyncadd.remote.s32 $0x1  }
0xbf: {  	_ =	sfence.sel $0xFFFF  }
0xc0: {  	[dreg:$0x0] =	wrdreg $0xFFFFFFFF;
	(pc) =	sbr.abs _section_cstart, $3  }
0xc1: {  	[dreg:$0x1] =	wrdreg $0xFFFFFFFF  }
0xc2: {  	_ =	task.clear_ibuf [dreg:s7], $0x2FFFF;
	_ =	strace $0x9FFFFFFF  }
0xc3: {  	(tm) =	ssettm $0x7FFFFFFF  }
tec
execute0_lowered:
.L_overlay_start_1:
0x0: {  	(tag) =	ssettag $0x1  }
0x1: {  	s0 =	rddreg [dreg:$0x0]  }
0x2: {  	s1 =	srdreg.scid;
	s8 =	rddreg [dreg:$0x1]  }
0x3: {  	s6 =	stileid.u32;
	s2 =	rddreg [dreg:$0x2];
	s3 =	simm.s32 $0x0  }
0x4: {  	s10 =	simm.s32 $0x1;
	s12 =	simm.s32 $0x1400;
	s13 =	simm.s32 $0x2A00  }
0x5: {  	s14 =	simm.s32 $0x80;
	s19 =	simm.s32 $0x2400;
	s20 =	simm.s32 $0x1A00  }
0x6: {  	s21 =	simm.s32 $0x2480;
	s22 =	simm.s32 $0x1A80;
	s23 =	simm.s32 $0x2500  }
0x7: {  	s28 =	simm.s32 $0x2600;
	s29 =	simm.s32 $0x1C00;
	s30 =	simm.s32 $0x2680  }
0x8: {  	s31 =	simm.s32 $0x1C80;
	s11 =	simm.s32 $0x2780;
	s5 =	smul.u32 $0xA00, s6  }
0x9: {  	s15 =	simm.s32 $0x1D80;
	s1 =	sand.u32 $0x1, s1;
	s7 =	smul.u32 $0x2710, s6  }
0xa: {  	s16 =	simm.s32 $0x0;
	s4 =	smul.u32 $0xA000, s1;
	s24 =	ssub.s32 $0x2, s1  }
0xb: {  	[smem:$0x7FF] =	sst s3;
	s1 =	smul.u32 $0x27100, s1;
	s25 =	sshrl.u32 s24, $0x1  }
0xc: {  	_ =	strace $0x80000047;
	s4 =	sadd.s32 s5, s4;
	s9 =	ssub.s32 s24, s25  }
0xd: {  	s1 =	sadd.s32 s7, s1;
	s7 =	sadd.s32 s7, s2;
	s24 =	simm.s32 $0x1B00  }
0xe: {  	s25 =	simm.s32 $0x2580;
	s4 =	sshrl.u32 s4, $0x3;
	s26 =	sshrl.u32 s1, $0x3  }
0xf: {  	s9 =	smax.u32 s9, $0x1;
	s1 =	simm.s32 $0x2700;
	s0 =	sadd.s32 s4, s0  }
0x10: {  	s8 =	sadd.s32 s8, s26;
	s26 =	simm.s32 $0x1B80;
	s4 =	sadd.s32 $0xC00, s0  }
0x11: {  	v0 =	vimm.f32 $0.0e+00;
	s5 =	sadd.s32 $0x5C00, s0;
	s6 =	sadd.s32 $0x3400, s0;
	s0 =	simm.s32 $0x1D00  }
.LBB2_1:
0x12: {  	[tilespmem:s3], [sflag:$0x1] =	stream.linear.gather [hbm4b:s4+s3], $0xA00, $0x38;
	[tilespmem:$0x7890] =	vst v63  }
0x13: {  	_ =	swait.ge [sflag:s10], $0xA00  }
0x14: {  	[sflag:s10] =	ssyncset.done $0x0  }
0x15: {  	s17 =	simm.s32 $0xA00;
	[sflag:s10] =	ssyncadd.s32 $0xFFFFF600  }
0x16: {  	[tilespmem:s17], [sflag:$0x1] =	stream.linear.gather [hbm4b:s5+s3], $0xA00, $0x38;
	[tilespmem:$0x7890] =	vst v63  }
0x17: {  	_ =	swait.ge [sflag:s10], $0xA00  }
0x18: {  	[sflag:s10] =	ssyncset.done $0x0  }
0x19: {  	[sflag:s10] =	ssyncadd.s32 $0xFFFFF600  }
0x1a: {  	[tilespmem:s12], [sflag:$0x1] =	stream.linear.gather [hbm4b:s6+s3], $0xA00, $0x38;
	[tilespmem:$0x7890] =	vst v63  }
0x1b: {  	_ =	swait.ge [sflag:s10], $0xA00  }
0x1c: {  	[sflag:s10] =	ssyncset.done $0x0  }
0x1d: {  	s18 =	simm.s32 $0x0;
	s17 =	simm.s32 $0x40;
	[sflag:s10] =	ssyncadd.s32 $0xFFFFF600  }
.LBB2_2:
0x1e: {  	p0 =	sne.s32 s17, $0x9C00;
	[tilespmem:s18+$0x2A00] =	vst v0;
	s18 =	smov.u32 s17;
	s17 =	sadd.s32 $0x40, s17  }
.Ltmp0:
0x1f: {  	(pc) =	sbr.rel @p0 .LBB2_2-.Ltmp0, $2  }
0x20: {  	_ =	sdelay $0x2  }
0x21: {  	s18 =	sshra.s32 s18, $0x2  }
0x22: {  	[tilespmem:s18+$0x2A00] =	vst v0  }
0x23: {  	[spmem:s7] =	stream.linear.scatter [tilespmem:s13], [sflag:$0x1], $0x2710, $0x38;
	[tilespmem:$0x7890] =	vst v63  }
0x24: {  	_ =	swait.ge [sflag:s10], $0x2710  }
0x25: {  	[sflag:s10] =	ssyncset.done $0x0  }
0x26: {  	[sflag:s10] =	ssyncadd.s32 $0xFFFFD8F0  }
0x27: {  	v1 =	vld [tilespmem:$0x0]  }
0x28: {  	v2 =	vld [tilespmem:$0xA00]  }
0x29: {  	v3 =	vld [tilespmem:$0x10]  }
0x2a: {  	v4 =	vld [tilespmem:$0xA10]  }
0x2b: {  	v5 =	vld [tilespmem:$0x20]  }
0x2c: {  	v6 =	vld [tilespmem:$0xA20]  }
0x2d: {  	v7 =	vld [tilespmem:$0x30]  }
0x2e: {  	v8 =	vld [tilespmem:$0xA30]  }
0x2f: {  	v9 =	vld [tilespmem:$0x40]  }
0x30: {  	v10 =	vld [tilespmem:$0xA40]  }
0x31: {  	v11 =	vld [tilespmem:$0x50]  }
0x32: {  	v12 =	vld [tilespmem:$0xA50]  }
0x33: {  	v13 =	vld [tilespmem:$0x60]  }
0x34: {  	v14 =	vld [tilespmem:$0xA60]  }
0x35: {  	v15 =	vld [tilespmem:$0x70]  }
0x36: {  	v16 =	vld [tilespmem:$0xA70]  }
0x37: {  	v17 =	vld [tilespmem:$0x80]  }
0x38: {  	v18 =	vld [tilespmem:$0xA80]  }
0x39: {  	v19 =	vld [tilespmem:$0x90];
	v1 =	vshll.u32 v1, $0x4  }
0x3a: {  	v20 =	vld [tilespmem:$0xA90];
	v1 =	vadd.s32 v2, v1;
	v2 =	vshll.u32 v3, $0x4  }
0x3b: {  	v56 =	vld [tilespmem:$0xAA0];
	[tilespmem:$0x1E00] =	vst v1;
	v1 =	vadd.s32 v4, v2;
	v2 =	vshll.u32 v5, $0x4  }
0x3c: {  	v57 =	vld [tilespmem:$0xB0];
	[tilespmem:$0x1E10] =	vst v1;
	v1 =	vadd.s32 v6, v2;
	v2 =	vshll.u32 v7, $0x4  }
0x3d: {  	v58 =	vld [tilespmem:$0xAB0];
	[tilespmem:$0x1E20] =	vst v1;
	v1 =	vadd.s32 v8, v2;
	v2 =	vshll.u32 v9, $0x4  }
0x3e: {  	v3 =	vld [tilespmem:$0xA0];
	[tilespmem:$0x1E30] =	vst v1;
	v1 =	vadd.s32 v10, v2;
	v2 =	vshll.u32 v11, $0x4  }
0x3f: {  	v59 =	vld [tilespmem:$0xC0];
	[tilespmem:$0x1E40] =	vst v1;
	v1 =	vadd.s32 v12, v2;
	v2 =	vshll.u32 v13, $0x4  }
0x40: {  	v60 =	vld [tilespmem:$0xAC0];
	[tilespmem:$0x1E50] =	vst v1;
	v1 =	vadd.s32 v14, v2;
	v2 =	vshll.u32 v15, $0x4  }
0x41: {  	v61 =	vld [tilespmem:$0xD0];
	[tilespmem:$0x1E60] =	vst v1;
	v1 =	vadd.s32 v16, v2;
	v2 =	vshll.u32 v17, $0x4  }
0x42: {  	[tilespmem:$0x1E70] =	vst v1;
	v1 =	vadd.s32 v18, v2;
	v2 =	vshll.u32 v19, $0x4  }
0x43: {  	[tilespmem:$0x1E80] =	vst v1;
	v1 =	vadd.s32 v20, v2;
	v2 =	vshll.u32 v3, $0x4  }
0x44: {  	[tilespmem:$0x1E90] =	vst v1;
	v1 =	vadd.s32 v56, v2;
	v2 =	vshll.u32 v57, $0x4  }
0x45: {  	[tilespmem:$0x1EA0] =	vst v1;
	v1 =	vadd.s32 v58, v2;
	v2 =	vshll.u32 v59, $0x4  }
0x46: {  	[tilespmem:$0x1EB0] =	vst v1;
	v1 =	vadd.s32 v60, v2;
	v2 =	vshll.u32 v61, $0x4;
	v61 =	vld [tilespmem:$0xCD0];
	_ =	sdelay $0x4  }
0x47: {  	[tilespmem:$0x1F8F0] =	vst v61;
	v61 =	vld [tilespmem:$0xCE0];
	_ =	sdelay $0x4  }
0x48: {  	[tilespmem:$0x1F900] =	vst v61;
	v61 =	vld [tilespmem:$0x2F0];
	_ =	sdelay $0x4  }
0x49: {  	[tilespmem:$0x1F910] =	vst v61;
	v61 =	vld [tilespmem:$0xCF0];
	_ =	sdelay $0x4  }
0x4a: {  	[tilespmem:$0x1F920] =	vst v61;
	v61 =	vld [tilespmem:$0x300];
	_ =	sdelay $0x4  }
0x4b: {  	[tilespmem:$0x1F930] =	vst v61;
	v61 =	vld [tilespmem:$0xD00];
	_ =	sdelay $0x4  }
0x4c: {  	[tilespmem:$0x1F940] =	vst v61;
	v61 =	vld [tilespmem:$0x310];
	_ =	sdelay $0x4  }
0x4d: {  	[tilespmem:$0x1F950] =	vst v61;
	v61 =	vld [tilespmem:$0xD10];
	_ =	sdelay $0x4  }
0x4e: {  	[tilespmem:$0x1F960] =	vst v61;
	v61 =	vld [tilespmem:$0x320];
	_ =	sdelay $0x4  }
0x4f: {  	[tilespmem:$0x1F970] =	vst v61;
	v61 =	vld [tilespmem:$0xD20];
	_ =	sdelay $0x4  }
0x50: {  	[tilespmem:$0x1F980] =	vst v61;
	v61 =	vld [tilespmem:$0x330];
	_ =	sdelay $0x4  }
0x51: {  	[tilespmem:$0x1F990] =	vst v61;
	v61 =	vld [tilespmem:$0xD30];
	_ =	sdelay $0x4  }
0x52: {  	[tilespmem:$0x1F9A0] =	vst v61;
	v61 =	vld [tilespmem:$0x340];
	_ =	sdelay $0x4  }
0x53: {  	[tilespmem:$0x1F9B0] =	vst v61;
	v61 =	vld [tilespmem:$0xD40];
	_ =	sdelay $0x4  }
0x54: {  	[tilespmem:$0x1F9C0] =	vst v61;
	v61 =	vld [tilespmem:$0x350];
	_ =	sdelay $0x4  }
0x55: {  	[tilespmem:$0x1F9D0] =	vst v61;
	v61 =	vld [tilespmem:$0xD50];
	_ =	sdelay $0x4  }
0x56: {  	[tilespmem:$0x1F9E0] =	vst v61;
	v61 =	vld [tilespmem:$0x360];
	_ =	sdelay $0x4  }
0x57: {  	[tilespmem:$0x1F9F0] =	vst v61;
	v61 =	vld [tilespmem:$0xD60];
	_ =	sdelay $0x4  }
0x58: {  	[tilespmem:$0x1FA00] =	vst v61;
	v61 =	vld [tilespmem:$0x370];
	_ =	sdelay $0x4  }
0x59: {  	[tilespmem:$0x1FA10] =	vst v61;
	v61 =	vld [tilespmem:$0xD70];
	_ =	sdelay $0x4  }
0x5a: {  	[tilespmem:$0x1FA20] =	vst v61;
	v61 =	vld [tilespmem:$0x380];
	_ =	sdelay $0x4  }
0x5b: {  	[tilespmem:$0x1FA30] =	vst v61;
	v61 =	vld [tilespmem:$0xD80];
	_ =	sdelay $0x4  }
0x5c: {  	[tilespmem:$0x1FA40] =	vst v61;
	v61 =	vld [tilespmem:$0x390];
	_ =	sdelay $0x4  }
0x5d: {  	[tilespmem:$0x1FA50] =	vst v61;
	v61 =	vld [tilespmem:$0xD90];
	_ =	sdelay $0x4  }
0x5e: {  	[tilespmem:$0x1FA60] =	vst v61;
	v61 =	vld [tilespmem:$0x3A0];
	_ =	sdelay $0x4  }
0x5f: {  	[tilespmem:$0x1FA70] =	vst v61;
	v61 =	vld [tilespmem:$0xDA0];
	_ =	sdelay $0x4  }
0x60: {  	[tilespmem:$0x1FA80] =	vst v61;
	v61 =	vld [tilespmem:$0x3B0];
	_ =	sdelay $0x4  }
0x61: {  	[tilespmem:$0x1FA90] =	vst v61;
	v61 =	vld [tilespmem:$0xDB0];
	_ =	sdelay $0x4  }
0x62: {  	[tilespmem:$0x1FAA0] =	vst v61;
	v61 =	vld [tilespmem:$0x3C0];
	_ =	sdelay $0x4  }
0x63: {  	[tilespmem:$0x1FAB0] =	vst v61;
	v61 =	vld [tilespmem:$0xDC0];
	_ =	sdelay $0x4  }
0x64: {  	[tilespmem:$0x1FAC0] =	vst v61;
	v61 =	vld [tilespmem:$0x3D0];
	_ =	sdelay $0x4  }
0x65: {  	[tilespmem:$0x1FAD0] =	vst v61;
	v61 =	vld [tilespmem:$0xDD0];
	_ =	sdelay $0x4  }
0x66: {  	[tilespmem:$0x1FAE0] =	vst v61;
	v61 =	vld [tilespmem:$0x3E0];
	_ =	sdelay $0x4  }
0x67: {  	[tilespmem:$0x1FAF0] =	vst v61;
	v61 =	vld [tilespmem:$0xDE0];
	_ =	sdelay $0x4  }
0x68: {  	[tilespmem:$0x1FB00] =	vst v61;
	v61 =	vld [tilespmem:$0x3F0];
	_ =	sdelay $0x4  }
0x69: {  	[tilespmem:$0x1FB10] =	vst v61;
	v61 =	vld [tilespmem:$0xDF0];
	_ =	sdelay $0x4  }
0x6a: {  	[tilespmem:$0x1FB20] =	vst v61;
	v61 =	vld [tilespmem:$0x400];
	_ =	sdelay $0x4  }
0x6b: {  	[tilespmem:$0x1FB30] =	vst v61;
	v61 =	vld [tilespmem:$0xE00];
	_ =	sdelay $0x4  }
0x6c: {  	[tilespmem:$0x1FB40] =	vst v61;
	v61 =	vld [tilespmem:$0x410];
	_ =	sdelay $0x4  }
0x6d: {  	[tilespmem:$0x1FB50] =	vst v61;
	v61 =	vld [tilespmem:$0xE10];
	_ =	sdelay $0x4  }
0x6e: {  	[tilespmem:$0x1FB60] =	vst v61;
	v61 =	vld [tilespmem:$0x420];
	_ =	sdelay $0x4  }
0x6f: {  	[tilespmem:$0x1FB70] =	vst v61;
	v61 =	vld [tilespmem:$0xE20];
	_ =	sdelay $0x4  }
0x70: {  	[tilespmem:$0x1FB80] =	vst v61;
	v61 =	vld [tilespmem:$0x430];
	_ =	sdelay $0x4  }
0x71: {  	[tilespmem:$0x1FB90] =	vst v61;
	v61 =	vld [tilespmem:$0xE30];
	_ =	sdelay $0x4  }
0x72: {  	[tilespmem:$0x1FBA0] =	vst v61;
	v61 =	vld [tilespmem:$0x440];
	_ =	sdelay $0x4  }
0x73: {  	[tilespmem:$0x1FBB0] =	vst v61;
	v61 =	vld [tilespmem:$0xE40];
	_ =	sdelay $0x4  }
0x74: {  	[tilespmem:$0x1FBC0] =	vst v61;
	v61 =	vld [tilespmem:$0x450];
	_ =	sdelay $0x4  }
0x75: {  	[tilespmem:$0x1FBD0] =	vst v61;
	v61 =	vld [tilespmem:$0xE50];
	_ =	sdelay $0x4  }
0x76: {  	[tilespmem:$0x1FBE0] =	vst v61;
	v61 =	vld [tilespmem:$0x460];
	_ =	sdelay $0x4  }
0x77: {  	[tilespmem:$0x1FBF0] =	vst v61;
	v61 =	vld [tilespmem:$0xE60];
	_ =	sdelay $0x4  }
0x78: {  	[tilespmem:$0x1FC00] =	vst v61;
	v61 =	vld [tilespmem:$0x470];
	_ =	sdelay $0x4  }
0x79: {  	[tilespmem:$0x1FC10] =	vst v61;
	v61 =	vld [tilespmem:$0xE70];
	_ =	sdelay $0x4  }
0x7a: {  	[tilespmem:$0x1FC20] =	vst v61;
	v61 =	vld [tilespmem:$0x480];
	_ =	sdelay $0x4  }
0x7b: {  	[tilespmem:$0x1FC30] =	vst v61;
	v61 =	vld [tilespmem:$0xE80];
	_ =	sdelay $0x4  }
0x7c: {  	[tilespmem:$0x1FC40] =	vst v61;
	v61 =	vld [tilespmem:$0x490];
	_ =	sdelay $0x4  }
0x7d: {  	[tilespmem:$0x1FC50] =	vst v61;
	v61 =	vld [tilespmem:$0xE90];
	_ =	sdelay $0x4  }
0x7e: {  	[tilespmem:$0x1FC60] =	vst v61;
	v61 =	vld [tilespmem:$0x4A0];
	_ =	sdelay $0x4  }
0x7f: {  	[tilespmem:$0x1FC70] =	vst v61;
	v61 =	vld [tilespmem:$0xEA0];
	_ =	sdelay $0x4  }
0x80: {  	[tilespmem:$0x1FC80] =	vst v61;
	v61 =	vld [tilespmem:$0x4B0];
	_ =	sdelay $0x4  }
0x81: {  	[tilespmem:$0x1FC90] =	vst v61;
	v61 =	vld [tilespmem:$0xEB0];
	_ =	sdelay $0x4  }
0x82: {  	[tilespmem:$0x1FCA0] =	vst v61;
	v61 =	vld [tilespmem:$0x4C0];
	_ =	sdelay $0x4  }
0x83: {  	[tilespmem:$0x1FCB0] =	vst v61;
	v61 =	vld [tilespmem:$0xEC0];
	_ =	sdelay $0x4  }
0x84: {  	[tilespmem:$0x1FCC0] =	vst v61;
	v61 =	vld [tilespmem:$0x4D0];
	_ =	sdelay $0x4  }
0x85: {  	[tilespmem:$0x1FCD0] =	vst v61;
	v61 =	vld [tilespmem:$0xED0];
	_ =	sdelay $0x4  }
0x86: {  	[tilespmem:$0x1FCE0] =	vst v61;
	v61 =	vld [tilespmem:$0x4E0];
	_ =	sdelay $0x4  }
0x87: {  	[tilespmem:$0x1FCF0] =	vst v61;
	v61 =	vld [tilespmem:$0xEE0];
	_ =	sdelay $0x4  }
0x88: {  	[tilespmem:$0x1FD00] =	vst v61;
	v61 =	vld [tilespmem:$0x4F0];
	_ =	sdelay $0x4  }
0x89: {  	[tilespmem:$0x1FD10] =	vst v61;
	v61 =	vld [tilespmem:$0xEF0]  }
0x8a: {  	v62 =	vld [tilespmem:$0xAD0]  }
0x8b: {  	v63 =	vld [tilespmem:$0xE0]  }
0x8c: {  	v21 =	vld [tilespmem:$0xB80]  }
0x8d: {  	v23 =	vld [tilespmem:$0xB90]  }
0x8e: {  	[tilespmem:$0x1FD20] =	vst v61;
	v61 =	vld [tilespmem:$0x500]  }
0x8f: {  	v22 =	vld [tilespmem:$0x1A0]  }
0x90: {  	v25 =	vld [tilespmem:$0xBA0]  }
0x91: {  	v24 =	vld [tilespmem:$0x1B0]  }
0x92: {  	v27 =	vld [tilespmem:$0xBB0]  }
0x93: {  	[tilespmem:$0x1FD30] =	vst v61;
	v61 =	vld [tilespmem:$0xF00]  }
0x94: {  	v26 =	vld [tilespmem:$0x1C0]  }
0x95: {  	v29 =	vld [tilespmem:$0xBC0]  }
0x96: {  	v28 =	vld [tilespmem:$0x1D0]  }
0x97: {  	v31 =	vld [tilespmem:$0xBD0]  }
0x98: {  	[tilespmem:$0x1FD40] =	vst v61;
	v61 =	vld [tilespmem:$0x510]  }
0x99: {  	v30 =	vld [tilespmem:$0x1E0]  }
0x9a: {  	v33 =	vld [tilespmem:$0xBE0]  }
0x9b: {  	v32 =	vld [tilespmem:$0x1F0]  }
0x9c: {  	v35 =	vld [tilespmem:$0xBF0]  }
0x9d: {  	[tilespmem:$0x1FD50] =	vst v61;
	v61 =	vld [tilespmem:$0xF10]  }
0x9e: {  	v34 =	vld [tilespmem:$0x200]  }
0x9f: {  	v37 =	vld [tilespmem:$0xC00]  }
0xa0: {  	v36 =	vld [tilespmem:$0x210]  }
0xa1: {  	v39 =	vld [tilespmem:$0xC10]  }
0xa2: {  	[tilespmem:$0x1FD60] =	vst v61;
	v61 =	vld [tilespmem:$0x520]  }
0xa3: {  	v38 =	vld [tilespmem:$0x220]  }
0xa4: {  	v41 =	vld [tilespmem:$0xC20]  }
0xa5: {  	v40 =	vld [tilespmem:$0x230]  }
0xa6: {  	v43 =	vld [tilespmem:$0xC30]  }
0xa7: {  	[tilespmem:$0x1FD70] =	vst v61;
	v61 =	vld [tilespmem:$0xF20]  }
0xa8: {  	v42 =	vld [tilespmem:$0x240]  }
0xa9: {  	v44 =	vld [tilespmem:$0x250]  }
0xaa: {  	v45 =	vld [tilespmem:$0x260]  }
0xab: {  	v54 =	vld [tilespmem:$0xC60]  }
0xac: {  	[tilespmem:$0x1FD80] =	vst v61;
	v61 =	vld [tilespmem:$0x530]  }
0xad: {  	v46 =	vld [tilespmem:$0x270]  }
0xae: {  	v49 =	vld [tilespmem:$0xC70]  }
0xaf: {  	v47 =	vld [tilespmem:$0x280]  }
0xb0: {  	v50 =	vld [tilespmem:$0xC80]  }
0xb1: {  	[tilespmem:$0x1FD90] =	vst v61;
	v61 =	vld [tilespmem:$0xF30]  }
0xb2: {  	v48 =	vld [tilespmem:$0x290]  }
0xb3: {  	v51 =	vld [tilespmem:$0xC90]  }
0xb4: {  	v52 =	vld [tilespmem:$0x2A0]  }
0xb5: {  	v55 =	vld [tilespmem:$0xCA0]  }
0xb6: {  	[tilespmem:$0x1FDA0] =	vst v61;
	v61 =	vld [tilespmem:$0x540]  }
0xb7: {  	v53 =	vld [tilespmem:$0x2B0]  }
0xb8: {  	v5 =	vld [tilespmem:$0xB00]  }
0xb9: {  	v4 =	vld [tilespmem:$0x110]  }
0xba: {  	v7 =	vld [tilespmem:$0xB10]  }
0xbb: {  	[tilespmem:$0x1FDB0] =	vst v61;
	v61 =	vld [tilespmem:$0xF40]  }
0xbc: {  	v6 =	vld [tilespmem:$0x120]  }
0xbd: {  	v9 =	vld [tilespmem:$0xB20]  }
0xbe: {  	v8 =	vld [tilespmem:$0x130]  }
0xbf: {  	v11 =	vld [tilespmem:$0xB30]  }
0xc0: {  	[tilespmem:$0x1FDC0] =	vst v61;
	v61 =	vld [tilespmem:$0x550]  }
0xc1: {  	v10 =	vld [tilespmem:$0x140]  }
0xc2: {  	v13 =	vld [tilespmem:$0xB40]  }
0xc3: {  	v12 =	vld [tilespmem:$0x150]  }
0xc4: {  	v15 =	vld [tilespmem:$0xB50]  }
0xc5: {  	[tilespmem:$0x1FDD0] =	vst v61;
	v61 =	vld [tilespmem:$0xF50]  }
0xc6: {  	v14 =	vld [tilespmem:$0x160]  }
0xc7: {  	v17 =	vld [tilespmem:$0xB60]  }
0xc8: {  	v16 =	vld [tilespmem:$0x170]  }
0xc9: {  	v19 =	vld [tilespmem:$0xB70]  }
0xca: {  	[tilespmem:$0x1FDE0] =	vst v61;
	v61 =	vld [tilespmem:$0x560]  }
0xcb: {  	v18 =	vld [tilespmem:$0x180]  }
0xcc: {  	v3 =	vld [tilespmem:$0xAE0]  }
0xcd: {  	v20 =	vld [tilespmem:$0x190]  }
0xce: {  	v57 =	vld [tilespmem:$0xC50]  }
0xcf: {  	[tilespmem:$0x1FDF0] =	vst v61;
	v61 =	vld [tilespmem:$0xF60]  }
0xd0: {  	v56 =	vld [tilespmem:$0xCB0]  }
0xd1: {  	v58 =	vld [tilespmem:$0x2C0];
	[tilespmem:$0x1EC0] =	vst v1;
	v1 =	vadd.s32 v62, v2;
	v2 =	vshll.u32 v63, $0x4  }
0xd2: {  	v59 =	vld [tilespmem:$0xCC0];
	[tilespmem:$0x1ED0] =	vst v1;
	v1 =	vadd.s32 v3, v2  }
0xd3: {  	[tilespmem:$0x1EE0] =	vst v1;
	v1 =	vld [tilespmem:$0xF0]  }
0xd4: {  	[tilespmem:$0x1FE00] =	vst v61;
	v61 =	vld [tilespmem:$0x570]  }
0xd5: {  	v3 =	vld [tilespmem:$0xAF0]  }
0xd6: {  	v60 =	vld [tilespmem:$0x2D0]  }
0xd7: {  	v63 =	vld [tilespmem:$0xC40]  }
0xd8: {  	v62 =	vld [tilespmem:$0x2E0]  }
0xd9: {  	v2 =	vld [tilespmem:$0x100];
	v1 =	vshll.u32 v1, $0x4;
	[tilespmem:$0x1FE10] =	vst v61  }
0xda: {  	v1 =	vadd.s32 v3, v1;
	v3 =	vld [tilespmem:$0xFA0];
	_ =	sdelay $0x4  }
0xdb: {  	[tilespmem:$0x1FE70] =	vst v3;
	v3 =	vld [tilespmem:$0x5B0];
	_ =	sdelay $0x4  }
0xdc: {  	[tilespmem:$0x1FE80] =	vst v3;
	v3 =	vld [tilespmem:$0xFB0];
	_ =	sdelay $0x4  }
0xdd: {  	[tilespmem:$0x1FE90] =	vst v3;
	v3 =	vld [tilespmem:$0x5C0];
	_ =	sdelay $0x4  }
0xde: {  	[tilespmem:$0x1FEA0] =	vst v3;
	v3 =	vld [tilespmem:$0xFC0];
	_ =	sdelay $0x4  }
0xdf: {  	[tilespmem:$0x1FEB0] =	vst v3;
	v3 =	vld [tilespmem:$0x5D0];
	_ =	sdelay $0x4  }
0xe0: {  	[tilespmem:$0x1FEC0] =	vst v3;
	v3 =	vld [tilespmem:$0xFD0];
	_ =	sdelay $0x4  }
0xe1: {  	[tilespmem:$0x1FED0] =	vst v3;
	v3 =	vld [tilespmem:$0x5E0];
	_ =	sdelay $0x4  }
0xe2: {  	v2 =	vshll.u32 v2, $0x4;
	[tilespmem:$0x1FEE0] =	vst v3;
	v3 =	vld [tilespmem:$0xFE0]  }
0xe3: {  	[tilespmem:$0x1EF0] =	vst v1;
	v1 =	vadd.s32 v5, v2;
	v2 =	vshll.u32 v4, $0x4  }
0xe4: {  	[tilespmem:$0x1F00] =	vst v1;
	v1 =	vadd.s32 v7, v2;
	v2 =	vshll.u32 v6, $0x4  }
0xe5: {  	[tilespmem:$0x1F10] =	vst v1;
	v1 =	vadd.s32 v9, v2  }
0xe6: {  	v2 =	vshll.u32 v8, $0x4;
	[tilespmem:$0x1F20] =	vst v1  }
0xe7: {  	v1 =	vadd.s32 v11, v2;
	v2 =	vshll.u32 v10, $0x4;
	[tilespmem:$0x1FEF0] =	vst v3;
	v3 =	vld [tilespmem:$0x5F0]  }
0xe8: {  	[tilespmem:$0x1F30] =	vst v1;
	v1 =	vadd.s32 v13, v2;
	v2 =	vshll.u32 v12, $0x4  }
0xe9: {  	[tilespmem:$0x1F40] =	vst v1;
	v1 =	vadd.s32 v15, v2;
	v2 =	vshll.u32 v14, $0x4  }
0xea: {  	[tilespmem:$0x1F50] =	vst v1;
	v1 =	vadd.s32 v17, v2  }
0xeb: {  	v2 =	vshll.u32 v16, $0x4;
	[tilespmem:$0x1F60] =	vst v1  }
0xec: {  	v1 =	vadd.s32 v19, v2;
	v2 =	vshll.u32 v18, $0x4;
	[tilespmem:$0x1FF00] =	vst v3;
	v3 =	vld [tilespmem:$0xFF0]  }
0xed: {  	[tilespmem:$0x1F70] =	vst v1;
	v1 =	vadd.s32 v21, v2;
	v2 =	vshll.u32 v20, $0x4  }
0xee: {  	[tilespmem:$0x1F80] =	vst v1;
	v1 =	vadd.s32 v23, v2;
	v2 =	vshll.u32 v22, $0x4  }
0xef: {  	[tilespmem:$0x1F90] =	vst v1;
	v1 =	vadd.s32 v25, v2  }
0xf0: {  	v2 =	vshll.u32 v24, $0x4;
	[tilespmem:$0x1FA0] =	vst v1  }
0xf1: {  	v1 =	vadd.s32 v27, v2;
	v2 =	vshll.u32 v26, $0x4;
	[tilespmem:$0x1FF10] =	vst v3;
	v3 =	vld [tilespmem:$0x600]  }
0xf2: {  	[tilespmem:$0x1FB0] =	vst v1;
	v1 =	vadd.s32 v29, v2;
	v2 =	vshll.u32 v28, $0x4  }
0xf3: {  	[tilespmem:$0x1FC0] =	vst v1;
	v1 =	vadd.s32 v31, v2;
	v2 =	vshll.u32 v30, $0x4  }
0xf4: {  	[tilespmem:$0x1FD0] =	vst v1;
	v1 =	vadd.s32 v33, v2  }
0xf5: {  	v2 =	vshll.u32 v32, $0x4;
	[tilespmem:$0x1FE0] =	vst v1  }
0xf6: {  	v1 =	vadd.s32 v35, v2;
	v2 =	vshll.u32 v34, $0x4;
	[tilespmem:$0x1FF20] =	vst v3;
	v3 =	vld [tilespmem:$0x1000]  }
0xf7: {  	[tilespmem:$0x1FF0] =	vst v1;
	v1 =	vadd.s32 v37, v2;
	v2 =	vshll.u32 v36, $0x4  }
0xf8: {  	[tilespmem:$0x2000] =	vst v1;
	v1 =	vadd.s32 v39, v2;
	v2 =	vshll.u32 v38, $0x4  }
0xf9: {  	[tilespmem:$0x2010] =	vst v1;
	v1 =	vadd.s32 v41, v2  }
0xfa: {  	v2 =	vshll.u32 v40, $0x4;
	[tilespmem:$0x2020] =	vst v1  }
0xfb: {  	v1 =	vadd.s32 v43, v2;
	v2 =	vshll.u32 v42, $0x4;
	[tilespmem:$0x1FF30] =	vst v3;
	v3 =	vld [tilespmem:$0x610]  }
0xfc: {  	[tilespmem:$0x2030] =	vst v1;
	v1 =	vadd.s32 v63, v2;
	v2 =	vshll.u32 v44, $0x4  }
0xfd: {  	[tilespmem:$0x2040] =	vst v1;
	v1 =	vadd.s32 v57, v2;
	v2 =	vshll.u32 v45, $0x4  }
0xfe: {  	[tilespmem:$0x2050] =	vst v1;
	v1 =	vadd.s32 v54, v2  }
0xff: {  	v2 =	vshll.u32 v46, $0x4;
	[tilespmem:$0x2060] =	vst v1  }
0x100: {  	v1 =	vadd.s32 v49, v2;
	v2 =	vshll.u32 v47, $0x4;
	[tilespmem:$0x1FF40] =	vst v3;
	v3 =	vld [tilespmem:$0x1010]  }
0x101: {  	[tilespmem:$0x2070] =	vst v1;
	v1 =	vadd.s32 v50, v2;
	v2 =	vshll.u32 v48, $0x4  }
0x102: {  	[tilespmem:$0x2080] =	vst v1;
	v1 =	vadd.s32 v51, v2;
	v2 =	vshll.u32 v52, $0x4  }
0x103: {  	[tilespmem:$0x2090] =	vst v1;
	v1 =	vadd.s32 v55, v2  }
0x104: {  	v2 =	vshll.u32 v53, $0x4;
	[tilespmem:$0x20A0] =	vst v1  }
0x105: {  	v1 =	vadd.s32 v56, v2;
	v2 =	vshll.u32 v58, $0x4;
	[tilespmem:$0x1FF50] =	vst v3;
	v3 =	vld [tilespmem:$0x620]  }
0x106: {  	[tilespmem:$0x20B0] =	vst v1;
	v1 =	vadd.s32 v59, v2  }
0x107: {  	[tilespmem:$0x20C0] =	vst v1;
	v1 =	vld [tilespmem:$0x1F8F0];
	_ =	sdelay $0x2  }
0x108: {  	[tilespmem:$0x1FF60] =	vst v3;
	v3 =	vld [tilespmem:$0x1020]  }
0x109: {  	v2 =	vshll.u32 v60, $0x4  }
0x10a: {  	v1 =	vadd.s32 v1, v2  }
0x10b: {  	[tilespmem:$0x20D0] =	vst v1;
	v1 =	vld [tilespmem:$0x1F900];
	_ =	sdelay $0x1  }
0x10c: {  	[tilespmem:$0x1FF70] =	vst v3;
	v3 =	vld [tilespmem:$0x630];
	_ =	sdelay $0x1  }
0x10d: {  	v2 =	vshll.u32 v62, $0x4  }
0x10e: {  	v1 =	vadd.s32 v1, v2;
	v2 =	vld [tilespmem:$0x1F910]  }
0x10f: {  	[tilespmem:$0x20E0] =	vst v1;
	v1 =	vld [tilespmem:$0x1F920]  }
0x110: {  	[tilespmem:$0x1FF80] =	vst v3;
	v3 =	vld [tilespmem:$0x1030];
	_ =	sdelay $0x2  }
0x111: {  	v2 =	vshll.u32 v2, $0x4  }
0x112: {  	v1 =	vadd.s32 v1, v2;
	v2 =	vld [tilespmem:$0x1F930]  }
0x113: {  	[tilespmem:$0x1FF90] =	vst v3;
	v3 =	vld [tilespmem:$0x640]  }
0x114: {  	[tilespmem:$0x20F0] =	vst v1;
	v1 =	vld [tilespmem:$0x1F940];
	_ =	sdelay $0x3  }
0x115: {  	v2 =	vshll.u32 v2, $0x4;
	[tilespmem:$0x1FFA0] =	vst v3;
	v3 =	vld [tilespmem:$0x1040]  }
0x116: {  	v1 =	vadd.s32 v1, v2;
	v2 =	vld [tilespmem:$0x1F950]  }
0x117: {  	[tilespmem:$0x2100] =	vst v1;
	v1 =	vld [tilespmem:$0x1F960];
	_ =	sdelay $0x2  }
0x118: {  	[tilespmem:$0x1FFB0] =	vst v3;
	v3 =	vld [tilespmem:$0x650]  }
0x119: {  	v2 =	vshll.u32 v2, $0x4  }
0x11a: {  	v1 =	vadd.s32 v1, v2;
	v2 =	vld [tilespmem:$0x1F970]  }
0x11b: {  	[tilespmem:$0x2110] =	vst v1;
	v1 =	vld [tilespmem:$0x1F980];
	_ =	sdelay $0x1  }
0x11c: {  	[tilespmem:$0x1FFC0] =	vst v3;
	v3 =	vld [tilespmem:$0x1050];
	_ =	sdelay $0x1  }
0x11d: {  	v2 =	vshll.u32 v2, $0x4  }
0x11e: {  	v1 =	vadd.s32 v1, v2;
	v2 =	vld [tilespmem:$0x1F990]  }
0x11f: {  	[tilespmem:$0x2120] =	vst v1;
	v1 =	vld [tilespmem:$0x1F9A0]  }
0x120: {  	[tilespmem:$0x1FFD0] =	vst v3;
	v3 =	vld [tilespmem:$0x660];
	_ =	sdelay $0x2  }
0x121: {  	v2 =	vshll.u32 v2, $0x4  }
0x122: {  	v2 =	vadd.s32 v1, v2;
	v1 =	vld [tilespmem:$0x1F9B0]  }
0x123: {  	[tilespmem:$0x1FFE0] =	vst v3;
	v3 =	vld [tilespmem:$0x1060];
	_ =	sdelay $0x4  }
0x124: {  	[tilespmem:$0x1FFF0] =	vst v3;
	v3 =	vshll.u32 v1, $0x4;
	v1 =	vld [tilespmem:$0x1F9C0];
	_ =	sdelay $0x4  }
0x125: {  	v3 =	vadd.s32 v1, v3;
	v1 =	vld [tilespmem:$0x1F9D0];
	_ =	sdelay $0x4  }
0x126: {  	v10 =	vshll.u32 v1, $0x4;
	v1 =	vld [tilespmem:$0x1F9E0];
	_ =	sdelay $0x4  }
0x127: {  	v4 =	vadd.s32 v1, v10;
	v1 =	vld [tilespmem:$0x1F9F0];
	_ =	sdelay $0x4  }
0x128: {  	v11 =	vshll.u32 v1, $0x4;
	v1 =	vld [tilespmem:$0x1FA00];
	_ =	sdelay $0x4  }
0x129: {  	v5 =	vadd.s32 v1, v11;
	v1 =	vld [tilespmem:$0x1FA10];
	_ =	sdelay $0x4  }
0x12a: {  	v12 =	vshll.u32 v1, $0x4;
	v1 =	vld [tilespmem:$0x1FA20];
	_ =	sdelay $0x4  }
0x12b: {  	v7 =	vadd.s32 v1, v12;
	v1 =	vld [tilespmem:$0x1FA30];
	_ =	sdelay $0x4  }
0x12c: {  	v13 =	vshll.u32 v1, $0x4;
	v1 =	vld [tilespmem:$0x1FA40];
	_ =	sdelay $0x4  }
0x12d: {  	v8 =	vadd.s32 v1, v13;
	v1 =	vld [tilespmem:$0x1FA50];
	_ =	sdelay $0x4  }
0x12e: {  	v14 =	vshll.u32 v1, $0x4;
	v1 =	vld [tilespmem:$0x1FA60];
	_ =	sdelay $0x4  }
0x12f: {  	v10 =	vadd.s32 v1, v14;
	v1 =	vld [tilespmem:$0x1FA70];
	_ =	sdelay $0x4  }
0x130: {  	v16 =	vshll.u32 v1, $0x4;
	v1 =	vld [tilespmem:$0x1FA80];
	_ =	sdelay $0x4  }
0x131: {  	v11 =	vadd.s32 v1, v16;
	v1 =	vld [tilespmem:$0x1FA90];
	_ =	sdelay $0x4  }
0x132: {  	v18 =	vshll.u32 v1, $0x4;
	v1 =	vld [tilespmem:$0x1FAA0];
	_ =	sdelay $0x4  }
0x133: {  	v12 =	vadd.s32 v1, v18;
	v1 =	vld [tilespmem:$0x1FAB0];
	_ =	sdelay $0x4  }
0x134: {  	v19 =	vshll.u32 v1, $0x4;
	v1 =	vld [tilespmem:$0x1FAC0];
	_ =	sdelay $0x4  }
0x135: {  	v13 =	vadd.s32 v1, v19;
	v1 =	vld [tilespmem:$0x1FAD0];
	_ =	sdelay $0x4  }
0x136: {  	v20 =	vshll.u32 v1, $0x4;
	v1 =	vld [tilespmem:$0x1FAE0];
	_ =	sdelay $0x4  }
0x137: {  	v14 =	vadd.s32 v1, v20;
	v1 =	vld [tilespmem:$0x1FAF0];
	_ =	sdelay $0x4  }
0x138: {  	v22 =	vshll.u32 v1, $0x4;
	v1 =	vld [tilespmem:$0x1FB00];
	_ =	sdelay $0x4  }
0x139: {  	v16 =	vadd.s32 v1, v22;
	v1 =	vld [tilespmem:$0x1FB10];
	_ =	sdelay $0x4  }
0x13a: {  	v23 =	vshll.u32 v1, $0x4;
	v1 =	vld [tilespmem:$0x1FB20];
	_ =	sdelay $0x4  }
0x13b: {  	v18 =	vadd.s32 v1, v23;
	v1 =	vld [tilespmem:$0x1FB30];
	_ =	sdelay $0x4  }
0x13c: {  	v24 =	vshll.u32 v1, $0x4;
	v1 =	vld [tilespmem:$0x1FB40];
	_ =	sdelay $0x4  }
0x13d: {  	v19 =	vadd.s32 v1, v24;
	v1 =	vld [tilespmem:$0x1FB50];
	_ =	sdelay $0x4  }
0x13e: {  	v26 =	vshll.u32 v1, $0x4;
	v1 =	vld [tilespmem:$0x1FB60];
	_ =	sdelay $0x4  }
0x13f: {  	v20 =	vadd.s32 v1, v26;
	v1 =	vld [tilespmem:$0x1FB70];
	_ =	sdelay $0x4  }
0x140: {  	v27 =	vshll.u32 v1, $0x4;
	v1 =	vld [tilespmem:$0x1FB80];
	_ =	sdelay $0x4  }
0x141: {  	v22 =	vadd.s32 v1, v27;
	v1 =	vld [tilespmem:$0x1FB90];
	_ =	sdelay $0x4  }
0x142: {  	v28 =	vshll.u32 v1, $0x4;
	v1 =	vld [tilespmem:$0x1FBA0];
	_ =	sdelay $0x4  }
0x143: {  	v23 =	vadd.s32 v1, v28;
	v1 =	vld [tilespmem:$0x1FBB0];
	_ =	sdelay $0x4  }
0x144: {  	v29 =	vshll.u32 v1, $0x4;
	v1 =	vld [tilespmem:$0x1FBC0];
	_ =	sdelay $0x4  }
0x145: {  	v24 =	vadd.s32 v1, v29;
	v1 =	vld [tilespmem:$0x1FBD0];
	_ =	sdelay $0x4  }
0x146: {  	v31 =	vshll.u32 v1, $0x4;
	v1 =	vld [tilespmem:$0x1FBE0];
	_ =	sdelay $0x4  }
0x147: {  	v26 =	vadd.s32 v1, v31;
	v1 =	vld [tilespmem:$0x1FBF0];
	_ =	sdelay $0x4  }
0x148: {  	v32 =	vshll.u32 v1, $0x4;
	v1 =	vld [tilespmem:$0x1FC00];
	_ =	sdelay $0x4  }
0x149: {  	v27 =	vadd.s32 v1, v32;
	v1 =	vld [tilespmem:$0x1FC10];
	_ =	sdelay $0x4  }
0x14a: {  	v34 =	vshll.u32 v1, $0x4;
	v1 =	vld [tilespmem:$0x1FC20];
	_ =	sdelay $0x4  }
0x14b: {  	v28 =	vadd.s32 v1, v34;
	v1 =	vld [tilespmem:$0x1FC30];
	_ =	sdelay $0x4  }
0x14c: {  	v35 =	vshll.u32 v1, $0x4;
	v1 =	vld [tilespmem:$0x1FC40];
	_ =	sdelay $0x4  }
0x14d: {  	v29 =	vadd.s32 v1, v35;
	v1 =	vld [tilespmem:$0x1FC50];
	_ =	sdelay $0x4  }
0x14e: {  	v36 =	vshll.u32 v1, $0x4;
	v1 =	vld [tilespmem:$0x1FC60];
	_ =	sdelay $0x4  }
0x14f: {  	v31 =	vadd.s32 v1, v36;
	v1 =	vld [tilespmem:$0x1FC70];
	_ =	sdelay $0x4  }
0x150: {  	v37 =	vshll.u32 v1, $0x4;
	v1 =	vld [tilespmem:$0x1FC80];
	_ =	sdelay $0x4  }
0x151: {  	v32 =	vadd.s32 v1, v37;
	v1 =	vld [tilespmem:$0x1FC90];
	_ =	sdelay $0x4  }
0x152: {  	v38 =	vshll.u32 v1, $0x4;
	v1 =	vld [tilespmem:$0x1FCA0];
	_ =	sdelay $0x4  }
0x153: {  	v34 =	vadd.s32 v1, v38;
	v1 =	vld [tilespmem:$0x1FCB0];
	_ =	sdelay $0x4  }
0x154: {  	v40 =	vshll.u32 v1, $0x4;
	v1 =	vld [tilespmem:$0x1FCC0];
	_ =	sdelay $0x4  }
0x155: {  	v35 =	vadd.s32 v1, v40;
	v1 =	vld [tilespmem:$0x1FCD0];
	_ =	sdelay $0x4  }
0x156: {  	v42 =	vshll.u32 v1, $0x4;
	v1 =	vld [tilespmem:$0x1FCE0];
	_ =	sdelay $0x4  }
0x157: {  	v36 =	vadd.s32 v1, v42;
	v1 =	vld [tilespmem:$0x1FCF0];
	_ =	sdelay $0x4  }
0x158: {  	v43 =	vshll.u32 v1, $0x4;
	v1 =	vld [tilespmem:$0x1FD00];
	_ =	sdelay $0x4  }
0x159: {  	v37 =	vadd.s32 v1, v43;
	v1 =	vld [tilespmem:$0x1FD10];
	_ =	sdelay $0x4  }
0x15a: {  	v44 =	vshll.u32 v1, $0x4;
	v1 =	vld [tilespmem:$0x1FD20];
	_ =	sdelay $0x4  }
0x15b: {  	v38 =	vadd.s32 v1, v44;
	v1 =	vld [tilespmem:$0x1FD30];
	_ =	sdelay $0x4  }
0x15c: {  	v46 =	vshll.u32 v1, $0x4;
	v1 =	vld [tilespmem:$0x1FD40];
	_ =	sdelay $0x4  }
0x15d: {  	v40 =	vadd.s32 v1, v46;
	v1 =	vld [tilespmem:$0x1FD50];
	_ =	sdelay $0x4  }
0x15e: {  	v47 =	vshll.u32 v1, $0x4;
	v1 =	vld [tilespmem:$0x1FD60];
	_ =	sdelay $0x4  }
0x15f: {  	v42 =	vadd.s32 v1, v47;
	v1 =	vld [tilespmem:$0x1FD70];
	_ =	sdelay $0x4  }
0x160: {  	v48 =	vshll.u32 v1, $0x4;
	v1 =	vld [tilespmem:$0x1FD80];
	_ =	sdelay $0x4  }
0x161: {  	v43 =	vadd.s32 v1, v48;
	v1 =	vld [tilespmem:$0x1FD90];
	_ =	sdelay $0x4  }
0x162: {  	v50 =	vshll.u32 v1, $0x4;
	v1 =	vld [tilespmem:$0x1FDA0];
	_ =	sdelay $0x4  }
0x163: {  	v44 =	vadd.s32 v1, v50;
	v1 =	vld [tilespmem:$0x1FDB0];
	_ =	sdelay $0x4  }
0x164: {  	v51 =	vshll.u32 v1, $0x4;
	v1 =	vld [tilespmem:$0x1FDC0];
	_ =	sdelay $0x4  }
0x165: {  	v46 =	vadd.s32 v1, v51;
	v1 =	vld [tilespmem:$0x1FDD0];
	_ =	sdelay $0x4  }
0x166: {  	v52 =	vshll.u32 v1, $0x4;
	v1 =	vld [tilespmem:$0x1FDE0];
	_ =	sdelay $0x4  }
0x167: {  	v47 =	vadd.s32 v1, v52;
	v1 =	vld [tilespmem:$0x1FDF0];
	_ =	sdelay $0x4  }
0x168: {  	v53 =	vshll.u32 v1, $0x4;
	v1 =	vld [tilespmem:$0x1FE00];
	_ =	sdelay $0x3  }
0x169: {  	v61 =	vld [tilespmem:$0xF70]  }
0x16a: {  	v48 =	vadd.s32 v1, v53;
	v1 =	vld [tilespmem:$0x1FE10];
	_ =	sdelay $0x3  }
0x16b: {  	[tilespmem:$0x1FE20] =	vst v61;
	v61 =	vld [tilespmem:$0x580]  }
0x16c: {  	v55 =	vshll.u32 v1, $0x4;
	v1 =	vld [tilespmem:$0x1FE20];
	_ =	sdelay $0x3  }
0x16d: {  	[tilespmem:$0x1FE30] =	vst v61;
	v61 =	vld [tilespmem:$0xF80]  }
0x16e: {  	v50 =	vadd.s32 v1, v55;
	v1 =	vld [tilespmem:$0x1FE30];
	_ =	sdelay $0x3  }
0x16f: {  	[tilespmem:$0x1FE40] =	vst v61;
	v61 =	vld [tilespmem:$0x590]  }
0x170: {  	v56 =	vshll.u32 v1, $0x4;
	v1 =	vld [tilespmem:$0x1FE40];
	_ =	sdelay $0x3  }
0x171: {  	[tilespmem:$0x1FE50] =	vst v61;
	v61 =	vld [tilespmem:$0xF90]  }
0x172: {  	v51 =	vadd.s32 v1, v56;
	v1 =	vld [tilespmem:$0x1FE50];
	_ =	sdelay $0x3  }
0x173: {  	[tilespmem:$0x1FE60] =	vst v61  }
0x174: {  	v58 =	vshll.u32 v1, $0x4;
	v1 =	vld [tilespmem:$0x1FE60];
	_ =	sdelay $0x3  }
0x175: {  	v61 =	vld [tilespmem:$0x5A0]  }
0x176: {  	v52 =	vadd.s32 v1, v58;
	v1 =	vld [tilespmem:$0x1FE70];
	_ =	sdelay $0x3  }
0x177: {  	v59 =	vshll.u32 v61, $0x4  }
0x178: {  	v53 =	vadd.s32 v1, v59;
	v1 =	vld [tilespmem:$0x1FE80];
	_ =	sdelay $0x4  }
0x179: {  	v60 =	vshll.u32 v1, $0x4;
	v1 =	vld [tilespmem:$0x1FE90];
	_ =	sdelay $0x4  }
0x17a: {  	v55 =	vadd.s32 v1, v60;
	v1 =	vld [tilespmem:$0x1FEA0];
	_ =	sdelay $0x4  }
0x17b: {  	v61 =	vshll.u32 v1, $0x4;
	v1 =	vld [tilespmem:$0x1FEB0];
	_ =	sdelay $0x3  }
0x17c: {  	v6 =	vld [tilespmem:$0x6E0]  }
0x17d: {  	v56 =	vadd.s32 v1, v61;
	v1 =	vld [tilespmem:$0x1FEC0]  }
0x17e: {  	v9 =	vld [tilespmem:$0x10D0]  }
0x17f: {  	v15 =	vld [tilespmem:$0x6D0]  }
0x180: {  	v17 =	vld [tilespmem:$0x10C0]  }
0x181: {  	v21 =	vld [tilespmem:$0x6C0]  }
0x182: {  	v62 =	vshll.u32 v1, $0x4;
	v1 =	vld [tilespmem:$0x1FED0]  }
0x183: {  	v25 =	vld [tilespmem:$0x10B0]  }
0x184: {  	v30 =	vld [tilespmem:$0x6B0]  }
0x185: {  	v33 =	vld [tilespmem:$0x10A0]  }
0x186: {  	v39 =	vld [tilespmem:$0x6A0]  }
0x187: {  	v58 =	vadd.s32 v1, v62;
	v1 =	vld [tilespmem:$0x1FEE0]  }
0x188: {  	v41 =	vld [tilespmem:$0x1090]  }
0x189: {  	v63 =	vld [tilespmem:$0x670]  }
0x18a: {  	v57 =	vld [tilespmem:$0x1070]  }
0x18b: {  	v45 =	vld [tilespmem:$0x690]  }
0x18c: {  	[tilespmem:$0x2150] =	vst v4;
	v4 =	vshll.u32 v1, $0x4;
	v1 =	vld [tilespmem:$0x1FEF0]  }
0x18d: {  	v54 =	vld [tilespmem:$0x680]  }
0x18e: {  	v49 =	vld [tilespmem:$0x1080]  }
0x18f: {  	[tilespmem:$0x2130] =	vst v2;
	v2 =	vld [tilespmem:$0x1FF70]  }
0x190: {  	[tilespmem:$0x2140] =	vst v3;
	v3 =	vld [tilespmem:$0x850]  }
0x191: {  	v59 =	vadd.s32 v1, v4;
	v1 =	vld [tilespmem:$0x1FF00]  }
0x192: {  	[tilespmem:$0x2170] =	vst v7;
	v7 =	vld [tilespmem:$0x10E0]  }
0x193: {  	[tilespmem:$0x2180] =	vst v8;
	v8 =	vld [tilespmem:$0x6F0]  }
0x194: {  	[tilespmem:$0x2190] =	vst v10;
	v10 =	vld [tilespmem:$0x10F0]  }
0x195: {  	[tilespmem:$0x21A0] =	vst v11;
	v11 =	vld [tilespmem:$0x700]  }
0x196: {  	[tilespmem:$0x2160] =	vst v5;
	v5 =	vshll.u32 v1, $0x4;
	v1 =	vld [tilespmem:$0x1FF10]  }
0x197: {  	[tilespmem:$0x21B0] =	vst v12;
	v12 =	vld [tilespmem:$0x1100]  }
0x198: {  	[tilespmem:$0x21C0] =	vst v13;
	v13 =	vld [tilespmem:$0x710]  }
0x199: {  	[tilespmem:$0x21D0] =	vst v14;
	v14 =	vld [tilespmem:$0x1110]  }
0x19a: {  	[tilespmem:$0x21E0] =	vst v16;
	v16 =	vld [tilespmem:$0x720]  }
0x19b: {  	v60 =	vadd.s32 v1, v5;
	v1 =	vld [tilespmem:$0x1FF20]  }
0x19c: {  	[tilespmem:$0x21F0] =	vst v18;
	v18 =	vld [tilespmem:$0x1120]  }
0x19d: {  	[tilespmem:$0x2200] =	vst v19;
	v19 =	vld [tilespmem:$0x730]  }
0x19e: {  	[tilespmem:$0x2210] =	vst v20;
	v20 =	vld [tilespmem:$0x1130]  }
0x19f: {  	[tilespmem:$0x2220] =	vst v22;
	v22 =	vld [tilespmem:$0x740]  }
0x1a0: {  	v4 =	vshll.u32 v1, $0x4;
	v1 =	vld [tilespmem:$0x1FF30]  }
0x1a1: {  	[tilespmem:$0x2230] =	vst v23;
	v23 =	vld [tilespmem:$0x1140]  }
0x1a2: {  	[tilespmem:$0x2240] =	vst v24;
	v24 =	vld [tilespmem:$0x750]  }
0x1a3: {  	[tilespmem:$0x2250] =	vst v26;
	v26 =	vld [tilespmem:$0x1150]  }
0x1a4: {  	[tilespmem:$0x2260] =	vst v27;
	v27 =	vld [tilespmem:$0x760]  }
0x1a5: {  	v61 =	vadd.s32 v1, v4;
	v1 =	vld [tilespmem:$0x1FF40]  }
0x1a6: {  	[tilespmem:$0x2270] =	vst v28;
	v28 =	vld [tilespmem:$0x1160]  }
0x1a7: {  	[tilespmem:$0x2280] =	vst v29;
	v29 =	vld [tilespmem:$0x770]  }
0x1a8: {  	[tilespmem:$0x2290] =	vst v31;
	v31 =	vld [tilespmem:$0x1170]  }
0x1a9: {  	[tilespmem:$0x22A0] =	vst v32;
	v32 =	vld [tilespmem:$0x780]  }
0x1aa: {  	v5 =	vshll.u32 v1, $0x4;
	v1 =	vld [tilespmem:$0x1FF50]  }
0x1ab: {  	[tilespmem:$0x22B0] =	vst v34;
	v34 =	vld [tilespmem:$0x1180]  }
0x1ac: {  	[tilespmem:$0x22C0] =	vst v35;
	v35 =	vld [tilespmem:$0x790]  }
0x1ad: {  	[tilespmem:$0x22D0] =	vst v36;
	v36 =	vld [tilespmem:$0x1190]  }
0x1ae: {  	[tilespmem:$0x22E0] =	vst v37;
	v37 =	vld [tilespmem:$0x7A0]  }
0x1af: {  	v62 =	vadd.s32 v1, v5;
	v1 =	vld [tilespmem:$0x1FF60]  }
0x1b0: {  	[tilespmem:$0x22F0] =	vst v38;
	v38 =	vld [tilespmem:$0x11A0]  }
0x1b1: {  	[tilespmem:$0x2300] =	vst v40;
	v40 =	vld [tilespmem:$0x7B0]  }
0x1b2: {  	[tilespmem:$0x2310] =	vst v42;
	v42 =	vld [tilespmem:$0x11B0]  }
0x1b3: {  	[tilespmem:$0x2320] =	vst v43;
	v43 =	vld [tilespmem:$0x7C0]  }
0x1b4: {  	[tilespmem:$0x2330] =	vst v44;
	v44 =	vld [tilespmem:$0x11C0];
	v1 =	vshll.u32 v1, $0x4  }
0x1b5: {  	v1 =	vadd.s32 v2, v1;
	v2 =	vld [tilespmem:$0x1FF80]  }
0x1b6: {  	[tilespmem:$0x2420] =	vst v1;
	v1 =	vld [tilespmem:$0x1FF90]  }
0x1b7: {  	[tilespmem:$0x2340] =	vst v46;
	v46 =	vld [tilespmem:$0x7D0]  }
0x1b8: {  	[tilespmem:$0x2350] =	vst v47;
	v47 =	vld [tilespmem:$0x11D0]  }
0x1b9: {  	[tilespmem:$0x2360] =	vst v48;
	v48 =	vld [tilespmem:$0x7E0]  }
0x1ba: {  	[tilespmem:$0x2370] =	vst v50;
	v50 =	vld [tilespmem:$0x11E0];
	v2 =	vshll.u32 v2, $0x4  }
0x1bb: {  	v1 =	vadd.s32 v1, v2;
	v2 =	vld [tilespmem:$0x1FFA0]  }
0x1bc: {  	[tilespmem:$0x2430] =	vst v1;
	v1 =	vld [tilespmem:$0x1FFB0]  }
0x1bd: {  	[tilespmem:$0x2380] =	vst v51;
	v51 =	vld [tilespmem:$0x7F0]  }
0x1be: {  	[tilespmem:$0x2390] =	vst v52;
	v52 =	vld [tilespmem:$0x11F0]  }
0x1bf: {  	[tilespmem:$0x23A0] =	vst v53;
	v53 =	vld [tilespmem:$0x800]  }
0x1c0: {  	[tilespmem:$0x23B0] =	vst v55;
	v55 =	vld [tilespmem:$0x1200];
	v2 =	vshll.u32 v2, $0x4  }
0x1c1: {  	v1 =	vadd.s32 v1, v2;
	v2 =	vld [tilespmem:$0x1FFC0]  }
0x1c2: {  	[tilespmem:$0x2440] =	vst v1;
	v1 =	vld [tilespmem:$0x1FFD0]  }
0x1c3: {  	[tilespmem:$0x23C0] =	vst v56;
	v56 =	vld [tilespmem:$0x810]  }
0x1c4: {  	[tilespmem:$0x23D0] =	vst v58;
	v58 =	vld [tilespmem:$0x1210]  }
0x1c5: {  	[tilespmem:$0x23E0] =	vst v59;
	v59 =	vld [tilespmem:$0x820]  }
0x1c6: {  	[tilespmem:$0x23F0] =	vst v60;
	v60 =	vld [tilespmem:$0x1220];
	v2 =	vshll.u32 v2, $0x4  }
0x1c7: {  	v1 =	vadd.s32 v1, v2;
	v2 =	vld [tilespmem:$0x1FFE0]  }
0x1c8: {  	[tilespmem:$0x2450] =	vst v1;
	v1 =	vld [tilespmem:$0x1FFF0]  }
0x1c9: {  	v4 =	vld [tilespmem:$0x1240]  }
0x1ca: {  	[tilespmem:$0x2400] =	vst v61;
	v61 =	vld [tilespmem:$0x830]  }
0x1cb: {  	v5 =	vld [tilespmem:$0x840]  }
0x1cc: {  	[tilespmem:$0x2410] =	vst v62;
	v62 =	vld [tilespmem:$0x1230];
	v2 =	vshll.u32 v2, $0x4  }
0x1cd: {  	v1 =	vadd.s32 v1, v2;
	v2 =	vshll.u32 v63, $0x4;
	v63 =	vld [tilespmem:$0x1250]  }
0x1ce: {  	[tilespmem:$0x2460] =	vst v1;
	v1 =	vadd.s32 v57, v2;
	v2 =	vshll.u32 v54, $0x4;
	v54 =	vld [tilespmem:$0x860]  }
0x1cf: {  	v57 =	vld [tilespmem:$0x12F0];
	[tilespmem:$0x2470] =	vst v1;
	v1 =	vadd.s32 v49, v2;
	v2 =	vshll.u32 v45, $0x4  }
0x1d0: {  	v45 =	vld [tilespmem:$0x1260];
	[tilespmem:$0x2480] =	vst v1;
	v1 =	vadd.s32 v41, v2;
	v2 =	vshll.u32 v39, $0x4  }
0x1d1: {  	v49 =	vld [tilespmem:$0x8C0];
	[tilespmem:$0x2490] =	vst v1;
	v1 =	vadd.s32 v33, v2;
	v2 =	vshll.u32 v30, $0x4  }
0x1d2: {  	v39 =	vld [tilespmem:$0x870];
	[tilespmem:$0x24A0] =	vst v1;
	v1 =	vadd.s32 v25, v2;
	v2 =	vshll.u32 v21, $0x4  }
0x1d3: {  	v41 =	vld [tilespmem:$0x1330];
	[tilespmem:$0x24B0] =	vst v1;
	v1 =	vadd.s32 v17, v2;
	v2 =	vshll.u32 v15, $0x4  }
0x1d4: {  	v30 =	vld [tilespmem:$0x1270];
	[tilespmem:$0x24C0] =	vst v1;
	v1 =	vadd.s32 v9, v2;
	v2 =	vshll.u32 v6, $0x4  }
0x1d5: {  	v33 =	vld [tilespmem:$0x900];
	[tilespmem:$0x24D0] =	vst v1;
	v1 =	vadd.s32 v7, v2;
	v2 =	vshll.u32 v8, $0x4  }
0x1d6: {  	v21 =	vld [tilespmem:$0x880];
	[tilespmem:$0x24E0] =	vst v1;
	v1 =	vadd.s32 v10, v2;
	v2 =	vshll.u32 v11, $0x4  }
0x1d7: {  	v15 =	vld [tilespmem:$0x1280];
	[tilespmem:$0x24F0] =	vst v1;
	v1 =	vadd.s32 v12, v2;
	v2 =	vshll.u32 v13, $0x4  }
0x1d8: {  	v17 =	vld [tilespmem:$0x8E0];
	[tilespmem:$0x2500] =	vst v1;
	v1 =	vadd.s32 v14, v2;
	v2 =	vshll.u32 v16, $0x4  }
0x1d9: {  	v6 =	vld [tilespmem:$0x890];
	[tilespmem:$0x2510] =	vst v1;
	v1 =	vadd.s32 v18, v2;
	v2 =	vshll.u32 v19, $0x4  }
0x1da: {  	v9 =	vld [tilespmem:$0x12A0];
	[tilespmem:$0x2520] =	vst v1;
	v1 =	vadd.s32 v20, v2;
	v2 =	vshll.u32 v22, $0x4  }
0x1db: {  	v7 =	vld [tilespmem:$0x1290];
	[tilespmem:$0x2530] =	vst v1;
	v1 =	vadd.s32 v23, v2;
	v2 =	vshll.u32 v24, $0x4  }
0x1dc: {  	v8 =	vld [tilespmem:$0x8A0];
	[tilespmem:$0x2540] =	vst v1;
	v1 =	vadd.s32 v26, v2;
	v2 =	vshll.u32 v27, $0x4  }
0x1dd: {  	v10 =	vld [tilespmem:$0x8B0];
	[tilespmem:$0x2550] =	vst v1;
	v1 =	vadd.s32 v28, v2;
	v2 =	vshll.u32 v29, $0x4  }
0x1de: {  	v11 =	vld [tilespmem:$0x12B0];
	[tilespmem:$0x2560] =	vst v1;
	v1 =	vadd.s32 v31, v2;
	v2 =	vshll.u32 v32, $0x4  }
0x1df: {  	v13 =	vld [tilespmem:$0x12C0];
	[tilespmem:$0x2570] =	vst v1;
	v1 =	vadd.s32 v34, v2;
	v2 =	vshll.u32 v35, $0x4  }
0x1e0: {  	v14 =	vld [tilespmem:$0x8D0];
	[tilespmem:$0x2580] =	vst v1;
	v1 =	vadd.s32 v36, v2;
	v2 =	vshll.u32 v37, $0x4  }
0x1e1: {  	v16 =	vld [tilespmem:$0x12D0];
	[tilespmem:$0x2590] =	vst v1;
	v1 =	vadd.s32 v38, v2;
	v2 =	vshll.u32 v40, $0x4  }
0x1e2: {  	v18 =	vld [tilespmem:$0x12E0];
	[tilespmem:$0x25A0] =	vst v1;
	v1 =	vadd.s32 v42, v2;
	v2 =	vshll.u32 v43, $0x4  }
0x1e3: {  	v19 =	vld [tilespmem:$0x8F0];
	[tilespmem:$0x25B0] =	vst v1;
	v1 =	vadd.s32 v44, v2;
	v2 =	vshll.u32 v46, $0x4  }
0x1e4: {  	v34 =	vld [tilespmem:$0x1300];
	[tilespmem:$0x25C0] =	vst v1;
	v1 =	vadd.s32 v47, v2;
	v2 =	vshll.u32 v48, $0x4  }
0x1e5: {  	v35 =	vld [tilespmem:$0x910];
	[tilespmem:$0x25D0] =	vst v1;
	v1 =	vadd.s32 v50, v2;
	v2 =	vshll.u32 v51, $0x4  }
0x1e6: {  	v36 =	vld [tilespmem:$0x1310];
	[tilespmem:$0x25E0] =	vst v1;
	v1 =	vadd.s32 v52, v2;
	v2 =	vshll.u32 v53, $0x4  }
0x1e7: {  	v37 =	vld [tilespmem:$0x920];
	[tilespmem:$0x25F0] =	vst v1;
	v1 =	vadd.s32 v55, v2;
	v2 =	vshll.u32 v56, $0x4  }
0x1e8: {  	v38 =	vld [tilespmem:$0x1320];
	[tilespmem:$0x2600] =	vst v1;
	v1 =	vadd.s32 v58, v2;
	v2 =	vshll.u32 v59, $0x4  }
0x1e9: {  	v40 =	vld [tilespmem:$0x930];
	[tilespmem:$0x2610] =	vst v1;
	v1 =	vadd.s32 v60, v2;
	v2 =	vshll.u32 v61, $0x4  }
0x1ea: {  	v42 =	vld [tilespmem:$0x940];
	[tilespmem:$0x2620] =	vst v1;
	v1 =	vadd.s32 v62, v2;
	v2 =	vshll.u32 v5, $0x4  }
0x1eb: {  	v43 =	vld [tilespmem:$0x950];
	[tilespmem:$0x2630] =	vst v1;
	v1 =	vadd.s32 v4, v2;
	v2 =	vshll.u32 v3, $0x4  }
0x1ec: {  	v44 =	vld [tilespmem:$0x1350];
	[tilespmem:$0x2640] =	vst v1;
	v1 =	vadd.s32 v63, v2;
	v2 =	vshll.u32 v54, $0x4  }
0x1ed: {  	v46 =	vld [tilespmem:$0x1360];
	[tilespmem:$0x2650] =	vst v1;
	v1 =	vadd.s32 v45, v2;
	v2 =	vshll.u32 v39, $0x4  }
0x1ee: {  	v47 =	vld [tilespmem:$0x970];
	[tilespmem:$0x2660] =	vst v1;
	v1 =	vadd.s32 v30, v2;
	v2 =	vshll.u32 v21, $0x4  }
0x1ef: {  	v48 =	vld [tilespmem:$0x1370];
	[tilespmem:$0x2670] =	vst v1;
	v1 =	vadd.s32 v15, v2;
	v2 =	vshll.u32 v6, $0x4  }
0x1f0: {  	v50 =	vld [tilespmem:$0x1380];
	[tilespmem:$0x2680] =	vst v1;
	v1 =	vadd.s32 v7, v2;
	v2 =	vshll.u32 v8, $0x4  }
0x1f1: {  	v51 =	vld [tilespmem:$0x990];
	[tilespmem:$0x2690] =	vst v1;
	v1 =	vadd.s32 v9, v2;
	v2 =	vshll.u32 v10, $0x4  }
0x1f2: {  	v52 =	vld [tilespmem:$0x1390];
	[tilespmem:$0x26A0] =	vst v1;
	v1 =	vadd.s32 v11, v2;
	v2 =	vshll.u32 v49, $0x4  }
0x1f3: {  	v53 =	vld [tilespmem:$0x9A0];
	[tilespmem:$0x26B0] =	vst v1;
	v1 =	vadd.s32 v13, v2;
	v2 =	vshll.u32 v14, $0x4  }
0x1f4: {  	v55 =	vld [tilespmem:$0x9B0];
	[tilespmem:$0x26C0] =	vst v1;
	v1 =	vadd.s32 v16, v2;
	v2 =	vshll.u32 v17, $0x4  }
0x1f5: {  	v56 =	vld [tilespmem:$0x13B0];
	[tilespmem:$0x26D0] =	vst v1;
	v1 =	vadd.s32 v18, v2;
	v2 =	vshll.u32 v19, $0x4  }
0x1f6: {  	v3 =	vld [tilespmem:$0x1340];
	[tilespmem:$0x26E0] =	vst v1;
	v1 =	vadd.s32 v57, v2;
	v2 =	vshll.u32 v33, $0x4  }
0x1f7: {  	v45 =	vld [tilespmem:$0x960];
	[tilespmem:$0x26F0] =	vst v1;
	v1 =	vadd.s32 v34, v2;
	v2 =	vshll.u32 v35, $0x4  }
0x1f8: {  	v58 =	vld [tilespmem:$0x9D0];
	[tilespmem:$0x2700] =	vst v1;
	v1 =	vadd.s32 v36, v2;
	v2 =	vshll.u32 v37, $0x4  }
0x1f9: {  	v49 =	vld [tilespmem:$0x980];
	[tilespmem:$0x2710] =	vst v1;
	v1 =	vadd.s32 v38, v2;
	v2 =	vshll.u32 v40, $0x4  }
0x1fa: {  	v59 =	vld [tilespmem:$0x13D0];
	[tilespmem:$0x2720] =	vst v1;
	v1 =	vadd.s32 v41, v2;
	v2 =	vshll.u32 v42, $0x4  }
0x1fb: {  	v60 =	vld [tilespmem:$0x9E0];
	[tilespmem:$0x2730] =	vst v1;
	v1 =	vadd.s32 v3, v2;
	v2 =	vshll.u32 v43, $0x4  }
0x1fc: {  	v54 =	vld [tilespmem:$0x13A0];
	[tilespmem:$0x2740] =	vst v1;
	v1 =	vadd.s32 v44, v2;
	v2 =	vshll.u32 v45, $0x4  }
0x1fd: {  	v57 =	vld [tilespmem:$0x9C0];
	[tilespmem:$0x2750] =	vst v1;
	v1 =	vadd.s32 v46, v2;
	v2 =	vshll.u32 v47, $0x4  }
0x1fe: {  	v3 =	vld [tilespmem:$0x13C0];
	[tilespmem:$0x2760] =	vst v1;
	v1 =	vadd.s32 v48, v2;
	v2 =	vshll.u32 v49, $0x4  }
0x1ff: {  	v61 =	vld [tilespmem:$0x13E0];
	[tilespmem:$0x2770] =	vst v1;
	v1 =	vadd.s32 v50, v2;
	v2 =	vshll.u32 v51, $0x4  }
0x200: {  	v62 =	vld [tilespmem:$0x9F0];
	[tilespmem:$0x2780] =	vst v1;
	v1 =	vadd.s32 v52, v2;
	v2 =	vshll.u32 v53, $0x4  }
0x201: {  	v63 =	vld [tilespmem:$0x13F0];
	[tilespmem:$0x2790] =	vst v1;
	v1 =	vadd.s32 v54, v2;
	v2 =	vshll.u32 v55, $0x4  }
0x202: {  	[tilespmem:$0x27A0] =	vst v1;
	v1 =	vadd.s32 v56, v2;
	v2 =	vshll.u32 v57, $0x4  }
0x203: {  	[tilespmem:$0x27B0] =	vst v1;
	v1 =	vadd.s32 v3, v2;
	v2 =	vshll.u32 v58, $0x4  }
0x204: {  	[tilespmem:$0x27C0] =	vst v1;
	v1 =	vadd.s32 v59, v2;
	v2 =	vshll.u32 v60, $0x4  }
0x205: {  	[tilespmem:$0x27D0] =	vst v1;
	v1 =	vadd.s32 v61, v2;
	v2 =	vshll.u32 v62, $0x4  }
0x206: {  	[tilespmem:$0x27E0] =	vst v1;
	v1 =	vadd.s32 v63, v2  }
0x207: {  	[tilespmem:$0x27F0] =	vst v1  }
0x208: {  	s17 =	simm.s32 $0x1E00;
	[bflag:$0x0] =	sbarrier.arrive $0xFFFF  }
0x209: {  	[spmem:s2] =	stream.indirect.scatter.add.f32 [tilespmem:s12], [sflag:$0x1], $0x1, s17, s14, $0xb8;
	[tilespmem:$0x7890] =	vst v63  }
0x20a: {  	_ =	swait.ge [sflag:s10], $0x80  }
0x20b: {  	[sflag:s10] =	ssyncset.done $0x0  }
0x20c: {  	s18 =	simm.s32 $0x1480;
	s17 =	simm.s32 $0x1E80;
	[sflag:s10] =	ssyncadd.s32 $0xFFFFFF80  }
0x20d: {  	[spmem:s2] =	stream.indirect.scatter.add.f32 [tilespmem:s18], [sflag:$0x1], $0x1, s17, s14, $0xb8;
	[tilespmem:$0x7890] =	vst v63  }
0x20e: {  	_ =	swait.ge [sflag:s10], $0x80  }
0x20f: {  	[sflag:s10] =	ssyncset.done $0x0  }
0x210: {  	s17 =	simm.s32 $0x1F00;
	s18 =	simm.s32 $0x1500;
	[sflag:s10] =	ssyncadd.s32 $0xFFFFFF80  }
0x211: {  	[spmem:s2] =	stream.indirect.scatter.add.f32 [tilespmem:s18], [sflag:$0x1], $0x1, s17, s14, $0xb8;
	[tilespmem:$0x7890] =	vst v63  }
0x212: {  	_ =	swait.ge [sflag:s10], $0x80  }
0x213: {  	[sflag:s10] =	ssyncset.done $0x0  }
0x214: {  	s17 =	simm.s32 $0x1F80;
	s18 =	simm.s32 $0x1580;
	[sflag:s10] =	ssyncadd.s32 $0xFFFFFF80  }
0x215: {  	[spmem:s2] =	stream.indirect.scatter.add.f32 [tilespmem:s18], [sflag:$0x1], $0x1, s17, s14, $0xb8;
	[tilespmem:$0x7890] =	vst v63  }
0x216: {  	_ =	swait.ge [sflag:s10], $0x80  }
0x217: {  	[sflag:s10] =	ssyncset.done $0x0  }
0x218: {  	s17 =	simm.s32 $0x2000;
	s18 =	simm.s32 $0x1600;
	[sflag:s10] =	ssyncadd.s32 $0xFFFFFF80  }
0x219: {  	[spmem:s2] =	stream.indirect.scatter.add.f32 [tilespmem:s18], [sflag:$0x1], $0x1, s17, s14, $0xb8;
	[tilespmem:$0x7890] =	vst v63  }
0x21a: {  	_ =	swait.ge [sflag:s10], $0x80  }
0x21b: {  	[sflag:s10] =	ssyncset.done $0x0  }
0x21c: {  	s17 =	simm.s32 $0x2080;
	s18 =	simm.s32 $0x1680;
	[sflag:s10] =	ssyncadd.s32 $0xFFFFFF80  }
0x21d: {  	[spmem:s2] =	stream.indirect.scatter.add.f32 [tilespmem:s18], [sflag:$0x1], $0x1, s17, s14, $0xb8;
	[tilespmem:$0x7890] =	vst v63  }
0x21e: {  	_ =	swait.ge [sflag:s10], $0x80  }
0x21f: {  	[sflag:s10] =	ssyncset.done $0x0  }
0x220: {  	s17 =	simm.s32 $0x2100;
	s18 =	simm.s32 $0x1700;
	[sflag:s10] =	ssyncadd.s32 $0xFFFFFF80  }
0x221: {  	[spmem:s2] =	stream.indirect.scatter.add.f32 [tilespmem:s18], [sflag:$0x1], $0x1, s17, s14, $0xb8;
	[tilespmem:$0x7890] =	vst v63  }
0x222: {  	_ =	swait.ge [sflag:s10], $0x80  }
0x223: {  	[sflag:s10] =	ssyncset.done $0x0  }
0x224: {  	s17 =	simm.s32 $0x2180;
	s18 =	simm.s32 $0x1780;
	[sflag:s10] =	ssyncadd.s32 $0xFFFFFF80  }
0x225: {  	[spmem:s2] =	stream.indirect.scatter.add.f32 [tilespmem:s18], [sflag:$0x1], $0x1, s17, s14, $0xb8;
	[tilespmem:$0x7890] =	vst v63  }
0x226: {  	_ =	swait.ge [sflag:s10], $0x80  }
0x227: {  	[sflag:s10] =	ssyncset.done $0x0  }
0x228: {  	s17 =	simm.s32 $0x2200;
	s18 =	simm.s32 $0x1800;
	[sflag:s10] =	ssyncadd.s32 $0xFFFFFF80  }
0x229: {  	[spmem:s2] =	stream.indirect.scatter.add.f32 [tilespmem:s18], [sflag:$0x1], $0x1, s17, s14, $0xb8;
	[tilespmem:$0x7890] =	vst v63  }
0x22a: {  	_ =	swait.ge [sflag:s10], $0x80  }
0x22b: {  	[sflag:s10] =	ssyncset.done $0x0  }
0x22c: {  	s17 =	simm.s32 $0x2280;
	s18 =	simm.s32 $0x1880;
	[sflag:s10] =	ssyncadd.s32 $0xFFFFFF80  }
0x22d: {  	[spmem:s2] =	stream.indirect.scatter.add.f32 [tilespmem:s18], [sflag:$0x1], $0x1, s17, s14, $0xb8;
	[tilespmem:$0x7890] =	vst v63  }
0x22e: {  	_ =	swait.ge [sflag:s10], $0x80  }
0x22f: {  	[sflag:s10] =	ssyncset.done $0x0  }
0x230: {  	s17 =	simm.s32 $0x2300;
	s18 =	simm.s32 $0x1900;
	[sflag:s10] =	ssyncadd.s32 $0xFFFFFF80  }
0x231: {  	[spmem:s2] =	stream.indirect.scatter.add.f32 [tilespmem:s18], [sflag:$0x1], $0x1, s17, s14, $0xb8;
	[tilespmem:$0x7890] =	vst v63  }
0x232: {  	_ =	swait.ge [sflag:s10], $0x80  }
0x233: {  	[sflag:s10] =	ssyncset.done $0x0  }
0x234: {  	s17 =	simm.s32 $0x2380;
	s18 =	simm.s32 $0x1980;
	[sflag:s10] =	ssyncadd.s32 $0xFFFFFF80  }
0x235: {  	[spmem:s2] =	stream.indirect.scatter.add.f32 [tilespmem:s18], [sflag:$0x1], $0x1, s17, s14, $0xb8;
	[tilespmem:$0x7890] =	vst v63  }
0x236: {  	_ =	swait.ge [sflag:s10], $0x80  }
0x237: {  	[sflag:s10] =	ssyncset.done $0x0  }
0x238: {  	[sflag:s10] =	ssyncadd.s32 $0xFFFFFF80  }
0x239: {  	[spmem:s2] =	stream.indirect.scatter.add.f32 [tilespmem:s20], [sflag:$0x1], $0x1, s19, s14, $0xb8;
	[tilespmem:$0x7890] =	vst v63  }
0x23a: {  	_ =	swait.ge [sflag:s10], $0x80  }
0x23b: {  	[sflag:s10] =	ssyncset.done $0x0  }
0x23c: {  	[sflag:s10] =	ssyncadd.s32 $0xFFFFFF80  }
0x23d: {  	[spmem:s2] =	stream.indirect.scatter.add.f32 [tilespmem:s22], [sflag:$0x1], $0x1, s21, s14, $0xb8;
	[tilespmem:$0x7890] =	vst v63  }
0x23e: {  	_ =	swait.ge [sflag:s10], $0x80  }
0x23f: {  	[sflag:s10] =	ssyncset.done $0x0  }
0x240: {  	[sflag:s10] =	ssyncadd.s32 $0xFFFFFF80  }
0x241: {  	[spmem:s2] =	stream.indirect.scatter.add.f32 [tilespmem:s24], [sflag:$0x1], $0x1, s23, s14, $0xb8;
	[tilespmem:$0x7890] =	vst v63  }
0x242: {  	_ =	swait.ge [sflag:s10], $0x80  }
0x243: {  	[sflag:s10] =	ssyncset.done $0x0  }
0x244: {  	[sflag:s10] =	ssyncadd.s32 $0xFFFFFF80  }
0x245: {  	[spmem:s2] =	stream.indirect.scatter.add.f32 [tilespmem:s26], [sflag:$0x1], $0x1, s25, s14, $0xb8;
	[tilespmem:$0x7890] =	vst v63  }
0x246: {  	_ =	swait.ge [sflag:s10], $0x80  }
0x247: {  	[sflag:s10] =	ssyncset.done $0x0  }
0x248: {  	[sflag:s10] =	ssyncadd.s32 $0xFFFFFF80  }
0x249: {  	[spmem:s2] =	stream.indirect.scatter.add.f32 [tilespmem:s29], [sflag:$0x1], $0x1, s28, s14, $0xb8;
	[tilespmem:$0x7890] =	vst v63  }
0x24a: {  	_ =	swait.ge [sflag:s10], $0x80  }
0x24b: {  	[sflag:s10] =	ssyncset.done $0x0  }
0x24c: {  	[sflag:s10] =	ssyncadd.s32 $0xFFFFFF80  }
0x24d: {  	[spmem:s2] =	stream.indirect.scatter.add.f32 [tilespmem:s31], [sflag:$0x1], $0x1, s30, s14, $0xb8;
	[tilespmem:$0x7890] =	vst v63  }
0x24e: {  	_ =	swait.ge [sflag:s10], $0x80  }
0x24f: {  	[sflag:s10] =	ssyncset.done $0x0  }
0x250: {  	[sflag:s10] =	ssyncadd.s32 $0xFFFFFF80  }
0x251: {  	[spmem:s2] =	stream.indirect.scatter.add.f32 [tilespmem:s0], [sflag:$0x1], $0x1, s1, s14, $0xb8;
	[tilespmem:$0x7890] =	vst v63  }
0x252: {  	_ =	swait.ge [sflag:s10], $0x80  }
0x253: {  	[sflag:s10] =	ssyncset.done $0x0  }
0x254: {  	[sflag:s10] =	ssyncadd.s32 $0xFFFFFF80  }
0x255: {  	[spmem:s2] =	stream.indirect.scatter.add.f32 [tilespmem:s15], [sflag:$0x1], $0x1, s11, s14, $0xb8;
	[tilespmem:$0x7890] =	vst v63  }
0x256: {  	_ =	swait.ge [sflag:s10], $0x80  }
0x257: {  	[sflag:s10] =	ssyncset.done $0x0  }
0x258: {  	[sflag:s10] =	ssyncadd.s32 $0xFFFFFF80  }
0x259: {  	[bflag:$0x0] =	sbarrier.arrive $0xFFFF  }
0x25a: {  	[tilespmem:s13], [sflag:$0x1] =	stream.linear.gather [spmem:s7], $0x2710, $0x38;
	[tilespmem:$0x7890] =	vst v63  }
0x25b: {  	s16 =	sadd.s32 $0x1, s16;
	_ =	swait.ge [sflag:s10], $0x2710  }
0x25c: {  	p0 =	sne.s32 s16, s9;
	[sflag:s10] =	ssyncset.done $0x0  }
.Ltmp1:
0x25d: {  	[sflag:s10] =	ssyncadd.s32 $0xFFFFD8F0;
	(pc) =	sbr.rel @p0 .LBB2_1-.Ltmp1, $4  }
0x25e: {  	[hbm4b:s8+s3] =	stream.linear.scatter [tilespmem:s13], [sflag:$0x1], $0x2710, $0x38;
	[tilespmem:$0x7890] =	vst v63  }
0x25f: {  	_ =	swait.ge [sflag:s10], $0x2710  }
0x260: {  	[sflag:s10] =	ssyncset.done $0x0  }
0x261: {  	[sflag:s10] =	ssyncadd.s32 $0xFFFFD8F0  }
0x262: {  	_ =	sfence.sel $0x180000  }
0x263: {  	[bflag:$0x0] =	sbarrier.arrive $0xFFFF  }
0x264: {  	_ =	strace $0x90000047  }
0x265: {  	s0 =	stileid.u32;
	[bflag:$0x2] =	sbarrier.arrive $0xFFFF  }
0x266: {  	p0 =	sne.s32 s0, $0x0;
	s0 =	rddreg [dreg:$0x3]  }
0x267: {  	s0 =	sadd.s32 @!p0 $0x100000, s0  }
0x268: {  	[sflag:s0] =	ssyncadd.tile.s32 @!p0 $0x1;
	_ =	shalt  }
.Lfunc_end2:
_tile_overlayer_lowered:
.L_overlay_start_2:
0x269: {  	(tag) =	ssettag $0x2  }
0x26a: {  	s0 =	rddreg [dreg:$0x0];
	s2 =	stileid.u32  }
0x26b: {  	s1 =	rddreg [dreg:$0x1];
	p0 =	sne.s32 s2, $0x0  }
0x26c: {  	s3 =	rddreg [dreg:$0x2];
	[bflag:$0x3] =	sbarrier.arrive $0xFFFF;
	s2 =	simm.s32 @!p0 $0x1C01  }
0x26d: {  	[timem:s3], [sflag:s2] =	dma.local @!p0 [hbm:s0], s1  }
0x26e: {  	s0 =	simm.s32 @!p0 $0x1  }
0x26f: {  	_ =	swait.ge @!p0 [sflag:s0], s1  }
0x270: {  	s1 =	ssub.s32 @!p0 $0x0, s1;
	[sflag:s0] =	ssyncset.done @!p0 $0x0  }
0x271: {  	[sflag:s0] =	ssyncadd.s32 @!p0 s1  }
0x272: {  	[bflag:$0x3] =	sbarrier.arrive $0xFFFF  }
0x273: {  	_ =	shalt  }

</sc_bundles>
